<compile_context>
chip_gen: v7x
topology: tpu7x:2x2x1
jax: 0.10.2.dev20260603
libtpu: 0.0.44.dev20260713+nightly
codegen_flags: <defaults>
</compile_context>

<pallas_src>
import jax
import jax.numpy as jnp
from jax import lax
from jax.experimental import pallas as pl
from jax.experimental.pallas import tpu as pltpu
from jax.experimental.pallas import tpu_sc as plsc

_B, _T, _D = 4, 16384, 128
_NC, _NS = 2, 16
_NW = _NC * _NS
_TPW = _T // _NW
_C = 64
_NCHUNK = _TPW // _C
_J = _D // 16
_DEPTH = 3


def _sc_body(enc_hbm, tab_hbm, pos_hbm, out_hbm, idx_v, rows_v, enc_v, gsem, esem, osem):
    wid = lax.axis_index("s") * _NC + lax.axis_index("c")
    t0 = wid * _TPW
    pltpu.sync_copy(pos_hbm.at[pl.ds(t0, _TPW)], idx_v)

    def start_gather(ci):
        return pltpu.async_copy(
            tab_hbm.at[idx_v.at[pl.ds(ci * _C, _C)]], rows_v.at[ci % _DEPTH], gsem)

    def start_enc_in(ci):
        tc0 = t0 + ci * _C
        return [pltpu.async_copy(enc_hbm.at[pl.ds(0, _B), pl.ds(tc0, _C)],
                                 enc_v.at[ci % _DEPTH], esem)]

    def start_out(ci):
        tc0 = t0 + ci * _C
        return [pltpu.async_copy(enc_v.at[ci % _DEPTH],
                                 out_hbm.at[pl.ds(0, _B), pl.ds(tc0, _C)], osem)]

    g_d = [start_gather(ci) for ci in range(2)]
    e_d = [start_enc_in(ci) for ci in range(2)]
    o_d = [None] * _NCHUNK
    for ci in range(_NCHUNK):
        cur = ci % _DEPTH
        if ci >= 2:
            for d in o_d[ci - 2]:
                d.wait()
        if ci + 1 < _NCHUNK and ci >= 1:
            g_d.append(start_gather(ci + 1))
            e_d.append(start_enc_in(ci + 1))
        g_d[ci].wait()
        for d in e_d[ci]:
            d.wait()

        @plsc.parallel_loop(0, _C)
        def _row(i):
            r = [rows_v[cur, i, pl.ds(j * 16, 16)] for j in range(_J)]
            for b in range(_B):
                for j in range(_J):
                    s = pl.ds(j * 16, 16)
                    plsc.addupdate(enc_v.at[cur, b, i, s], r[j])

        o_d[ci] = start_out(ci)
    for ci in (_NCHUNK - 2, _NCHUNK - 1):
        for d in o_d[ci]:
            d.wait()


def kernel(encoded_tokens, position_table, positions):
    mesh = plsc.VectorSubcoreMesh(
        core_axis_name="c", subcore_axis_name="s",
        num_cores=_NC, num_subcores=_NS,
    )
    run = pl.kernel(
        _sc_body,
        out_type=jax.ShapeDtypeStruct((_B, _T, _D), jnp.float32),
        mesh=mesh,
        scratch_types=[
            pltpu.VMEM((_TPW,), jnp.int32),
            pltpu.VMEM((_DEPTH, _C, _D), jnp.float32),
            pltpu.VMEM((_DEPTH, _B, _C, _D), jnp.float32),
            pltpu.SemaphoreType.DMA,
            pltpu.SemaphoreType.DMA,
            pltpu.SemaphoreType.DMA,
        ],
    )
    return run(encoded_tokens, position_table, positions)

# --- scband reference (transcript-rebuilt; emitter-appended) ---
"""Pipeline reference for scband-positional-encoder-25580825215645 (READ-ONLY COPY).

The authoritative reference and input builder live on the scoring server;
editing this copy changes nothing except your own understanding.
"""

import jax, jax.numpy as jnp
import numpy as np

NUM_TOKENS = 16384
EMBED_DIM = 128
BATCH = 4

def setup_inputs(seed: int = 0) -> dict:
    key = jax.random.key(seed)
    k1, k2 = jax.random.split(key)
    encoded_tokens = jax.random.normal(k1, (BATCH, NUM_TOKENS, EMBED_DIM), dtype=jnp.float32)
    # learned positional embedding table, Keras Embedding default init ~ uniform(-0.05, 0.05)
    position_table = jax.random.uniform(k2, (NUM_TOKENS, EMBED_DIM), dtype=jnp.float32, minval=-0.05, maxval=0.05)
    positions = jnp.arange(NUM_TOKENS, dtype=jnp.int32)
    return {"encoded_tokens": encoded_tokens, "position_table": position_table, "positions": positions}

def reference(encoded_tokens, position_table, positions):
    # PositionalEncoder.call: encoded_positions = Embedding(positions); tokens + encoded_positions
    encoded_positions = jnp.take(position_table, positions, axis=0)  # [num_tokens, embed_dim]
    return encoded_tokens + encoded_positions[None, :, :]

if __name__ == "__main__":
    import jax
    _d = setup_inputs()
    print(jax.jit(kernel)(*tuple(_d.values())))

</pallas_src>

<mosaic_0001>
#map = affine_map<(d0, d1) -> (0, 0, 0)>
#map1 = affine_map<(d0, d1) -> (0, 0)>
#map2 = affine_map<(d0, d1) -> (0)>
module attributes {stable_mosaic.version = 14 : i64} {
  func.func @_sc_body(%arg0: i32, %arg1: i32, %arg2: memref<4x16384x128xf32, #tpu.memory_space<hbm>>, %arg3: memref<16384x128xf32, #tpu.memory_space<hbm>>, %arg4: memref<16384xi32, #tpu.memory_space<hbm>>, %arg5: memref<4x16384x128xf32, #tpu.memory_space<hbm>>, %arg6: memref<512xi32, #tpu.memory_space<vmem>>, %arg7: memref<3x64x128xf32, #tpu.memory_space<vmem>>, %arg8: memref<3x4x64x128xf32, #tpu.memory_space<vmem>>, %arg9: memref<!tpu.dma_semaphore, #tpu.memory_space<semaphore_mem>>, %arg10: memref<!tpu.dma_semaphore, #tpu.memory_space<semaphore_mem>>, %arg11: memref<!tpu.dma_semaphore, #tpu.memory_space<semaphore_mem>>) attributes {dimension_semantics = [#tpu.dimension_semantics<core_parallel>, #tpu.dimension_semantics<subcore_parallel>], iteration_bounds = array<i64: 2, 16>, scalar_prefetch = 0 : i64, scratch_operands = 6 : i64, tpu.core_type = #tpu.core_type<sc_vector_subcore>, window_params = [{transform_indices = #map}, {transform_indices = #map1}, {transform_indices = #map2}, {transform_indices = #map}]} {
    %mul3A = arith.constant 2 : i32
    %mul3A_0 = arith.muli %arg1, %mul3A : i32
    %add3A = arith.addi %mul3A_0, %arg0 : i32
    %mul3A_1 = arith.constant 512 : i32
    %mul3A_2 = arith.muli %add3A, %mul3A_1 : i32
    "tpu.region"() ({
      %run_scoped3A = tpu.sem_alloc : memref<!tpu.dma_semaphore, #tpu.memory_space<semaphore_mem>>
      %dma_start3A_760 = tpu.memref_slice %arg4[%mul3A_2] : memref<16384xi32, #tpu.memory_space<hbm>> -> memref<512xi32, #tpu.memory_space<hbm>>
      %dma_start3A_761 = tpu.memref_slice %arg4[%mul3A_2] : memref<16384xi32, #tpu.memory_space<hbm>> -> memref<512xi32, #tpu.memory_space<hbm>>
      tpu.enqueue_dma source(%dma_start3A_761 : memref<512xi32, #tpu.memory_space<hbm>>) target(%arg6 : memref<512xi32, #tpu.memory_space<vmem>>) target_semaphore(%run_scoped3A : memref<!tpu.dma_semaphore, #tpu.memory_space<semaphore_mem>>)
      %dma_wait3A_762 = tpu.memref_slice %arg4[%mul3A_2] : memref<16384xi32, #tpu.memory_space<hbm>> -> memref<512xi32, #tpu.memory_space<hbm>>
      %dma_wait3A_763 = tpu.memref_slice %arg4[%mul3A_2] : memref<16384xi32, #tpu.memory_space<hbm>> -> memref<512xi32, #tpu.memory_space<hbm>>
      tpu.wait_dma2 semaphore(%run_scoped3A : memref<!tpu.dma_semaphore, #tpu.memory_space<semaphore_mem>>) src(%dma_wait3A_763 : memref<512xi32, #tpu.memory_space<hbm>>) dst(%arg6 : memref<512xi32, #tpu.memory_space<vmem>>)
      tpu.yield
    }) : () -> ()
    %dma_start3A = arith.constant 0 : i32
    %dma_start3A_3 = arith.constant 0 : i32
    %dma_start3A_4 = arith.constant 0 : i32
    %dma_start3A_5 = tpu.memref_slice %arg7[%dma_start3A, %dma_start3A_3, %dma_start3A_4] : memref<3x64x128xf32, #tpu.memory_space<vmem>> -> memref<1x64x128xf32, #tpu.memory_space<vmem>>
    %dma_start3A_6 = tpu.memref_squeeze %dma_start3A_5 : memref<1x64x128xf32, #tpu.memory_space<vmem>> -> memref<64x128xf32, #tpu.memory_space<vmem>>
    %dma_start3A_7 = arith.constant 0 : i32
    %dma_start3A_8 = tpu.memref_slice %arg6[%dma_start3A_7] : memref<512xi32, #tpu.memory_space<vmem>> -> memref<64xi32, #tpu.memory_space<vmem>>
    %dma_start3A_9 = arith.constant 0 : i32
    %dma_start3A_10 = arith.constant 0 : i32
    %dma_start3A_11 = tpu.memref_slice %arg3[%dma_start3A_9, %dma_start3A_10] : memref<16384x128xf32, #tpu.memory_space<hbm>> -> memref<16384x128xf32, #tpu.memory_space<hbm>>
    tpu.enqueue_indirect_dma source(%dma_start3A_11 : memref<16384x128xf32, #tpu.memory_space<hbm>>) target(%dma_start3A_6 : memref<64x128xf32, #tpu.memory_space<vmem>>) offsets(%dma_start3A_8 : memref<64xi32, #tpu.memory_space<vmem>>) semaphore(%arg9 : memref<!tpu.dma_semaphore, #tpu.memory_space<semaphore_mem>>)
    %dma_start3A_12 = arith.constant 1 : i32
    %dma_start3A_13 = arith.constant 0 : i32
    %dma_start3A_14 = arith.constant 0 : i32
    %dma_start3A_15 = tpu.memref_slice %arg7[%dma_start3A_12, %dma_start3A_13, %dma_start3A_14] : memref<3x64x128xf32, #tpu.memory_space<vmem>> -> memref<1x64x128xf32, #tpu.memory_space<vmem>>
    %dma_start3A_16 = tpu.memref_squeeze %dma_start3A_15 : memref<1x64x128xf32, #tpu.memory_space<vmem>> -> memref<64x128xf32, #tpu.memory_space<vmem>>
    %dma_start3A_17 = arith.constant 64 : i32
    %dma_start3A_18 = tpu.memref_slice %arg6[%dma_start3A_17] : memref<512xi32, #tpu.memory_space<vmem>> -> memref<64xi32, #tpu.memory_space<vmem>>
    %dma_start3A_19 = arith.constant 0 : i32
    %dma_start3A_20 = arith.constant 0 : i32
    %dma_start3A_21 = tpu.memref_slice %arg3[%dma_start3A_19, %dma_start3A_20] : memref<16384x128xf32, #tpu.memory_space<hbm>> -> memref<16384x128xf32, #tpu.memory_space<hbm>>
    tpu.enqueue_indirect_dma source(%dma_start3A_21 : memref<16384x128xf32, #tpu.memory_space<hbm>>) target(%dma_start3A_16 : memref<64x128xf32, #tpu.memory_space<vmem>>) offsets(%dma_start3A_18 : memref<64xi32, #tpu.memory_space<vmem>>) semaphore(%arg9 : memref<!tpu.dma_semaphore, #tpu.memory_space<semaphore_mem>>)
    %add3A_22 = arith.constant 0 : i32
    %add3A_23 = arith.addi %mul3A_2, %add3A_22 : i32
    %dma_start3A_24 = arith.constant 0 : i32
    %dma_start3A_25 = arith.constant 0 : i32
    %dma_start3A_26 = arith.constant 0 : i32
    %dma_start3A_27 = arith.constant 0 : i32
    %dma_start3A_28 = tpu.memref_slice %arg8[%dma_start3A_24, %dma_start3A_25, %dma_start3A_26, %dma_start3A_27] : memref<3x4x64x128xf32, #tpu.memory_space<vmem>> -> memref<1x4x64x128xf32, #tpu.memory_space<vmem>>
    %dma_start3A_29 = tpu.memref_squeeze %dma_start3A_28 : memref<1x4x64x128xf32, #tpu.memory_space<vmem>> -> memref<4x64x128xf32, #tpu.memory_space<vmem>>
    %dma_start3A_30 = arith.constant 0 : i32
    %dma_start3A_31 = arith.constant 0 : i32
    %dma_start3A_32 = tpu.memref_slice %arg2[%dma_start3A_30, %add3A_23, %dma_start3A_31] : memref<4x16384x128xf32, #tpu.memory_space<hbm>> -> memref<4x64x128xf32, #tpu.memory_space<hbm>>
    %dma_start3A_33 = arith.constant 0 : i32
    %dma_start3A_34 = arith.constant 0 : i32
    %dma_start3A_35 = arith.constant 0 : i32
    %dma_start3A_36 = tpu.memref_slice %arg8[%dma_start3A_24, %dma_start3A_33, %dma_start3A_34, %dma_start3A_35] : memref<3x4x64x128xf32, #tpu.memory_space<vmem>> -> memref<1x4x64x128xf32, #tpu.memory_space<vmem>>
    %dma_start3A_37 = tpu.memref_squeeze %dma_start3A_36 : memref<1x4x64x128xf32, #tpu.memory_space<vmem>> -> memref<4x64x128xf32, #tpu.memory_space<vmem>>
    %dma_start3A_38 = arith.constant 0 : i32
    %dma_start3A_39 = arith.constant 0 : i32
    %dma_start3A_40 = tpu.memref_slice %arg2[%dma_start3A_38, %add3A_23, %dma_start3A_39] : memref<4x16384x128xf32, #tpu.memory_space<hbm>> -> memref<4x64x128xf32, #tpu.memory_space<hbm>>
    tpu.enqueue_dma source(%dma_start3A_40 : memref<4x64x128xf32, #tpu.memory_space<hbm>>) target(%dma_start3A_37 : memref<4x64x128xf32, #tpu.memory_space<vmem>>) target_semaphore(%arg10 : memref<!tpu.dma_semaphore, #tpu.memory_space<semaphore_mem>>)
    %add3A_41 = arith.constant 64 : i32
    %add3A_42 = arith.addi %mul3A_2, %add3A_41 : i32
    %dma_start3A_43 = arith.constant 1 : i32
    %dma_start3A_44 = arith.constant 0 : i32
    %dma_start3A_45 = arith.constant 0 : i32
    %dma_start3A_46 = arith.constant 0 : i32
    %dma_start3A_47 = tpu.memref_slice %arg8[%dma_start3A_43, %dma_start3A_44, %dma_start3A_45, %dma_start3A_46] : memref<3x4x64x128xf32, #tpu.memory_space<vmem>> -> memref<1x4x64x128xf32, #tpu.memory_space<vmem>>
    %dma_start3A_48 = tpu.memref_squeeze %dma_start3A_47 : memref<1x4x64x128xf32, #tpu.memory_space<vmem>> -> memref<4x64x128xf32, #tpu.memory_space<vmem>>
    %dma_start3A_49 = arith.constant 0 : i32
    %dma_start3A_50 = arith.constant 0 : i32
    %dma_start3A_51 = tpu.memref_slice %arg2[%dma_start3A_49, %add3A_42, %dma_start3A_50] : memref<4x16384x128xf32, #tpu.memory_space<hbm>> -> memref<4x64x128xf32, #tpu.memory_space<hbm>>
    %dma_start3A_52 = arith.constant 0 : i32
    %dma_start3A_53 = arith.constant 0 : i32
    %dma_start3A_54 = arith.constant 0 : i32
    %dma_start3A_55 = tpu.memref_slice %arg8[%dma_start3A_43, %dma_start3A_52, %dma_start3A_53, %dma_start3A_54] : memref<3x4x64x128xf32, #tpu.memory_space<vmem>> -> memref<1x4x64x128xf32, #tpu.memory_space<vmem>>
    %dma_start3A_56 = tpu.memref_squeeze %dma_start3A_55 : memref<1x4x64x128xf32, #tpu.memory_space<vmem>> -> memref<4x64x128xf32, #tpu.memory_space<vmem>>
    %dma_start3A_57 = arith.constant 0 : i32
    %dma_start3A_58 = arith.constant 0 : i32
    %dma_start3A_59 = tpu.memref_slice %arg2[%dma_start3A_57, %add3A_42, %dma_start3A_58] : memref<4x16384x128xf32, #tpu.memory_space<hbm>> -> memref<4x64x128xf32, #tpu.memory_space<hbm>>
    tpu.enqueue_dma source(%dma_start3A_59 : memref<4x64x128xf32, #tpu.memory_space<hbm>>) target(%dma_start3A_56 : memref<4x64x128xf32, #tpu.memory_space<vmem>>) target_semaphore(%arg10 : memref<!tpu.dma_semaphore, #tpu.memory_space<semaphore_mem>>)
    %dma_wait3A = arith.constant 0 : i32
    %dma_wait3A_60 = arith.constant 0 : i32
    %dma_wait3A_61 = arith.constant 0 : i32
    %dma_wait3A_62 = tpu.memref_slice %arg7[%dma_wait3A, %dma_wait3A_60, %dma_wait3A_61] : memref<3x64x128xf32, #tpu.memory_space<vmem>> -> memref<1x64x128xf32, #tpu.memory_space<vmem>>
    %dma_wait3A_63 = tpu.memref_squeeze %dma_wait3A_62 : memref<1x64x128xf32, #tpu.memory_space<vmem>> -> memref<64x128xf32, #tpu.memory_space<vmem>>
    %dma_wait3A_64 = arith.constant 0 : i32
    %dma_wait3A_65 = tpu.memref_slice %arg6[%dma_wait3A_64] : memref<512xi32, #tpu.memory_space<vmem>> -> memref<64xi32, #tpu.memory_space<vmem>>
    %dma_wait3A_66 = arith.constant 0 : i32
    %dma_wait3A_67 = arith.constant 0 : i32
    %dma_wait3A_68 = tpu.memref_slice %arg3[%dma_wait3A_66, %dma_wait3A_67] : memref<16384x128xf32, #tpu.memory_space<hbm>> -> memref<16384x128xf32, #tpu.memory_space<hbm>>
    tpu.wait_indirect_dma semaphore(%arg9 : memref<!tpu.dma_semaphore, #tpu.memory_space<semaphore_mem>>) src(%dma_wait3A_68 : memref<16384x128xf32, #tpu.memory_space<hbm>>) dst(%dma_wait3A_63 : memref<64x128xf32, #tpu.memory_space<vmem>>)
    %dma_wait3A_69 = arith.constant 0 : i32
    %dma_wait3A_70 = arith.constant 0 : i32
    %dma_wait3A_71 = arith.constant 0 : i32
    %dma_wait3A_72 = arith.constant 0 : i32
    %dma_wait3A_73 = tpu.memref_slice %arg8[%dma_wait3A_69, %dma_wait3A_70, %dma_wait3A_71, %dma_wait3A_72] : memref<3x4x64x128xf32, #tpu.memory_space<vmem>> -> memref<1x4x64x128xf32, #tpu.memory_space<vmem>>
    %dma_wait3A_74 = tpu.memref_squeeze %dma_wait3A_73 : memref<1x4x64x128xf32, #tpu.memory_space<vmem>> -> memref<4x64x128xf32, #tpu.memory_space<vmem>>
    %dma_wait3A_75 = arith.constant 0 : i32
    %dma_wait3A_76 = arith.constant 0 : i32
    %dma_wait3A_77 = tpu.memref_slice %arg2[%dma_wait3A_75, %add3A_23, %dma_wait3A_76] : memref<4x16384x128xf32, #tpu.memory_space<hbm>> -> memref<4x64x128xf32, #tpu.memory_space<hbm>>
    %dma_wait3A_78 = arith.constant 0 : i32
    %dma_wait3A_79 = arith.constant 0 : i32
    %dma_wait3A_80 = arith.constant 0 : i32
    %dma_wait3A_81 = tpu.memref_slice %arg8[%dma_wait3A_69, %dma_wait3A_78, %dma_wait3A_79, %dma_wait3A_80] : memref<3x4x64x128xf32, #tpu.memory_space<vmem>> -> memref<1x4x64x128xf32, #tpu.memory_space<vmem>>
    %dma_wait3A_82 = tpu.memref_squeeze %dma_wait3A_81 : memref<1x4x64x128xf32, #tpu.memory_space<vmem>> -> memref<4x64x128xf32, #tpu.memory_space<vmem>>
    %dma_wait3A_83 = arith.constant 0 : i32
    %dma_wait3A_84 = arith.constant 0 : i32
    %dma_wait3A_85 = tpu.memref_slice %arg2[%dma_wait3A_83, %add3A_23, %dma_wait3A_84] : memref<4x16384x128xf32, #tpu.memory_space<hbm>> -> memref<4x64x128xf32, #tpu.memory_space<hbm>>
    tpu.wait_dma2 semaphore(%arg10 : memref<!tpu.dma_semaphore, #tpu.memory_space<semaphore_mem>>) src(%dma_wait3A_85 : memref<4x64x128xf32, #tpu.memory_space<hbm>>) dst(%dma_wait3A_82 : memref<4x64x128xf32, #tpu.memory_space<vmem>>)
    %parallel_loop3A = arith.constant 0 : i32
    %parallel_loop3A_86 = arith.constant 64 : i32
    %parallel_loop3A_87 = arith.constant 1 : i32
    scf.for %parallel_loop3A_760 = %parallel_loop3A to %parallel_loop3A_86 step %parallel_loop3A_87  : i32 {
      %parallel_loop3A_761 = arith.constant 0 : i32
      %parallel_loop3A_762 = arith.index_cast %parallel_loop3A_761 : i32 to index
      %parallel_loop3A_763 = arith.index_cast %parallel_loop3A_760 : i32 to index
      %parallel_loop3A_764 = arith.constant 0 : index
      %parallel_loop3A_765 = tpu.vector_load %arg7[%parallel_loop3A_762, %parallel_loop3A_763, %parallel_loop3A_764] {strides = array<i32>} : memref<3x64x128xf32, #tpu.memory_space<vmem>>, vector<1x1x16xf32>,
      %parallel_loop3A_766 = vector.shape_cast %parallel_loop3A_765 : vector<1x1x16xf32> to vector<16xf32>
      %parallel_loop3A_767 = arith.constant 0 : i32
      %parallel_loop3A_768 = arith.index_cast %parallel_loop3A_767 : i32 to index
      %parallel_loop3A_769 = arith.index_cast %parallel_loop3A_760 : i32 to index
      %parallel_loop3A_770 = arith.constant 16 : index
      %parallel_loop3A_771 = tpu.vector_load %arg7[%parallel_loop3A_768, %parallel_loop3A_769, %parallel_loop3A_770] {strides = array<i32>} : memref<3x64x128xf32, #tpu.memory_space<vmem>>, vector<1x1x16xf32>,
      %parallel_loop3A_772 = vector.shape_cast %parallel_loop3A_771 : vector<1x1x16xf32> to vector<16xf32>
      %parallel_loop3A_773 = arith.constant 0 : i32
      %parallel_loop3A_774 = arith.index_cast %parallel_loop3A_773 : i32 to index
      %parallel_loop3A_775 = arith.index_cast %parallel_loop3A_760 : i32 to index
      %parallel_loop3A_776 = arith.constant 32 : index
      %parallel_loop3A_777 = tpu.vector_load %arg7[%parallel_loop3A_774, %parallel_loop3A_775, %parallel_loop3A_776] {strides = array<i32>} : memref<3x64x128xf32, #tpu.memory_space<vmem>>, vector<1x1x16xf32>,
      %parallel_loop3A_778 = vector.shape_cast %parallel_loop3A_777 : vector<1x1x16xf32> to vector<16xf32>
      %parallel_loop3A_779 = arith.constant 0 : i32
      %parallel_loop3A_780 = arith.index_cast %parallel_loop3A_779 : i32 to index
      %parallel_loop3A_781 = arith.index_cast %parallel_loop3A_760 : i32 to index
      %parallel_loop3A_782 = arith.constant 48 : index
      %parallel_loop3A_783 = tpu.vector_load %arg7[%parallel_loop3A_780, %parallel_loop3A_781, %parallel_loop3A_782] {strides = array<i32>} : memref<3x64x128xf32, #tpu.memory_space<vmem>>, vector<1x1x16xf32>,
      %parallel_loop3A_784 = vector.shape_cast %parallel_loop3A_783 : vector<1x1x16xf32> to vector<16xf32>
      %parallel_loop3A_785 = arith.constant 0 : i32
      %parallel_loop3A_786 = arith.index_cast %parallel_loop3A_785 : i32 to index
      %parallel_loop3A_787 = arith.index_cast %parallel_loop3A_760 : i32 to index
      %parallel_loop3A_788 = arith.constant 64 : index
      %parallel_loop3A_789 = tpu.vector_load %arg7[%parallel_loop3A_786, %parallel_loop3A_787, %parallel_loop3A_788] {strides = array<i32>} : memref<3x64x128xf32, #tpu.memory_space<vmem>>, vector<1x1x16xf32>,
      %parallel_loop3A_790 = vector.shape_cast %parallel_loop3A_789 : vector<1x1x16xf32> to vector<16xf32>
      %parallel_loop3A_791 = arith.constant 0 : i32
      %parallel_loop3A_792 = arith.index_cast %parallel_loop3A_791 : i32 to index
      %parallel_loop3A_793 = arith.index_cast %parallel_loop3A_760 : i32 to index
      %parallel_loop3A_794 = arith.constant 80 : index
      %parallel_loop3A_795 = tpu.vector_load %arg7[%parallel_loop3A_792, %parallel_loop3A_793, %parallel_loop3A_794] {strides = array<i32>} : memref<3x64x128xf32, #tpu.memory_space<vmem>>, vector<1x1x16xf32>,
      %parallel_loop3A_796 = vector.shape_cast %parallel_loop3A_795 : vector<1x1x16xf32> to vector<16xf32>
      %parallel_loop3A_797 = arith.constant 0 : i32
      %parallel_loop3A_798 = arith.index_cast %parallel_loop3A_797 : i32 to index
      %parallel_loop3A_799 = arith.index_cast %parallel_loop3A_760 : i32 to index
      %parallel_loop3A_800 = arith.constant 96 : index
      %parallel_loop3A_801 = tpu.vector_load %arg7[%parallel_loop3A_798, %parallel_loop3A_799, %parallel_loop3A_800] {strides = array<i32>} : memref<3x64x128xf32, #tpu.memory_space<vmem>>, vector<1x1x16xf32>,
      %parallel_loop3A_802 = vector.shape_cast %parallel_loop3A_801 : vector<1x1x16xf32> to vector<16xf32>
      %parallel_loop3A_803 = arith.constant 0 : i32
      %parallel_loop3A_804 = arith.index_cast %parallel_loop3A_803 : i32 to index
      %parallel_loop3A_805 = arith.index_cast %parallel_loop3A_760 : i32 to index
      %parallel_loop3A_806 = arith.constant 112 : index
      %parallel_loop3A_807 = tpu.vector_load %arg7[%parallel_loop3A_804, %parallel_loop3A_805, %parallel_loop3A_806] {strides = array<i32>} : memref<3x64x128xf32, #tpu.memory_space<vmem>>, vector<1x1x16xf32>,
      %parallel_loop3A_808 = vector.shape_cast %parallel_loop3A_807 : vector<1x1x16xf32> to vector<16xf32>
      %parallel_loop3A_809 = arith.constant 0 : i32
      %parallel_loop3A_810 = arith.constant 0 : i32
      %parallel_loop3A_811 = arith.index_cast %parallel_loop3A_809 : i32 to index
      %parallel_loop3A_812 = arith.index_cast %parallel_loop3A_810 : i32 to index
      %parallel_loop3A_813 = arith.index_cast %parallel_loop3A_760 : i32 to index
      %parallel_loop3A_814 = arith.constant 0 : index
      %parallel_loop3A_815 = tpu.vector_load %arg8[%parallel_loop3A_811, %parallel_loop3A_812, %parallel_loop3A_813, %parallel_loop3A_814] {strides = array<i32>} : memref<3x4x64x128xf32, #tpu.memory_space<vmem>>, vector<1x1x1x16xf32>,
      %parallel_loop3A_816 = vector.shape_cast %parallel_loop3A_815 : vector<1x1x1x16xf32> to vector<16xf32>
      %parallel_loop3A_817 = vector.shape_cast %parallel_loop3A_766 : vector<16xf32> to vector<1x1x1x16xf32>
      tpu.vector_store %arg8[%parallel_loop3A_811, %parallel_loop3A_812, %parallel_loop3A_813, %parallel_loop3A_814], %parallel_loop3A_817 {add = true, strides = array<i32>} : memref<3x4x64x128xf32, #tpu.memory_space<vmem>>, vector<1x1x1x16xf32>,
      %parallel_loop3A_818 = arith.constant 0 : i32
      %parallel_loop3A_819 = arith.constant 0 : i32
      %parallel_loop3A_820 = arith.index_cast %parallel_loop3A_818 : i32 to index
      %parallel_loop3A_821 = arith.index_cast %parallel_loop3A_819 : i32 to index
      %parallel_loop3A_822 = arith.index_cast %parallel_loop3A_760 : i32 to index
      %parallel_loop3A_823 = arith.constant 16 : index
      %parallel_loop3A_824 = tpu.vector_load %arg8[%parallel_loop3A_820, %parallel_loop3A_821, %parallel_loop3A_822, %parallel_loop3A_823] {strides = array<i32>} : memref<3x4x64x128xf32, #tpu.memory_space<vmem>>, vector<1x1x1x16xf32>,
      %parallel_loop3A_825 = vector.shape_cast %parallel_loop3A_824 : vector<1x1x1x16xf32> to vector<16xf32>
      %parallel_loop3A_826 = vector.shape_cast %parallel_loop3A_772 : vector<16xf32> to vector<1x1x1x16xf32>
      tpu.vector_store %arg8[%parallel_loop3A_820, %parallel_loop3A_821, %parallel_loop3A_822, %parallel_loop3A_823], %parallel_loop3A_826 {add = true, strides = array<i32>} : memref<3x4x64x128xf32, #tpu.memory_space<vmem>>, vector<1x1x1x16xf32>,
      %parallel_loop3A_827 = arith.constant 0 : i32
      %parallel_loop3A_828 = arith.constant 0 : i32
      %parallel_loop3A_829 = arith.index_cast %parallel_loop3A_827 : i32 to index
      %parallel_loop3A_830 = arith.index_cast %parallel_loop3A_828 : i32 to index
      %parallel_loop3A_831 = arith.index_cast %parallel_loop3A_760 : i32 to index
      %parallel_loop3A_832 = arith.constant 32 : index
      %parallel_loop3A_833 = tpu.vector_load %arg8[%parallel_loop3A_829, %parallel_loop3A_830, %parallel_loop3A_831, %parallel_loop3A_832] {strides = array<i32>} : memref<3x4x64x128xf32, #tpu.memory_space<vmem>>, vector<1x1x1x16xf32>,
      %parallel_loop3A_834 = vector.shape_cast %parallel_loop3A_833 : vector<1x1x1x16xf32> to vector<16xf32>
      %parallel_loop3A_835 = vector.shape_cast %parallel_loop3A_778 : vector<16xf32> to vector<1x1x1x16xf32>
      tpu.vector_store %arg8[%parallel_loop3A_829, %parallel_loop3A_830, %parallel_loop3A_831, %parallel_loop3A_832], %parallel_loop3A_835 {add = true, strides = array<i32>} : memref<3x4x64x128xf32, #tpu.memory_space<vmem>>, vector<1x1x1x16xf32>,
      %parallel_loop3A_836 = arith.constant 0 : i32
      %parallel_loop3A_837 = arith.constant 0 : i32
      %parallel_loop3A_838 = arith.index_cast %parallel_loop3A_836 : i32 to index
      %parallel_loop3A_839 = arith.index_cast %parallel_loop3A_837 : i32 to index
      %parallel_loop3A_840 = arith.index_cast %parallel_loop3A_760 : i32 to index
      %parallel_loop3A_841 = arith.constant 48 : index
      %parallel_loop3A_842 = tpu.vector_load %arg8[%parallel_loop3A_838, %parallel_loop3A_839, %parallel_loop3A_840, %parallel_loop3A_841] {strides = array<i32>} : memref<3x4x64x128xf32, #tpu.memory_space<vmem>>, vector<1x1x1x16xf32>,
      %parallel_loop3A_843 = vector.shape_cast %parallel_loop3A_842 : vector<1x1x1x16xf32> to vector<16xf32>
      %parallel_loop3A_844 = vector.shape_cast %parallel_loop3A_784 : vector<16xf32> to vector<1x1x1x16xf32>
      tpu.vector_store %arg8[%parallel_loop3A_838, %parallel_loop3A_839, %parallel_loop3A_840, %parallel_loop3A_841], %parallel_loop3A_844 {add = true, strides = array<i32>} : memref<3x4x64x128xf32, #tpu.memory_space<vmem>>, vector<1x1x1x16xf32>,
      %parallel_loop3A_845 = arith.constant 0 : i32
      %parallel_loop3A_846 = arith.constant 0 : i32
      %parallel_loop3A_847 = arith.index_cast %parallel_loop3A_845 : i32 to index
      %parallel_loop3A_848 = arith.index_cast %parallel_loop3A_846 : i32 to index
      %parallel_loop3A_849 = arith.index_cast %parallel_loop3A_760 : i32 to index
      %parallel_loop3A_850 = arith.constant 64 : index
      %parallel_loop3A_851 = tpu.vector_load %arg8[%parallel_loop3A_847, %parallel_loop3A_848, %parallel_loop3A_849, %parallel_loop3A_850] {strides = array<i32>} : memref<3x4x64x128xf32, #tpu.memory_space<vmem>>, vector<1x1x1x16xf32>,
      %parallel_loop3A_852 = vector.shape_cast %parallel_loop3A_851 : vector<1x1x1x16xf32> to vector<16xf32>
      %parallel_loop3A_853 = vector.shape_cast %parallel_loop3A_790 : vector<16xf32> to vector<1x1x1x16xf32>
      tpu.vector_store %arg8[%parallel_loop3A_847, %parallel_loop3A_848, %parallel_loop3A_849, %parallel_loop3A_850], %parallel_loop3A_853 {add = true, strides = array<i32>} : memref<3x4x64x128xf32, #tpu.memory_space<vmem>>, vector<1x1x1x16xf32>,
      %parallel_loop3A_854 = arith.constant 0 : i32
      %parallel_loop3A_855 = arith.constant 0 : i32
      %parallel_loop3A_856 = arith.index_cast %parallel_loop3A_854 : i32 to index
      %parallel_loop3A_857 = arith.index_cast %parallel_loop3A_855 : i32 to index
      %parallel_loop3A_858 = arith.index_cast %parallel_loop3A_760 : i32 to index
      %parallel_loop3A_859 = arith.constant 80 : index
      %parallel_loop3A_860 = tpu.vector_load %arg8[%parallel_loop3A_856, %parallel_loop3A_857, %parallel_loop3A_858, %parallel_loop3A_859] {strides = array<i32>} : memref<3x4x64x128xf32, #tpu.memory_space<vmem>>, vector<1x1x1x16xf32>,
      %parallel_loop3A_861 = vector.shape_cast %parallel_loop3A_860 : vector<1x1x1x16xf32> to vector<16xf32>
      %parallel_loop3A_862 = vector.shape_cast %parallel_loop3A_796 : vector<16xf32> to vector<1x1x1x16xf32>
      tpu.vector_store %arg8[%parallel_loop3A_856, %parallel_loop3A_857, %parallel_loop3A_858, %parallel_loop3A_859], %parallel_loop3A_862 {add = true, strides = array<i32>} : memref<3x4x64x128xf32, #tpu.memory_space<vmem>>, vector<1x1x1x16xf32>,
      %parallel_loop3A_863 = arith.constant 0 : i32
      %parallel_loop3A_864 = arith.constant 0 : i32
      %parallel_loop3A_865 = arith.index_cast %parallel_loop3A_863 : i32 to index
      %parallel_loop3A_866 = arith.index_cast %parallel_loop3A_864 : i32 to index
      %parallel_loop3A_867 = arith.index_cast %parallel_loop3A_760 : i32 to index
      %parallel_loop3A_868 = arith.constant 96 : index
      %parallel_loop3A_869 = tpu.vector_load %arg8[%parallel_loop3A_865, %parallel_loop3A_866, %parallel_loop3A_867, %parallel_loop3A_868] {strides = array<i32>} : memref<3x4x64x128xf32, #tpu.memory_space<vmem>>, vector<1x1x1x16xf32>,
      %parallel_loop3A_870 = vector.shape_cast %parallel_loop3A_869 : vector<1x1x1x16xf32> to vector<16xf32>
      %parallel_loop3A_871 = vector.shape_cast %parallel_loop3A_802 : vector<16xf32> to vector<1x1x1x16xf32>
      tpu.vector_store %arg8[%parallel_loop3A_865, %parallel_loop3A_866, %parallel_loop3A_867, %parallel_loop3A_868], %parallel_loop3A_871 {add = true, strides = array<i32>} : memref<3x4x64x128xf32, #tpu.memory_space<vmem>>, vector<1x1x1x16xf32>,
      %parallel_loop3A_872 = arith.constant 0 : i32
      %parallel_loop3A_873 = arith.constant 0 : i32
      %parallel_loop3A_874 = arith.index_cast %parallel_loop3A_872 : i32 to index
      %parallel_loop3A_875 = arith.index_cast %parallel_loop3A_873 : i32 to index
      %parallel_loop3A_876 = arith.index_cast %parallel_loop3A_760 : i32 to index
      %parallel_loop3A_877 = arith.constant 112 : index
      %parallel_loop3A_878 = tpu.vector_load %arg8[%parallel_loop3A_874, %parallel_loop3A_875, %parallel_loop3A_876, %parallel_loop3A_877] {strides = array<i32>} : memref<3x4x64x128xf32, #tpu.memory_space<vmem>>, vector<1x1x1x16xf32>,
      %parallel_loop3A_879 = vector.shape_cast %parallel_loop3A_878 : vector<1x1x1x16xf32> to vector<16xf32>
      %parallel_loop3A_880 = vector.shape_cast %parallel_loop3A_808 : vector<16xf32> to vector<1x1x1x16xf32>
      tpu.vector_store %arg8[%parallel_loop3A_874, %parallel_loop3A_875, %parallel_loop3A_876, %parallel_loop3A_877], %parallel_loop3A_880 {add = true, strides = array<i32>} : memref<3x4x64x128xf32, #tpu.memory_space<vmem>>, vector<1x1x1x16xf32>,
      %parallel_loop3A_881 = arith.constant 0 : i32
      %parallel_loop3A_882 = arith.constant 1 : i32
      %parallel_loop3A_883 = arith.index_cast %parallel_loop3A_881 : i32 to index
      %parallel_loop3A_884 = arith.index_cast %parallel_loop3A_882 : i32 to index
      %parallel_loop3A_885 = arith.index_cast %parallel_loop3A_760 : i32 to index
      %parallel_loop3A_886 = arith.constant 0 : index
      %parallel_loop3A_887 = tpu.vector_load %arg8[%parallel_loop3A_883, %parallel_loop3A_884, %parallel_loop3A_885, %parallel_loop3A_886] {strides = array<i32>} : memref<3x4x64x128xf32, #tpu.memory_space<vmem>>, vector<1x1x1x16xf32>,
      %parallel_loop3A_888 = vector.shape_cast %parallel_loop3A_887 : vector<1x1x1x16xf32> to vector<16xf32>
      %parallel_loop3A_889 = vector.shape_cast %parallel_loop3A_766 : vector<16xf32> to vector<1x1x1x16xf32>
      tpu.vector_store %arg8[%parallel_loop3A_883, %parallel_loop3A_884, %parallel_loop3A_885, %parallel_loop3A_886], %parallel_loop3A_889 {add = true, strides = array<i32>} : memref<3x4x64x128xf32, #tpu.memory_space<vmem>>, vector<1x1x1x16xf32>,
      %parallel_loop3A_890 = arith.constant 0 : i32
      %parallel_loop3A_891 = arith.constant 1 : i32
      %parallel_loop3A_892 = arith.index_cast %parallel_loop3A_890 : i32 to index
      %parallel_loop3A_893 = arith.index_cast %parallel_loop3A_891 : i32 to index
      %parallel_loop3A_894 = arith.index_cast %parallel_loop3A_760 : i32 to index
      %parallel_loop3A_895 = arith.constant 16 : index
      %parallel_loop3A_896 = tpu.vector_load %arg8[%parallel_loop3A_892, %parallel_loop3A_893, %parallel_loop3A_894, %parallel_loop3A_895] {strides = array<i32>} : memref<3x4x64x128xf32, #tpu.memory_space<vmem>>, vector<1x1x1x16xf32>,
      %parallel_loop3A_897 = vector.shape_cast %parallel_loop3A_896 : vector<1x1x1x16xf32> to vector<16xf32>
      %parallel_loop3A_898 = vector.shape_cast %parallel_loop3A_772 : vector<16xf32> to vector<1x1x1x16xf32>
      tpu.vector_store %arg8[%parallel_loop3A_892, %parallel_loop3A_893, %parallel_loop3A_894, %parallel_loop3A_895], %parallel_loop3A_898 {add = true, strides = array<i32>} : memref<3x4x64x128xf32, #tpu.memory_space<vmem>>, vector<1x1x1x16xf32>,
      %parallel_loop3A_899 = arith.constant 0 : i32
      %parallel_loop3A_900 = arith.constant 1 : i32
      %parallel_loop3A_901 = arith.index_cast %parallel_loop3A_899 : i32 to index
      %parallel_loop3A_902 = arith.index_cast %parallel_loop3A_900 : i32 to index
      %parallel_loop3A_903 = arith.index_cast %parallel_loop3A_760 : i32 to index
      %parallel_loop3A_904 = arith.constant 32 : index
      %parallel_loop3A_905 = tpu.vector_load %arg8[%parallel_loop3A_901, %parallel_loop3A_902, %parallel_loop3A_903, %parallel_loop3A_904] {strides = array<i32>} : memref<3x4x64x128xf32, #tpu.memory_space<vmem>>, vector<1x1x1x16xf32>,
      %parallel_loop3A_906 = vector.shape_cast %parallel_loop3A_905 : vector<1x1x1x16xf32> to vector<16xf32>
      %parallel_loop3A_907 = vector.shape_cast %parallel_loop3A_778 : vector<16xf32> to vector<1x1x1x16xf32>
      tpu.vector_store %arg8[%parallel_loop3A_901, %parallel_loop3A_902, %parallel_loop3A_903, %parallel_loop3A_904], %parallel_loop3A_907 {add = true, strides = array<i32>} : memref<3x4x64x128xf32, #tpu.memory_space<vmem>>, vector<1x1x1x16xf32>,
      %parallel_loop3A_908 = arith.constant 0 : i32
      %parallel_loop3A_909 = arith.constant 1 : i32
      %parallel_loop3A_910 = arith.index_cast %parallel_loop3A_908 : i32 to index
      %parallel_loop3A_911 = arith.index_cast %parallel_loop3A_909 : i32 to index
      %parallel_loop3A_912 = arith.index_cast %parallel_loop3A_760 : i32 to index
      %parallel_loop3A_913 = arith.constant 48 : index
      %parallel_loop3A_914 = tpu.vector_load %arg8[%parallel_loop3A_910, %parallel_loop3A_911, %parallel_loop3A_912, %parallel_loop3A_913] {strides = array<i32>} : memref<3x4x64x128xf32, #tpu.memory_space<vmem>>, vector<1x1x1x16xf32>,
      %parallel_loop3A_915 = vector.shape_cast %parallel_loop3A_914 : vector<1x1x1x16xf32> to vector<16xf32>
      %parallel_loop3A_916 = vector.shape_cast %parallel_loop3A_784 : vector<16xf32> to vector<1x1x1x16xf32>
      tpu.vector_store %arg8[%parallel_loop3A_910, %parallel_loop3A_911, %parallel_loop3A_912, %parallel_loop3A_913], %parallel_loop3A_916 {add = true, strides = array<i32>} : memref<3x4x64x128xf32, #tpu.memory_space<vmem>>, vector<1x1x1x16xf32>,
      %parallel_loop3A_917 = arith.constant 0 : i32
      %parallel_loop3A_918 = arith.constant 1 : i32
      %parallel_loop3A_919 = arith.index_cast %parallel_loop3A_917 : i32 to index
      %parallel_loop3A_920 = arith.index_cast %parallel_loop3A_918 : i32 to index
      %parallel_loop3A_921 = arith.index_cast %parallel_loop3A_760 : i32 to index
      %parallel_loop3A_922 = arith.constant 64 : index
      %parallel_loop3A_923 = tpu.vector_load %arg8[%parallel_loop3A_919, %parallel_loop3A_920, %parallel_loop3A_921, %parallel_loop3A_922] {strides = array<i32>} : memref<3x4x64x128xf32, #tpu.memory_space<vmem>>, vector<1x1x1x16xf32>,
      %parallel_loop3A_924 = vector.shape_cast %parallel_loop3A_923 : vector<1x1x1x16xf32> to vector<16xf32>
      %parallel_loop3A_925 = vector.shape_cast %parallel_loop3A_790 : vector<16xf32> to vector<1x1x1x16xf32>
      tpu.vector_store %arg8[%parallel_loop3A_919, %parallel_loop3A_920, %parallel_loop3A_921, %parallel_loop3A_922], %parallel_loop3A_925 {add = true, strides = array<i32>} : memref<3x4x64x128xf32, #tpu.memory_space<vmem>>, vector<1x1x1x16xf32>,
      %parallel_loop3A_926 = arith.constant 0 : i32
      %parallel_loop3A_927 = arith.constant 1 : i32
      %parallel_loop3A_928 = arith.index_cast %parallel_loop3A_926 : i32 to index
      %parallel_loop3A_929 = arith.index_cast %parallel_loop3A_927 : i32 to index
      %parallel_loop3A_930 = arith.index_cast %parallel_loop3A_760 : i32 to index
      %parallel_loop3A_931 = arith.constant 80 : index
      %parallel_loop3A_932 = tpu.vector_load %arg8[%parallel_loop3A_928, %parallel_loop3A_929, %parallel_loop3A_930, %parallel_loop3A_931] {strides = array<i32>} : memref<3x4x64x128xf32, #tpu.memory_space<vmem>>, vector<1x1x1x16xf32>,
      %parallel_loop3A_933 = vector.shape_cast %parallel_loop3A_932 : vector<1x1x1x16xf32> to vector<16xf32>
      %parallel_loop3A_934 = vector.shape_cast %parallel_loop3A_796 : vector<16xf32> to vector<1x1x1x16xf32>
      tpu.vector_store %arg8[%parallel_loop3A_928, %parallel_loop3A_929, %parallel_loop3A_930, %parallel_loop3A_931], %parallel_loop3A_934 {add = true, strides = array<i32>} : memref<3x4x64x128xf32, #tpu.memory_space<vmem>>, vector<1x1x1x16xf32>,
      %parallel_loop3A_935 = arith.constant 0 : i32
      %parallel_loop3A_936 = arith.constant 1 : i32
      %parallel_loop3A_937 = arith.index_cast %parallel_loop3A_935 : i32 to index
      %parallel_loop3A_938 = arith.index_cast %parallel_loop3A_936 : i32 to index
      %parallel_loop3A_939 = arith.index_cast %parallel_loop3A_760 : i32 to index
      %parallel_loop3A_940 = arith.constant 96 : index
      %parallel_loop3A_941 = tpu.vector_load %arg8[%parallel_loop3A_937, %parallel_loop3A_938, %parallel_loop3A_939, %parallel_loop3A_940] {strides = array<i32>} : memref<3x4x64x128xf32, #tpu.memory_space<vmem>>, vector<1x1x1x16xf32>,
      %parallel_loop3A_942 = vector.shape_cast %parallel_loop3A_941 : vector<1x1x1x16xf32> to vector<16xf32>
      %parallel_loop3A_943 = vector.shape_cast %parallel_loop3A_802 : vector<16xf32> to vector<1x1x1x16xf32>
      tpu.vector_store %arg8[%parallel_loop3A_937, %parallel_loop3A_938, %parallel_loop3A_939, %parallel_loop3A_940], %parallel_loop3A_943 {add = true, strides = array<i32>} : memref<3x4x64x128xf32, #tpu.memory_space<vmem>>, vector<1x1x1x16xf32>,
      %parallel_loop3A_944 = arith.constant 0 : i32
      %parallel_loop3A_945 = arith.constant 1 : i32
      %parallel_loop3A_946 = arith.index_cast %parallel_loop3A_944 : i32 to index
      %parallel_loop3A_947 = arith.index_cast %parallel_loop3A_945 : i32 to index
      %parallel_loop3A_948 = arith.index_cast %parallel_loop3A_760 : i32 to index
      %parallel_loop3A_949 = arith.constant 112 : index
      %parallel_loop3A_950 = tpu.vector_load %arg8[%parallel_loop3A_946, %parallel_loop3A_947, %parallel_loop3A_948, %parallel_loop3A_949] {strides = array<i32>} : memref<3x4x64x128xf32, #tpu.memory_space<vmem>>, vector<1x1x1x16xf32>,
      %parallel_loop3A_951 = vector.shape_cast %parallel_loop3A_950 : vector<1x1x1x16xf32> to vector<16xf32>
      %parallel_loop3A_952 = vector.shape_cast %parallel_loop3A_808 : vector<16xf32> to vector<1x1x1x16xf32>
      tpu.vector_store %arg8[%parallel_loop3A_946, %parallel_loop3A_947, %parallel_loop3A_948, %parallel_loop3A_949], %parallel_loop3A_952 {add = true, strides = array<i32>} : memref<3x4x64x128xf32, #tpu.memory_space<vmem>>, vector<1x1x1x16xf32>,
      %parallel_loop3A_953 = arith.constant 0 : i32
      %parallel_loop3A_954 = arith.constant 2 : i32
      %parallel_loop3A_955 = arith.index_cast %parallel_loop3A_953 : i32 to index
      %parallel_loop3A_956 = arith.index_cast %parallel_loop3A_954 : i32 to index
      %parallel_loop3A_957 = arith.index_cast %parallel_loop3A_760 : i32 to index
      %parallel_loop3A_958 = arith.constant 0 : index
      %parallel_loop3A_959 = tpu.vector_load %arg8[%parallel_loop3A_955, %parallel_loop3A_956, %parallel_loop3A_957, %parallel_loop3A_958] {strides = array<i32>} : memref<3x4x64x128xf32, #tpu.memory_space<vmem>>, vector<1x1x1x16xf32>,
      %parallel_loop3A_960 = vector.shape_cast %parallel_loop3A_959 : vector<1x1x1x16xf32> to vector<16xf32>
      %parallel_loop3A_961 = vector.shape_cast %parallel_loop3A_766 : vector<16xf32> to vector<1x1x1x16xf32>
      tpu.vector_store %arg8[%parallel_loop3A_955, %parallel_loop3A_956, %parallel_loop3A_957, %parallel_loop3A_958], %parallel_loop3A_961 {add = true, strides = array<i32>} : memref<3x4x64x128xf32, #tpu.memory_space<vmem>>, vector<1x1x1x16xf32>,
      %parallel_loop3A_962 = arith.constant 0 : i32
      %parallel_loop3A_963 = arith.constant 2 : i32
      %parallel_loop3A_964 = arith.index_cast %parallel_loop3A_962 : i32 to index
      %parallel_loop3A_965 = arith.index_cast %parallel_loop3A_963 : i32 to index
      %parallel_loop3A_966 = arith.index_cast %parallel_loop3A_760 : i32 to index
      %parallel_loop3A_967 = arith.constant 16 : index
      %parallel_loop3A_968 = tpu.vector_load %arg8[%parallel_loop3A_964, %parallel_loop3A_965, %parallel_loop3A_966, %parallel_loop3A_967] {strides = array<i32>} : memref<3x4x64x128xf32, #tpu.memory_space<vmem>>, vector<1x1x1x16xf32>,
      %parallel_loop3A_969 = vector.shape_cast %parallel_loop3A_968 : vector<1x1x1x16xf32> to vector<16xf32>
      %parallel_loop3A_970 = vector.shape_cast %parallel_loop3A_772 : vector<16xf32> to vector<1x1x1x16xf32>
      tpu.vector_store %arg8[%parallel_loop3A_964, %parallel_loop3A_965, %parallel_loop3A_966, %parallel_loop3A_967], %parallel_loop3A_970 {add = true, strides = array<i32>} : memref<3x4x64x128xf32, #tpu.memory_space<vmem>>, vector<1x1x1x16xf32>,
      %parallel_loop3A_971 = arith.constant 0 : i32
      %parallel_loop3A_972 = arith.constant 2 : i32
      %parallel_loop3A_973 = arith.index_cast %parallel_loop3A_971 : i32 to index
      %parallel_loop3A_974 = arith.index_cast %parallel_loop3A_972 : i32 to index
      %parallel_loop3A_975 = arith.index_cast %parallel_loop3A_760 : i32 to index
      %parallel_loop3A_976 = arith.constant 32 : index
      %parallel_loop3A_977 = tpu.vector_load %arg8[%parallel_loop3A_973, %parallel_loop3A_974, %parallel_loop3A_975, %parallel_loop3A_976] {strides = array<i32>} : memref<3x4x64x128xf32, #tpu.memory_space<vmem>>, vector<1x1x1x16xf32>,
      %parallel_loop3A_978 = vector.shape_cast %parallel_loop3A_977 : vector<1x1x1x16xf32> to vector<16xf32>
      %parallel_loop3A_979 = vector.shape_cast %parallel_loop3A_778 : vector<16xf32> to vector<1x1x1x16xf32>
      tpu.vector_store %arg8[%parallel_loop3A_973, %parallel_loop3A_974, %parallel_loop3A_975, %parallel_loop3A_976], %parallel_loop3A_979 {add = true, strides = array<i32>} : memref<3x4x64x128xf32, #tpu.memory_space<vmem>>, vector<1x1x1x16xf32>,
      %parallel_loop3A_980 = arith.constant 0 : i32
      %parallel_loop3A_981 = arith.constant 2 : i32
      %parallel_loop3A_982 = arith.index_cast %parallel_loop3A_980 : i32 to index
      %parallel_loop3A_983 = arith.index_cast %parallel_loop3A_981 : i32 to index
      %parallel_loop3A_984 = arith.index_cast %parallel_loop3A_760 : i32 to index
      %parallel_loop3A_985 = arith.constant 48 : index
      %parallel_loop3A_986 = tpu.vector_load %arg8[%parallel_loop3A_982, %parallel_loop3A_983, %parallel_loop3A_984, %parallel_loop3A_985] {strides = array<i32>} : memref<3x4x64x128xf32, #tpu.memory_space<vmem>>, vector<1x1x1x16xf32>,
      %parallel_loop3A_987 = vector.shape_cast %parallel_loop3A_986 : vector<1x1x1x16xf32> to vector<16xf32>
      %parallel_loop3A_988 = vector.shape_cast %parallel_loop3A_784 : vector<16xf32> to vector<1x1x1x16xf32>
      tpu.vector_store %arg8[%parallel_loop3A_982, %parallel_loop3A_983, %parallel_loop3A_984, %parallel_loop3A_985], %parallel_loop3A_988 {add = true, strides = array<i32>} : memref<3x4x64x128xf32, #tpu.memory_space<vmem>>, vector<1x1x1x16xf32>,
      %parallel_loop3A_989 = arith.constant 0 : i32
      %parallel_loop3A_990 = arith.constant 2 : i32
      %parallel_loop3A_991 = arith.index_cast %parallel_loop3A_989 : i32 to index
      %parallel_loop3A_992 = arith.index_cast %parallel_loop3A_990 : i32 to index
      %parallel_loop3A_993 = arith.index_cast %parallel_loop3A_760 : i32 to index
      %parallel_loop3A_994 = arith.constant 64 : index
      %parallel_loop3A_995 = tpu.vector_load %arg8[%parallel_loop3A_991, %parallel_loop3A_992, %parallel_loop3A_993, %parallel_loop3A_994] {strides = array<i32>} : memref<3x4x64x128xf32, #tpu.memory_space<vmem>>, vector<1x1x1x16xf32>,
      %parallel_loop3A_996 = vector.shape_cast %parallel_loop3A_995 : vector<1x1x1x16xf32> to vector<16xf32>
      %parallel_loop3A_997 = vector.shape_cast %parallel_loop3A_790 : vector<16xf32> to vector<1x1x1x16xf32>
      tpu.vector_store %arg8[%parallel_loop3A_991, %parallel_loop3A_992, %parallel_loop3A_993, %parallel_loop3A_994], %parallel_loop3A_997 {add = true, strides = array<i32>} : memref<3x4x64x128xf32, #tpu.memory_space<vmem>>, vector<1x1x1x16xf32>,
      %parallel_loop3A_998 = arith.constant 0 : i32
      %parallel_loop3A_999 = arith.constant 2 : i32
      %parallel_loop3A_1000 = arith.index_cast %parallel_loop3A_998 : i32 to index
      %parallel_loop3A_1001 = arith.index_cast %parallel_loop3A_999 : i32 to index
      %parallel_loop3A_1002 = arith.index_cast %parallel_loop3A_760 : i32 to index
      %parallel_loop3A_1003 = arith.constant 80 : index
      %parallel_loop3A_1004 = tpu.vector_load %arg8[%parallel_loop3A_1000, %parallel_loop3A_1001, %parallel_loop3A_1002, %parallel_loop3A_1003] {strides = array<i32>} : memref<3x4x64x128xf32, #tpu.memory_space<vmem>>, vector<1x1x1x16xf32>,
      %parallel_loop3A_1005 = vector.shape_cast %parallel_loop3A_1004 : vector<1x1x1x16xf32> to vector<16xf32>
      %parallel_loop3A_1006 = vector.shape_cast %parallel_loop3A_796 : vector<16xf32> to vector<1x1x1x16xf32>
      tpu.vector_store %arg8[%parallel_loop3A_1000, %parallel_loop3A_1001, %parallel_loop3A_1002, %parallel_loop3A_1003], %parallel_loop3A_1006 {add = true, strides = array<i32>} : memref<3x4x64x128xf32, #tpu.memory_space<vmem>>, vector<1x1x1x16xf32>,
      %parallel_loop3A_1007 = arith.constant 0 : i32
      %parallel_loop3A_1008 = arith.constant 2 : i32
      %parallel_loop3A_1009 = arith.index_cast %parallel_loop3A_1007 : i32 to index
      %parallel_loop3A_1010 = arith.index_cast %parallel_loop3A_1008 : i32 to index
      %parallel_loop3A_1011 = arith.index_cast %parallel_loop3A_760 : i32 to index
      %parallel_loop3A_1012 = arith.constant 96 : index
      %parallel_loop3A_1013 = tpu.vector_load %arg8[%parallel_loop3A_1009, %parallel_loop3A_1010, %parallel_loop3A_1011, %parallel_loop3A_1012] {strides = array<i32>} : memref<3x4x64x128xf32, #tpu.memory_space<vmem>>, vector<1x1x1x16xf32>,
      %parallel_loop3A_1014 = vector.shape_cast %parallel_loop3A_1013 : vector<1x1x1x16xf32> to vector<16xf32>
      %parallel_loop3A_1015 = vector.shape_cast %parallel_loop3A_802 : vector<16xf32> to vector<1x1x1x16xf32>
      tpu.vector_store %arg8[%parallel_loop3A_1009, %parallel_loop3A_1010, %parallel_loop3A_1011, %parallel_loop3A_1012], %parallel_loop3A_1015 {add = true, strides = array<i32>} : memref<3x4x64x128xf32, #tpu.memory_space<vmem>>, vector<1x1x1x16xf32>,
      %parallel_loop3A_1016 = arith.constant 0 : i32
      %parallel_loop3A_1017 = arith.constant 2 : i32
      %parallel_loop3A_1018 = arith.index_cast %parallel_loop3A_1016 : i32 to index
      %parallel_loop3A_1019 = arith.index_cast %parallel_loop3A_1017 : i32 to index
      %parallel_loop3A_1020 = arith.index_cast %parallel_loop3A_760 : i32 to index
      %parallel_loop3A_1021 = arith.constant 112 : index
      %parallel_loop3A_1022 = tpu.vector_load %arg8[%parallel_loop3A_1018, %parallel_loop3A_1019, %parallel_loop3A_1020, %parallel_loop3A_1021] {strides = array<i32>} : memref<3x4x64x128xf32, #tpu.memory_space<vmem>>, vector<1x1x1x16xf32>,
      %parallel_loop3A_1023 = vector.shape_cast %parallel_loop3A_1022 : vector<1x1x1x16xf32> to vector<16xf32>
      %parallel_loop3A_1024 = vector.shape_cast %parallel_loop3A_808 : vector<16xf32> to vector<1x1x1x16xf32>
      tpu.vector_store %arg8[%parallel_loop3A_1018, %parallel_loop3A_1019, %parallel_loop3A_1020, %parallel_loop3A_1021], %parallel_loop3A_1024 {add = true, strides = array<i32>} : memref<3x4x64x128xf32, #tpu.memory_space<vmem>>, vector<1x1x1x16xf32>,
      %parallel_loop3A_1025 = arith.constant 0 : i32
      %parallel_loop3A_1026 = arith.constant 3 : i32
      %parallel_loop3A_1027 = arith.index_cast %parallel_loop3A_1025 : i32 to index
      %parallel_loop3A_1028 = arith.index_cast %parallel_loop3A_1026 : i32 to index
      %parallel_loop3A_1029 = arith.index_cast %parallel_loop3A_760 : i32 to index
      %parallel_loop3A_1030 = arith.constant 0 : index
      %parallel_loop3A_1031 = tpu.vector_load %arg8[%parallel_loop3A_1027, %parallel_loop3A_1028, %parallel_loop3A_1029, %parallel_loop3A_1030] {strides = array<i32>} : memref<3x4x64x128xf32, #tpu.memory_space<vmem>>, vector<1x1x1x16xf32>,
      %parallel_loop3A_1032 = vector.shape_cast %parallel_loop3A_1031 : vector<1x1x1x16xf32> to vector<16xf32>
      %parallel_loop3A_1033 = vector.shape_cast %parallel_loop3A_766 : vector<16xf32> to vector<1x1x1x16xf32>
      tpu.vector_store %arg8[%parallel_loop3A_1027, %parallel_loop3A_1028, %parallel_loop3A_1029, %parallel_loop3A_1030], %parallel_loop3A_1033 {add = true, strides = array<i32>} : memref<3x4x64x128xf32, #tpu.memory_space<vmem>>, vector<1x1x1x16xf32>,
      %parallel_loop3A_1034 = arith.constant 0 : i32
      %parallel_loop3A_1035 = arith.constant 3 : i32
      %parallel_loop3A_1036 = arith.index_cast %parallel_loop3A_1034 : i32 to index
      %parallel_loop3A_1037 = arith.index_cast %parallel_loop3A_1035 : i32 to index
      %parallel_loop3A_1038 = arith.index_cast %parallel_loop3A_760 : i32 to index
      %parallel_loop3A_1039 = arith.constant 16 : index
      %parallel_loop3A_1040 = tpu.vector_load %arg8[%parallel_loop3A_1036, %parallel_loop3A_1037, %parallel_loop3A_1038, %parallel_loop3A_1039] {strides = array<i32>} : memref<3x4x64x128xf32, #tpu.memory_space<vmem>>, vector<1x1x1x16xf32>,
      %parallel_loop3A_1041 = vector.shape_cast %parallel_loop3A_1040 : vector<1x1x1x16xf32> to vector<16xf32>
      %parallel_loop3A_1042 = vector.shape_cast %parallel_loop3A_772 : vector<16xf32> to vector<1x1x1x16xf32>
      tpu.vector_store %arg8[%parallel_loop3A_1036, %parallel_loop3A_1037, %parallel_loop3A_1038, %parallel_loop3A_1039], %parallel_loop3A_1042 {add = true, strides = array<i32>} : memref<3x4x64x128xf32, #tpu.memory_space<vmem>>, vector<1x1x1x16xf32>,
      %parallel_loop3A_1043 = arith.constant 0 : i32
      %parallel_loop3A_1044 = arith.constant 3 : i32
      %parallel_loop3A_1045 = arith.index_cast %parallel_loop3A_1043 : i32 to index
      %parallel_loop3A_1046 = arith.index_cast %parallel_loop3A_1044 : i32 to index
      %parallel_loop3A_1047 = arith.index_cast %parallel_loop3A_760 : i32 to index
      %parallel_loop3A_1048 = arith.constant 32 : index
      %parallel_loop3A_1049 = tpu.vector_load %arg8[%parallel_loop3A_1045, %parallel_loop3A_1046, %parallel_loop3A_1047, %parallel_loop3A_1048] {strides = array<i32>} : memref<3x4x64x128xf32, #tpu.memory_space<vmem>>, vector<1x1x1x16xf32>,
      %parallel_loop3A_1050 = vector.shape_cast %parallel_loop3A_1049 : vector<1x1x1x16xf32> to vector<16xf32>
      %parallel_loop3A_1051 = vector.shape_cast %parallel_loop3A_778 : vector<16xf32> to vector<1x1x1x16xf32>
      tpu.vector_store %arg8[%parallel_loop3A_1045, %parallel_loop3A_1046, %parallel_loop3A_1047, %parallel_loop3A_1048], %parallel_loop3A_1051 {add = true, strides = array<i32>} : memref<3x4x64x128xf32, #tpu.memory_space<vmem>>, vector<1x1x1x16xf32>,
      %parallel_loop3A_1052 = arith.constant 0 : i32
      %parallel_loop3A_1053 = arith.constant 3 : i32
      %parallel_loop3A_1054 = arith.index_cast %parallel_loop3A_1052 : i32 to index
      %parallel_loop3A_1055 = arith.index_cast %parallel_loop3A_1053 : i32 to index
      %parallel_loop3A_1056 = arith.index_cast %parallel_loop3A_760 : i32 to index
      %parallel_loop3A_1057 = arith.constant 48 : index
      %parallel_loop3A_1058 = tpu.vector_load %arg8[%parallel_loop3A_1054, %parallel_loop3A_1055, %parallel_loop3A_1056, %parallel_loop3A_1057] {strides = array<i32>} : memref<3x4x64x128xf32, #tpu.memory_space<vmem>>, vector<1x1x1x16xf32>,
      %parallel_loop3A_1059 = vector.shape_cast %parallel_loop3A_1058 : vector<1x1x1x16xf32> to vector<16xf32>
      %parallel_loop3A_1060 = vector.shape_cast %parallel_loop3A_784 : vector<16xf32> to vector<1x1x1x16xf32>
      tpu.vector_store %arg8[%parallel_loop3A_1054, %parallel_loop3A_1055, %parallel_loop3A_1056, %parallel_loop3A_1057], %parallel_loop3A_1060 {add = true, strides = array<i32>} : memref<3x4x64x128xf32, #tpu.memory_space<vmem>>, vector<1x1x1x16xf32>,
      %parallel_loop3A_1061 = arith.constant 0 : i32
      %parallel_loop3A_1062 = arith.constant 3 : i32
      %parallel_loop3A_1063 = arith.index_cast %parallel_loop3A_1061 : i32 to index
      %parallel_loop3A_1064 = arith.index_cast %parallel_loop3A_1062 : i32 to index
      %parallel_loop3A_1065 = arith.index_cast %parallel_loop3A_760 : i32 to index
      %parallel_loop3A_1066 = arith.constant 64 : index
      %parallel_loop3A_1067 = tpu.vector_load %arg8[%parallel_loop3A_1063, %parallel_loop3A_1064, %parallel_loop3A_1065, %parallel_loop3A_1066] {strides = array<i32>} : memref<3x4x64x128xf32, #tpu.memory_space<vmem>>, vector<1x1x1x16xf32>,
      %parallel_loop3A_1068 = vector.shape_cast %parallel_loop3A_1067 : vector<1x1x1x16xf32> to vector<16xf32>
      %parallel_loop3A_1069 = vector.shape_cast %parallel_loop3A_790 : vector<16xf32> to vector<1x1x1x16xf32>
      tpu.vector_store %arg8[%parallel_loop3A_1063, %parallel_loop3A_1064, %parallel_loop3A_1065, %parallel_loop3A_1066], %parallel_loop3A_1069 {add = true, strides = array<i32>} : memref<3x4x64x128xf32, #tpu.memory_space<vmem>>, vector<1x1x1x16xf32>,
      %parallel_loop3A_1070 = arith.constant 0 : i32
      %parallel_loop3A_1071 = arith.constant 3 : i32
      %parallel_loop3A_1072 = arith.index_cast %parallel_loop3A_1070 : i32 to index
      %parallel_loop3A_1073 = arith.index_cast %parallel_loop3A_1071 : i32 to index
      %parallel_loop3A_1074 = arith.index_cast %parallel_loop3A_760 : i32 to index
      %parallel_loop3A_1075 = arith.constant 80 : index
      %parallel_loop3A_1076 = tpu.vector_load %arg8[%parallel_loop3A_1072, %parallel_loop3A_1073, %parallel_loop3A_1074, %parallel_loop3A_1075] {strides = array<i32>} : memref<3x4x64x128xf32, #tpu.memory_space<vmem>>, vector<1x1x1x16xf32>,
      %parallel_loop3A_1077 = vector.shape_cast %parallel_loop3A_1076 : vector<1x1x1x16xf32> to vector<16xf32>
      %parallel_loop3A_1078 = vector.shape_cast %parallel_loop3A_796 : vector<16xf32> to vector<1x1x1x16xf32>
      tpu.vector_store %arg8[%parallel_loop3A_1072, %parallel_loop3A_1073, %parallel_loop3A_1074, %parallel_loop3A_1075], %parallel_loop3A_1078 {add = true, strides = array<i32>} : memref<3x4x64x128xf32, #tpu.memory_space<vmem>>, vector<1x1x1x16xf32>,
      %parallel_loop3A_1079 = arith.constant 0 : i32
      %parallel_loop3A_1080 = arith.constant 3 : i32
      %parallel_loop3A_1081 = arith.index_cast %parallel_loop3A_1079 : i32 to index
      %parallel_loop3A_1082 = arith.index_cast %parallel_loop3A_1080 : i32 to index
      %parallel_loop3A_1083 = arith.index_cast %parallel_loop3A_760 : i32 to index
      %parallel_loop3A_1084 = arith.constant 96 : index
      %parallel_loop3A_1085 = tpu.vector_load %arg8[%parallel_loop3A_1081, %parallel_loop3A_1082, %parallel_loop3A_1083, %parallel_loop3A_1084] {strides = array<i32>} : memref<3x4x64x128xf32, #tpu.memory_space<vmem>>, vector<1x1x1x16xf32>,
      %parallel_loop3A_1086 = vector.shape_cast %parallel_loop3A_1085 : vector<1x1x1x16xf32> to vector<16xf32>
      %parallel_loop3A_1087 = vector.shape_cast %parallel_loop3A_802 : vector<16xf32> to vector<1x1x1x16xf32>
      tpu.vector_store %arg8[%parallel_loop3A_1081, %parallel_loop3A_1082, %parallel_loop3A_1083, %parallel_loop3A_1084], %parallel_loop3A_1087 {add = true, strides = array<i32>} : memref<3x4x64x128xf32, #tpu.memory_space<vmem>>, vector<1x1x1x16xf32>,
      %parallel_loop3A_1088 = arith.constant 0 : i32
      %parallel_loop3A_1089 = arith.constant 3 : i32
      %parallel_loop3A_1090 = arith.index_cast %parallel_loop3A_1088 : i32 to index
      %parallel_loop3A_1091 = arith.index_cast %parallel_loop3A_1089 : i32 to index
      %parallel_loop3A_1092 = arith.index_cast %parallel_loop3A_760 : i32 to index
      %parallel_loop3A_1093 = arith.constant 112 : index
      %parallel_loop3A_1094 = tpu.vector_load %arg8[%parallel_loop3A_1090, %parallel_loop3A_1091, %parallel_loop3A_1092, %parallel_loop3A_1093] {strides = array<i32>} : memref<3x4x64x128xf32, #tpu.memory_space<vmem>>, vector<1x1x1x16xf32>,
      %parallel_loop3A_1095 = vector.shape_cast %parallel_loop3A_1094 : vector<1x1x1x16xf32> to vector<16xf32>
      %parallel_loop3A_1096 = vector.shape_cast %parallel_loop3A_808 : vector<16xf32> to vector<1x1x1x16xf32>
      tpu.vector_store %arg8[%parallel_loop3A_1090, %parallel_loop3A_1091, %parallel_loop3A_1092, %parallel_loop3A_1093], %parallel_loop3A_1096 {add = true, strides = array<i32>} : memref<3x4x64x128xf32, #tpu.memory_space<vmem>>, vector<1x1x1x16xf32>,
    } {sc.loop_unroll_factor = 1 : i64, sc.parallel_access}
    %add3A_88 = arith.constant 0 : i32
    %add3A_89 = arith.addi %mul3A_2, %add3A_88 : i32
    %dma_start3A_90 = arith.constant 0 : i32
    %dma_start3A_91 = arith.constant 0 : i32
    %dma_start3A_92 = arith.constant 0 : i32
    %dma_start3A_93 = arith.constant 0 : i32
    %dma_start3A_94 = tpu.memref_slice %arg8[%dma_start3A_90, %dma_start3A_91, %dma_start3A_92, %dma_start3A_93] : memref<3x4x64x128xf32, #tpu.memory_space<vmem>> -> memref<1x4x64x128xf32, #tpu.memory_space<vmem>>
    %dma_start3A_95 = tpu.memref_squeeze %dma_start3A_94 : memref<1x4x64x128xf32, #tpu.memory_space<vmem>> -> memref<4x64x128xf32, #tpu.memory_space<vmem>>
    %dma_start3A_96 = arith.constant 0 : i32
    %dma_start3A_97 = arith.constant 0 : i32
    %dma_start3A_98 = tpu.memref_slice %arg5[%dma_start3A_96, %add3A_89, %dma_start3A_97] : memref<4x16384x128xf32, #tpu.memory_space<hbm>> -> memref<4x64x128xf32, #tpu.memory_space<hbm>>
    %dma_start3A_99 = arith.constant 0 : i32
    %dma_start3A_100 = arith.constant 0 : i32
    %dma_start3A_101 = tpu.memref_slice %arg5[%dma_start3A_99, %add3A_89, %dma_start3A_100] : memref<4x16384x128xf32, #tpu.memory_space<hbm>> -> memref<4x64x128xf32, #tpu.memory_space<hbm>>
    %dma_start3A_102 = arith.constant 0 : i32
    %dma_start3A_103 = arith.constant 0 : i32
    %dma_start3A_104 = arith.constant 0 : i32
    %dma_start3A_105 = tpu.memref_slice %arg8[%dma_start3A_90, %dma_start3A_102, %dma_start3A_103, %dma_start3A_104] : memref<3x4x64x128xf32, #tpu.memory_space<vmem>> -> memref<1x4x64x128xf32, #tpu.memory_space<vmem>>
    %dma_start3A_106 = tpu.memref_squeeze %dma_start3A_105 : memref<1x4x64x128xf32, #tpu.memory_space<vmem>> -> memref<4x64x128xf32, #tpu.memory_space<vmem>>
    tpu.enqueue_dma source(%dma_start3A_106 : memref<4x64x128xf32, #tpu.memory_space<vmem>>) target(%dma_start3A_101 : memref<4x64x128xf32, #tpu.memory_space<hbm>>) target_semaphore(%arg11 : memref<!tpu.dma_semaphore, #tpu.memory_space<semaphore_mem>>)
    %dma_start3A_107 = arith.constant 2 : i32
    %dma_start3A_108 = arith.constant 0 : i32
    %dma_start3A_109 = arith.constant 0 : i32
    %dma_start3A_110 = tpu.memref_slice %arg7[%dma_start3A_107, %dma_start3A_108, %dma_start3A_109] : memref<3x64x128xf32, #tpu.memory_space<vmem>> -> memref<1x64x128xf32, #tpu.memory_space<vmem>>
    %dma_start3A_111 = tpu.memref_squeeze %dma_start3A_110 : memref<1x64x128xf32, #tpu.memory_space<vmem>> -> memref<64x128xf32, #tpu.memory_space<vmem>>
    %dma_start3A_112 = arith.constant 128 : i32
    %dma_start3A_113 = tpu.memref_slice %arg6[%dma_start3A_112] : memref<512xi32, #tpu.memory_space<vmem>> -> memref<64xi32, #tpu.memory_space<vmem>>
    %dma_start3A_114 = arith.constant 0 : i32
    %dma_start3A_115 = arith.constant 0 : i32
    %dma_start3A_116 = tpu.memref_slice %arg3[%dma_start3A_114, %dma_start3A_115] : memref<16384x128xf32, #tpu.memory_space<hbm>> -> memref<16384x128xf32, #tpu.memory_space<hbm>>
    tpu.enqueue_indirect_dma source(%dma_start3A_116 : memref<16384x128xf32, #tpu.memory_space<hbm>>) target(%dma_start3A_111 : memref<64x128xf32, #tpu.memory_space<vmem>>) offsets(%dma_start3A_113 : memref<64xi32, #tpu.memory_space<vmem>>) semaphore(%arg9 : memref<!tpu.dma_semaphore, #tpu.memory_space<semaphore_mem>>)
    %add3A_117 = arith.constant 128 : i32
    %add3A_118 = arith.addi %mul3A_2, %add3A_117 : i32
    %dma_start3A_119 = arith.constant 2 : i32
    %dma_start3A_120 = arith.constant 0 : i32
    %dma_start3A_121 = arith.constant 0 : i32
    %dma_start3A_122 = arith.constant 0 : i32
    %dma_start3A_123 = tpu.memref_slice %arg8[%dma_start3A_119, %dma_start3A_120, %dma_start3A_121, %dma_start3A_122] : memref<3x4x64x128xf32, #tpu.memory_space<vmem>> -> memref<1x4x64x128xf32, #tpu.memory_space<vmem>>
    %dma_start3A_124 = tpu.memref_squeeze %dma_start3A_123 : memref<1x4x64x128xf32, #tpu.memory_space<vmem>> -> memref<4x64x128xf32, #tpu.memory_space<vmem>>
    %dma_start3A_125 = arith.constant 0 : i32
    %dma_start3A_126 = arith.constant 0 : i32
    %dma_start3A_127 = tpu.memref_slice %arg2[%dma_start3A_125, %add3A_118, %dma_start3A_126] : memref<4x16384x128xf32, #tpu.memory_space<hbm>> -> memref<4x64x128xf32, #tpu.memory_space<hbm>>
    %dma_start3A_128 = arith.constant 0 : i32
    %dma_start3A_129 = arith.constant 0 : i32
    %dma_start3A_130 = arith.constant 0 : i32
    %dma_start3A_131 = tpu.memref_slice %arg8[%dma_start3A_119, %dma_start3A_128, %dma_start3A_129, %dma_start3A_130] : memref<3x4x64x128xf32, #tpu.memory_space<vmem>> -> memref<1x4x64x128xf32, #tpu.memory_space<vmem>>
    %dma_start3A_132 = tpu.memref_squeeze %dma_start3A_131 : memref<1x4x64x128xf32, #tpu.memory_space<vmem>> -> memref<4x64x128xf32, #tpu.memory_space<vmem>>
    %dma_start3A_133 = arith.constant 0 : i32
    %dma_start3A_134 = arith.constant 0 : i32
    %dma_start3A_135 = tpu.memref_slice %arg2[%dma_start3A_133, %add3A_118, %dma_start3A_134] : memref<4x16384x128xf32, #tpu.memory_space<hbm>> -> memref<4x64x128xf32, #tpu.memory_space<hbm>>
    tpu.enqueue_dma source(%dma_start3A_135 : memref<4x64x128xf32, #tpu.memory_space<hbm>>) target(%dma_start3A_132 : memref<4x64x128xf32, #tpu.memory_space<vmem>>) target_semaphore(%arg10 : memref<!tpu.dma_semaphore, #tpu.memory_space<semaphore_mem>>)
    %dma_wait3A_136 = arith.constant 1 : i32
    %dma_wait3A_137 = arith.constant 0 : i32
    %dma_wait3A_138 = arith.constant 0 : i32
    %dma_wait3A_139 = tpu.memref_slice %arg7[%dma_wait3A_136, %dma_wait3A_137, %dma_wait3A_138] : memref<3x64x128xf32, #tpu.memory_space<vmem>> -> memref<1x64x128xf32, #tpu.memory_space<vmem>>
    %dma_wait3A_140 = tpu.memref_squeeze %dma_wait3A_139 : memref<1x64x128xf32, #tpu.memory_space<vmem>> -> memref<64x128xf32, #tpu.memory_space<vmem>>
    %dma_wait3A_141 = arith.constant 64 : i32
    %dma_wait3A_142 = tpu.memref_slice %arg6[%dma_wait3A_141] : memref<512xi32, #tpu.memory_space<vmem>> -> memref<64xi32, #tpu.memory_space<vmem>>
    %dma_wait3A_143 = arith.constant 0 : i32
    %dma_wait3A_144 = arith.constant 0 : i32
    %dma_wait3A_145 = tpu.memref_slice %arg3[%dma_wait3A_143, %dma_wait3A_144] : memref<16384x128xf32, #tpu.memory_space<hbm>> -> memref<16384x128xf32, #tpu.memory_space<hbm>>
    tpu.wait_indirect_dma semaphore(%arg9 : memref<!tpu.dma_semaphore, #tpu.memory_space<semaphore_mem>>) src(%dma_wait3A_145 : memref<16384x128xf32, #tpu.memory_space<hbm>>) dst(%dma_wait3A_140 : memref<64x128xf32, #tpu.memory_space<vmem>>)
    %dma_wait3A_146 = arith.constant 1 : i32
    %dma_wait3A_147 = arith.constant 0 : i32
    %dma_wait3A_148 = arith.constant 0 : i32
    %dma_wait3A_149 = arith.constant 0 : i32
    %dma_wait3A_150 = tpu.memref_slice %arg8[%dma_wait3A_146, %dma_wait3A_147, %dma_wait3A_148, %dma_wait3A_149] : memref<3x4x64x128xf32, #tpu.memory_space<vmem>> -> memref<1x4x64x128xf32, #tpu.memory_space<vmem>>
    %dma_wait3A_151 = tpu.memref_squeeze %dma_wait3A_150 : memref<1x4x64x128xf32, #tpu.memory_space<vmem>> -> memref<4x64x128xf32, #tpu.memory_space<vmem>>
    %dma_wait3A_152 = arith.constant 0 : i32
    %dma_wait3A_153 = arith.constant 0 : i32
    %dma_wait3A_154 = tpu.memref_slice %arg2[%dma_wait3A_152, %add3A_42, %dma_wait3A_153] : memref<4x16384x128xf32, #tpu.memory_space<hbm>> -> memref<4x64x128xf32, #tpu.memory_space<hbm>>
    %dma_wait3A_155 = arith.constant 0 : i32
    %dma_wait3A_156 = arith.constant 0 : i32
    %dma_wait3A_157 = arith.constant 0 : i32
    %dma_wait3A_158 = tpu.memref_slice %arg8[%dma_wait3A_146, %dma_wait3A_155, %dma_wait3A_156, %dma_wait3A_157] : memref<3x4x64x128xf32, #tpu.memory_space<vmem>> -> memref<1x4x64x128xf32, #tpu.memory_space<vmem>>
    %dma_wait3A_159 = tpu.memref_squeeze %dma_wait3A_158 : memref<1x4x64x128xf32, #tpu.memory_space<vmem>> -> memref<4x64x128xf32, #tpu.memory_space<vmem>>
    %dma_wait3A_160 = arith.constant 0 : i32
    %dma_wait3A_161 = arith.constant 0 : i32
    %dma_wait3A_162 = tpu.memref_slice %arg2[%dma_wait3A_160, %add3A_42, %dma_wait3A_161] : memref<4x16384x128xf32, #tpu.memory_space<hbm>> -> memref<4x64x128xf32, #tpu.memory_space<hbm>>
    tpu.wait_dma2 semaphore(%arg10 : memref<!tpu.dma_semaphore, #tpu.memory_space<semaphore_mem>>) src(%dma_wait3A_162 : memref<4x64x128xf32, #tpu.memory_space<hbm>>) dst(%dma_wait3A_159 : memref<4x64x128xf32, #tpu.memory_space<vmem>>)
    %parallel_loop3A_163 = arith.constant 0 : i32
    %parallel_loop3A_164 = arith.constant 64 : i32
    %parallel_loop3A_165 = arith.constant 1 : i32
    scf.for %parallel_loop3A_760 = %parallel_loop3A_163 to %parallel_loop3A_164 step %parallel_loop3A_165  : i32 {
      %parallel_loop3A_761 = arith.constant 1 : i32
      %parallel_loop3A_762 = arith.index_cast %parallel_loop3A_761 : i32 to index
      %parallel_loop3A_763 = arith.index_cast %parallel_loop3A_760 : i32 to index
      %parallel_loop3A_764 = arith.constant 0 : index
      %parallel_loop3A_765 = tpu.vector_load %arg7[%parallel_loop3A_762, %parallel_loop3A_763, %parallel_loop3A_764] {strides = array<i32>} : memref<3x64x128xf32, #tpu.memory_space<vmem>>, vector<1x1x16xf32>,
      %parallel_loop3A_766 = vector.shape_cast %parallel_loop3A_765 : vector<1x1x16xf32> to vector<16xf32>
      %parallel_loop3A_767 = arith.constant 1 : i32
      %parallel_loop3A_768 = arith.index_cast %parallel_loop3A_767 : i32 to index
      %parallel_loop3A_769 = arith.index_cast %parallel_loop3A_760 : i32 to index
      %parallel_loop3A_770 = arith.constant 16 : index
      %parallel_loop3A_771 = tpu.vector_load %arg7[%parallel_loop3A_768, %parallel_loop3A_769, %parallel_loop3A_770] {strides = array<i32>} : memref<3x64x128xf32, #tpu.memory_space<vmem>>, vector<1x1x16xf32>,
      %parallel_loop3A_772 = vector.shape_cast %parallel_loop3A_771 : vector<1x1x16xf32> to vector<16xf32>
      %parallel_loop3A_773 = arith.constant 1 : i32
      %parallel_loop3A_774 = arith.index_cast %parallel_loop3A_773 : i32 to index
      %parallel_loop3A_775 = arith.index_cast %parallel_loop3A_760 : i32 to index
      %parallel_loop3A_776 = arith.constant 32 : index
      %parallel_loop3A_777 = tpu.vector_load %arg7[%parallel_loop3A_774, %parallel_loop3A_775, %parallel_loop3A_776] {strides = array<i32>} : memref<3x64x128xf32, #tpu.memory_space<vmem>>, vector<1x1x16xf32>,
      %parallel_loop3A_778 = vector.shape_cast %parallel_loop3A_777 : vector<1x1x16xf32> to vector<16xf32>
      %parallel_loop3A_779 = arith.constant 1 : i32
      %parallel_loop3A_780 = arith.index_cast %parallel_loop3A_779 : i32 to index
      %parallel_loop3A_781 = arith.index_cast %parallel_loop3A_760 : i32 to index
      %parallel_loop3A_782 = arith.constant 48 : index
      %parallel_loop3A_783 = tpu.vector_load %arg7[%parallel_loop3A_780, %parallel_loop3A_781, %parallel_loop3A_782] {strides = array<i32>} : memref<3x64x128xf32, #tpu.memory_space<vmem>>, vector<1x1x16xf32>,
      %parallel_loop3A_784 = vector.shape_cast %parallel_loop3A_783 : vector<1x1x16xf32> to vector<16xf32>
      %parallel_loop3A_785 = arith.constant 1 : i32
      %parallel_loop3A_786 = arith.index_cast %parallel_loop3A_785 : i32 to index
      %parallel_loop3A_787 = arith.index_cast %parallel_loop3A_760 : i32 to index
      %parallel_loop3A_788 = arith.constant 64 : index
      %parallel_loop3A_789 = tpu.vector_load %arg7[%parallel_loop3A_786, %parallel_loop3A_787, %parallel_loop3A_788] {strides = array<i32>} : memref<3x64x128xf32, #tpu.memory_space<vmem>>, vector<1x1x16xf32>,
      %parallel_loop3A_790 = vector.shape_cast %parallel_loop3A_789 : vector<1x1x16xf32> to vector<16xf32>
      %parallel_loop3A_791 = arith.constant 1 : i32
      %parallel_loop3A_792 = arith.index_cast %parallel_loop3A_791 : i32 to index
      %parallel_loop3A_793 = arith.index_cast %parallel_loop3A_760 : i32 to index
      %parallel_loop3A_794 = arith.constant 80 : index
      %parallel_loop3A_795 = tpu.vector_load %arg7[%parallel_loop3A_792, %parallel_loop3A_793, %parallel_loop3A_794] {strides = array<i32>} : memref<3x64x128xf32, #tpu.memory_space<vmem>>, vector<1x1x16xf32>,
      %parallel_loop3A_796 = vector.shape_cast %parallel_loop3A_795 : vector<1x1x16xf32> to vector<16xf32>
      %parallel_loop3A_797 = arith.constant 1 : i32
      %parallel_loop3A_798 = arith.index_cast %parallel_loop3A_797 : i32 to index
      %parallel_loop3A_799 = arith.index_cast %parallel_loop3A_760 : i32 to index
      %parallel_loop3A_800 = arith.constant 96 : index
      %parallel_loop3A_801 = tpu.vector_load %arg7[%parallel_loop3A_798, %parallel_loop3A_799, %parallel_loop3A_800] {strides = array<i32>} : memref<3x64x128xf32, #tpu.memory_space<vmem>>, vector<1x1x16xf32>,
      %parallel_loop3A_802 = vector.shape_cast %parallel_loop3A_801 : vector<1x1x16xf32> to vector<16xf32>
      %parallel_loop3A_803 = arith.constant 1 : i32
      %parallel_loop3A_804 = arith.index_cast %parallel_loop3A_803 : i32 to index
      %parallel_loop3A_805 = arith.index_cast %parallel_loop3A_760 : i32 to index
      %parallel_loop3A_806 = arith.constant 112 : index
      %parallel_loop3A_807 = tpu.vector_load %arg7[%parallel_loop3A_804, %parallel_loop3A_805, %parallel_loop3A_806] {strides = array<i32>} : memref<3x64x128xf32, #tpu.memory_space<vmem>>, vector<1x1x16xf32>,
      %parallel_loop3A_808 = vector.shape_cast %parallel_loop3A_807 : vector<1x1x16xf32> to vector<16xf32>
      %parallel_loop3A_809 = arith.constant 1 : i32
      %parallel_loop3A_810 = arith.constant 0 : i32
      %parallel_loop3A_811 = arith.index_cast %parallel_loop3A_809 : i32 to index
      %parallel_loop3A_812 = arith.index_cast %parallel_loop3A_810 : i32 to index
      %parallel_loop3A_813 = arith.index_cast %parallel_loop3A_760 : i32 to index
      %parallel_loop3A_814 = arith.constant 0 : index
      %parallel_loop3A_815 = tpu.vector_load %arg8[%parallel_loop3A_811, %parallel_loop3A_812, %parallel_loop3A_813, %parallel_loop3A_814] {strides = array<i32>} : memref<3x4x64x128xf32, #tpu.memory_space<vmem>>, vector<1x1x1x16xf32>,
      %parallel_loop3A_816 = vector.shape_cast %parallel_loop3A_815 : vector<1x1x1x16xf32> to vector<16xf32>
      %parallel_loop3A_817 = vector.shape_cast %parallel_loop3A_766 : vector<16xf32> to vector<1x1x1x16xf32>
      tpu.vector_store %arg8[%parallel_loop3A_811, %parallel_loop3A_812, %parallel_loop3A_813, %parallel_loop3A_814], %parallel_loop3A_817 {add = true, strides = array<i32>} : memref<3x4x64x128xf32, #tpu.memory_space<vmem>>, vector<1x1x1x16xf32>,
      %parallel_loop3A_818 = arith.constant 1 : i32
      %parallel_loop3A_819 = arith.constant 0 : i32
      %parallel_loop3A_820 = arith.index_cast %parallel_loop3A_818 : i32 to index
      %parallel_loop3A_821 = arith.index_cast %parallel_loop3A_819 : i32 to index
      %parallel_loop3A_822 = arith.index_cast %parallel_loop3A_760 : i32 to index
      %parallel_loop3A_823 = arith.constant 16 : index
      %parallel_loop3A_824 = tpu.vector_load %arg8[%parallel_loop3A_820, %parallel_loop3A_821, %parallel_loop3A_822, %parallel_loop3A_823] {strides = array<i32>} : memref<3x4x64x128xf32, #tpu.memory_space<vmem>>, vector<1x1x1x16xf32>,
      %parallel_loop3A_825 = vector.shape_cast %parallel_loop3A_824 : vector<1x1x1x16xf32> to vector<16xf32>
      %parallel_loop3A_826 = vector.shape_cast %parallel_loop3A_772 : vector<16xf32> to vector<1x1x1x16xf32>
      tpu.vector_store %arg8[%parallel_loop3A_820, %parallel_loop3A_821, %parallel_loop3A_822, %parallel_loop3A_823], %parallel_loop3A_826 {add = true, strides = array<i32>} : memref<3x4x64x128xf32, #tpu.memory_space<vmem>>, vector<1x1x1x16xf32>,
      %parallel_loop3A_827 = arith.constant 1 : i32
      %parallel_loop3A_828 = arith.constant 0 : i32
      %parallel_loop3A_829 = arith.index_cast %parallel_loop3A_827 : i32 to index
      %parallel_loop3A_830 = arith.index_cast %parallel_loop3A_828 : i32 to index
      %parallel_loop3A_831 = arith.index_cast %parallel_loop3A_760 : i32 to index
      %parallel_loop3A_832 = arith.constant 32 : index
      %parallel_loop3A_833 = tpu.vector_load %arg8[%parallel_loop3A_829, %parallel_loop3A_830, %parallel_loop3A_831, %parallel_loop3A_832] {strides = array<i32>} : memref<3x4x64x128xf32, #tpu.memory_space<vmem>>, vector<1x1x1x16xf32>,
      %parallel_loop3A_834 = vector.shape_cast %parallel_loop3A_833 : vector<1x1x1x16xf32> to vector<16xf32>
      %parallel_loop3A_835 = vector.shape_cast %parallel_loop3A_778 : vector<16xf32> to vector<1x1x1x16xf32>
      tpu.vector_store %arg8[%parallel_loop3A_829, %parallel_loop3A_830, %parallel_loop3A_831, %parallel_loop3A_832], %parallel_loop3A_835 {add = true, strides = array<i32>} : memref<3x4x64x128xf32, #tpu.memory_space<vmem>>, vector<1x1x1x16xf32>,
      %parallel_loop3A_836 = arith.constant 1 : i32
      %parallel_loop3A_837 = arith.constant 0 : i32
      %parallel_loop3A_838 = arith.index_cast %parallel_loop3A_836 : i32 to index
      %parallel_loop3A_839 = arith.index_cast %parallel_loop3A_837 : i32 to index
      %parallel_loop3A_840 = arith.index_cast %parallel_loop3A_760 : i32 to index
      %parallel_loop3A_841 = arith.constant 48 : index
      %parallel_loop3A_842 = tpu.vector_load %arg8[%parallel_loop3A_838, %parallel_loop3A_839, %parallel_loop3A_840, %parallel_loop3A_841] {strides = array<i32>} : memref<3x4x64x128xf32, #tpu.memory_space<vmem>>, vector<1x1x1x16xf32>,
      %parallel_loop3A_843 = vector.shape_cast %parallel_loop3A_842 : vector<1x1x1x16xf32> to vector<16xf32>
      %parallel_loop3A_844 = vector.shape_cast %parallel_loop3A_784 : vector<16xf32> to vector<1x1x1x16xf32>
      tpu.vector_store %arg8[%parallel_loop3A_838, %parallel_loop3A_839, %parallel_loop3A_840, %parallel_loop3A_841], %parallel_loop3A_844 {add = true, strides = array<i32>} : memref<3x4x64x128xf32, #tpu.memory_space<vmem>>, vector<1x1x1x16xf32>,
      %parallel_loop3A_845 = arith.constant 1 : i32
      %parallel_loop3A_846 = arith.constant 0 : i32
      %parallel_loop3A_847 = arith.index_cast %parallel_loop3A_845 : i32 to index
      %parallel_loop3A_848 = arith.index_cast %parallel_loop3A_846 : i32 to index
      %parallel_loop3A_849 = arith.index_cast %parallel_loop3A_760 : i32 to index
      %parallel_loop3A_850 = arith.constant 64 : index
      %parallel_loop3A_851 = tpu.vector_load %arg8[%parallel_loop3A_847, %parallel_loop3A_848, %parallel_loop3A_849, %parallel_loop3A_850] {strides = array<i32>} : memref<3x4x64x128xf32, #tpu.memory_space<vmem>>, vector<1x1x1x16xf32>,
      %parallel_loop3A_852 = vector.shape_cast %parallel_loop3A_851 : vector<1x1x1x16xf32> to vector<16xf32>
      %parallel_loop3A_853 = vector.shape_cast %parallel_loop3A_790 : vector<16xf32> to vector<1x1x1x16xf32>
      tpu.vector_store %arg8[%parallel_loop3A_847, %parallel_loop3A_848, %parallel_loop3A_849, %parallel_loop3A_850], %parallel_loop3A_853 {add = true, strides = array<i32>} : memref<3x4x64x128xf32, #tpu.memory_space<vmem>>, vector<1x1x1x16xf32>,
      %parallel_loop3A_854 = arith.constant 1 : i32
      %parallel_loop3A_855 = arith.constant 0 : i32
      %parallel_loop3A_856 = arith.index_cast %parallel_loop3A_854 : i32 to index
      %parallel_loop3A_857 = arith.index_cast %parallel_loop3A_855 : i32 to index
      %parallel_loop3A_858 = arith.index_cast %parallel_loop3A_760 : i32 to index
      %parallel_loop3A_859 = arith.constant 80 : index
      %parallel_loop3A_860 = tpu.vector_load %arg8[%parallel_loop3A_856, %parallel_loop3A_857, %parallel_loop3A_858, %parallel_loop3A_859] {strides = array<i32>} : memref<3x4x64x128xf32, #tpu.memory_space<vmem>>, vector<1x1x1x16xf32>,
      %parallel_loop3A_861 = vector.shape_cast %parallel_loop3A_860 : vector<1x1x1x16xf32> to vector<16xf32>
      %parallel_loop3A_862 = vector.shape_cast %parallel_loop3A_796 : vector<16xf32> to vector<1x1x1x16xf32>
      tpu.vector_store %arg8[%parallel_loop3A_856, %parallel_loop3A_857, %parallel_loop3A_858, %parallel_loop3A_859], %parallel_loop3A_862 {add = true, strides = array<i32>} : memref<3x4x64x128xf32, #tpu.memory_space<vmem>>, vector<1x1x1x16xf32>,
      %parallel_loop3A_863 = arith.constant 1 : i32
      %parallel_loop3A_864 = arith.constant 0 : i32
      %parallel_loop3A_865 = arith.index_cast %parallel_loop3A_863 : i32 to index
      %parallel_loop3A_866 = arith.index_cast %parallel_loop3A_864 : i32 to index
      %parallel_loop3A_867 = arith.index_cast %parallel_loop3A_760 : i32 to index
      %parallel_loop3A_868 = arith.constant 96 : index
      %parallel_loop3A_869 = tpu.vector_load %arg8[%parallel_loop3A_865, %parallel_loop3A_866, %parallel_loop3A_867, %parallel_loop3A_868] {strides = array<i32>} : memref<3x4x64x128xf32, #tpu.memory_space<vmem>>, vector<1x1x1x16xf32>,
      %parallel_loop3A_870 = vector.shape_cast %parallel_loop3A_869 : vector<1x1x1x16xf32> to vector<16xf32>
      %parallel_loop3A_871 = vector.shape_cast %parallel_loop3A_802 : vector<16xf32> to vector<1x1x1x16xf32>
      tpu.vector_store %arg8[%parallel_loop3A_865, %parallel_loop3A_866, %parallel_loop3A_867, %parallel_loop3A_868], %parallel_loop3A_871 {add = true, strides = array<i32>} : memref<3x4x64x128xf32, #tpu.memory_space<vmem>>, vector<1x1x1x16xf32>,
      %parallel_loop3A_872 = arith.constant 1 : i32
      %parallel_loop3A_873 = arith.constant 0 : i32
      %parallel_loop3A_874 = arith.index_cast %parallel_loop3A_872 : i32 to index
      %parallel_loop3A_875 = arith.index_cast %parallel_loop3A_873 : i32 to index
      %parallel_loop3A_876 = arith.index_cast %parallel_loop3A_760 : i32 to index
      %parallel_loop3A_877 = arith.constant 112 : index
      %parallel_loop3A_878 = tpu.vector_load %arg8[%parallel_loop3A_874, %parallel_loop3A_875, %parallel_loop3A_876, %parallel_loop3A_877] {strides = array<i32>} : memref<3x4x64x128xf32, #tpu.memory_space<vmem>>, vector<1x1x1x16xf32>,
      %parallel_loop3A_879 = vector.shape_cast %parallel_loop3A_878 : vector<1x1x1x16xf32> to vector<16xf32>
      %parallel_loop3A_880 = vector.shape_cast %parallel_loop3A_808 : vector<16xf32> to vector<1x1x1x16xf32>
      tpu.vector_store %arg8[%parallel_loop3A_874, %parallel_loop3A_875, %parallel_loop3A_876, %parallel_loop3A_877], %parallel_loop3A_880 {add = true, strides = array<i32>} : memref<3x4x64x128xf32, #tpu.memory_space<vmem>>, vector<1x1x1x16xf32>,
      %parallel_loop3A_881 = arith.constant 1 : i32
      %parallel_loop3A_882 = arith.constant 1 : i32
      %parallel_loop3A_883 = arith.index_cast %parallel_loop3A_881 : i32 to index
      %parallel_loop3A_884 = arith.index_cast %parallel_loop3A_882 : i32 to index
      %parallel_loop3A_885 = arith.index_cast %parallel_loop3A_760 : i32 to index
      %parallel_loop3A_886 = arith.constant 0 : index
      %parallel_loop3A_887 = tpu.vector_load %arg8[%parallel_loop3A_883, %parallel_loop3A_884, %parallel_loop3A_885, %parallel_loop3A_886] {strides = array<i32>} : memref<3x4x64x128xf32, #tpu.memory_space<vmem>>, vector<1x1x1x16xf32>,
      %parallel_loop3A_888 = vector.shape_cast %parallel_loop3A_887 : vector<1x1x1x16xf32> to vector<16xf32>
      %parallel_loop3A_889 = vector.shape_cast %parallel_loop3A_766 : vector<16xf32> to vector<1x1x1x16xf32>
      tpu.vector_store %arg8[%parallel_loop3A_883, %parallel_loop3A_884, %parallel_loop3A_885, %parallel_loop3A_886], %parallel_loop3A_889 {add = true, strides = array<i32>} : memref<3x4x64x128xf32, #tpu.memory_space<vmem>>, vector<1x1x1x16xf32>,
      %parallel_loop3A_890 = arith.constant 1 : i32
      %parallel_loop3A_891 = arith.constant 1 : i32
      %parallel_loop3A_892 = arith.index_cast %parallel_loop3A_890 : i32 to index
      %parallel_loop3A_893 = arith.index_cast %parallel_loop3A_891 : i32 to index
      %parallel_loop3A_894 = arith.index_cast %parallel_loop3A_760 : i32 to index
      %parallel_loop3A_895 = arith.constant 16 : index
      %parallel_loop3A_896 = tpu.vector_load %arg8[%parallel_loop3A_892, %parallel_loop3A_893, %parallel_loop3A_894, %parallel_loop3A_895] {strides = array<i32>} : memref<3x4x64x128xf32, #tpu.memory_space<vmem>>, vector<1x1x1x16xf32>,
      %parallel_loop3A_897 = vector.shape_cast %parallel_loop3A_896 : vector<1x1x1x16xf32> to vector<16xf32>
      %parallel_loop3A_898 = vector.shape_cast %parallel_loop3A_772 : vector<16xf32> to vector<1x1x1x16xf32>
      tpu.vector_store %arg8[%parallel_loop3A_892, %parallel_loop3A_893, %parallel_loop3A_894, %parallel_loop3A_895], %parallel_loop3A_898 {add = true, strides = array<i32>} : memref<3x4x64x128xf32, #tpu.memory_space<vmem>>, vector<1x1x1x16xf32>,
      %parallel_loop3A_899 = arith.constant 1 : i32
      %parallel_loop3A_900 = arith.constant 1 : i32
      %parallel_loop3A_901 = arith.index_cast %parallel_loop3A_899 : i32 to index
      %parallel_loop3A_902 = arith.index_cast %parallel_loop3A_900 : i32 to index
      %parallel_loop3A_903 = arith.index_cast %parallel_loop3A_760 : i32 to index
      %parallel_loop3A_904 = arith.constant 32 : index
      %parallel_loop3A_905 = tpu.vector_load %arg8[%parallel_loop3A_901, %parallel_loop3A_902, %parallel_loop3A_903, %parallel_loop3A_904] {strides = array<i32>} : memref<3x4x64x128xf32, #tpu.memory_space<vmem>>, vector<1x1x1x16xf32>,
      %parallel_loop3A_906 = vector.shape_cast %parallel_loop3A_905 : vector<1x1x1x16xf32> to vector<16xf32>
      %parallel_loop3A_907 = vector.shape_cast %parallel_loop3A_778 : vector<16xf32> to vector<1x1x1x16xf32>
      tpu.vector_store %arg8[%parallel_loop3A_901, %parallel_loop3A_902, %parallel_loop3A_903, %parallel_loop3A_904], %parallel_loop3A_907 {add = true, strides = array<i32>} : memref<3x4x64x128xf32, #tpu.memory_space<vmem>>, vector<1x1x1x16xf32>,
      %parallel_loop3A_908 = arith.constant 1 : i32
      %parallel_loop3A_909 = arith.constant 1 : i32
      %parallel_loop3A_910 = arith.index_cast %parallel_loop3A_908 : i32 to index
      %parallel_loop3A_911 = arith.index_cast %parallel_loop3A_909 : i32 to index
      %parallel_loop3A_912 = arith.index_cast %parallel_loop3A_760 : i32 to index
      %parallel_loop3A_913 = arith.constant 48 : index
      %parallel_loop3A_914 = tpu.vector_load %arg8[%parallel_loop3A_910, %parallel_loop3A_911, %parallel_loop3A_912, %parallel_loop3A_913] {strides = array<i32>} : memref<3x4x64x128xf32, #tpu.memory_space<vmem>>, vector<1x1x1x16xf32>,
      %parallel_loop3A_915 = vector.shape_cast %parallel_loop3A_914 : vector<1x1x1x16xf32> to vector<16xf32>
      %parallel_loop3A_916 = vector.shape_cast %parallel_loop3A_784 : vector<16xf32> to vector<1x1x1x16xf32>
      tpu.vector_store %arg8[%parallel_loop3A_910, %parallel_loop3A_911, %parallel_loop3A_912, %parallel_loop3A_913], %parallel_loop3A_916 {add = true, strides = array<i32>} : memref<3x4x64x128xf32, #tpu.memory_space<vmem>>, vector<1x1x1x16xf32>,
      %parallel_loop3A_917 = arith.constant 1 : i32
      %parallel_loop3A_918 = arith.constant 1 : i32
      %parallel_loop3A_919 = arith.index_cast %parallel_loop3A_917 : i32 to index
      %parallel_loop3A_920 = arith.index_cast %parallel_loop3A_918 : i32 to index
      %parallel_loop3A_921 = arith.index_cast %parallel_loop3A_760 : i32 to index
      %parallel_loop3A_922 = arith.constant 64 : index
      %parallel_loop3A_923 = tpu.vector_load %arg8[%parallel_loop3A_919, %parallel_loop3A_920, %parallel_loop3A_921, %parallel_loop3A_922] {strides = array<i32>} : memref<3x4x64x128xf32, #tpu.memory_space<vmem>>, vector<1x1x1x16xf32>,
      %parallel_loop3A_924 = vector.shape_cast %parallel_loop3A_923 : vector<1x1x1x16xf32> to vector<16xf32>
      %parallel_loop3A_925 = vector.shape_cast %parallel_loop3A_790 : vector<16xf32> to vector<1x1x1x16xf32>
      tpu.vector_store %arg8[%parallel_loop3A_919, %parallel_loop3A_920, %parallel_loop3A_921, %parallel_loop3A_922], %parallel_loop3A_925 {add = true, strides = array<i32>} : memref<3x4x64x128xf32, #tpu.memory_space<vmem>>, vector<1x1x1x16xf32>,
      %parallel_loop3A_926 = arith.constant 1 : i32
      %parallel_loop3A_927 = arith.constant 1 : i32
      %parallel_loop3A_928 = arith.index_cast %parallel_loop3A_926 : i32 to index
      %parallel_loop3A_929 = arith.index_cast %parallel_loop3A_927 : i32 to index
      %parallel_loop3A_930 = arith.index_cast %parallel_loop3A_760 : i32 to index
      %parallel_loop3A_931 = arith.constant 80 : index
      %parallel_loop3A_932 = tpu.vector_load %arg8[%parallel_loop3A_928, %parallel_loop3A_929, %parallel_loop3A_930, %parallel_loop3A_931] {strides = array<i32>} : memref<3x4x64x128xf32, #tpu.memory_space<vmem>>, vector<1x1x1x16xf32>,
      %parallel_loop3A_933 = vector.shape_cast %parallel_loop3A_932 : vector<1x1x1x16xf32> to vector<16xf32>
      %parallel_loop3A_934 = vector.shape_cast %parallel_loop3A_796 : vector<16xf32> to vector<1x1x1x16xf32>
      tpu.vector_store %arg8[%parallel_loop3A_928, %parallel_loop3A_929, %parallel_loop3A_930, %parallel_loop3A_931], %parallel_loop3A_934 {add = true, strides = array<i32>} : memref<3x4x64x128xf32, #tpu.memory_space<vmem>>, vector<1x1x1x16xf32>,
      %parallel_loop3A_935 = arith.constant 1 : i32
      %parallel_loop3A_936 = arith.constant 1 : i32
      %parallel_loop3A_937 = arith.index_cast %parallel_loop3A_935 : i32 to index
      %parallel_loop3A_938 = arith.index_cast %parallel_loop3A_936 : i32 to index
      %parallel_loop3A_939 = arith.index_cast %parallel_loop3A_760 : i32 to index
      %parallel_loop3A_940 = arith.constant 96 : index
      %parallel_loop3A_941 = tpu.vector_load %arg8[%parallel_loop3A_937, %parallel_loop3A_938, %parallel_loop3A_939, %parallel_loop3A_940] {strides = array<i32>} : memref<3x4x64x128xf32, #tpu.memory_space<vmem>>, vector<1x1x1x16xf32>,
      %parallel_loop3A_942 = vector.shape_cast %parallel_loop3A_941 : vector<1x1x1x16xf32> to vector<16xf32>
      %parallel_loop3A_943 = vector.shape_cast %parallel_loop3A_802 : vector<16xf32> to vector<1x1x1x16xf32>
      tpu.vector_store %arg8[%parallel_loop3A_937, %parallel_loop3A_938, %parallel_loop3A_939, %parallel_loop3A_940], %parallel_loop3A_943 {add = true, strides = array<i32>} : memref<3x4x64x128xf32, #tpu.memory_space<vmem>>, vector<1x1x1x16xf32>,
      %parallel_loop3A_944 = arith.constant 1 : i32
      %parallel_loop3A_945 = arith.constant 1 : i32
      %parallel_loop3A_946 = arith.index_cast %parallel_loop3A_944 : i32 to index
      %parallel_loop3A_947 = arith.index_cast %parallel_loop3A_945 : i32 to index
      %parallel_loop3A_948 = arith.index_cast %parallel_loop3A_760 : i32 to index
      %parallel_loop3A_949 = arith.constant 112 : index
      %parallel_loop3A_950 = tpu.vector_load %arg8[%parallel_loop3A_946, %parallel_loop3A_947, %parallel_loop3A_948, %parallel_loop3A_949] {strides = array<i32>} : memref<3x4x64x128xf32, #tpu.memory_space<vmem>>, vector<1x1x1x16xf32>,
      %parallel_loop3A_951 = vector.shape_cast %parallel_loop3A_950 : vector<1x1x1x16xf32> to vector<16xf32>
      %parallel_loop3A_952 = vector.shape_cast %parallel_loop3A_808 : vector<16xf32> to vector<1x1x1x16xf32>
      tpu.vector_store %arg8[%parallel_loop3A_946, %parallel_loop3A_947, %parallel_loop3A_948, %parallel_loop3A_949], %parallel_loop3A_952 {add = true, strides = array<i32>} : memref<3x4x64x128xf32, #tpu.memory_space<vmem>>, vector<1x1x1x16xf32>,
      %parallel_loop3A_953 = arith.constant 1 : i32
      %parallel_loop3A_954 = arith.constant 2 : i32
      %parallel_loop3A_955 = arith.index_cast %parallel_loop3A_953 : i32 to index
      %parallel_loop3A_956 = arith.index_cast %parallel_loop3A_954 : i32 to index
      %parallel_loop3A_957 = arith.index_cast %parallel_loop3A_760 : i32 to index
      %parallel_loop3A_958 = arith.constant 0 : index
      %parallel_loop3A_959 = tpu.vector_load %arg8[%parallel_loop3A_955, %parallel_loop3A_956, %parallel_loop3A_957, %parallel_loop3A_958] {strides = array<i32>} : memref<3x4x64x128xf32, #tpu.memory_space<vmem>>, vector<1x1x1x16xf32>,
      %parallel_loop3A_960 = vector.shape_cast %parallel_loop3A_959 : vector<1x1x1x16xf32> to vector<16xf32>
      %parallel_loop3A_961 = vector.shape_cast %parallel_loop3A_766 : vector<16xf32> to vector<1x1x1x16xf32>
      tpu.vector_store %arg8[%parallel_loop3A_955, %parallel_loop3A_956, %parallel_loop3A_957, %parallel_loop3A_958], %parallel_loop3A_961 {add = true, strides = array<i32>} : memref<3x4x64x128xf32, #tpu.memory_space<vmem>>, vector<1x1x1x16xf32>,
      %parallel_loop3A_962 = arith.constant 1 : i32
      %parallel_loop3A_963 = arith.constant 2 : i32
      %parallel_loop3A_964 = arith.index_cast %parallel_loop3A_962 : i32 to index
      %parallel_loop3A_965 = arith.index_cast %parallel_loop3A_963 : i32 to index
      %parallel_loop3A_966 = arith.index_cast %parallel_loop3A_760 : i32 to index
      %parallel_loop3A_967 = arith.constant 16 : index
      %parallel_loop3A_968 = tpu.vector_load %arg8[%parallel_loop3A_964, %parallel_loop3A_965, %parallel_loop3A_966, %parallel_loop3A_967] {strides = array<i32>} : memref<3x4x64x128xf32, #tpu.memory_space<vmem>>, vector<1x1x1x16xf32>,
      %parallel_loop3A_969 = vector.shape_cast %parallel_loop3A_968 : vector<1x1x1x16xf32> to vector<16xf32>
      %parallel_loop3A_970 = vector.shape_cast %parallel_loop3A_772 : vector<16xf32> to vector<1x1x1x16xf32>
      tpu.vector_store %arg8[%parallel_loop3A_964, %parallel_loop3A_965, %parallel_loop3A_966, %parallel_loop3A_967], %parallel_loop3A_970 {add = true, strides = array<i32>} : memref<3x4x64x128xf32, #tpu.memory_space<vmem>>, vector<1x1x1x16xf32>,
      %parallel_loop3A_971 = arith.constant 1 : i32
      %parallel_loop3A_972 = arith.constant 2 : i32
      %parallel_loop3A_973 = arith.index_cast %parallel_loop3A_971 : i32 to index
      %parallel_loop3A_974 = arith.index_cast %parallel_loop3A_972 : i32 to index
      %parallel_loop3A_975 = arith.index_cast %parallel_loop3A_760 : i32 to index
      %parallel_loop3A_976 = arith.constant 32 : index
      %parallel_loop3A_977 = tpu.vector_load %arg8[%parallel_loop3A_973, %parallel_loop3A_974, %parallel_loop3A_975, %parallel_loop3A_976] {strides = array<i32>} : memref<3x4x64x128xf32, #tpu.memory_space<vmem>>, vector<1x1x1x16xf32>,
      %parallel_loop3A_978 = vector.shape_cast %parallel_loop3A_977 : vector<1x1x1x16xf32> to vector<16xf32>
      %parallel_loop3A_979 = vector.shape_cast %parallel_loop3A_778 : vector<16xf32> to vector<1x1x1x16xf32>
      tpu.vector_store %arg8[%parallel_loop3A_973, %parallel_loop3A_974, %parallel_loop3A_975, %parallel_loop3A_976], %parallel_loop3A_979 {add = true, strides = array<i32>} : memref<3x4x64x128xf32, #tpu.memory_space<vmem>>, vector<1x1x1x16xf32>,
      %parallel_loop3A_980 = arith.constant 1 : i32
      %parallel_loop3A_981 = arith.constant 2 : i32
      %parallel_loop3A_982 = arith.index_cast %parallel_loop3A_980 : i32 to index
      %parallel_loop3A_983 = arith.index_cast %parallel_loop3A_981 : i32 to index
      %parallel_loop3A_984 = arith.index_cast %parallel_loop3A_760 : i32 to index
      %parallel_loop3A_985 = arith.constant 48 : index
      %parallel_loop3A_986 = tpu.vector_load %arg8[%parallel_loop3A_982, %parallel_loop3A_983, %parallel_loop3A_984, %parallel_loop3A_985] {strides = array<i32>} : memref<3x4x64x128xf32, #tpu.memory_space<vmem>>, vector<1x1x1x16xf32>,
      %parallel_loop3A_987 = vector.shape_cast %parallel_loop3A_986 : vector<1x1x1x16xf32> to vector<16xf32>
      %parallel_loop3A_988 = vector.shape_cast %parallel_loop3A_784 : vector<16xf32> to vector<1x1x1x16xf32>
      tpu.vector_store %arg8[%parallel_loop3A_982, %parallel_loop3A_983, %parallel_loop3A_984, %parallel_loop3A_985], %parallel_loop3A_988 {add = true, strides = array<i32>} : memref<3x4x64x128xf32, #tpu.memory_space<vmem>>, vector<1x1x1x16xf32>,
      %parallel_loop3A_989 = arith.constant 1 : i32
      %parallel_loop3A_990 = arith.constant 2 : i32
      %parallel_loop3A_991 = arith.index_cast %parallel_loop3A_989 : i32 to index
      %parallel_loop3A_992 = arith.index_cast %parallel_loop3A_990 : i32 to index
      %parallel_loop3A_993 = arith.index_cast %parallel_loop3A_760 : i32 to index
      %parallel_loop3A_994 = arith.constant 64 : index
      %parallel_loop3A_995 = tpu.vector_load %arg8[%parallel_loop3A_991, %parallel_loop3A_992, %parallel_loop3A_993, %parallel_loop3A_994] {strides = array<i32>} : memref<3x4x64x128xf32, #tpu.memory_space<vmem>>, vector<1x1x1x16xf32>,
      %parallel_loop3A_996 = vector.shape_cast %parallel_loop3A_995 : vector<1x1x1x16xf32> to vector<16xf32>
      %parallel_loop3A_997 = vector.shape_cast %parallel_loop3A_790 : vector<16xf32> to vector<1x1x1x16xf32>
      tpu.vector_store %arg8[%parallel_loop3A_991, %parallel_loop3A_992, %parallel_loop3A_993, %parallel_loop3A_994], %parallel_loop3A_997 {add = true, strides = array<i32>} : memref<3x4x64x128xf32, #tpu.memory_space<vmem>>, vector<1x1x1x16xf32>,
      %parallel_loop3A_998 = arith.constant 1 : i32
      %parallel_loop3A_999 = arith.constant 2 : i32
      %parallel_loop3A_1000 = arith.index_cast %parallel_loop3A_998 : i32 to index
      %parallel_loop3A_1001 = arith.index_cast %parallel_loop3A_999 : i32 to index
      %parallel_loop3A_1002 = arith.index_cast %parallel_loop3A_760 : i32 to index
      %parallel_loop3A_1003 = arith.constant 80 : index
      %parallel_loop3A_1004 = tpu.vector_load %arg8[%parallel_loop3A_1000, %parallel_loop3A_1001, %parallel_loop3A_1002, %parallel_loop3A_1003] {strides = array<i32>} : memref<3x4x64x128xf32, #tpu.memory_space<vmem>>, vector<1x1x1x16xf32>,
      %parallel_loop3A_1005 = vector.shape_cast %parallel_loop3A_1004 : vector<1x1x1x16xf32> to vector<16xf32>
      %parallel_loop3A_1006 = vector.shape_cast %parallel_loop3A_796 : vector<16xf32> to vector<1x1x1x16xf32>
      tpu.vector_store %arg8[%parallel_loop3A_1000, %parallel_loop3A_1001, %parallel_loop3A_1002, %parallel_loop3A_1003], %parallel_loop3A_1006 {add = true, strides = array<i32>} : memref<3x4x64x128xf32, #tpu.memory_space<vmem>>, vector<1x1x1x16xf32>,
      %parallel_loop3A_1007 = arith.constant 1 : i32
      %parallel_loop3A_1008 = arith.constant 2 : i32
      %parallel_loop3A_1009 = arith.index_cast %parallel_loop3A_1007 : i32 to index
      %parallel_loop3A_1010 = arith.index_cast %parallel_loop3A_1008 : i32 to index
      %parallel_loop3A_1011 = arith.index_cast %parallel_loop3A_760 : i32 to index
      %parallel_loop3A_1012 = arith.constant 96 : index
      %parallel_loop3A_1013 = tpu.vector_load %arg8[%parallel_loop3A_1009, %parallel_loop3A_1010, %parallel_loop3A_1011, %parallel_loop3A_1012] {strides = array<i32>} : memref<3x4x64x128xf32, #tpu.memory_space<vmem>>, vector<1x1x1x16xf32>,
      %parallel_loop3A_1014 = vector.shape_cast %parallel_loop3A_1013 : vector<1x1x1x16xf32> to vector<16xf32>
      %parallel_loop3A_1015 = vector.shape_cast %parallel_loop3A_802 : vector<16xf32> to vector<1x1x1x16xf32>
      tpu.vector_store %arg8[%parallel_loop3A_1009, %parallel_loop3A_1010, %parallel_loop3A_1011, %parallel_loop3A_1012], %parallel_loop3A_1015 {add = true, strides = array<i32>} : memref<3x4x64x128xf32, #tpu.memory_space<vmem>>, vector<1x1x1x16xf32>,
      %parallel_loop3A_1016 = arith.constant 1 : i32
      %parallel_loop3A_1017 = arith.constant 2 : i32
      %parallel_loop3A_1018 = arith.index_cast %parallel_loop3A_1016 : i32 to index
      %parallel_loop3A_1019 = arith.index_cast %parallel_loop3A_1017 : i32 to index
      %parallel_loop3A_1020 = arith.index_cast %parallel_loop3A_760 : i32 to index
      %parallel_loop3A_1021 = arith.constant 112 : index
      %parallel_loop3A_1022 = tpu.vector_load %arg8[%parallel_loop3A_1018, %parallel_loop3A_1019, %parallel_loop3A_1020, %parallel_loop3A_1021] {strides = array<i32>} : memref<3x4x64x128xf32, #tpu.memory_space<vmem>>, vector<1x1x1x16xf32>,
      %parallel_loop3A_1023 = vector.shape_cast %parallel_loop3A_1022 : vector<1x1x1x16xf32> to vector<16xf32>
      %parallel_loop3A_1024 = vector.shape_cast %parallel_loop3A_808 : vector<16xf32> to vector<1x1x1x16xf32>
      tpu.vector_store %arg8[%parallel_loop3A_1018, %parallel_loop3A_1019, %parallel_loop3A_1020, %parallel_loop3A_1021], %parallel_loop3A_1024 {add = true, strides = array<i32>} : memref<3x4x64x128xf32, #tpu.memory_space<vmem>>, vector<1x1x1x16xf32>,
      %parallel_loop3A_1025 = arith.constant 1 : i32
      %parallel_loop3A_1026 = arith.constant 3 : i32
      %parallel_loop3A_1027 = arith.index_cast %parallel_loop3A_1025 : i32 to index
      %parallel_loop3A_1028 = arith.index_cast %parallel_loop3A_1026 : i32 to index
      %parallel_loop3A_1029 = arith.index_cast %parallel_loop3A_760 : i32 to index
      %parallel_loop3A_1030 = arith.constant 0 : index
      %parallel_loop3A_1031 = tpu.vector_load %arg8[%parallel_loop3A_1027, %parallel_loop3A_1028, %parallel_loop3A_1029, %parallel_loop3A_1030] {strides = array<i32>} : memref<3x4x64x128xf32, #tpu.memory_space<vmem>>, vector<1x1x1x16xf32>,
      %parallel_loop3A_1032 = vector.shape_cast %parallel_loop3A_1031 : vector<1x1x1x16xf32> to vector<16xf32>
      %parallel_loop3A_1033 = vector.shape_cast %parallel_loop3A_766 : vector<16xf32> to vector<1x1x1x16xf32>
      tpu.vector_store %arg8[%parallel_loop3A_1027, %parallel_loop3A_1028, %parallel_loop3A_1029, %parallel_loop3A_1030], %parallel_loop3A_1033 {add = true, strides = array<i32>} : memref<3x4x64x128xf32, #tpu.memory_space<vmem>>, vector<1x1x1x16xf32>,
      %parallel_loop3A_1034 = arith.constant 1 : i32
      %parallel_loop3A_1035 = arith.constant 3 : i32
      %parallel_loop3A_1036 = arith.index_cast %parallel_loop3A_1034 : i32 to index
      %parallel_loop3A_1037 = arith.index_cast %parallel_loop3A_1035 : i32 to index
      %parallel_loop3A_1038 = arith.index_cast %parallel_loop3A_760 : i32 to index
      %parallel_loop3A_1039 = arith.constant 16 : index
      %parallel_loop3A_1040 = tpu.vector_load %arg8[%parallel_loop3A_1036, %parallel_loop3A_1037, %parallel_loop3A_1038, %parallel_loop3A_1039] {strides = array<i32>} : memref<3x4x64x128xf32, #tpu.memory_space<vmem>>, vector<1x1x1x16xf32>,
      %parallel_loop3A_1041 = vector.shape_cast %parallel_loop3A_1040 : vector<1x1x1x16xf32> to vector<16xf32>
      %parallel_loop3A_1042 = vector.shape_cast %parallel_loop3A_772 : vector<16xf32> to vector<1x1x1x16xf32>
      tpu.vector_store %arg8[%parallel_loop3A_1036, %parallel_loop3A_1037, %parallel_loop3A_1038, %parallel_loop3A_1039], %parallel_loop3A_1042 {add = true, strides = array<i32>} : memref<3x4x64x128xf32, #tpu.memory_space<vmem>>, vector<1x1x1x16xf32>,
      %parallel_loop3A_1043 = arith.constant 1 : i32
      %parallel_loop3A_1044 = arith.constant 3 : i32
      %parallel_loop3A_1045 = arith.index_cast %parallel_loop3A_1043 : i32 to index
      %parallel_loop3A_1046 = arith.index_cast %parallel_loop3A_1044 : i32 to index
      %parallel_loop3A_1047 = arith.index_cast %parallel_loop3A_760 : i32 to index
      %parallel_loop3A_1048 = arith.constant 32 : index
      %parallel_loop3A_1049 = tpu.vector_load %arg8[%parallel_loop3A_1045, %parallel_loop3A_1046, %parallel_loop3A_1047, %parallel_loop3A_1048] {strides = array<i32>} : memref<3x4x64x128xf32, #tpu.memory_space<vmem>>, vector<1x1x1x16xf32>,
      %parallel_loop3A_1050 = vector.shape_cast %parallel_loop3A_1049 : vector<1x1x1x16xf32> to vector<16xf32>
      %parallel_loop3A_1051 = vector.shape_cast %parallel_loop3A_778 : vector<16xf32> to vector<1x1x1x16xf32>
      tpu.vector_store %arg8[%parallel_loop3A_1045, %parallel_loop3A_1046, %parallel_loop3A_1047, %parallel_loop3A_1048], %parallel_loop3A_1051 {add = true, strides = array<i32>} : memref<3x4x64x128xf32, #tpu.memory_space<vmem>>, vector<1x1x1x16xf32>,
      %parallel_loop3A_1052 = arith.constant 1 : i32
      %parallel_loop3A_1053 = arith.constant 3 : i32
      %parallel_loop3A_1054 = arith.index_cast %parallel_loop3A_1052 : i32 to index
      %parallel_loop3A_1055 = arith.index_cast %parallel_loop3A_1053 : i32 to index
      %parallel_loop3A_1056 = arith.index_cast %parallel_loop3A_760 : i32 to index
      %parallel_loop3A_1057 = arith.constant 48 : index
      %parallel_loop3A_1058 = tpu.vector_load %arg8[%parallel_loop3A_1054, %parallel_loop3A_1055, %parallel_loop3A_1056, %parallel_loop3A_1057] {strides = array<i32>} : memref<3x4x64x128xf32, #tpu.memory_space<vmem>>, vector<1x1x1x16xf32>,
      %parallel_loop3A_1059 = vector.shape_cast %parallel_loop3A_1058 : vector<1x1x1x16xf32> to vector<16xf32>
      %parallel_loop3A_1060 = vector.shape_cast %parallel_loop3A_784 : vector<16xf32> to vector<1x1x1x16xf32>
      tpu.vector_store %arg8[%parallel_loop3A_1054, %parallel_loop3A_1055, %parallel_loop3A_1056, %parallel_loop3A_1057], %parallel_loop3A_1060 {add = true, strides = array<i32>} : memref<3x4x64x128xf32, #tpu.memory_space<vmem>>, vector<1x1x1x16xf32>,
      %parallel_loop3A_1061 = arith.constant 1 : i32
      %parallel_loop3A_1062 = arith.constant 3 : i32
      %parallel_loop3A_1063 = arith.index_cast %parallel_loop3A_1061 : i32 to index
      %parallel_loop3A_1064 = arith.index_cast %parallel_loop3A_1062 : i32 to index
      %parallel_loop3A_1065 = arith.index_cast %parallel_loop3A_760 : i32 to index
      %parallel_loop3A_1066 = arith.constant 64 : index
      %parallel_loop3A_1067 = tpu.vector_load %arg8[%parallel_loop3A_1063, %parallel_loop3A_1064, %parallel_loop3A_1065, %parallel_loop3A_1066] {strides = array<i32>} : memref<3x4x64x128xf32, #tpu.memory_space<vmem>>, vector<1x1x1x16xf32>,
      %parallel_loop3A_1068 = vector.shape_cast %parallel_loop3A_1067 : vector<1x1x1x16xf32> to vector<16xf32>
      %parallel_loop3A_1069 = vector.shape_cast %parallel_loop3A_790 : vector<16xf32> to vector<1x1x1x16xf32>
      tpu.vector_store %arg8[%parallel_loop3A_1063, %parallel_loop3A_1064, %parallel_loop3A_1065, %parallel_loop3A_1066], %parallel_loop3A_1069 {add = true, strides = array<i32>} : memref<3x4x64x128xf32, #tpu.memory_space<vmem>>, vector<1x1x1x16xf32>,
      %parallel_loop3A_1070 = arith.constant 1 : i32
      %parallel_loop3A_1071 = arith.constant 3 : i32
      %parallel_loop3A_1072 = arith.index_cast %parallel_loop3A_1070 : i32 to index
      %parallel_loop3A_1073 = arith.index_cast %parallel_loop3A_1071 : i32 to index
      %parallel_loop3A_1074 = arith.index_cast %parallel_loop3A_760 : i32 to index
      %parallel_loop3A_1075 = arith.constant 80 : index
      %parallel_loop3A_1076 = tpu.vector_load %arg8[%parallel_loop3A_1072, %parallel_loop3A_1073, %parallel_loop3A_1074, %parallel_loop3A_1075] {strides = array<i32>} : memref<3x4x64x128xf32, #tpu.memory_space<vmem>>, vector<1x1x1x16xf32>,
      %parallel_loop3A_1077 = vector.shape_cast %parallel_loop3A_1076 : vector<1x1x1x16xf32> to vector<16xf32>
      %parallel_loop3A_1078 = vector.shape_cast %parallel_loop3A_796 : vector<16xf32> to vector<1x1x1x16xf32>
      tpu.vector_store %arg8[%parallel_loop3A_1072, %parallel_loop3A_1073, %parallel_loop3A_1074, %parallel_loop3A_1075], %parallel_loop3A_1078 {add = true, strides = array<i32>} : memref<3x4x64x128xf32, #tpu.memory_space<vmem>>, vector<1x1x1x16xf32>,
      %parallel_loop3A_1079 = arith.constant 1 : i32
      %parallel_loop3A_1080 = arith.constant 3 : i32
      %parallel_loop3A_1081 = arith.index_cast %parallel_loop3A_1079 : i32 to index
      %parallel_loop3A_1082 = arith.index_cast %parallel_loop3A_1080 : i32 to index
      %parallel_loop3A_1083 = arith.index_cast %parallel_loop3A_760 : i32 to index
      %parallel_loop3A_1084 = arith.constant 96 : index
      %parallel_loop3A_1085 = tpu.vector_load %arg8[%parallel_loop3A_1081, %parallel_loop3A_1082, %parallel_loop3A_1083, %parallel_loop3A_1084] {strides = array<i32>} : memref<3x4x64x128xf32, #tpu.memory_space<vmem>>, vector<1x1x1x16xf32>,
      %parallel_loop3A_1086 = vector.shape_cast %parallel_loop3A_1085 : vector<1x1x1x16xf32> to vector<16xf32>
      %parallel_loop3A_1087 = vector.shape_cast %parallel_loop3A_802 : vector<16xf32> to vector<1x1x1x16xf32>
      tpu.vector_store %arg8[%parallel_loop3A_1081, %parallel_loop3A_1082, %parallel_loop3A_1083, %parallel_loop3A_1084], %parallel_loop3A_1087 {add = true, strides = array<i32>} : memref<3x4x64x128xf32, #tpu.memory_space<vmem>>, vector<1x1x1x16xf32>,
      %parallel_loop3A_1088 = arith.constant 1 : i32
      %parallel_loop3A_1089 = arith.constant 3 : i32
      %parallel_loop3A_1090 = arith.index_cast %parallel_loop3A_1088 : i32 to index
      %parallel_loop3A_1091 = arith.index_cast %parallel_loop3A_1089 : i32 to index
      %parallel_loop3A_1092 = arith.index_cast %parallel_loop3A_760 : i32 to index
      %parallel_loop3A_1093 = arith.constant 112 : index
      %parallel_loop3A_1094 = tpu.vector_load %arg8[%parallel_loop3A_1090, %parallel_loop3A_1091, %parallel_loop3A_1092, %parallel_loop3A_1093] {strides = array<i32>} : memref<3x4x64x128xf32, #tpu.memory_space<vmem>>, vector<1x1x1x16xf32>,
      %parallel_loop3A_1095 = vector.shape_cast %parallel_loop3A_1094 : vector<1x1x1x16xf32> to vector<16xf32>
      %parallel_loop3A_1096 = vector.shape_cast %parallel_loop3A_808 : vector<16xf32> to vector<1x1x1x16xf32>
      tpu.vector_store %arg8[%parallel_loop3A_1090, %parallel_loop3A_1091, %parallel_loop3A_1092, %parallel_loop3A_1093], %parallel_loop3A_1096 {add = true, strides = array<i32>} : memref<3x4x64x128xf32, #tpu.memory_space<vmem>>, vector<1x1x1x16xf32>,
    } {sc.loop_unroll_factor = 1 : i64, sc.parallel_access}
    %add3A_166 = arith.constant 64 : i32
    %add3A_167 = arith.addi %mul3A_2, %add3A_166 : i32
    %dma_start3A_168 = arith.constant 1 : i32
    %dma_start3A_169 = arith.constant 0 : i32
    %dma_start3A_170 = arith.constant 0 : i32
    %dma_start3A_171 = arith.constant 0 : i32
    %dma_start3A_172 = tpu.memref_slice %arg8[%dma_start3A_168, %dma_start3A_169, %dma_start3A_170, %dma_start3A_171] : memref<3x4x64x128xf32, #tpu.memory_space<vmem>> -> memref<1x4x64x128xf32, #tpu.memory_space<vmem>>
    %dma_start3A_173 = tpu.memref_squeeze %dma_start3A_172 : memref<1x4x64x128xf32, #tpu.memory_space<vmem>> -> memref<4x64x128xf32, #tpu.memory_space<vmem>>
    %dma_start3A_174 = arith.constant 0 : i32
    %dma_start3A_175 = arith.constant 0 : i32
    %dma_start3A_176 = tpu.memref_slice %arg5[%dma_start3A_174, %add3A_167, %dma_start3A_175] : memref<4x16384x128xf32, #tpu.memory_space<hbm>> -> memref<4x64x128xf32, #tpu.memory_space<hbm>>
    %dma_start3A_177 = arith.constant 0 : i32
    %dma_start3A_178 = arith.constant 0 : i32
    %dma_start3A_179 = tpu.memref_slice %arg5[%dma_start3A_177, %add3A_167, %dma_start3A_178] : memref<4x16384x128xf32, #tpu.memory_space<hbm>> -> memref<4x64x128xf32, #tpu.memory_space<hbm>>
    %dma_start3A_180 = arith.constant 0 : i32
    %dma_start3A_181 = arith.constant 0 : i32
    %dma_start3A_182 = arith.constant 0 : i32
    %dma_start3A_183 = tpu.memref_slice %arg8[%dma_start3A_168, %dma_start3A_180, %dma_start3A_181, %dma_start3A_182] : memref<3x4x64x128xf32, #tpu.memory_space<vmem>> -> memref<1x4x64x128xf32, #tpu.memory_space<vmem>>
    %dma_start3A_184 = tpu.memref_squeeze %dma_start3A_183 : memref<1x4x64x128xf32, #tpu.memory_space<vmem>> -> memref<4x64x128xf32, #tpu.memory_space<vmem>>
    tpu.enqueue_dma source(%dma_start3A_184 : memref<4x64x128xf32, #tpu.memory_space<vmem>>) target(%dma_start3A_179 : memref<4x64x128xf32, #tpu.memory_space<hbm>>) target_semaphore(%arg11 : memref<!tpu.dma_semaphore, #tpu.memory_space<semaphore_mem>>)
    %dma_wait3A_185 = arith.constant 0 : i32
    %dma_wait3A_186 = arith.constant 0 : i32
    %dma_wait3A_187 = arith.constant 0 : i32
    %dma_wait3A_188 = arith.constant 0 : i32
    %dma_wait3A_189 = tpu.memref_slice %arg8[%dma_wait3A_185, %dma_wait3A_186, %dma_wait3A_187, %dma_wait3A_188] : memref<3x4x64x128xf32, #tpu.memory_space<vmem>> -> memref<1x4x64x128xf32, #tpu.memory_space<vmem>>
    %dma_wait3A_190 = tpu.memref_squeeze %dma_wait3A_189 : memref<1x4x64x128xf32, #tpu.memory_space<vmem>> -> memref<4x64x128xf32, #tpu.memory_space<vmem>>
    %dma_wait3A_191 = arith.constant 0 : i32
    %dma_wait3A_192 = arith.constant 0 : i32
    %dma_wait3A_193 = tpu.memref_slice %arg5[%dma_wait3A_191, %add3A_89, %dma_wait3A_192] : memref<4x16384x128xf32, #tpu.memory_space<hbm>> -> memref<4x64x128xf32, #tpu.memory_space<hbm>>
    %dma_wait3A_194 = arith.constant 0 : i32
    %dma_wait3A_195 = arith.constant 0 : i32
    %dma_wait3A_196 = tpu.memref_slice %arg5[%dma_wait3A_194, %add3A_89, %dma_wait3A_195] : memref<4x16384x128xf32, #tpu.memory_space<hbm>> -> memref<4x64x128xf32, #tpu.memory_space<hbm>>
    %dma_wait3A_197 = arith.constant 0 : i32
    %dma_wait3A_198 = arith.constant 0 : i32
    %dma_wait3A_199 = arith.constant 0 : i32
    %dma_wait3A_200 = tpu.memref_slice %arg8[%dma_wait3A_185, %dma_wait3A_197, %dma_wait3A_198, %dma_wait3A_199] : memref<3x4x64x128xf32, #tpu.memory_space<vmem>> -> memref<1x4x64x128xf32, #tpu.memory_space<vmem>>
    %dma_wait3A_201 = tpu.memref_squeeze %dma_wait3A_200 : memref<1x4x64x128xf32, #tpu.memory_space<vmem>> -> memref<4x64x128xf32, #tpu.memory_space<vmem>>
    tpu.wait_dma2 semaphore(%arg11 : memref<!tpu.dma_semaphore, #tpu.memory_space<semaphore_mem>>) src(%dma_wait3A_201 : memref<4x64x128xf32, #tpu.memory_space<vmem>>) dst(%dma_wait3A_196 : memref<4x64x128xf32, #tpu.memory_space<hbm>>)
    %dma_start3A_202 = arith.constant 0 : i32
    %dma_start3A_203 = arith.constant 0 : i32
    %dma_start3A_204 = arith.constant 0 : i32
    %dma_start3A_205 = tpu.memref_slice %arg7[%dma_start3A_202, %dma_start3A_203, %dma_start3A_204] : memref<3x64x128xf32, #tpu.memory_space<vmem>> -> memref<1x64x128xf32, #tpu.memory_space<vmem>>
    %dma_start3A_206 = tpu.memref_squeeze %dma_start3A_205 : memref<1x64x128xf32, #tpu.memory_space<vmem>> -> memref<64x128xf32, #tpu.memory_space<vmem>>
    %dma_start3A_207 = arith.constant 192 : i32
    %dma_start3A_208 = tpu.memref_slice %arg6[%dma_start3A_207] : memref<512xi32, #tpu.memory_space<vmem>> -> memref<64xi32, #tpu.memory_space<vmem>>
    %dma_start3A_209 = arith.constant 0 : i32
    %dma_start3A_210 = arith.constant 0 : i32
    %dma_start3A_211 = tpu.memref_slice %arg3[%dma_start3A_209, %dma_start3A_210] : memref<16384x128xf32, #tpu.memory_space<hbm>> -> memref<16384x128xf32, #tpu.memory_space<hbm>>
    tpu.enqueue_indirect_dma source(%dma_start3A_211 : memref<16384x128xf32, #tpu.memory_space<hbm>>) target(%dma_start3A_206 : memref<64x128xf32, #tpu.memory_space<vmem>>) offsets(%dma_start3A_208 : memref<64xi32, #tpu.memory_space<vmem>>) semaphore(%arg9 : memref<!tpu.dma_semaphore, #tpu.memory_space<semaphore_mem>>)
    %add3A_212 = arith.constant 192 : i32
    %add3A_213 = arith.addi %mul3A_2, %add3A_212 : i32
    %dma_start3A_214 = arith.constant 0 : i32
    %dma_start3A_215 = arith.constant 0 : i32
    %dma_start3A_216 = arith.constant 0 : i32
    %dma_start3A_217 = arith.constant 0 : i32
    %dma_start3A_218 = tpu.memref_slice %arg8[%dma_start3A_214, %dma_start3A_215, %dma_start3A_216, %dma_start3A_217] : memref<3x4x64x128xf32, #tpu.memory_space<vmem>> -> memref<1x4x64x128xf32, #tpu.memory_space<vmem>>
    %dma_start3A_219 = tpu.memref_squeeze %dma_start3A_218 : memref<1x4x64x128xf32, #tpu.memory_space<vmem>> -> memref<4x64x128xf32, #tpu.memory_space<vmem>>
    %dma_start3A_220 = arith.constant 0 : i32
    %dma_start3A_221 = arith.constant 0 : i32
    %dma_start3A_222 = tpu.memref_slice %arg2[%dma_start3A_220, %add3A_213, %dma_start3A_221] : memref<4x16384x128xf32, #tpu.memory_space<hbm>> -> memref<4x64x128xf32, #tpu.memory_space<hbm>>
    %dma_start3A_223 = arith.constant 0 : i32
    %dma_start3A_224 = arith.constant 0 : i32
    %dma_start3A_225 = arith.constant 0 : i32
    %dma_start3A_226 = tpu.memref_slice %arg8[%dma_start3A_214, %dma_start3A_223, %dma_start3A_224, %dma_start3A_225] : memref<3x4x64x128xf32, #tpu.memory_space<vmem>> -> memref<1x4x64x128xf32, #tpu.memory_space<vmem>>
    %dma_start3A_227 = tpu.memref_squeeze %dma_start3A_226 : memref<1x4x64x128xf32, #tpu.memory_space<vmem>> -> memref<4x64x128xf32, #tpu.memory_space<vmem>>
    %dma_start3A_228 = arith.constant 0 : i32
    %dma_start3A_229 = arith.constant 0 : i32
    %dma_start3A_230 = tpu.memref_slice %arg2[%dma_start3A_228, %add3A_213, %dma_start3A_229] : memref<4x16384x128xf32, #tpu.memory_space<hbm>> -> memref<4x64x128xf32, #tpu.memory_space<hbm>>
    tpu.enqueue_dma source(%dma_start3A_230 : memref<4x64x128xf32, #tpu.memory_space<hbm>>) target(%dma_start3A_227 : memref<4x64x128xf32, #tpu.memory_space<vmem>>) target_semaphore(%arg10 : memref<!tpu.dma_semaphore, #tpu.memory_space<semaphore_mem>>)
    %dma_wait3A_231 = arith.constant 2 : i32
    %dma_wait3A_232 = arith.constant 0 : i32
    %dma_wait3A_233 = arith.constant 0 : i32
    %dma_wait3A_234 = tpu.memref_slice %arg7[%dma_wait3A_231, %dma_wait3A_232, %dma_wait3A_233] : memref<3x64x128xf32, #tpu.memory_space<vmem>> -> memref<1x64x128xf32, #tpu.memory_space<vmem>>
    %dma_wait3A_235 = tpu.memref_squeeze %dma_wait3A_234 : memref<1x64x128xf32, #tpu.memory_space<vmem>> -> memref<64x128xf32, #tpu.memory_space<vmem>>
    %dma_wait3A_236 = arith.constant 128 : i32
    %dma_wait3A_237 = tpu.memref_slice %arg6[%dma_wait3A_236] : memref<512xi32, #tpu.memory_space<vmem>> -> memref<64xi32, #tpu.memory_space<vmem>>
    %dma_wait3A_238 = arith.constant 0 : i32
    %dma_wait3A_239 = arith.constant 0 : i32
    %dma_wait3A_240 = tpu.memref_slice %arg3[%dma_wait3A_238, %dma_wait3A_239] : memref<16384x128xf32, #tpu.memory_space<hbm>> -> memref<16384x128xf32, #tpu.memory_space<hbm>>
    tpu.wait_indirect_dma semaphore(%arg9 : memref<!tpu.dma_semaphore, #tpu.memory_space<semaphore_mem>>) src(%dma_wait3A_240 : memref<16384x128xf32, #tpu.memory_space<hbm>>) dst(%dma_wait3A_235 : memref<64x128xf32, #tpu.memory_space<vmem>>)
    %dma_wait3A_241 = arith.constant 2 : i32
    %dma_wait3A_242 = arith.constant 0 : i32
    %dma_wait3A_243 = arith.constant 0 : i32
    %dma_wait3A_244 = arith.constant 0 : i32
    %dma_wait3A_245 = tpu.memref_slice %arg8[%dma_wait3A_241, %dma_wait3A_242, %dma_wait3A_243, %dma_wait3A_244] : memref<3x4x64x128xf32, #tpu.memory_space<vmem>> -> memref<1x4x64x128xf32, #tpu.memory_space<vmem>>
    %dma_wait3A_246 = tpu.memref_squeeze %dma_wait3A_245 : memref<1x4x64x128xf32, #tpu.memory_space<vmem>> -> memref<4x64x128xf32, #tpu.memory_space<vmem>>
    %dma_wait3A_247 = arith.constant 0 : i32
    %dma_wait3A_248 = arith.constant 0 : i32
    %dma_wait3A_249 = tpu.memref_slice %arg2[%dma_wait3A_247, %add3A_118, %dma_wait3A_248] : memref<4x16384x128xf32, #tpu.memory_space<hbm>> -> memref<4x64x128xf32, #tpu.memory_space<hbm>>
    %dma_wait3A_250 = arith.constant 0 : i32
    %dma_wait3A_251 = arith.constant 0 : i32
    %dma_wait3A_252 = arith.constant 0 : i32
    %dma_wait3A_253 = tpu.memref_slice %arg8[%dma_wait3A_241, %dma_wait3A_250, %dma_wait3A_251, %dma_wait3A_252] : memref<3x4x64x128xf32, #tpu.memory_space<vmem>> -> memref<1x4x64x128xf32, #tpu.memory_space<vmem>>
    %dma_wait3A_254 = tpu.memref_squeeze %dma_wait3A_253 : memref<1x4x64x128xf32, #tpu.memory_space<vmem>> -> memref<4x64x128xf32, #tpu.memory_space<vmem>>
    %dma_wait3A_255 = arith.constant 0 : i32
    %dma_wait3A_256 = arith.constant 0 : i32
    %dma_wait3A_257 = tpu.memref_slice %arg2[%dma_wait3A_255, %add3A_118, %dma_wait3A_256] : memref<4x16384x128xf32, #tpu.memory_space<hbm>> -> memref<4x64x128xf32, #tpu.memory_space<hbm>>
    tpu.wait_dma2 semaphore(%arg10 : memref<!tpu.dma_semaphore, #tpu.memory_space<semaphore_mem>>) src(%dma_wait3A_257 : memref<4x64x128xf32, #tpu.memory_space<hbm>>) dst(%dma_wait3A_254 : memref<4x64x128xf32, #tpu.memory_space<vmem>>)
    %parallel_loop3A_258 = arith.constant 0 : i32
    %parallel_loop3A_259 = arith.constant 64 : i32
    %parallel_loop3A_260 = arith.constant 1 : i32
    scf.for %parallel_loop3A_760 = %parallel_loop3A_258 to %parallel_loop3A_259 step %parallel_loop3A_260  : i32 {
      %parallel_loop3A_761 = arith.constant 2 : i32
      %parallel_loop3A_762 = arith.index_cast %parallel_loop3A_761 : i32 to index
      %parallel_loop3A_763 = arith.index_cast %parallel_loop3A_760 : i32 to index
      %parallel_loop3A_764 = arith.constant 0 : index
      %parallel_loop3A_765 = tpu.vector_load %arg7[%parallel_loop3A_762, %parallel_loop3A_763, %parallel_loop3A_764] {strides = array<i32>} : memref<3x64x128xf32, #tpu.memory_space<vmem>>, vector<1x1x16xf32>,
      %parallel_loop3A_766 = vector.shape_cast %parallel_loop3A_765 : vector<1x1x16xf32> to vector<16xf32>
      %parallel_loop3A_767 = arith.constant 2 : i32
      %parallel_loop3A_768 = arith.index_cast %parallel_loop3A_767 : i32 to index
      %parallel_loop3A_769 = arith.index_cast %parallel_loop3A_760 : i32 to index
      %parallel_loop3A_770 = arith.constant 16 : index
      %parallel_loop3A_771 = tpu.vector_load %arg7[%parallel_loop3A_768, %parallel_loop3A_769, %parallel_loop3A_770] {strides = array<i32>} : memref<3x64x128xf32, #tpu.memory_space<vmem>>, vector<1x1x16xf32>,
      %parallel_loop3A_772 = vector.shape_cast %parallel_loop3A_771 : vector<1x1x16xf32> to vector<16xf32>
      %parallel_loop3A_773 = arith.constant 2 : i32
      %parallel_loop3A_774 = arith.index_cast %parallel_loop3A_773 : i32 to index
      %parallel_loop3A_775 = arith.index_cast %parallel_loop3A_760 : i32 to index
      %parallel_loop3A_776 = arith.constant 32 : index
      %parallel_loop3A_777 = tpu.vector_load %arg7[%parallel_loop3A_774, %parallel_loop3A_775, %parallel_loop3A_776] {strides = array<i32>} : memref<3x64x128xf32, #tpu.memory_space<vmem>>, vector<1x1x16xf32>,
      %parallel_loop3A_778 = vector.shape_cast %parallel_loop3A_777 : vector<1x1x16xf32> to vector<16xf32>
      %parallel_loop3A_779 = arith.constant 2 : i32
      %parallel_loop3A_780 = arith.index_cast %parallel_loop3A_779 : i32 to index
      %parallel_loop3A_781 = arith.index_cast %parallel_loop3A_760 : i32 to index
      %parallel_loop3A_782 = arith.constant 48 : index
      %parallel_loop3A_783 = tpu.vector_load %arg7[%parallel_loop3A_780, %parallel_loop3A_781, %parallel_loop3A_782] {strides = array<i32>} : memref<3x64x128xf32, #tpu.memory_space<vmem>>, vector<1x1x16xf32>,
      %parallel_loop3A_784 = vector.shape_cast %parallel_loop3A_783 : vector<1x1x16xf32> to vector<16xf32>
      %parallel_loop3A_785 = arith.constant 2 : i32
      %parallel_loop3A_786 = arith.index_cast %parallel_loop3A_785 : i32 to index
      %parallel_loop3A_787 = arith.index_cast %parallel_loop3A_760 : i32 to index
      %parallel_loop3A_788 = arith.constant 64 : index
      %parallel_loop3A_789 = tpu.vector_load %arg7[%parallel_loop3A_786, %parallel_loop3A_787, %parallel_loop3A_788] {strides = array<i32>} : memref<3x64x128xf32, #tpu.memory_space<vmem>>, vector<1x1x16xf32>,
      %parallel_loop3A_790 = vector.shape_cast %parallel_loop3A_789 : vector<1x1x16xf32> to vector<16xf32>
      %parallel_loop3A_791 = arith.constant 2 : i32
      %parallel_loop3A_792 = arith.index_cast %parallel_loop3A_791 : i32 to index
      %parallel_loop3A_793 = arith.index_cast %parallel_loop3A_760 : i32 to index
      %parallel_loop3A_794 = arith.constant 80 : index
      %parallel_loop3A_795 = tpu.vector_load %arg7[%parallel_loop3A_792, %parallel_loop3A_793, %parallel_loop3A_794] {strides = array<i32>} : memref<3x64x128xf32, #tpu.memory_space<vmem>>, vector<1x1x16xf32>,
      %parallel_loop3A_796 = vector.shape_cast %parallel_loop3A_795 : vector<1x1x16xf32> to vector<16xf32>
      %parallel_loop3A_797 = arith.constant 2 : i32
      %parallel_loop3A_798 = arith.index_cast %parallel_loop3A_797 : i32 to index
      %parallel_loop3A_799 = arith.index_cast %parallel_loop3A_760 : i32 to index
      %parallel_loop3A_800 = arith.constant 96 : index
      %parallel_loop3A_801 = tpu.vector_load %arg7[%parallel_loop3A_798, %parallel_loop3A_799, %parallel_loop3A_800] {strides = array<i32>} : memref<3x64x128xf32, #tpu.memory_space<vmem>>, vector<1x1x16xf32>,
      %parallel_loop3A_802 = vector.shape_cast %parallel_loop3A_801 : vector<1x1x16xf32> to vector<16xf32>
      %parallel_loop3A_803 = arith.constant 2 : i32
      %parallel_loop3A_804 = arith.index_cast %parallel_loop3A_803 : i32 to index
      %parallel_loop3A_805 = arith.index_cast %parallel_loop3A_760 : i32 to index
      %parallel_loop3A_806 = arith.constant 112 : index
      %parallel_loop3A_807 = tpu.vector_load %arg7[%parallel_loop3A_804, %parallel_loop3A_805, %parallel_loop3A_806] {strides = array<i32>} : memref<3x64x128xf32, #tpu.memory_space<vmem>>, vector<1x1x16xf32>,
      %parallel_loop3A_808 = vector.shape_cast %parallel_loop3A_807 : vector<1x1x16xf32> to vector<16xf32>
      %parallel_loop3A_809 = arith.constant 2 : i32
      %parallel_loop3A_810 = arith.constant 0 : i32
      %parallel_loop3A_811 = arith.index_cast %parallel_loop3A_809 : i32 to index
      %parallel_loop3A_812 = arith.index_cast %parallel_loop3A_810 : i32 to index
      %parallel_loop3A_813 = arith.index_cast %parallel_loop3A_760 : i32 to index
      %parallel_loop3A_814 = arith.constant 0 : index
      %parallel_loop3A_815 = tpu.vector_load %arg8[%parallel_loop3A_811, %parallel_loop3A_812, %parallel_loop3A_813, %parallel_loop3A_814] {strides = array<i32>} : memref<3x4x64x128xf32, #tpu.memory_space<vmem>>, vector<1x1x1x16xf32>,
      %parallel_loop3A_816 = vector.shape_cast %parallel_loop3A_815 : vector<1x1x1x16xf32> to vector<16xf32>
      %parallel_loop3A_817 = vector.shape_cast %parallel_loop3A_766 : vector<16xf32> to vector<1x1x1x16xf32>
      tpu.vector_store %arg8[%parallel_loop3A_811, %parallel_loop3A_812, %parallel_loop3A_813, %parallel_loop3A_814], %parallel_loop3A_817 {add = true, strides = array<i32>} : memref<3x4x64x128xf32, #tpu.memory_space<vmem>>, vector<1x1x1x16xf32>,
      %parallel_loop3A_818 = arith.constant 2 : i32
      %parallel_loop3A_819 = arith.constant 0 : i32
      %parallel_loop3A_820 = arith.index_cast %parallel_loop3A_818 : i32 to index
      %parallel_loop3A_821 = arith.index_cast %parallel_loop3A_819 : i32 to index
      %parallel_loop3A_822 = arith.index_cast %parallel_loop3A_760 : i32 to index
      %parallel_loop3A_823 = arith.constant 16 : index
      %parallel_loop3A_824 = tpu.vector_load %arg8[%parallel_loop3A_820, %parallel_loop3A_821, %parallel_loop3A_822, %parallel_loop3A_823] {strides = array<i32>} : memref<3x4x64x128xf32, #tpu.memory_space<vmem>>, vector<1x1x1x16xf32>,
      %parallel_loop3A_825 = vector.shape_cast %parallel_loop3A_824 : vector<1x1x1x16xf32> to vector<16xf32>
      %parallel_loop3A_826 = vector.shape_cast %parallel_loop3A_772 : vector<16xf32> to vector<1x1x1x16xf32>
      tpu.vector_store %arg8[%parallel_loop3A_820, %parallel_loop3A_821, %parallel_loop3A_822, %parallel_loop3A_823], %parallel_loop3A_826 {add = true, strides = array<i32>} : memref<3x4x64x128xf32, #tpu.memory_space<vmem>>, vector<1x1x1x16xf32>,
      %parallel_loop3A_827 = arith.constant 2 : i32
      %parallel_loop3A_828 = arith.constant 0 : i32
      %parallel_loop3A_829 = arith.index_cast %parallel_loop3A_827 : i32 to index
      %parallel_loop3A_830 = arith.index_cast %parallel_loop3A_828 : i32 to index
      %parallel_loop3A_831 = arith.index_cast %parallel_loop3A_760 : i32 to index
      %parallel_loop3A_832 = arith.constant 32 : index
      %parallel_loop3A_833 = tpu.vector_load %arg8[%parallel_loop3A_829, %parallel_loop3A_830, %parallel_loop3A_831, %parallel_loop3A_832] {strides = array<i32>} : memref<3x4x64x128xf32, #tpu.memory_space<vmem>>, vector<1x1x1x16xf32>,
      %parallel_loop3A_834 = vector.shape_cast %parallel_loop3A_833 : vector<1x1x1x16xf32> to vector<16xf32>
      %parallel_loop3A_835 = vector.shape_cast %parallel_loop3A_778 : vector<16xf32> to vector<1x1x1x16xf32>
      tpu.vector_store %arg8[%parallel_loop3A_829, %parallel_loop3A_830, %parallel_loop3A_831, %parallel_loop3A_832], %parallel_loop3A_835 {add = true, strides = array<i32>} : memref<3x4x64x128xf32, #tpu.memory_space<vmem>>, vector<1x1x1x16xf32>,
      %parallel_loop3A_836 = arith.constant 2 : i32
      %parallel_loop3A_837 = arith.constant 0 : i32
      %parallel_loop3A_838 = arith.index_cast %parallel_loop3A_836 : i32 to index
      %parallel_loop3A_839 = arith.index_cast %parallel_loop3A_837 : i32 to index
      %parallel_loop3A_840 = arith.index_cast %parallel_loop3A_760 : i32 to index
      %parallel_loop3A_841 = arith.constant 48 : index
      %parallel_loop3A_842 = tpu.vector_load %arg8[%parallel_loop3A_838, %parallel_loop3A_839, %parallel_loop3A_840, %parallel_loop3A_841] {strides = array<i32>} : memref<3x4x64x128xf32, #tpu.memory_space<vmem>>, vector<1x1x1x16xf32>,
      %parallel_loop3A_843 = vector.shape_cast %parallel_loop3A_842 : vector<1x1x1x16xf32> to vector<16xf32>
      %parallel_loop3A_844 = vector.shape_cast %parallel_loop3A_784 : vector<16xf32> to vector<1x1x1x16xf32>
      tpu.vector_store %arg8[%parallel_loop3A_838, %parallel_loop3A_839, %parallel_loop3A_840, %parallel_loop3A_841], %parallel_loop3A_844 {add = true, strides = array<i32>} : memref<3x4x64x128xf32, #tpu.memory_space<vmem>>, vector<1x1x1x16xf32>,
      %parallel_loop3A_845 = arith.constant 2 : i32
      %parallel_loop3A_846 = arith.constant 0 : i32
      %parallel_loop3A_847 = arith.index_cast %parallel_loop3A_845 : i32 to index
      %parallel_loop3A_848 = arith.index_cast %parallel_loop3A_846 : i32 to index
      %parallel_loop3A_849 = arith.index_cast %parallel_loop3A_760 : i32 to index
      %parallel_loop3A_850 = arith.constant 64 : index
      %parallel_loop3A_851 = tpu.vector_load %arg8[%parallel_loop3A_847, %parallel_loop3A_848, %parallel_loop3A_849, %parallel_loop3A_850] {strides = array<i32>} : memref<3x4x64x128xf32, #tpu.memory_space<vmem>>, vector<1x1x1x16xf32>,
      %parallel_loop3A_852 = vector.shape_cast %parallel_loop3A_851 : vector<1x1x1x16xf32> to vector<16xf32>
      %parallel_loop3A_853 = vector.shape_cast %parallel_loop3A_790 : vector<16xf32> to vector<1x1x1x16xf32>
      tpu.vector_store %arg8[%parallel_loop3A_847, %parallel_loop3A_848, %parallel_loop3A_849, %parallel_loop3A_850], %parallel_loop3A_853 {add = true, strides = array<i32>} : memref<3x4x64x128xf32, #tpu.memory_space<vmem>>, vector<1x1x1x16xf32>,
      %parallel_loop3A_854 = arith.constant 2 : i32
      %parallel_loop3A_855 = arith.constant 0 : i32
      %parallel_loop3A_856 = arith.index_cast %parallel_loop3A_854 : i32 to index
      %parallel_loop3A_857 = arith.index_cast %parallel_loop3A_855 : i32 to index
      %parallel_loop3A_858 = arith.index_cast %parallel_loop3A_760 : i32 to index
      %parallel_loop3A_859 = arith.constant 80 : index
      %parallel_loop3A_860 = tpu.vector_load %arg8[%parallel_loop3A_856, %parallel_loop3A_857, %parallel_loop3A_858, %parallel_loop3A_859] {strides = array<i32>} : memref<3x4x64x128xf32, #tpu.memory_space<vmem>>, vector<1x1x1x16xf32>,
      %parallel_loop3A_861 = vector.shape_cast %parallel_loop3A_860 : vector<1x1x1x16xf32> to vector<16xf32>
      %parallel_loop3A_862 = vector.shape_cast %parallel_loop3A_796 : vector<16xf32> to vector<1x1x1x16xf32>
      tpu.vector_store %arg8[%parallel_loop3A_856, %parallel_loop3A_857, %parallel_loop3A_858, %parallel_loop3A_859], %parallel_loop3A_862 {add = true, strides = array<i32>} : memref<3x4x64x128xf32, #tpu.memory_space<vmem>>, vector<1x1x1x16xf32>,
      %parallel_loop3A_863 = arith.constant 2 : i32
      %parallel_loop3A_864 = arith.constant 0 : i32
      %parallel_loop3A_865 = arith.index_cast %parallel_loop3A_863 : i32 to index
      %parallel_loop3A_866 = arith.index_cast %parallel_loop3A_864 : i32 to index
      %parallel_loop3A_867 = arith.index_cast %parallel_loop3A_760 : i32 to index
      %parallel_loop3A_868 = arith.constant 96 : index
      %parallel_loop3A_869 = tpu.vector_load %arg8[%parallel_loop3A_865, %parallel_loop3A_866, %parallel_loop3A_867, %parallel_loop3A_868] {strides = array<i32>} : memref<3x4x64x128xf32, #tpu.memory_space<vmem>>, vector<1x1x1x16xf32>,
      %parallel_loop3A_870 = vector.shape_cast %parallel_loop3A_869 : vector<1x1x1x16xf32> to vector<16xf32>
      %parallel_loop3A_871 = vector.shape_cast %parallel_loop3A_802 : vector<16xf32> to vector<1x1x1x16xf32>
      tpu.vector_store %arg8[%parallel_loop3A_865, %parallel_loop3A_866, %parallel_loop3A_867, %parallel_loop3A_868], %parallel_loop3A_871 {add = true, strides = array<i32>} : memref<3x4x64x128xf32, #tpu.memory_space<vmem>>, vector<1x1x1x16xf32>,
      %parallel_loop3A_872 = arith.constant 2 : i32
      %parallel_loop3A_873 = arith.constant 0 : i32
      %parallel_loop3A_874 = arith.index_cast %parallel_loop3A_872 : i32 to index
      %parallel_loop3A_875 = arith.index_cast %parallel_loop3A_873 : i32 to index
      %parallel_loop3A_876 = arith.index_cast %parallel_loop3A_760 : i32 to index
      %parallel_loop3A_877 = arith.constant 112 : index
      %parallel_loop3A_878 = tpu.vector_load %arg8[%parallel_loop3A_874, %parallel_loop3A_875, %parallel_loop3A_876, %parallel_loop3A_877] {strides = array<i32>} : memref<3x4x64x128xf32, #tpu.memory_space<vmem>>, vector<1x1x1x16xf32>,
      %parallel_loop3A_879 = vector.shape_cast %parallel_loop3A_878 : vector<1x1x1x16xf32> to vector<16xf32>
      %parallel_loop3A_880 = vector.shape_cast %parallel_loop3A_808 : vector<16xf32> to vector<1x1x1x16xf32>
      tpu.vector_store %arg8[%parallel_loop3A_874, %parallel_loop3A_875, %parallel_loop3A_876, %parallel_loop3A_877], %parallel_loop3A_880 {add = true, strides = array<i32>} : memref<3x4x64x128xf32, #tpu.memory_space<vmem>>, vector<1x1x1x16xf32>,
      %parallel_loop3A_881 = arith.constant 2 : i32
      %parallel_loop3A_882 = arith.constant 1 : i32
      %parallel_loop3A_883 = arith.index_cast %parallel_loop3A_881 : i32 to index
      %parallel_loop3A_884 = arith.index_cast %parallel_loop3A_882 : i32 to index
      %parallel_loop3A_885 = arith.index_cast %parallel_loop3A_760 : i32 to index
      %parallel_loop3A_886 = arith.constant 0 : index
      %parallel_loop3A_887 = tpu.vector_load %arg8[%parallel_loop3A_883, %parallel_loop3A_884, %parallel_loop3A_885, %parallel_loop3A_886] {strides = array<i32>} : memref<3x4x64x128xf32, #tpu.memory_space<vmem>>, vector<1x1x1x16xf32>,
      %parallel_loop3A_888 = vector.shape_cast %parallel_loop3A_887 : vector<1x1x1x16xf32> to vector<16xf32>
      %parallel_loop3A_889 = vector.shape_cast %parallel_loop3A_766 : vector<16xf32> to vector<1x1x1x16xf32>
      tpu.vector_store %arg8[%parallel_loop3A_883, %parallel_loop3A_884, %parallel_loop3A_885, %parallel_loop3A_886], %parallel_loop3A_889 {add = true, strides = array<i32>} : memref<3x4x64x128xf32, #tpu.memory_space<vmem>>, vector<1x1x1x16xf32>,
      %parallel_loop3A_890 = arith.constant 2 : i32
      %parallel_loop3A_891 = arith.constant 1 : i32
      %parallel_loop3A_892 = arith.index_cast %parallel_loop3A_890 : i32 to index
      %parallel_loop3A_893 = arith.index_cast %parallel_loop3A_891 : i32 to index
      %parallel_loop3A_894 = arith.index_cast %parallel_loop3A_760 : i32 to index
      %parallel_loop3A_895 = arith.constant 16 : index
      %parallel_loop3A_896 = tpu.vector_load %arg8[%parallel_loop3A_892, %parallel_loop3A_893, %parallel_loop3A_894, %parallel_loop3A_895] {strides = array<i32>} : memref<3x4x64x128xf32, #tpu.memory_space<vmem>>, vector<1x1x1x16xf32>,
      %parallel_loop3A_897 = vector.shape_cast %parallel_loop3A_896 : vector<1x1x1x16xf32> to vector<16xf32>
      %parallel_loop3A_898 = vector.shape_cast %parallel_loop3A_772 : vector<16xf32> to vector<1x1x1x16xf32>
      tpu.vector_store %arg8[%parallel_loop3A_892, %parallel_loop3A_893, %parallel_loop3A_894, %parallel_loop3A_895], %parallel_loop3A_898 {add = true, strides = array<i32>} : memref<3x4x64x128xf32, #tpu.memory_space<vmem>>, vector<1x1x1x16xf32>,
      %parallel_loop3A_899 = arith.constant 2 : i32
      %parallel_loop3A_900 = arith.constant 1 : i32
      %parallel_loop3A_901 = arith.index_cast %parallel_loop3A_899 : i32 to index
      %parallel_loop3A_902 = arith.index_cast %parallel_loop3A_900 : i32 to index
      %parallel_loop3A_903 = arith.index_cast %parallel_loop3A_760 : i32 to index
      %parallel_loop3A_904 = arith.constant 32 : index
      %parallel_loop3A_905 = tpu.vector_load %arg8[%parallel_loop3A_901, %parallel_loop3A_902, %parallel_loop3A_903, %parallel_loop3A_904] {strides = array<i32>} : memref<3x4x64x128xf32, #tpu.memory_space<vmem>>, vector<1x1x1x16xf32>,
      %parallel_loop3A_906 = vector.shape_cast %parallel_loop3A_905 : vector<1x1x1x16xf32> to vector<16xf32>
      %parallel_loop3A_907 = vector.shape_cast %parallel_loop3A_778 : vector<16xf32> to vector<1x1x1x16xf32>
      tpu.vector_store %arg8[%parallel_loop3A_901, %parallel_loop3A_902, %parallel_loop3A_903, %parallel_loop3A_904], %parallel_loop3A_907 {add = true, strides = array<i32>} : memref<3x4x64x128xf32, #tpu.memory_space<vmem>>, vector<1x1x1x16xf32>,
      %parallel_loop3A_908 = arith.constant 2 : i32
      %parallel_loop3A_909 = arith.constant 1 : i32
      %parallel_loop3A_910 = arith.index_cast %parallel_loop3A_908 : i32 to index
      %parallel_loop3A_911 = arith.index_cast %parallel_loop3A_909 : i32 to index
      %parallel_loop3A_912 = arith.index_cast %parallel_loop3A_760 : i32 to index
      %parallel_loop3A_913 = arith.constant 48 : index
      %parallel_loop3A_914 = tpu.vector_load %arg8[%parallel_loop3A_910, %parallel_loop3A_911, %parallel_loop3A_912, %parallel_loop3A_913] {strides = array<i32>} : memref<3x4x64x128xf32, #tpu.memory_space<vmem>>, vector<1x1x1x16xf32>,
      %parallel_loop3A_915 = vector.shape_cast %parallel_loop3A_914 : vector<1x1x1x16xf32> to vector<16xf32>
      %parallel_loop3A_916 = vector.shape_cast %parallel_loop3A_784 : vector<16xf32> to vector<1x1x1x16xf32>
      tpu.vector_store %arg8[%parallel_loop3A_910, %parallel_loop3A_911, %parallel_loop3A_912, %parallel_loop3A_913], %parallel_loop3A_916 {add = true, strides = array<i32>} : memref<3x4x64x128xf32, #tpu.memory_space<vmem>>, vector<1x1x1x16xf32>,
      %parallel_loop3A_917 = arith.constant 2 : i32
      %parallel_loop3A_918 = arith.constant 1 : i32
      %parallel_loop3A_919 = arith.index_cast %parallel_loop3A_917 : i32 to index
      %parallel_loop3A_920 = arith.index_cast %parallel_loop3A_918 : i32 to index
      %parallel_loop3A_921 = arith.index_cast %parallel_loop3A_760 : i32 to index
      %parallel_loop3A_922 = arith.constant 64 : index
      %parallel_loop3A_923 = tpu.vector_load %arg8[%parallel_loop3A_919, %parallel_loop3A_920, %parallel_loop3A_921, %parallel_loop3A_922] {strides = array<i32>} : memref<3x4x64x128xf32, #tpu.memory_space<vmem>>, vector<1x1x1x16xf32>,
      %parallel_loop3A_924 = vector.shape_cast %parallel_loop3A_923 : vector<1x1x1x16xf32> to vector<16xf32>
      %parallel_loop3A_925 = vector.shape_cast %parallel_loop3A_790 : vector<16xf32> to vector<1x1x1x16xf32>
      tpu.vector_store %arg8[%parallel_loop3A_919, %parallel_loop3A_920, %parallel_loop3A_921, %parallel_loop3A_922], %parallel_loop3A_925 {add = true, strides = array<i32>} : memref<3x4x64x128xf32, #tpu.memory_space<vmem>>, vector<1x1x1x16xf32>,
      %parallel_loop3A_926 = arith.constant 2 : i32
      %parallel_loop3A_927 = arith.constant 1 : i32
      %parallel_loop3A_928 = arith.index_cast %parallel_loop3A_926 : i32 to index
      %parallel_loop3A_929 = arith.index_cast %parallel_loop3A_927 : i32 to index
      %parallel_loop3A_930 = arith.index_cast %parallel_loop3A_760 : i32 to index
      %parallel_loop3A_931 = arith.constant 80 : index
      %parallel_loop3A_932 = tpu.vector_load %arg8[%parallel_loop3A_928, %parallel_loop3A_929, %parallel_loop3A_930, %parallel_loop3A_931] {strides = array<i32>} : memref<3x4x64x128xf32, #tpu.memory_space<vmem>>, vector<1x1x1x16xf32>,
      %parallel_loop3A_933 = vector.shape_cast %parallel_loop3A_932 : vector<1x1x1x16xf32> to vector<16xf32>
      %parallel_loop3A_934 = vector.shape_cast %parallel_loop3A_796 : vector<16xf32> to vector<1x1x1x16xf32>
      tpu.vector_store %arg8[%parallel_loop3A_928, %parallel_loop3A_929, %parallel_loop3A_930, %parallel_loop3A_931], %parallel_loop3A_934 {add = true, strides = array<i32>} : memref<3x4x64x128xf32, #tpu.memory_space<vmem>>, vector<1x1x1x16xf32>,
      %parallel_loop3A_935 = arith.constant 2 : i32
      %parallel_loop3A_936 = arith.constant 1 : i32
      %parallel_loop3A_937 = arith.index_cast %parallel_loop3A_935 : i32 to index
      %parallel_loop3A_938 = arith.index_cast %parallel_loop3A_936 : i32 to index
      %parallel_loop3A_939 = arith.index_cast %parallel_loop3A_760 : i32 to index
      %parallel_loop3A_940 = arith.constant 96 : index
      %parallel_loop3A_941 = tpu.vector_load %arg8[%parallel_loop3A_937, %parallel_loop3A_938, %parallel_loop3A_939, %parallel_loop3A_940] {strides = array<i32>} : memref<3x4x64x128xf32, #tpu.memory_space<vmem>>, vector<1x1x1x16xf32>,
      %parallel_loop3A_942 = vector.shape_cast %parallel_loop3A_941 : vector<1x1x1x16xf32> to vector<16xf32>
      %parallel_loop3A_943 = vector.shape_cast %parallel_loop3A_802 : vector<16xf32> to vector<1x1x1x16xf32>
      tpu.vector_store %arg8[%parallel_loop3A_937, %parallel_loop3A_938, %parallel_loop3A_939, %parallel_loop3A_940], %parallel_loop3A_943 {add = true, strides = array<i32>} : memref<3x4x64x128xf32, #tpu.memory_space<vmem>>, vector<1x1x1x16xf32>,
      %parallel_loop3A_944 = arith.constant 2 : i32
      %parallel_loop3A_945 = arith.constant 1 : i32
      %parallel_loop3A_946 = arith.index_cast %parallel_loop3A_944 : i32 to index
      %parallel_loop3A_947 = arith.index_cast %parallel_loop3A_945 : i32 to index
      %parallel_loop3A_948 = arith.index_cast %parallel_loop3A_760 : i32 to index
      %parallel_loop3A_949 = arith.constant 112 : index
      %parallel_loop3A_950 = tpu.vector_load %arg8[%parallel_loop3A_946, %parallel_loop3A_947, %parallel_loop3A_948, %parallel_loop3A_949] {strides = array<i32>} : memref<3x4x64x128xf32, #tpu.memory_space<vmem>>, vector<1x1x1x16xf32>,
      %parallel_loop3A_951 = vector.shape_cast %parallel_loop3A_950 : vector<1x1x1x16xf32> to vector<16xf32>
      %parallel_loop3A_952 = vector.shape_cast %parallel_loop3A_808 : vector<16xf32> to vector<1x1x1x16xf32>
      tpu.vector_store %arg8[%parallel_loop3A_946, %parallel_loop3A_947, %parallel_loop3A_948, %parallel_loop3A_949], %parallel_loop3A_952 {add = true, strides = array<i32>} : memref<3x4x64x128xf32, #tpu.memory_space<vmem>>, vector<1x1x1x16xf32>,
      %parallel_loop3A_953 = arith.constant 2 : i32
      %parallel_loop3A_954 = arith.constant 2 : i32
      %parallel_loop3A_955 = arith.index_cast %parallel_loop3A_953 : i32 to index
      %parallel_loop3A_956 = arith.index_cast %parallel_loop3A_954 : i32 to index
      %parallel_loop3A_957 = arith.index_cast %parallel_loop3A_760 : i32 to index
      %parallel_loop3A_958 = arith.constant 0 : index
      %parallel_loop3A_959 = tpu.vector_load %arg8[%parallel_loop3A_955, %parallel_loop3A_956, %parallel_loop3A_957, %parallel_loop3A_958] {strides = array<i32>} : memref<3x4x64x128xf32, #tpu.memory_space<vmem>>, vector<1x1x1x16xf32>,
      %parallel_loop3A_960 = vector.shape_cast %parallel_loop3A_959 : vector<1x1x1x16xf32> to vector<16xf32>
      %parallel_loop3A_961 = vector.shape_cast %parallel_loop3A_766 : vector<16xf32> to vector<1x1x1x16xf32>
      tpu.vector_store %arg8[%parallel_loop3A_955, %parallel_loop3A_956, %parallel_loop3A_957, %parallel_loop3A_958], %parallel_loop3A_961 {add = true, strides = array<i32>} : memref<3x4x64x128xf32, #tpu.memory_space<vmem>>, vector<1x1x1x16xf32>,
      %parallel_loop3A_962 = arith.constant 2 : i32
      %parallel_loop3A_963 = arith.constant 2 : i32
      %parallel_loop3A_964 = arith.index_cast %parallel_loop3A_962 : i32 to index
      %parallel_loop3A_965 = arith.index_cast %parallel_loop3A_963 : i32 to index
      %parallel_loop3A_966 = arith.index_cast %parallel_loop3A_760 : i32 to index
      %parallel_loop3A_967 = arith.constant 16 : index
      %parallel_loop3A_968 = tpu.vector_load %arg8[%parallel_loop3A_964, %parallel_loop3A_965, %parallel_loop3A_966, %parallel_loop3A_967] {strides = array<i32>} : memref<3x4x64x128xf32, #tpu.memory_space<vmem>>, vector<1x1x1x16xf32>,
      %parallel_loop3A_969 = vector.shape_cast %parallel_loop3A_968 : vector<1x1x1x16xf32> to vector<16xf32>
      %parallel_loop3A_970 = vector.shape_cast %parallel_loop3A_772 : vector<16xf32> to vector<1x1x1x16xf32>
      tpu.vector_store %arg8[%parallel_loop3A_964, %parallel_loop3A_965, %parallel_loop3A_966, %parallel_loop3A_967], %parallel_loop3A_970 {add = true, strides = array<i32>} : memref<3x4x64x128xf32, #tpu.memory_space<vmem>>, vector<1x1x1x16xf32>,
      %parallel_loop3A_971 = arith.constant 2 : i32
      %parallel_loop3A_972 = arith.constant 2 : i32
      %parallel_loop3A_973 = arith.index_cast %parallel_loop3A_971 : i32 to index
      %parallel_loop3A_974 = arith.index_cast %parallel_loop3A_972 : i32 to index
      %parallel_loop3A_975 = arith.index_cast %parallel_loop3A_760 : i32 to index
      %parallel_loop3A_976 = arith.constant 32 : index
      %parallel_loop3A_977 = tpu.vector_load %arg8[%parallel_loop3A_973, %parallel_loop3A_974, %parallel_loop3A_975, %parallel_loop3A_976] {strides = array<i32>} : memref<3x4x64x128xf32, #tpu.memory_space<vmem>>, vector<1x1x1x16xf32>,
      %parallel_loop3A_978 = vector.shape_cast %parallel_loop3A_977 : vector<1x1x1x16xf32> to vector<16xf32>
      %parallel_loop3A_979 = vector.shape_cast %parallel_loop3A_778 : vector<16xf32> to vector<1x1x1x16xf32>
      tpu.vector_store %arg8[%parallel_loop3A_973, %parallel_loop3A_974, %parallel_loop3A_975, %parallel_loop3A_976], %parallel_loop3A_979 {add = true, strides = array<i32>} : memref<3x4x64x128xf32, #tpu.memory_space<vmem>>, vector<1x1x1x16xf32>,
      %parallel_loop3A_980 = arith.constant 2 : i32
      %parallel_loop3A_981 = arith.constant 2 : i32
      %parallel_loop3A_982 = arith.index_cast %parallel_loop3A_980 : i32 to index
      %parallel_loop3A_983 = arith.index_cast %parallel_loop3A_981 : i32 to index
      %parallel_loop3A_984 = arith.index_cast %parallel_loop3A_760 : i32 to index
      %parallel_loop3A_985 = arith.constant 48 : index
      %parallel_loop3A_986 = tpu.vector_load %arg8[%parallel_loop3A_982, %parallel_loop3A_983, %parallel_loop3A_984, %parallel_loop3A_985] {strides = array<i32>} : memref<3x4x64x128xf32, #tpu.memory_space<vmem>>, vector<1x1x1x16xf32>,
      %parallel_loop3A_987 = vector.shape_cast %parallel_loop3A_986 : vector<1x1x1x16xf32> to vector<16xf32>
      %parallel_loop3A_988 = vector.shape_cast %parallel_loop3A_784 : vector<16xf32> to vector<1x1x1x16xf32>
      tpu.vector_store %arg8[%parallel_loop3A_982, %parallel_loop3A_983, %parallel_loop3A_984, %parallel_loop3A_985], %parallel_loop3A_988 {add = true, strides = array<i32>} : memref<3x4x64x128xf32, #tpu.memory_space<vmem>>, vector<1x1x1x16xf32>,
      %parallel_loop3A_989 = arith.constant 2 : i32
      %parallel_loop3A_990 = arith.constant 2 : i32
      %parallel_loop3A_991 = arith.index_cast %parallel_loop3A_989 : i32 to index
      %parallel_loop3A_992 = arith.index_cast %parallel_loop3A_990 : i32 to index
      %parallel_loop3A_993 = arith.index_cast %parallel_loop3A_760 : i32 to index
      %parallel_loop3A_994 = arith.constant 64 : index
      %parallel_loop3A_995 = tpu.vector_load %arg8[%parallel_loop3A_991, %parallel_loop3A_992, %parallel_loop3A_993, %parallel_loop3A_994] {strides = array<i32>} : memref<3x4x64x128xf32, #tpu.memory_space<vmem>>, vector<1x1x1x16xf32>,
      %parallel_loop3A_996 = vector.shape_cast %parallel_loop3A_995 : vector<1x1x1x16xf32> to vector<16xf32>
      %parallel_loop3A_997 = vector.shape_cast %parallel_loop3A_790 : vector<16xf32> to vector<1x1x1x16xf32>
      tpu.vector_store %arg8[%parallel_loop3A_991, %parallel_loop3A_992, %parallel_loop3A_993, %parallel_loop3A_994], %parallel_loop3A_997 {add = true, strides = array<i32>} : memref<3x4x64x128xf32, #tpu.memory_space<vmem>>, vector<1x1x1x16xf32>,
      %parallel_loop3A_998 = arith.constant 2 : i32
      %parallel_loop3A_999 = arith.constant 2 : i32
      %parallel_loop3A_1000 = arith.index_cast %parallel_loop3A_998 : i32 to index
      %parallel_loop3A_1001 = arith.index_cast %parallel_loop3A_999 : i32 to index
      %parallel_loop3A_1002 = arith.index_cast %parallel_loop3A_760 : i32 to index
      %parallel_loop3A_1003 = arith.constant 80 : index
      %parallel_loop3A_1004 = tpu.vector_load %arg8[%parallel_loop3A_1000, %parallel_loop3A_1001, %parallel_loop3A_1002, %parallel_loop3A_1003] {strides = array<i32>} : memref<3x4x64x128xf32, #tpu.memory_space<vmem>>, vector<1x1x1x16xf32>,
      %parallel_loop3A_1005 = vector.shape_cast %parallel_loop3A_1004 : vector<1x1x1x16xf32> to vector<16xf32>
      %parallel_loop3A_1006 = vector.shape_cast %parallel_loop3A_796 : vector<16xf32> to vector<1x1x1x16xf32>
      tpu.vector_store %arg8[%parallel_loop3A_1000, %parallel_loop3A_1001, %parallel_loop3A_1002, %parallel_loop3A_1003], %parallel_loop3A_1006 {add = true, strides = array<i32>} : memref<3x4x64x128xf32, #tpu.memory_space<vmem>>, vector<1x1x1x16xf32>,
      %parallel_loop3A_1007 = arith.constant 2 : i32
      %parallel_loop3A_1008 = arith.constant 2 : i32
      %parallel_loop3A_1009 = arith.index_cast %parallel_loop3A_1007 : i32 to index
      %parallel_loop3A_1010 = arith.index_cast %parallel_loop3A_1008 : i32 to index
      %parallel_loop3A_1011 = arith.index_cast %parallel_loop3A_760 : i32 to index
      %parallel_loop3A_1012 = arith.constant 96 : index
      %parallel_loop3A_1013 = tpu.vector_load %arg8[%parallel_loop3A_1009, %parallel_loop3A_1010, %parallel_loop3A_1011, %parallel_loop3A_1012] {strides = array<i32>} : memref<3x4x64x128xf32, #tpu.memory_space<vmem>>, vector<1x1x1x16xf32>,
      %parallel_loop3A_1014 = vector.shape_cast %parallel_loop3A_1013 : vector<1x1x1x16xf32> to vector<16xf32>
      %parallel_loop3A_1015 = vector.shape_cast %parallel_loop3A_802 : vector<16xf32> to vector<1x1x1x16xf32>
      tpu.vector_store %arg8[%parallel_loop3A_1009, %parallel_loop3A_1010, %parallel_loop3A_1011, %parallel_loop3A_1012], %parallel_loop3A_1015 {add = true, strides = array<i32>} : memref<3x4x64x128xf32, #tpu.memory_space<vmem>>, vector<1x1x1x16xf32>,
      %parallel_loop3A_1016 = arith.constant 2 : i32
      %parallel_loop3A_1017 = arith.constant 2 : i32
      %parallel_loop3A_1018 = arith.index_cast %parallel_loop3A_1016 : i32 to index
      %parallel_loop3A_1019 = arith.index_cast %parallel_loop3A_1017 : i32 to index
      %parallel_loop3A_1020 = arith.index_cast %parallel_loop3A_760 : i32 to index
      %parallel_loop3A_1021 = arith.constant 112 : index
      %parallel_loop3A_1022 = tpu.vector_load %arg8[%parallel_loop3A_1018, %parallel_loop3A_1019, %parallel_loop3A_1020, %parallel_loop3A_1021] {strides = array<i32>} : memref<3x4x64x128xf32, #tpu.memory_space<vmem>>, vector<1x1x1x16xf32>,
      %parallel_loop3A_1023 = vector.shape_cast %parallel_loop3A_1022 : vector<1x1x1x16xf32> to vector<16xf32>
      %parallel_loop3A_1024 = vector.shape_cast %parallel_loop3A_808 : vector<16xf32> to vector<1x1x1x16xf32>
      tpu.vector_store %arg8[%parallel_loop3A_1018, %parallel_loop3A_1019, %parallel_loop3A_1020, %parallel_loop3A_1021], %parallel_loop3A_1024 {add = true, strides = array<i32>} : memref<3x4x64x128xf32, #tpu.memory_space<vmem>>, vector<1x1x1x16xf32>,
      %parallel_loop3A_1025 = arith.constant 2 : i32
      %parallel_loop3A_1026 = arith.constant 3 : i32
      %parallel_loop3A_1027 = arith.index_cast %parallel_loop3A_1025 : i32 to index
      %parallel_loop3A_1028 = arith.index_cast %parallel_loop3A_1026 : i32 to index
      %parallel_loop3A_1029 = arith.index_cast %parallel_loop3A_760 : i32 to index
      %parallel_loop3A_1030 = arith.constant 0 : index
      %parallel_loop3A_1031 = tpu.vector_load %arg8[%parallel_loop3A_1027, %parallel_loop3A_1028, %parallel_loop3A_1029, %parallel_loop3A_1030] {strides = array<i32>} : memref<3x4x64x128xf32, #tpu.memory_space<vmem>>, vector<1x1x1x16xf32>,
      %parallel_loop3A_1032 = vector.shape_cast %parallel_loop3A_1031 : vector<1x1x1x16xf32> to vector<16xf32>
      %parallel_loop3A_1033 = vector.shape_cast %parallel_loop3A_766 : vector<16xf32> to vector<1x1x1x16xf32>
      tpu.vector_store %arg8[%parallel_loop3A_1027, %parallel_loop3A_1028, %parallel_loop3A_1029, %parallel_loop3A_1030], %parallel_loop3A_1033 {add = true, strides = array<i32>} : memref<3x4x64x128xf32, #tpu.memory_space<vmem>>, vector<1x1x1x16xf32>,
      %parallel_loop3A_1034 = arith.constant 2 : i32
      %parallel_loop3A_1035 = arith.constant 3 : i32
      %parallel_loop3A_1036 = arith.index_cast %parallel_loop3A_1034 : i32 to index
      %parallel_loop3A_1037 = arith.index_cast %parallel_loop3A_1035 : i32 to index
      %parallel_loop3A_1038 = arith.index_cast %parallel_loop3A_760 : i32 to index
      %parallel_loop3A_1039 = arith.constant 16 : index
      %parallel_loop3A_1040 = tpu.vector_load %arg8[%parallel_loop3A_1036, %parallel_loop3A_1037, %parallel_loop3A_1038, %parallel_loop3A_1039] {strides = array<i32>} : memref<3x4x64x128xf32, #tpu.memory_space<vmem>>, vector<1x1x1x16xf32>,
      %parallel_loop3A_1041 = vector.shape_cast %parallel_loop3A_1040 : vector<1x1x1x16xf32> to vector<16xf32>
      %parallel_loop3A_1042 = vector.shape_cast %parallel_loop3A_772 : vector<16xf32> to vector<1x1x1x16xf32>
      tpu.vector_store %arg8[%parallel_loop3A_1036, %parallel_loop3A_1037, %parallel_loop3A_1038, %parallel_loop3A_1039], %parallel_loop3A_1042 {add = true, strides = array<i32>} : memref<3x4x64x128xf32, #tpu.memory_space<vmem>>, vector<1x1x1x16xf32>,
      %parallel_loop3A_1043 = arith.constant 2 : i32
      %parallel_loop3A_1044 = arith.constant 3 : i32
      %parallel_loop3A_1045 = arith.index_cast %parallel_loop3A_1043 : i32 to index
      %parallel_loop3A_1046 = arith.index_cast %parallel_loop3A_1044 : i32 to index
      %parallel_loop3A_1047 = arith.index_cast %parallel_loop3A_760 : i32 to index
      %parallel_loop3A_1048 = arith.constant 32 : index
      %parallel_loop3A_1049 = tpu.vector_load %arg8[%parallel_loop3A_1045, %parallel_loop3A_1046, %parallel_loop3A_1047, %parallel_loop3A_1048] {strides = array<i32>} : memref<3x4x64x128xf32, #tpu.memory_space<vmem>>, vector<1x1x1x16xf32>,
      %parallel_loop3A_1050 = vector.shape_cast %parallel_loop3A_1049 : vector<1x1x1x16xf32> to vector<16xf32>
      %parallel_loop3A_1051 = vector.shape_cast %parallel_loop3A_778 : vector<16xf32> to vector<1x1x1x16xf32>
      tpu.vector_store %arg8[%parallel_loop3A_1045, %parallel_loop3A_1046, %parallel_loop3A_1047, %parallel_loop3A_1048], %parallel_loop3A_1051 {add = true, strides = array<i32>} : memref<3x4x64x128xf32, #tpu.memory_space<vmem>>, vector<1x1x1x16xf32>,
      %parallel_loop3A_1052 = arith.constant 2 : i32
      %parallel_loop3A_1053 = arith.constant 3 : i32
      %parallel_loop3A_1054 = arith.index_cast %parallel_loop3A_1052 : i32 to index
      %parallel_loop3A_1055 = arith.index_cast %parallel_loop3A_1053 : i32 to index
      %parallel_loop3A_1056 = arith.index_cast %parallel_loop3A_760 : i32 to index
      %parallel_loop3A_1057 = arith.constant 48 : index
      %parallel_loop3A_1058 = tpu.vector_load %arg8[%parallel_loop3A_1054, %parallel_loop3A_1055, %parallel_loop3A_1056, %parallel_loop3A_1057] {strides = array<i32>} : memref<3x4x64x128xf32, #tpu.memory_space<vmem>>, vector<1x1x1x16xf32>,
      %parallel_loop3A_1059 = vector.shape_cast %parallel_loop3A_1058 : vector<1x1x1x16xf32> to vector<16xf32>
      %parallel_loop3A_1060 = vector.shape_cast %parallel_loop3A_784 : vector<16xf32> to vector<1x1x1x16xf32>
      tpu.vector_store %arg8[%parallel_loop3A_1054, %parallel_loop3A_1055, %parallel_loop3A_1056, %parallel_loop3A_1057], %parallel_loop3A_1060 {add = true, strides = array<i32>} : memref<3x4x64x128xf32, #tpu.memory_space<vmem>>, vector<1x1x1x16xf32>,
      %parallel_loop3A_1061 = arith.constant 2 : i32
      %parallel_loop3A_1062 = arith.constant 3 : i32
      %parallel_loop3A_1063 = arith.index_cast %parallel_loop3A_1061 : i32 to index
      %parallel_loop3A_1064 = arith.index_cast %parallel_loop3A_1062 : i32 to index
      %parallel_loop3A_1065 = arith.index_cast %parallel_loop3A_760 : i32 to index
      %parallel_loop3A_1066 = arith.constant 64 : index
      %parallel_loop3A_1067 = tpu.vector_load %arg8[%parallel_loop3A_1063, %parallel_loop3A_1064, %parallel_loop3A_1065, %parallel_loop3A_1066] {strides = array<i32>} : memref<3x4x64x128xf32, #tpu.memory_space<vmem>>, vector<1x1x1x16xf32>,
      %parallel_loop3A_1068 = vector.shape_cast %parallel_loop3A_1067 : vector<1x1x1x16xf32> to vector<16xf32>
      %parallel_loop3A_1069 = vector.shape_cast %parallel_loop3A_790 : vector<16xf32> to vector<1x1x1x16xf32>
      tpu.vector_store %arg8[%parallel_loop3A_1063, %parallel_loop3A_1064, %parallel_loop3A_1065, %parallel_loop3A_1066], %parallel_loop3A_1069 {add = true, strides = array<i32>} : memref<3x4x64x128xf32, #tpu.memory_space<vmem>>, vector<1x1x1x16xf32>,
      %parallel_loop3A_1070 = arith.constant 2 : i32
      %parallel_loop3A_1071 = arith.constant 3 : i32
      %parallel_loop3A_1072 = arith.index_cast %parallel_loop3A_1070 : i32 to index
      %parallel_loop3A_1073 = arith.index_cast %parallel_loop3A_1071 : i32 to index
      %parallel_loop3A_1074 = arith.index_cast %parallel_loop3A_760 : i32 to index
      %parallel_loop3A_1075 = arith.constant 80 : index
      %parallel_loop3A_1076 = tpu.vector_load %arg8[%parallel_loop3A_1072, %parallel_loop3A_1073, %parallel_loop3A_1074, %parallel_loop3A_1075] {strides = array<i32>} : memref<3x4x64x128xf32, #tpu.memory_space<vmem>>, vector<1x1x1x16xf32>,
      %parallel_loop3A_1077 = vector.shape_cast %parallel_loop3A_1076 : vector<1x1x1x16xf32> to vector<16xf32>
      %parallel_loop3A_1078 = vector.shape_cast %parallel_loop3A_796 : vector<16xf32> to vector<1x1x1x16xf32>
      tpu.vector_store %arg8[%parallel_loop3A_1072, %parallel_loop3A_1073, %parallel_loop3A_1074, %parallel_loop3A_1075], %parallel_loop3A_1078 {add = true, strides = array<i32>} : memref<3x4x64x128xf32, #tpu.memory_space<vmem>>, vector<1x1x1x16xf32>,
      %parallel_loop3A_1079 = arith.constant 2 : i32
      %parallel_loop3A_1080 = arith.constant 3 : i32
      %parallel_loop3A_1081 = arith.index_cast %parallel_loop3A_1079 : i32 to index
      %parallel_loop3A_1082 = arith.index_cast %parallel_loop3A_1080 : i32 to index
      %parallel_loop3A_1083 = arith.index_cast %parallel_loop3A_760 : i32 to index
      %parallel_loop3A_1084 = arith.constant 96 : index
      %parallel_loop3A_1085 = tpu.vector_load %arg8[%parallel_loop3A_1081, %parallel_loop3A_1082, %parallel_loop3A_1083, %parallel_loop3A_1084] {strides = array<i32>} : memref<3x4x64x128xf32, #tpu.memory_space<vmem>>, vector<1x1x1x16xf32>,
      %parallel_loop3A_1086 = vector.shape_cast %parallel_loop3A_1085 : vector<1x1x1x16xf32> to vector<16xf32>
      %parallel_loop3A_1087 = vector.shape_cast %parallel_loop3A_802 : vector<16xf32> to vector<1x1x1x16xf32>
      tpu.vector_store %arg8[%parallel_loop3A_1081, %parallel_loop3A_1082, %parallel_loop3A_1083, %parallel_loop3A_1084], %parallel_loop3A_1087 {add = true, strides = array<i32>} : memref<3x4x64x128xf32, #tpu.memory_space<vmem>>, vector<1x1x1x16xf32>,
      %parallel_loop3A_1088 = arith.constant 2 : i32
      %parallel_loop3A_1089 = arith.constant 3 : i32
      %parallel_loop3A_1090 = arith.index_cast %parallel_loop3A_1088 : i32 to index
      %parallel_loop3A_1091 = arith.index_cast %parallel_loop3A_1089 : i32 to index
      %parallel_loop3A_1092 = arith.index_cast %parallel_loop3A_760 : i32 to index
      %parallel_loop3A_1093 = arith.constant 112 : index
      %parallel_loop3A_1094 = tpu.vector_load %arg8[%parallel_loop3A_1090, %parallel_loop3A_1091, %parallel_loop3A_1092, %parallel_loop3A_1093] {strides = array<i32>} : memref<3x4x64x128xf32, #tpu.memory_space<vmem>>, vector<1x1x1x16xf32>,
      %parallel_loop3A_1095 = vector.shape_cast %parallel_loop3A_1094 : vector<1x1x1x16xf32> to vector<16xf32>
      %parallel_loop3A_1096 = vector.shape_cast %parallel_loop3A_808 : vector<16xf32> to vector<1x1x1x16xf32>
      tpu.vector_store %arg8[%parallel_loop3A_1090, %parallel_loop3A_1091, %parallel_loop3A_1092, %parallel_loop3A_1093], %parallel_loop3A_1096 {add = true, strides = array<i32>} : memref<3x4x64x128xf32, #tpu.memory_space<vmem>>, vector<1x1x1x16xf32>,
    } {sc.loop_unroll_factor = 1 : i64, sc.parallel_access}
    %add3A_261 = arith.constant 128 : i32
    %add3A_262 = arith.addi %mul3A_2, %add3A_261 : i32
    %dma_start3A_263 = arith.constant 2 : i32
    %dma_start3A_264 = arith.constant 0 : i32
    %dma_start3A_265 = arith.constant 0 : i32
    %dma_start3A_266 = arith.constant 0 : i32
    %dma_start3A_267 = tpu.memref_slice %arg8[%dma_start3A_263, %dma_start3A_264, %dma_start3A_265, %dma_start3A_266] : memref<3x4x64x128xf32, #tpu.memory_space<vmem>> -> memref<1x4x64x128xf32, #tpu.memory_space<vmem>>
    %dma_start3A_268 = tpu.memref_squeeze %dma_start3A_267 : memref<1x4x64x128xf32, #tpu.memory_space<vmem>> -> memref<4x64x128xf32, #tpu.memory_space<vmem>>
    %dma_start3A_269 = arith.constant 0 : i32
    %dma_start3A_270 = arith.constant 0 : i32
    %dma_start3A_271 = tpu.memref_slice %arg5[%dma_start3A_269, %add3A_262, %dma_start3A_270] : memref<4x16384x128xf32, #tpu.memory_space<hbm>> -> memref<4x64x128xf32, #tpu.memory_space<hbm>>
    %dma_start3A_272 = arith.constant 0 : i32
    %dma_start3A_273 = arith.constant 0 : i32
    %dma_start3A_274 = tpu.memref_slice %arg5[%dma_start3A_272, %add3A_262, %dma_start3A_273] : memref<4x16384x128xf32, #tpu.memory_space<hbm>> -> memref<4x64x128xf32, #tpu.memory_space<hbm>>
    %dma_start3A_275 = arith.constant 0 : i32
    %dma_start3A_276 = arith.constant 0 : i32
    %dma_start3A_277 = arith.constant 0 : i32
    %dma_start3A_278 = tpu.memref_slice %arg8[%dma_start3A_263, %dma_start3A_275, %dma_start3A_276, %dma_start3A_277] : memref<3x4x64x128xf32, #tpu.memory_space<vmem>> -> memref<1x4x64x128xf32, #tpu.memory_space<vmem>>
    %dma_start3A_279 = tpu.memref_squeeze %dma_start3A_278 : memref<1x4x64x128xf32, #tpu.memory_space<vmem>> -> memref<4x64x128xf32, #tpu.memory_space<vmem>>
    tpu.enqueue_dma source(%dma_start3A_279 : memref<4x64x128xf32, #tpu.memory_space<vmem>>) target(%dma_start3A_274 : memref<4x64x128xf32, #tpu.memory_space<hbm>>) target_semaphore(%arg11 : memref<!tpu.dma_semaphore, #tpu.memory_space<semaphore_mem>>)
    %dma_wait3A_280 = arith.constant 1 : i32
    %dma_wait3A_281 = arith.constant 0 : i32
    %dma_wait3A_282 = arith.constant 0 : i32
    %dma_wait3A_283 = arith.constant 0 : i32
    %dma_wait3A_284 = tpu.memref_slice %arg8[%dma_wait3A_280, %dma_wait3A_281, %dma_wait3A_282, %dma_wait3A_283] : memref<3x4x64x128xf32, #tpu.memory_space<vmem>> -> memref<1x4x64x128xf32, #tpu.memory_space<vmem>>
    %dma_wait3A_285 = tpu.memref_squeeze %dma_wait3A_284 : memref<1x4x64x128xf32, #tpu.memory_space<vmem>> -> memref<4x64x128xf32, #tpu.memory_space<vmem>>
    %dma_wait3A_286 = arith.constant 0 : i32
    %dma_wait3A_287 = arith.constant 0 : i32
    %dma_wait3A_288 = tpu.memref_slice %arg5[%dma_wait3A_286, %add3A_167, %dma_wait3A_287] : memref<4x16384x128xf32, #tpu.memory_space<hbm>> -> memref<4x64x128xf32, #tpu.memory_space<hbm>>
    %dma_wait3A_289 = arith.constant 0 : i32
    %dma_wait3A_290 = arith.constant 0 : i32
    %dma_wait3A_291 = tpu.memref_slice %arg5[%dma_wait3A_289, %add3A_167, %dma_wait3A_290] : memref<4x16384x128xf32, #tpu.memory_space<hbm>> -> memref<4x64x128xf32, #tpu.memory_space<hbm>>
    %dma_wait3A_292 = arith.constant 0 : i32
    %dma_wait3A_293 = arith.constant 0 : i32
    %dma_wait3A_294 = arith.constant 0 : i32
    %dma_wait3A_295 = tpu.memref_slice %arg8[%dma_wait3A_280, %dma_wait3A_292, %dma_wait3A_293, %dma_wait3A_294] : memref<3x4x64x128xf32, #tpu.memory_space<vmem>> -> memref<1x4x64x128xf32, #tpu.memory_space<vmem>>
    %dma_wait3A_296 = tpu.memref_squeeze %dma_wait3A_295 : memref<1x4x64x128xf32, #tpu.memory_space<vmem>> -> memref<4x64x128xf32, #tpu.memory_space<vmem>>
    tpu.wait_dma2 semaphore(%arg11 : memref<!tpu.dma_semaphore, #tpu.memory_space<semaphore_mem>>) src(%dma_wait3A_296 : memref<4x64x128xf32, #tpu.memory_space<vmem>>) dst(%dma_wait3A_291 : memref<4x64x128xf32, #tpu.memory_space<hbm>>)
    %dma_start3A_297 = arith.constant 1 : i32
    %dma_start3A_298 = arith.constant 0 : i32
    %dma_start3A_299 = arith.constant 0 : i32
    %dma_start3A_300 = tpu.memref_slice %arg7[%dma_start3A_297, %dma_start3A_298, %dma_start3A_299] : memref<3x64x128xf32, #tpu.memory_space<vmem>> -> memref<1x64x128xf32, #tpu.memory_space<vmem>>
    %dma_start3A_301 = tpu.memref_squeeze %dma_start3A_300 : memref<1x64x128xf32, #tpu.memory_space<vmem>> -> memref<64x128xf32, #tpu.memory_space<vmem>>
    %dma_start3A_302 = arith.constant 256 : i32
    %dma_start3A_303 = tpu.memref_slice %arg6[%dma_start3A_302] : memref<512xi32, #tpu.memory_space<vmem>> -> memref<64xi32, #tpu.memory_space<vmem>>
    %dma_start3A_304 = arith.constant 0 : i32
    %dma_start3A_305 = arith.constant 0 : i32
    %dma_start3A_306 = tpu.memref_slice %arg3[%dma_start3A_304, %dma_start3A_305] : memref<16384x128xf32, #tpu.memory_space<hbm>> -> memref<16384x128xf32, #tpu.memory_space<hbm>>
    tpu.enqueue_indirect_dma source(%dma_start3A_306 : memref<16384x128xf32, #tpu.memory_space<hbm>>) target(%dma_start3A_301 : memref<64x128xf32, #tpu.memory_space<vmem>>) offsets(%dma_start3A_303 : memref<64xi32, #tpu.memory_space<vmem>>) semaphore(%arg9 : memref<!tpu.dma_semaphore, #tpu.memory_space<semaphore_mem>>)
    %add3A_307 = arith.constant 256 : i32
    %add3A_308 = arith.addi %mul3A_2, %add3A_307 : i32
    %dma_start3A_309 = arith.constant 1 : i32
    %dma_start3A_310 = arith.constant 0 : i32
    %dma_start3A_311 = arith.constant 0 : i32
    %dma_start3A_312 = arith.constant 0 : i32
    %dma_start3A_313 = tpu.memref_slice %arg8[%dma_start3A_309, %dma_start3A_310, %dma_start3A_311, %dma_start3A_312] : memref<3x4x64x128xf32, #tpu.memory_space<vmem>> -> memref<1x4x64x128xf32, #tpu.memory_space<vmem>>
    %dma_start3A_314 = tpu.memref_squeeze %dma_start3A_313 : memref<1x4x64x128xf32, #tpu.memory_space<vmem>> -> memref<4x64x128xf32, #tpu.memory_space<vmem>>
    %dma_start3A_315 = arith.constant 0 : i32
    %dma_start3A_316 = arith.constant 0 : i32
    %dma_start3A_317 = tpu.memref_slice %arg2[%dma_start3A_315, %add3A_308, %dma_start3A_316] : memref<4x16384x128xf32, #tpu.memory_space<hbm>> -> memref<4x64x128xf32, #tpu.memory_space<hbm>>
    %dma_start3A_318 = arith.constant 0 : i32
    %dma_start3A_319 = arith.constant 0 : i32
    %dma_start3A_320 = arith.constant 0 : i32
    %dma_start3A_321 = tpu.memref_slice %arg8[%dma_start3A_309, %dma_start3A_318, %dma_start3A_319, %dma_start3A_320] : memref<3x4x64x128xf32, #tpu.memory_space<vmem>> -> memref<1x4x64x128xf32, #tpu.memory_space<vmem>>
    %dma_start3A_322 = tpu.memref_squeeze %dma_start3A_321 : memref<1x4x64x128xf32, #tpu.memory_space<vmem>> -> memref<4x64x128xf32, #tpu.memory_space<vmem>>
    %dma_start3A_323 = arith.constant 0 : i32
    %dma_start3A_324 = arith.constant 0 : i32
    %dma_start3A_325 = tpu.memref_slice %arg2[%dma_start3A_323, %add3A_308, %dma_start3A_324] : memref<4x16384x128xf32, #tpu.memory_space<hbm>> -> memref<4x64x128xf32, #tpu.memory_space<hbm>>
    tpu.enqueue_dma source(%dma_start3A_325 : memref<4x64x128xf32, #tpu.memory_space<hbm>>) target(%dma_start3A_322 : memref<4x64x128xf32, #tpu.memory_space<vmem>>) target_semaphore(%arg10 : memref<!tpu.dma_semaphore, #tpu.memory_space<semaphore_mem>>)
    %dma_wait3A_326 = arith.constant 0 : i32
    %dma_wait3A_327 = arith.constant 0 : i32
    %dma_wait3A_328 = arith.constant 0 : i32
    %dma_wait3A_329 = tpu.memref_slice %arg7[%dma_wait3A_326, %dma_wait3A_327, %dma_wait3A_328] : memref<3x64x128xf32, #tpu.memory_space<vmem>> -> memref<1x64x128xf32, #tpu.memory_space<vmem>>
    %dma_wait3A_330 = tpu.memref_squeeze %dma_wait3A_329 : memref<1x64x128xf32, #tpu.memory_space<vmem>> -> memref<64x128xf32, #tpu.memory_space<vmem>>
    %dma_wait3A_331 = arith.constant 192 : i32
    %dma_wait3A_332 = tpu.memref_slice %arg6[%dma_wait3A_331] : memref<512xi32, #tpu.memory_space<vmem>> -> memref<64xi32, #tpu.memory_space<vmem>>
    %dma_wait3A_333 = arith.constant 0 : i32
    %dma_wait3A_334 = arith.constant 0 : i32
    %dma_wait3A_335 = tpu.memref_slice %arg3[%dma_wait3A_333, %dma_wait3A_334] : memref<16384x128xf32, #tpu.memory_space<hbm>> -> memref<16384x128xf32, #tpu.memory_space<hbm>>
    tpu.wait_indirect_dma semaphore(%arg9 : memref<!tpu.dma_semaphore, #tpu.memory_space<semaphore_mem>>) src(%dma_wait3A_335 : memref<16384x128xf32, #tpu.memory_space<hbm>>) dst(%dma_wait3A_330 : memref<64x128xf32, #tpu.memory_space<vmem>>)
    %dma_wait3A_336 = arith.constant 0 : i32
    %dma_wait3A_337 = arith.constant 0 : i32
    %dma_wait3A_338 = arith.constant 0 : i32
    %dma_wait3A_339 = arith.constant 0 : i32
    %dma_wait3A_340 = tpu.memref_slice %arg8[%dma_wait3A_336, %dma_wait3A_337, %dma_wait3A_338, %dma_wait3A_339] : memref<3x4x64x128xf32, #tpu.memory_space<vmem>> -> memref<1x4x64x128xf32, #tpu.memory_space<vmem>>
    %dma_wait3A_341 = tpu.memref_squeeze %dma_wait3A_340 : memref<1x4x64x128xf32, #tpu.memory_space<vmem>> -> memref<4x64x128xf32, #tpu.memory_space<vmem>>
    %dma_wait3A_342 = arith.constant 0 : i32
    %dma_wait3A_343 = arith.constant 0 : i32
    %dma_wait3A_344 = tpu.memref_slice %arg2[%dma_wait3A_342, %add3A_213, %dma_wait3A_343] : memref<4x16384x128xf32, #tpu.memory_space<hbm>> -> memref<4x64x128xf32, #tpu.memory_space<hbm>>
    %dma_wait3A_345 = arith.constant 0 : i32
    %dma_wait3A_346 = arith.constant 0 : i32
    %dma_wait3A_347 = arith.constant 0 : i32
    %dma_wait3A_348 = tpu.memref_slice %arg8[%dma_wait3A_336, %dma_wait3A_345, %dma_wait3A_346, %dma_wait3A_347] : memref<3x4x64x128xf32, #tpu.memory_space<vmem>> -> memref<1x4x64x128xf32, #tpu.memory_space<vmem>>
    %dma_wait3A_349 = tpu.memref_squeeze %dma_wait3A_348 : memref<1x4x64x128xf32, #tpu.memory_space<vmem>> -> memref<4x64x128xf32, #tpu.memory_space<vmem>>
    %dma_wait3A_350 = arith.constant 0 : i32
    %dma_wait3A_351 = arith.constant 0 : i32
    %dma_wait3A_352 = tpu.memref_slice %arg2[%dma_wait3A_350, %add3A_213, %dma_wait3A_351] : memref<4x16384x128xf32, #tpu.memory_space<hbm>> -> memref<4x64x128xf32, #tpu.memory_space<hbm>>
    tpu.wait_dma2 semaphore(%arg10 : memref<!tpu.dma_semaphore, #tpu.memory_space<semaphore_mem>>) src(%dma_wait3A_352 : memref<4x64x128xf32, #tpu.memory_space<hbm>>) dst(%dma_wait3A_349 : memref<4x64x128xf32, #tpu.memory_space<vmem>>)
    %parallel_loop3A_353 = arith.constant 0 : i32
    %parallel_loop3A_354 = arith.constant 64 : i32
    %parallel_loop3A_355 = arith.constant 1 : i32
    scf.for %parallel_loop3A_760 = %parallel_loop3A_353 to %parallel_loop3A_354 step %parallel_loop3A_355  : i32 {
      %parallel_loop3A_761 = arith.constant 0 : i32
      %parallel_loop3A_762 = arith.index_cast %parallel_loop3A_761 : i32 to index
      %parallel_loop3A_763 = arith.index_cast %parallel_loop3A_760 : i32 to index
      %parallel_loop3A_764 = arith.constant 0 : index
      %parallel_loop3A_765 = tpu.vector_load %arg7[%parallel_loop3A_762, %parallel_loop3A_763, %parallel_loop3A_764] {strides = array<i32>} : memref<3x64x128xf32, #tpu.memory_space<vmem>>, vector<1x1x16xf32>,
      %parallel_loop3A_766 = vector.shape_cast %parallel_loop3A_765 : vector<1x1x16xf32> to vector<16xf32>
      %parallel_loop3A_767 = arith.constant 0 : i32
      %parallel_loop3A_768 = arith.index_cast %parallel_loop3A_767 : i32 to index
      %parallel_loop3A_769 = arith.index_cast %parallel_loop3A_760 : i32 to index
      %parallel_loop3A_770 = arith.constant 16 : index
      %parallel_loop3A_771 = tpu.vector_load %arg7[%parallel_loop3A_768, %parallel_loop3A_769, %parallel_loop3A_770] {strides = array<i32>} : memref<3x64x128xf32, #tpu.memory_space<vmem>>, vector<1x1x16xf32>,
      %parallel_loop3A_772 = vector.shape_cast %parallel_loop3A_771 : vector<1x1x16xf32> to vector<16xf32>
      %parallel_loop3A_773 = arith.constant 0 : i32
      %parallel_loop3A_774 = arith.index_cast %parallel_loop3A_773 : i32 to index
      %parallel_loop3A_775 = arith.index_cast %parallel_loop3A_760 : i32 to index
      %parallel_loop3A_776 = arith.constant 32 : index
      %parallel_loop3A_777 = tpu.vector_load %arg7[%parallel_loop3A_774, %parallel_loop3A_775, %parallel_loop3A_776] {strides = array<i32>} : memref<3x64x128xf32, #tpu.memory_space<vmem>>, vector<1x1x16xf32>,
      %parallel_loop3A_778 = vector.shape_cast %parallel_loop3A_777 : vector<1x1x16xf32> to vector<16xf32>
      %parallel_loop3A_779 = arith.constant 0 : i32
      %parallel_loop3A_780 = arith.index_cast %parallel_loop3A_779 : i32 to index
      %parallel_loop3A_781 = arith.index_cast %parallel_loop3A_760 : i32 to index
      %parallel_loop3A_782 = arith.constant 48 : index
      %parallel_loop3A_783 = tpu.vector_load %arg7[%parallel_loop3A_780, %parallel_loop3A_781, %parallel_loop3A_782] {strides = array<i32>} : memref<3x64x128xf32, #tpu.memory_space<vmem>>, vector<1x1x16xf32>,
      %parallel_loop3A_784 = vector.shape_cast %parallel_loop3A_783 : vector<1x1x16xf32> to vector<16xf32>
      %parallel_loop3A_785 = arith.constant 0 : i32
      %parallel_loop3A_786 = arith.index_cast %parallel_loop3A_785 : i32 to index
      %parallel_loop3A_787 = arith.index_cast %parallel_loop3A_760 : i32 to index
      %parallel_loop3A_788 = arith.constant 64 : index
      %parallel_loop3A_789 = tpu.vector_load %arg7[%parallel_loop3A_786, %parallel_loop3A_787, %parallel_loop3A_788] {strides = array<i32>} : memref<3x64x128xf32, #tpu.memory_space<vmem>>, vector<1x1x16xf32>,
      %parallel_loop3A_790 = vector.shape_cast %parallel_loop3A_789 : vector<1x1x16xf32> to vector<16xf32>
      %parallel_loop3A_791 = arith.constant 0 : i32
      %parallel_loop3A_792 = arith.index_cast %parallel_loop3A_791 : i32 to index
      %parallel_loop3A_793 = arith.index_cast %parallel_loop3A_760 : i32 to index
      %parallel_loop3A_794 = arith.constant 80 : index
      %parallel_loop3A_795 = tpu.vector_load %arg7[%parallel_loop3A_792, %parallel_loop3A_793, %parallel_loop3A_794] {strides = array<i32>} : memref<3x64x128xf32, #tpu.memory_space<vmem>>, vector<1x1x16xf32>,
      %parallel_loop3A_796 = vector.shape_cast %parallel_loop3A_795 : vector<1x1x16xf32> to vector<16xf32>
      %parallel_loop3A_797 = arith.constant 0 : i32
      %parallel_loop3A_798 = arith.index_cast %parallel_loop3A_797 : i32 to index
      %parallel_loop3A_799 = arith.index_cast %parallel_loop3A_760 : i32 to index
      %parallel_loop3A_800 = arith.constant 96 : index
      %parallel_loop3A_801 = tpu.vector_load %arg7[%parallel_loop3A_798, %parallel_loop3A_799, %parallel_loop3A_800] {strides = array<i32>} : memref<3x64x128xf32, #tpu.memory_space<vmem>>, vector<1x1x16xf32>,
      %parallel_loop3A_802 = vector.shape_cast %parallel_loop3A_801 : vector<1x1x16xf32> to vector<16xf32>
      %parallel_loop3A_803 = arith.constant 0 : i32
      %parallel_loop3A_804 = arith.index_cast %parallel_loop3A_803 : i32 to index
      %parallel_loop3A_805 = arith.index_cast %parallel_loop3A_760 : i32 to index
      %parallel_loop3A_806 = arith.constant 112 : index
      %parallel_loop3A_807 = tpu.vector_load %arg7[%parallel_loop3A_804, %parallel_loop3A_805, %parallel_loop3A_806] {strides = array<i32>} : memref<3x64x128xf32, #tpu.memory_space<vmem>>, vector<1x1x16xf32>,
      %parallel_loop3A_808 = vector.shape_cast %parallel_loop3A_807 : vector<1x1x16xf32> to vector<16xf32>
      %parallel_loop3A_809 = arith.constant 0 : i32
      %parallel_loop3A_810 = arith.constant 0 : i32
      %parallel_loop3A_811 = arith.index_cast %parallel_loop3A_809 : i32 to index
      %parallel_loop3A_812 = arith.index_cast %parallel_loop3A_810 : i32 to index
      %parallel_loop3A_813 = arith.index_cast %parallel_loop3A_760 : i32 to index
      %parallel_loop3A_814 = arith.constant 0 : index
      %parallel_loop3A_815 = tpu.vector_load %arg8[%parallel_loop3A_811, %parallel_loop3A_812, %parallel_loop3A_813, %parallel_loop3A_814] {strides = array<i32>} : memref<3x4x64x128xf32, #tpu.memory_space<vmem>>, vector<1x1x1x16xf32>,
      %parallel_loop3A_816 = vector.shape_cast %parallel_loop3A_815 : vector<1x1x1x16xf32> to vector<16xf32>
      %parallel_loop3A_817 = vector.shape_cast %parallel_loop3A_766 : vector<16xf32> to vector<1x1x1x16xf32>
      tpu.vector_store %arg8[%parallel_loop3A_811, %parallel_loop3A_812, %parallel_loop3A_813, %parallel_loop3A_814], %parallel_loop3A_817 {add = true, strides = array<i32>} : memref<3x4x64x128xf32, #tpu.memory_space<vmem>>, vector<1x1x1x16xf32>,
      %parallel_loop3A_818 = arith.constant 0 : i32
      %parallel_loop3A_819 = arith.constant 0 : i32
      %parallel_loop3A_820 = arith.index_cast %parallel_loop3A_818 : i32 to index
      %parallel_loop3A_821 = arith.index_cast %parallel_loop3A_819 : i32 to index
      %parallel_loop3A_822 = arith.index_cast %parallel_loop3A_760 : i32 to index
      %parallel_loop3A_823 = arith.constant 16 : index
      %parallel_loop3A_824 = tpu.vector_load %arg8[%parallel_loop3A_820, %parallel_loop3A_821, %parallel_loop3A_822, %parallel_loop3A_823] {strides = array<i32>} : memref<3x4x64x128xf32, #tpu.memory_space<vmem>>, vector<1x1x1x16xf32>,
      %parallel_loop3A_825 = vector.shape_cast %parallel_loop3A_824 : vector<1x1x1x16xf32> to vector<16xf32>
      %parallel_loop3A_826 = vector.shape_cast %parallel_loop3A_772 : vector<16xf32> to vector<1x1x1x16xf32>
      tpu.vector_store %arg8[%parallel_loop3A_820, %parallel_loop3A_821, %parallel_loop3A_822, %parallel_loop3A_823], %parallel_loop3A_826 {add = true, strides = array<i32>} : memref<3x4x64x128xf32, #tpu.memory_space<vmem>>, vector<1x1x1x16xf32>,
      %parallel_loop3A_827 = arith.constant 0 : i32
      %parallel_loop3A_828 = arith.constant 0 : i32
      %parallel_loop3A_829 = arith.index_cast %parallel_loop3A_827 : i32 to index
      %parallel_loop3A_830 = arith.index_cast %parallel_loop3A_828 : i32 to index
      %parallel_loop3A_831 = arith.index_cast %parallel_loop3A_760 : i32 to index
      %parallel_loop3A_832 = arith.constant 32 : index
      %parallel_loop3A_833 = tpu.vector_load %arg8[%parallel_loop3A_829, %parallel_loop3A_830, %parallel_loop3A_831, %parallel_loop3A_832] {strides = array<i32>} : memref<3x4x64x128xf32, #tpu.memory_space<vmem>>, vector<1x1x1x16xf32>,
      %parallel_loop3A_834 = vector.shape_cast %parallel_loop3A_833 : vector<1x1x1x16xf32> to vector<16xf32>
      %parallel_loop3A_835 = vector.shape_cast %parallel_loop3A_778 : vector<16xf32> to vector<1x1x1x16xf32>
      tpu.vector_store %arg8[%parallel_loop3A_829, %parallel_loop3A_830, %parallel_loop3A_831, %parallel_loop3A_832], %parallel_loop3A_835 {add = true, strides = array<i32>} : memref<3x4x64x128xf32, #tpu.memory_space<vmem>>, vector<1x1x1x16xf32>,
      %parallel_loop3A_836 = arith.constant 0 : i32
      %parallel_loop3A_837 = arith.constant 0 : i32
      %parallel_loop3A_838 = arith.index_cast %parallel_loop3A_836 : i32 to index
      %parallel_loop3A_839 = arith.index_cast %parallel_loop3A_837 : i32 to index
      %parallel_loop3A_840 = arith.index_cast %parallel_loop3A_760 : i32 to index
      %parallel_loop3A_841 = arith.constant 48 : index
      %parallel_loop3A_842 = tpu.vector_load %arg8[%parallel_loop3A_838, %parallel_loop3A_839, %parallel_loop3A_840, %parallel_loop3A_841] {strides = array<i32>} : memref<3x4x64x128xf32, #tpu.memory_space<vmem>>, vector<1x1x1x16xf32>,
      %parallel_loop3A_843 = vector.shape_cast %parallel_loop3A_842 : vector<1x1x1x16xf32> to vector<16xf32>
      %parallel_loop3A_844 = vector.shape_cast %parallel_loop3A_784 : vector<16xf32> to vector<1x1x1x16xf32>
      tpu.vector_store %arg8[%parallel_loop3A_838, %parallel_loop3A_839, %parallel_loop3A_840, %parallel_loop3A_841], %parallel_loop3A_844 {add = true, strides = array<i32>} : memref<3x4x64x128xf32, #tpu.memory_space<vmem>>, vector<1x1x1x16xf32>,
      %parallel_loop3A_845 = arith.constant 0 : i32
      %parallel_loop3A_846 = arith.constant 0 : i32
      %parallel_loop3A_847 = arith.index_cast %parallel_loop3A_845 : i32 to index
      %parallel_loop3A_848 = arith.index_cast %parallel_loop3A_846 : i32 to index
      %parallel_loop3A_849 = arith.index_cast %parallel_loop3A_760 : i32 to index
      %parallel_loop3A_850 = arith.constant 64 : index
      %parallel_loop3A_851 = tpu.vector_load %arg8[%parallel_loop3A_847, %parallel_loop3A_848, %parallel_loop3A_849, %parallel_loop3A_850] {strides = array<i32>} : memref<3x4x64x128xf32, #tpu.memory_space<vmem>>, vector<1x1x1x16xf32>,
      %parallel_loop3A_852 = vector.shape_cast %parallel_loop3A_851 : vector<1x1x1x16xf32> to vector<16xf32>
      %parallel_loop3A_853 = vector.shape_cast %parallel_loop3A_790 : vector<16xf32> to vector<1x1x1x16xf32>
      tpu.vector_store %arg8[%parallel_loop3A_847, %parallel_loop3A_848, %parallel_loop3A_849, %parallel_loop3A_850], %parallel_loop3A_853 {add = true, strides = array<i32>} : memref<3x4x64x128xf32, #tpu.memory_space<vmem>>, vector<1x1x1x16xf32>,
      %parallel_loop3A_854 = arith.constant 0 : i32
      %parallel_loop3A_855 = arith.constant 0 : i32
      %parallel_loop3A_856 = arith.index_cast %parallel_loop3A_854 : i32 to index
      %parallel_loop3A_857 = arith.index_cast %parallel_loop3A_855 : i32 to index
      %parallel_loop3A_858 = arith.index_cast %parallel_loop3A_760 : i32 to index
      %parallel_loop3A_859 = arith.constant 80 : index
      %parallel_loop3A_860 = tpu.vector_load %arg8[%parallel_loop3A_856, %parallel_loop3A_857, %parallel_loop3A_858, %parallel_loop3A_859] {strides = array<i32>} : memref<3x4x64x128xf32, #tpu.memory_space<vmem>>, vector<1x1x1x16xf32>,
      %parallel_loop3A_861 = vector.shape_cast %parallel_loop3A_860 : vector<1x1x1x16xf32> to vector<16xf32>
      %parallel_loop3A_862 = vector.shape_cast %parallel_loop3A_796 : vector<16xf32> to vector<1x1x1x16xf32>
      tpu.vector_store %arg8[%parallel_loop3A_856, %parallel_loop3A_857, %parallel_loop3A_858, %parallel_loop3A_859], %parallel_loop3A_862 {add = true, strides = array<i32>} : memref<3x4x64x128xf32, #tpu.memory_space<vmem>>, vector<1x1x1x16xf32>,
      %parallel_loop3A_863 = arith.constant 0 : i32
      %parallel_loop3A_864 = arith.constant 0 : i32
      %parallel_loop3A_865 = arith.index_cast %parallel_loop3A_863 : i32 to index
      %parallel_loop3A_866 = arith.index_cast %parallel_loop3A_864 : i32 to index
      %parallel_loop3A_867 = arith.index_cast %parallel_loop3A_760 : i32 to index
      %parallel_loop3A_868 = arith.constant 96 : index
      %parallel_loop3A_869 = tpu.vector_load %arg8[%parallel_loop3A_865, %parallel_loop3A_866, %parallel_loop3A_867, %parallel_loop3A_868] {strides = array<i32>} : memref<3x4x64x128xf32, #tpu.memory_space<vmem>>, vector<1x1x1x16xf32>,
      %parallel_loop3A_870 = vector.shape_cast %parallel_loop3A_869 : vector<1x1x1x16xf32> to vector<16xf32>
      %parallel_loop3A_871 = vector.shape_cast %parallel_loop3A_802 : vector<16xf32> to vector<1x1x1x16xf32>
      tpu.vector_store %arg8[%parallel_loop3A_865, %parallel_loop3A_866, %parallel_loop3A_867, %parallel_loop3A_868], %parallel_loop3A_871 {add = true, strides = array<i32>} : memref<3x4x64x128xf32, #tpu.memory_space<vmem>>, vector<1x1x1x16xf32>,
      %parallel_loop3A_872 = arith.constant 0 : i32
      %parallel_loop3A_873 = arith.constant 0 : i32
      %parallel_loop3A_874 = arith.index_cast %parallel_loop3A_872 : i32 to index
      %parallel_loop3A_875 = arith.index_cast %parallel_loop3A_873 : i32 to index
      %parallel_loop3A_876 = arith.index_cast %parallel_loop3A_760 : i32 to index
      %parallel_loop3A_877 = arith.constant 112 : index
      %parallel_loop3A_878 = tpu.vector_load %arg8[%parallel_loop3A_874, %parallel_loop3A_875, %parallel_loop3A_876, %parallel_loop3A_877] {strides = array<i32>} : memref<3x4x64x128xf32, #tpu.memory_space<vmem>>, vector<1x1x1x16xf32>,
      %parallel_loop3A_879 = vector.shape_cast %parallel_loop3A_878 : vector<1x1x1x16xf32> to vector<16xf32>
      %parallel_loop3A_880 = vector.shape_cast %parallel_loop3A_808 : vector<16xf32> to vector<1x1x1x16xf32>
      tpu.vector_store %arg8[%parallel_loop3A_874, %parallel_loop3A_875, %parallel_loop3A_876, %parallel_loop3A_877], %parallel_loop3A_880 {add = true, strides = array<i32>} : memref<3x4x64x128xf32, #tpu.memory_space<vmem>>, vector<1x1x1x16xf32>,
      %parallel_loop3A_881 = arith.constant 0 : i32
      %parallel_loop3A_882 = arith.constant 1 : i32
      %parallel_loop3A_883 = arith.index_cast %parallel_loop3A_881 : i32 to index
      %parallel_loop3A_884 = arith.index_cast %parallel_loop3A_882 : i32 to index
      %parallel_loop3A_885 = arith.index_cast %parallel_loop3A_760 : i32 to index
      %parallel_loop3A_886 = arith.constant 0 : index
      %parallel_loop3A_887 = tpu.vector_load %arg8[%parallel_loop3A_883, %parallel_loop3A_884, %parallel_loop3A_885, %parallel_loop3A_886] {strides = array<i32>} : memref<3x4x64x128xf32, #tpu.memory_space<vmem>>, vector<1x1x1x16xf32>,
      %parallel_loop3A_888 = vector.shape_cast %parallel_loop3A_887 : vector<1x1x1x16xf32> to vector<16xf32>
      %parallel_loop3A_889 = vector.shape_cast %parallel_loop3A_766 : vector<16xf32> to vector<1x1x1x16xf32>
      tpu.vector_store %arg8[%parallel_loop3A_883, %parallel_loop3A_884, %parallel_loop3A_885, %parallel_loop3A_886], %parallel_loop3A_889 {add = true, strides = array<i32>} : memref<3x4x64x128xf32, #tpu.memory_space<vmem>>, vector<1x1x1x16xf32>,
      %parallel_loop3A_890 = arith.constant 0 : i32
      %parallel_loop3A_891 = arith.constant 1 : i32
      %parallel_loop3A_892 = arith.index_cast %parallel_loop3A_890 : i32 to index
      %parallel_loop3A_893 = arith.index_cast %parallel_loop3A_891 : i32 to index
      %parallel_loop3A_894 = arith.index_cast %parallel_loop3A_760 : i32 to index
      %parallel_loop3A_895 = arith.constant 16 : index
      %parallel_loop3A_896 = tpu.vector_load %arg8[%parallel_loop3A_892, %parallel_loop3A_893, %parallel_loop3A_894, %parallel_loop3A_895] {strides = array<i32>} : memref<3x4x64x128xf32, #tpu.memory_space<vmem>>, vector<1x1x1x16xf32>,
      %parallel_loop3A_897 = vector.shape_cast %parallel_loop3A_896 : vector<1x1x1x16xf32> to vector<16xf32>
      %parallel_loop3A_898 = vector.shape_cast %parallel_loop3A_772 : vector<16xf32> to vector<1x1x1x16xf32>
      tpu.vector_store %arg8[%parallel_loop3A_892, %parallel_loop3A_893, %parallel_loop3A_894, %parallel_loop3A_895], %parallel_loop3A_898 {add = true, strides = array<i32>} : memref<3x4x64x128xf32, #tpu.memory_space<vmem>>, vector<1x1x1x16xf32>,
      %parallel_loop3A_899 = arith.constant 0 : i32
      %parallel_loop3A_900 = arith.constant 1 : i32
      %parallel_loop3A_901 = arith.index_cast %parallel_loop3A_899 : i32 to index
      %parallel_loop3A_902 = arith.index_cast %parallel_loop3A_900 : i32 to index
      %parallel_loop3A_903 = arith.index_cast %parallel_loop3A_760 : i32 to index
      %parallel_loop3A_904 = arith.constant 32 : index
      %parallel_loop3A_905 = tpu.vector_load %arg8[%parallel_loop3A_901, %parallel_loop3A_902, %parallel_loop3A_903, %parallel_loop3A_904] {strides = array<i32>} : memref<3x4x64x128xf32, #tpu.memory_space<vmem>>, vector<1x1x1x16xf32>,
      %parallel_loop3A_906 = vector.shape_cast %parallel_loop3A_905 : vector<1x1x1x16xf32> to vector<16xf32>
      %parallel_loop3A_907 = vector.shape_cast %parallel_loop3A_778 : vector<16xf32> to vector<1x1x1x16xf32>
      tpu.vector_store %arg8[%parallel_loop3A_901, %parallel_loop3A_902, %parallel_loop3A_903, %parallel_loop3A_904], %parallel_loop3A_907 {add = true, strides = array<i32>} : memref<3x4x64x128xf32, #tpu.memory_space<vmem>>, vector<1x1x1x16xf32>,
      %parallel_loop3A_908 = arith.constant 0 : i32
      %parallel_loop3A_909 = arith.constant 1 : i32
      %parallel_loop3A_910 = arith.index_cast %parallel_loop3A_908 : i32 to index
      %parallel_loop3A_911 = arith.index_cast %parallel_loop3A_909 : i32 to index
      %parallel_loop3A_912 = arith.index_cast %parallel_loop3A_760 : i32 to index
      %parallel_loop3A_913 = arith.constant 48 : index
      %parallel_loop3A_914 = tpu.vector_load %arg8[%parallel_loop3A_910, %parallel_loop3A_911, %parallel_loop3A_912, %parallel_loop3A_913] {strides = array<i32>} : memref<3x4x64x128xf32, #tpu.memory_space<vmem>>, vector<1x1x1x16xf32>,
      %parallel_loop3A_915 = vector.shape_cast %parallel_loop3A_914 : vector<1x1x1x16xf32> to vector<16xf32>
      %parallel_loop3A_916 = vector.shape_cast %parallel_loop3A_784 : vector<16xf32> to vector<1x1x1x16xf32>
      tpu.vector_store %arg8[%parallel_loop3A_910, %parallel_loop3A_911, %parallel_loop3A_912, %parallel_loop3A_913], %parallel_loop3A_916 {add = true, strides = array<i32>} : memref<3x4x64x128xf32, #tpu.memory_space<vmem>>, vector<1x1x1x16xf32>,
      %parallel_loop3A_917 = arith.constant 0 : i32
      %parallel_loop3A_918 = arith.constant 1 : i32
      %parallel_loop3A_919 = arith.index_cast %parallel_loop3A_917 : i32 to index
      %parallel_loop3A_920 = arith.index_cast %parallel_loop3A_918 : i32 to index
      %parallel_loop3A_921 = arith.index_cast %parallel_loop3A_760 : i32 to index
      %parallel_loop3A_922 = arith.constant 64 : index
      %parallel_loop3A_923 = tpu.vector_load %arg8[%parallel_loop3A_919, %parallel_loop3A_920, %parallel_loop3A_921, %parallel_loop3A_922] {strides = array<i32>} : memref<3x4x64x128xf32, #tpu.memory_space<vmem>>, vector<1x1x1x16xf32>,
      %parallel_loop3A_924 = vector.shape_cast %parallel_loop3A_923 : vector<1x1x1x16xf32> to vector<16xf32>
      %parallel_loop3A_925 = vector.shape_cast %parallel_loop3A_790 : vector<16xf32> to vector<1x1x1x16xf32>
      tpu.vector_store %arg8[%parallel_loop3A_919, %parallel_loop3A_920, %parallel_loop3A_921, %parallel_loop3A_922], %parallel_loop3A_925 {add = true, strides = array<i32>} : memref<3x4x64x128xf32, #tpu.memory_space<vmem>>, vector<1x1x1x16xf32>,
      %parallel_loop3A_926 = arith.constant 0 : i32
      %parallel_loop3A_927 = arith.constant 1 : i32
      %parallel_loop3A_928 = arith.index_cast %parallel_loop3A_926 : i32 to index
      %parallel_loop3A_929 = arith.index_cast %parallel_loop3A_927 : i32 to index
      %parallel_loop3A_930 = arith.index_cast %parallel_loop3A_760 : i32 to index
      %parallel_loop3A_931 = arith.constant 80 : index
      %parallel_loop3A_932 = tpu.vector_load %arg8[%parallel_loop3A_928, %parallel_loop3A_929, %parallel_loop3A_930, %parallel_loop3A_931] {strides = array<i32>} : memref<3x4x64x128xf32, #tpu.memory_space<vmem>>, vector<1x1x1x16xf32>,
      %parallel_loop3A_933 = vector.shape_cast %parallel_loop3A_932 : vector<1x1x1x16xf32> to vector<16xf32>
      %parallel_loop3A_934 = vector.shape_cast %parallel_loop3A_796 : vector<16xf32> to vector<1x1x1x16xf32>
      tpu.vector_store %arg8[%parallel_loop3A_928, %parallel_loop3A_929, %parallel_loop3A_930, %parallel_loop3A_931], %parallel_loop3A_934 {add = true, strides = array<i32>} : memref<3x4x64x128xf32, #tpu.memory_space<vmem>>, vector<1x1x1x16xf32>,
      %parallel_loop3A_935 = arith.constant 0 : i32
      %parallel_loop3A_936 = arith.constant 1 : i32
      %parallel_loop3A_937 = arith.index_cast %parallel_loop3A_935 : i32 to index
      %parallel_loop3A_938 = arith.index_cast %parallel_loop3A_936 : i32 to index
      %parallel_loop3A_939 = arith.index_cast %parallel_loop3A_760 : i32 to index
      %parallel_loop3A_940 = arith.constant 96 : index
      %parallel_loop3A_941 = tpu.vector_load %arg8[%parallel_loop3A_937, %parallel_loop3A_938, %parallel_loop3A_939, %parallel_loop3A_940] {strides = array<i32>} : memref<3x4x64x128xf32, #tpu.memory_space<vmem>>, vector<1x1x1x16xf32>,
      %parallel_loop3A_942 = vector.shape_cast %parallel_loop3A_941 : vector<1x1x1x16xf32> to vector<16xf32>
      %parallel_loop3A_943 = vector.shape_cast %parallel_loop3A_802 : vector<16xf32> to vector<1x1x1x16xf32>
      tpu.vector_store %arg8[%parallel_loop3A_937, %parallel_loop3A_938, %parallel_loop3A_939, %parallel_loop3A_940], %parallel_loop3A_943 {add = true, strides = array<i32>} : memref<3x4x64x128xf32, #tpu.memory_space<vmem>>, vector<1x1x1x16xf32>,
      %parallel_loop3A_944 = arith.constant 0 : i32
      %parallel_loop3A_945 = arith.constant 1 : i32
      %parallel_loop3A_946 = arith.index_cast %parallel_loop3A_944 : i32 to index
      %parallel_loop3A_947 = arith.index_cast %parallel_loop3A_945 : i32 to index
      %parallel_loop3A_948 = arith.index_cast %parallel_loop3A_760 : i32 to index
      %parallel_loop3A_949 = arith.constant 112 : index
      %parallel_loop3A_950 = tpu.vector_load %arg8[%parallel_loop3A_946, %parallel_loop3A_947, %parallel_loop3A_948, %parallel_loop3A_949] {strides = array<i32>} : memref<3x4x64x128xf32, #tpu.memory_space<vmem>>, vector<1x1x1x16xf32>,
      %parallel_loop3A_951 = vector.shape_cast %parallel_loop3A_950 : vector<1x1x1x16xf32> to vector<16xf32>
      %parallel_loop3A_952 = vector.shape_cast %parallel_loop3A_808 : vector<16xf32> to vector<1x1x1x16xf32>
      tpu.vector_store %arg8[%parallel_loop3A_946, %parallel_loop3A_947, %parallel_loop3A_948, %parallel_loop3A_949], %parallel_loop3A_952 {add = true, strides = array<i32>} : memref<3x4x64x128xf32, #tpu.memory_space<vmem>>, vector<1x1x1x16xf32>,
      %parallel_loop3A_953 = arith.constant 0 : i32
      %parallel_loop3A_954 = arith.constant 2 : i32
      %parallel_loop3A_955 = arith.index_cast %parallel_loop3A_953 : i32 to index
      %parallel_loop3A_956 = arith.index_cast %parallel_loop3A_954 : i32 to index
      %parallel_loop3A_957 = arith.index_cast %parallel_loop3A_760 : i32 to index
      %parallel_loop3A_958 = arith.constant 0 : index
      %parallel_loop3A_959 = tpu.vector_load %arg8[%parallel_loop3A_955, %parallel_loop3A_956, %parallel_loop3A_957, %parallel_loop3A_958] {strides = array<i32>} : memref<3x4x64x128xf32, #tpu.memory_space<vmem>>, vector<1x1x1x16xf32>,
      %parallel_loop3A_960 = vector.shape_cast %parallel_loop3A_959 : vector<1x1x1x16xf32> to vector<16xf32>
      %parallel_loop3A_961 = vector.shape_cast %parallel_loop3A_766 : vector<16xf32> to vector<1x1x1x16xf32>
      tpu.vector_store %arg8[%parallel_loop3A_955, %parallel_loop3A_956, %parallel_loop3A_957, %parallel_loop3A_958], %parallel_loop3A_961 {add = true, strides = array<i32>} : memref<3x4x64x128xf32, #tpu.memory_space<vmem>>, vector<1x1x1x16xf32>,
      %parallel_loop3A_962 = arith.constant 0 : i32
      %parallel_loop3A_963 = arith.constant 2 : i32
      %parallel_loop3A_964 = arith.index_cast %parallel_loop3A_962 : i32 to index
      %parallel_loop3A_965 = arith.index_cast %parallel_loop3A_963 : i32 to index
      %parallel_loop3A_966 = arith.index_cast %parallel_loop3A_760 : i32 to index
      %parallel_loop3A_967 = arith.constant 16 : index
      %parallel_loop3A_968 = tpu.vector_load %arg8[%parallel_loop3A_964, %parallel_loop3A_965, %parallel_loop3A_966, %parallel_loop3A_967] {strides = array<i32>} : memref<3x4x64x128xf32, #tpu.memory_space<vmem>>, vector<1x1x1x16xf32>,
      %parallel_loop3A_969 = vector.shape_cast %parallel_loop3A_968 : vector<1x1x1x16xf32> to vector<16xf32>
      %parallel_loop3A_970 = vector.shape_cast %parallel_loop3A_772 : vector<16xf32> to vector<1x1x1x16xf32>
      tpu.vector_store %arg8[%parallel_loop3A_964, %parallel_loop3A_965, %parallel_loop3A_966, %parallel_loop3A_967], %parallel_loop3A_970 {add = true, strides = array<i32>} : memref<3x4x64x128xf32, #tpu.memory_space<vmem>>, vector<1x1x1x16xf32>,
      %parallel_loop3A_971 = arith.constant 0 : i32
      %parallel_loop3A_972 = arith.constant 2 : i32
      %parallel_loop3A_973 = arith.index_cast %parallel_loop3A_971 : i32 to index
      %parallel_loop3A_974 = arith.index_cast %parallel_loop3A_972 : i32 to index
      %parallel_loop3A_975 = arith.index_cast %parallel_loop3A_760 : i32 to index
      %parallel_loop3A_976 = arith.constant 32 : index
      %parallel_loop3A_977 = tpu.vector_load %arg8[%parallel_loop3A_973, %parallel_loop3A_974, %parallel_loop3A_975, %parallel_loop3A_976] {strides = array<i32>} : memref<3x4x64x128xf32, #tpu.memory_space<vmem>>, vector<1x1x1x16xf32>,
      %parallel_loop3A_978 = vector.shape_cast %parallel_loop3A_977 : vector<1x1x1x16xf32> to vector<16xf32>
      %parallel_loop3A_979 = vector.shape_cast %parallel_loop3A_778 : vector<16xf32> to vector<1x1x1x16xf32>
      tpu.vector_store %arg8[%parallel_loop3A_973, %parallel_loop3A_974, %parallel_loop3A_975, %parallel_loop3A_976], %parallel_loop3A_979 {add = true, strides = array<i32>} : memref<3x4x64x128xf32, #tpu.memory_space<vmem>>, vector<1x1x1x16xf32>,
      %parallel_loop3A_980 = arith.constant 0 : i32
      %parallel_loop3A_981 = arith.constant 2 : i32
      %parallel_loop3A_982 = arith.index_cast %parallel_loop3A_980 : i32 to index
      %parallel_loop3A_983 = arith.index_cast %parallel_loop3A_981 : i32 to index
      %parallel_loop3A_984 = arith.index_cast %parallel_loop3A_760 : i32 to index
      %parallel_loop3A_985 = arith.constant 48 : index
      %parallel_loop3A_986 = tpu.vector_load %arg8[%parallel_loop3A_982, %parallel_loop3A_983, %parallel_loop3A_984, %parallel_loop3A_985] {strides = array<i32>} : memref<3x4x64x128xf32, #tpu.memory_space<vmem>>, vector<1x1x1x16xf32>,
      %parallel_loop3A_987 = vector.shape_cast %parallel_loop3A_986 : vector<1x1x1x16xf32> to vector<16xf32>
      %parallel_loop3A_988 = vector.shape_cast %parallel_loop3A_784 : vector<16xf32> to vector<1x1x1x16xf32>
      tpu.vector_store %arg8[%parallel_loop3A_982, %parallel_loop3A_983, %parallel_loop3A_984, %parallel_loop3A_985], %parallel_loop3A_988 {add = true, strides = array<i32>} : memref<3x4x64x128xf32, #tpu.memory_space<vmem>>, vector<1x1x1x16xf32>,
      %parallel_loop3A_989 = arith.constant 0 : i32
      %parallel_loop3A_990 = arith.constant 2 : i32
      %parallel_loop3A_991 = arith.index_cast %parallel_loop3A_989 : i32 to index
      %parallel_loop3A_992 = arith.index_cast %parallel_loop3A_990 : i32 to index
      %parallel_loop3A_993 = arith.index_cast %parallel_loop3A_760 : i32 to index
      %parallel_loop3A_994 = arith.constant 64 : index
      %parallel_loop3A_995 = tpu.vector_load %arg8[%parallel_loop3A_991, %parallel_loop3A_992, %parallel_loop3A_993, %parallel_loop3A_994] {strides = array<i32>} : memref<3x4x64x128xf32, #tpu.memory_space<vmem>>, vector<1x1x1x16xf32>,
      %parallel_loop3A_996 = vector.shape_cast %parallel_loop3A_995 : vector<1x1x1x16xf32> to vector<16xf32>
      %parallel_loop3A_997 = vector.shape_cast %parallel_loop3A_790 : vector<16xf32> to vector<1x1x1x16xf32>
      tpu.vector_store %arg8[%parallel_loop3A_991, %parallel_loop3A_992, %parallel_loop3A_993, %parallel_loop3A_994], %parallel_loop3A_997 {add = true, strides = array<i32>} : memref<3x4x64x128xf32, #tpu.memory_space<vmem>>, vector<1x1x1x16xf32>,
      %parallel_loop3A_998 = arith.constant 0 : i32
      %parallel_loop3A_999 = arith.constant 2 : i32
      %parallel_loop3A_1000 = arith.index_cast %parallel_loop3A_998 : i32 to index
      %parallel_loop3A_1001 = arith.index_cast %parallel_loop3A_999 : i32 to index
      %parallel_loop3A_1002 = arith.index_cast %parallel_loop3A_760 : i32 to index
      %parallel_loop3A_1003 = arith.constant 80 : index
      %parallel_loop3A_1004 = tpu.vector_load %arg8[%parallel_loop3A_1000, %parallel_loop3A_1001, %parallel_loop3A_1002, %parallel_loop3A_1003] {strides = array<i32>} : memref<3x4x64x128xf32, #tpu.memory_space<vmem>>, vector<1x1x1x16xf32>,
      %parallel_loop3A_1005 = vector.shape_cast %parallel_loop3A_1004 : vector<1x1x1x16xf32> to vector<16xf32>
      %parallel_loop3A_1006 = vector.shape_cast %parallel_loop3A_796 : vector<16xf32> to vector<1x1x1x16xf32>
      tpu.vector_store %arg8[%parallel_loop3A_1000, %parallel_loop3A_1001, %parallel_loop3A_1002, %parallel_loop3A_1003], %parallel_loop3A_1006 {add = true, strides = array<i32>} : memref<3x4x64x128xf32, #tpu.memory_space<vmem>>, vector<1x1x1x16xf32>,
      %parallel_loop3A_1007 = arith.constant 0 : i32
      %parallel_loop3A_1008 = arith.constant 2 : i32
      %parallel_loop3A_1009 = arith.index_cast %parallel_loop3A_1007 : i32 to index
      %parallel_loop3A_1010 = arith.index_cast %parallel_loop3A_1008 : i32 to index
      %parallel_loop3A_1011 = arith.index_cast %parallel_loop3A_760 : i32 to index
      %parallel_loop3A_1012 = arith.constant 96 : index
      %parallel_loop3A_1013 = tpu.vector_load %arg8[%parallel_loop3A_1009, %parallel_loop3A_1010, %parallel_loop3A_1011, %parallel_loop3A_1012] {strides = array<i32>} : memref<3x4x64x128xf32, #tpu.memory_space<vmem>>, vector<1x1x1x16xf32>,
      %parallel_loop3A_1014 = vector.shape_cast %parallel_loop3A_1013 : vector<1x1x1x16xf32> to vector<16xf32>
      %parallel_loop3A_1015 = vector.shape_cast %parallel_loop3A_802 : vector<16xf32> to vector<1x1x1x16xf32>
      tpu.vector_store %arg8[%parallel_loop3A_1009, %parallel_loop3A_1010, %parallel_loop3A_1011, %parallel_loop3A_1012], %parallel_loop3A_1015 {add = true, strides = array<i32>} : memref<3x4x64x128xf32, #tpu.memory_space<vmem>>, vector<1x1x1x16xf32>,
      %parallel_loop3A_1016 = arith.constant 0 : i32
      %parallel_loop3A_1017 = arith.constant 2 : i32
      %parallel_loop3A_1018 = arith.index_cast %parallel_loop3A_1016 : i32 to index
      %parallel_loop3A_1019 = arith.index_cast %parallel_loop3A_1017 : i32 to index
      %parallel_loop3A_1020 = arith.index_cast %parallel_loop3A_760 : i32 to index
      %parallel_loop3A_1021 = arith.constant 112 : index
      %parallel_loop3A_1022 = tpu.vector_load %arg8[%parallel_loop3A_1018, %parallel_loop3A_1019, %parallel_loop3A_1020, %parallel_loop3A_1021] {strides = array<i32>} : memref<3x4x64x128xf32, #tpu.memory_space<vmem>>, vector<1x1x1x16xf32>,
      %parallel_loop3A_1023 = vector.shape_cast %parallel_loop3A_1022 : vector<1x1x1x16xf32> to vector<16xf32>
      %parallel_loop3A_1024 = vector.shape_cast %parallel_loop3A_808 : vector<16xf32> to vector<1x1x1x16xf32>
      tpu.vector_store %arg8[%parallel_loop3A_1018, %parallel_loop3A_1019, %parallel_loop3A_1020, %parallel_loop3A_1021], %parallel_loop3A_1024 {add = true, strides = array<i32>} : memref<3x4x64x128xf32, #tpu.memory_space<vmem>>, vector<1x1x1x16xf32>,
      %parallel_loop3A_1025 = arith.constant 0 : i32
      %parallel_loop3A_1026 = arith.constant 3 : i32
      %parallel_loop3A_1027 = arith.index_cast %parallel_loop3A_1025 : i32 to index
      %parallel_loop3A_1028 = arith.index_cast %parallel_loop3A_1026 : i32 to index
      %parallel_loop3A_1029 = arith.index_cast %parallel_loop3A_760 : i32 to index
      %parallel_loop3A_1030 = arith.constant 0 : index
      %parallel_loop3A_1031 = tpu.vector_load %arg8[%parallel_loop3A_1027, %parallel_loop3A_1028, %parallel_loop3A_1029, %parallel_loop3A_1030] {strides = array<i32>} : memref<3x4x64x128xf32, #tpu.memory_space<vmem>>, vector<1x1x1x16xf32>,
      %parallel_loop3A_1032 = vector.shape_cast %parallel_loop3A_1031 : vector<1x1x1x16xf32> to vector<16xf32>
      %parallel_loop3A_1033 = vector.shape_cast %parallel_loop3A_766 : vector<16xf32> to vector<1x1x1x16xf32>
      tpu.vector_store %arg8[%parallel_loop3A_1027, %parallel_loop3A_1028, %parallel_loop3A_1029, %parallel_loop3A_1030], %parallel_loop3A_1033 {add = true, strides = array<i32>} : memref<3x4x64x128xf32, #tpu.memory_space<vmem>>, vector<1x1x1x16xf32>,
      %parallel_loop3A_1034 = arith.constant 0 : i32
      %parallel_loop3A_1035 = arith.constant 3 : i32
      %parallel_loop3A_1036 = arith.index_cast %parallel_loop3A_1034 : i32 to index
      %parallel_loop3A_1037 = arith.index_cast %parallel_loop3A_1035 : i32 to index
      %parallel_loop3A_1038 = arith.index_cast %parallel_loop3A_760 : i32 to index
      %parallel_loop3A_1039 = arith.constant 16 : index
      %parallel_loop3A_1040 = tpu.vector_load %arg8[%parallel_loop3A_1036, %parallel_loop3A_1037, %parallel_loop3A_1038, %parallel_loop3A_1039] {strides = array<i32>} : memref<3x4x64x128xf32, #tpu.memory_space<vmem>>, vector<1x1x1x16xf32>,
      %parallel_loop3A_1041 = vector.shape_cast %parallel_loop3A_1040 : vector<1x1x1x16xf32> to vector<16xf32>
      %parallel_loop3A_1042 = vector.shape_cast %parallel_loop3A_772 : vector<16xf32> to vector<1x1x1x16xf32>
      tpu.vector_store %arg8[%parallel_loop3A_1036, %parallel_loop3A_1037, %parallel_loop3A_1038, %parallel_loop3A_1039], %parallel_loop3A_1042 {add = true, strides = array<i32>} : memref<3x4x64x128xf32, #tpu.memory_space<vmem>>, vector<1x1x1x16xf32>,
      %parallel_loop3A_1043 = arith.constant 0 : i32
      %parallel_loop3A_1044 = arith.constant 3 : i32
      %parallel_loop3A_1045 = arith.index_cast %parallel_loop3A_1043 : i32 to index
      %parallel_loop3A_1046 = arith.index_cast %parallel_loop3A_1044 : i32 to index
      %parallel_loop3A_1047 = arith.index_cast %parallel_loop3A_760 : i32 to index
      %parallel_loop3A_1048 = arith.constant 32 : index
      %parallel_loop3A_1049 = tpu.vector_load %arg8[%parallel_loop3A_1045, %parallel_loop3A_1046, %parallel_loop3A_1047, %parallel_loop3A_1048] {strides = array<i32>} : memref<3x4x64x128xf32, #tpu.memory_space<vmem>>, vector<1x1x1x16xf32>,
      %parallel_loop3A_1050 = vector.shape_cast %parallel_loop3A_1049 : vector<1x1x1x16xf32> to vector<16xf32>
      %parallel_loop3A_1051 = vector.shape_cast %parallel_loop3A_778 : vector<16xf32> to vector<1x1x1x16xf32>
      tpu.vector_store %arg8[%parallel_loop3A_1045, %parallel_loop3A_1046, %parallel_loop3A_1047, %parallel_loop3A_1048], %parallel_loop3A_1051 {add = true, strides = array<i32>} : memref<3x4x64x128xf32, #tpu.memory_space<vmem>>, vector<1x1x1x16xf32>,
      %parallel_loop3A_1052 = arith.constant 0 : i32
      %parallel_loop3A_1053 = arith.constant 3 : i32
      %parallel_loop3A_1054 = arith.index_cast %parallel_loop3A_1052 : i32 to index
      %parallel_loop3A_1055 = arith.index_cast %parallel_loop3A_1053 : i32 to index
      %parallel_loop3A_1056 = arith.index_cast %parallel_loop3A_760 : i32 to index
      %parallel_loop3A_1057 = arith.constant 48 : index
      %parallel_loop3A_1058 = tpu.vector_load %arg8[%parallel_loop3A_1054, %parallel_loop3A_1055, %parallel_loop3A_1056, %parallel_loop3A_1057] {strides = array<i32>} : memref<3x4x64x128xf32, #tpu.memory_space<vmem>>, vector<1x1x1x16xf32>,
      %parallel_loop3A_1059 = vector.shape_cast %parallel_loop3A_1058 : vector<1x1x1x16xf32> to vector<16xf32>
      %parallel_loop3A_1060 = vector.shape_cast %parallel_loop3A_784 : vector<16xf32> to vector<1x1x1x16xf32>
      tpu.vector_store %arg8[%parallel_loop3A_1054, %parallel_loop3A_1055, %parallel_loop3A_1056, %parallel_loop3A_1057], %parallel_loop3A_1060 {add = true, strides = array<i32>} : memref<3x4x64x128xf32, #tpu.memory_space<vmem>>, vector<1x1x1x16xf32>,
      %parallel_loop3A_1061 = arith.constant 0 : i32
      %parallel_loop3A_1062 = arith.constant 3 : i32
      %parallel_loop3A_1063 = arith.index_cast %parallel_loop3A_1061 : i32 to index
      %parallel_loop3A_1064 = arith.index_cast %parallel_loop3A_1062 : i32 to index
      %parallel_loop3A_1065 = arith.index_cast %parallel_loop3A_760 : i32 to index
      %parallel_loop3A_1066 = arith.constant 64 : index
      %parallel_loop3A_1067 = tpu.vector_load %arg8[%parallel_loop3A_1063, %parallel_loop3A_1064, %parallel_loop3A_1065, %parallel_loop3A_1066] {strides = array<i32>} : memref<3x4x64x128xf32, #tpu.memory_space<vmem>>, vector<1x1x1x16xf32>,
      %parallel_loop3A_1068 = vector.shape_cast %parallel_loop3A_1067 : vector<1x1x1x16xf32> to vector<16xf32>
      %parallel_loop3A_1069 = vector.shape_cast %parallel_loop3A_790 : vector<16xf32> to vector<1x1x1x16xf32>
      tpu.vector_store %arg8[%parallel_loop3A_1063, %parallel_loop3A_1064, %parallel_loop3A_1065, %parallel_loop3A_1066], %parallel_loop3A_1069 {add = true, strides = array<i32>} : memref<3x4x64x128xf32, #tpu.memory_space<vmem>>, vector<1x1x1x16xf32>,
      %parallel_loop3A_1070 = arith.constant 0 : i32
      %parallel_loop3A_1071 = arith.constant 3 : i32
      %parallel_loop3A_1072 = arith.index_cast %parallel_loop3A_1070 : i32 to index
      %parallel_loop3A_1073 = arith.index_cast %parallel_loop3A_1071 : i32 to index
      %parallel_loop3A_1074 = arith.index_cast %parallel_loop3A_760 : i32 to index
      %parallel_loop3A_1075 = arith.constant 80 : index
      %parallel_loop3A_1076 = tpu.vector_load %arg8[%parallel_loop3A_1072, %parallel_loop3A_1073, %parallel_loop3A_1074, %parallel_loop3A_1075] {strides = array<i32>} : memref<3x4x64x128xf32, #tpu.memory_space<vmem>>, vector<1x1x1x16xf32>,
      %parallel_loop3A_1077 = vector.shape_cast %parallel_loop3A_1076 : vector<1x1x1x16xf32> to vector<16xf32>
      %parallel_loop3A_1078 = vector.shape_cast %parallel_loop3A_796 : vector<16xf32> to vector<1x1x1x16xf32>
      tpu.vector_store %arg8[%parallel_loop3A_1072, %parallel_loop3A_1073, %parallel_loop3A_1074, %parallel_loop3A_1075], %parallel_loop3A_1078 {add = true, strides = array<i32>} : memref<3x4x64x128xf32, #tpu.memory_space<vmem>>, vector<1x1x1x16xf32>,
      %parallel_loop3A_1079 = arith.constant 0 : i32
      %parallel_loop3A_1080 = arith.constant 3 : i32
      %parallel_loop3A_1081 = arith.index_cast %parallel_loop3A_1079 : i32 to index
      %parallel_loop3A_1082 = arith.index_cast %parallel_loop3A_1080 : i32 to index
      %parallel_loop3A_1083 = arith.index_cast %parallel_loop3A_760 : i32 to index
      %parallel_loop3A_1084 = arith.constant 96 : index
      %parallel_loop3A_1085 = tpu.vector_load %arg8[%parallel_loop3A_1081, %parallel_loop3A_1082, %parallel_loop3A_1083, %parallel_loop3A_1084] {strides = array<i32>} : memref<3x4x64x128xf32, #tpu.memory_space<vmem>>, vector<1x1x1x16xf32>,
      %parallel_loop3A_1086 = vector.shape_cast %parallel_loop3A_1085 : vector<1x1x1x16xf32> to vector<16xf32>
      %parallel_loop3A_1087 = vector.shape_cast %parallel_loop3A_802 : vector<16xf32> to vector<1x1x1x16xf32>
      tpu.vector_store %arg8[%parallel_loop3A_1081, %parallel_loop3A_1082, %parallel_loop3A_1083, %parallel_loop3A_1084], %parallel_loop3A_1087 {add = true, strides = array<i32>} : memref<3x4x64x128xf32, #tpu.memory_space<vmem>>, vector<1x1x1x16xf32>,
      %parallel_loop3A_1088 = arith.constant 0 : i32
      %parallel_loop3A_1089 = arith.constant 3 : i32
      %parallel_loop3A_1090 = arith.index_cast %parallel_loop3A_1088 : i32 to index
      %parallel_loop3A_1091 = arith.index_cast %parallel_loop3A_1089 : i32 to index
      %parallel_loop3A_1092 = arith.index_cast %parallel_loop3A_760 : i32 to index
      %parallel_loop3A_1093 = arith.constant 112 : index
      %parallel_loop3A_1094 = tpu.vector_load %arg8[%parallel_loop3A_1090, %parallel_loop3A_1091, %parallel_loop3A_1092, %parallel_loop3A_1093] {strides = array<i32>} : memref<3x4x64x128xf32, #tpu.memory_space<vmem>>, vector<1x1x1x16xf32>,
      %parallel_loop3A_1095 = vector.shape_cast %parallel_loop3A_1094 : vector<1x1x1x16xf32> to vector<16xf32>
      %parallel_loop3A_1096 = vector.shape_cast %parallel_loop3A_808 : vector<16xf32> to vector<1x1x1x16xf32>
      tpu.vector_store %arg8[%parallel_loop3A_1090, %parallel_loop3A_1091, %parallel_loop3A_1092, %parallel_loop3A_1093], %parallel_loop3A_1096 {add = true, strides = array<i32>} : memref<3x4x64x128xf32, #tpu.memory_space<vmem>>, vector<1x1x1x16xf32>,
    } {sc.loop_unroll_factor = 1 : i64, sc.parallel_access}
    %add3A_356 = arith.constant 192 : i32
    %add3A_357 = arith.addi %mul3A_2, %add3A_356 : i32
    %dma_start3A_358 = arith.constant 0 : i32
    %dma_start3A_359 = arith.constant 0 : i32
    %dma_start3A_360 = arith.constant 0 : i32
    %dma_start3A_361 = arith.constant 0 : i32
    %dma_start3A_362 = tpu.memref_slice %arg8[%dma_start3A_358, %dma_start3A_359, %dma_start3A_360, %dma_start3A_361] : memref<3x4x64x128xf32, #tpu.memory_space<vmem>> -> memref<1x4x64x128xf32, #tpu.memory_space<vmem>>
    %dma_start3A_363 = tpu.memref_squeeze %dma_start3A_362 : memref<1x4x64x128xf32, #tpu.memory_space<vmem>> -> memref<4x64x128xf32, #tpu.memory_space<vmem>>
    %dma_start3A_364 = arith.constant 0 : i32
    %dma_start3A_365 = arith.constant 0 : i32
    %dma_start3A_366 = tpu.memref_slice %arg5[%dma_start3A_364, %add3A_357, %dma_start3A_365] : memref<4x16384x128xf32, #tpu.memory_space<hbm>> -> memref<4x64x128xf32, #tpu.memory_space<hbm>>
    %dma_start3A_367 = arith.constant 0 : i32
    %dma_start3A_368 = arith.constant 0 : i32
    %dma_start3A_369 = tpu.memref_slice %arg5[%dma_start3A_367, %add3A_357, %dma_start3A_368] : memref<4x16384x128xf32, #tpu.memory_space<hbm>> -> memref<4x64x128xf32, #tpu.memory_space<hbm>>
    %dma_start3A_370 = arith.constant 0 : i32
    %dma_start3A_371 = arith.constant 0 : i32
    %dma_start3A_372 = arith.constant 0 : i32
    %dma_start3A_373 = tpu.memref_slice %arg8[%dma_start3A_358, %dma_start3A_370, %dma_start3A_371, %dma_start3A_372] : memref<3x4x64x128xf32, #tpu.memory_space<vmem>> -> memref<1x4x64x128xf32, #tpu.memory_space<vmem>>
    %dma_start3A_374 = tpu.memref_squeeze %dma_start3A_373 : memref<1x4x64x128xf32, #tpu.memory_space<vmem>> -> memref<4x64x128xf32, #tpu.memory_space<vmem>>
    tpu.enqueue_dma source(%dma_start3A_374 : memref<4x64x128xf32, #tpu.memory_space<vmem>>) target(%dma_start3A_369 : memref<4x64x128xf32, #tpu.memory_space<hbm>>) target_semaphore(%arg11 : memref<!tpu.dma_semaphore, #tpu.memory_space<semaphore_mem>>)
    %dma_wait3A_375 = arith.constant 2 : i32
    %dma_wait3A_376 = arith.constant 0 : i32
    %dma_wait3A_377 = arith.constant 0 : i32
    %dma_wait3A_378 = arith.constant 0 : i32
    %dma_wait3A_379 = tpu.memref_slice %arg8[%dma_wait3A_375, %dma_wait3A_376, %dma_wait3A_377, %dma_wait3A_378] : memref<3x4x64x128xf32, #tpu.memory_space<vmem>> -> memref<1x4x64x128xf32, #tpu.memory_space<vmem>>
    %dma_wait3A_380 = tpu.memref_squeeze %dma_wait3A_379 : memref<1x4x64x128xf32, #tpu.memory_space<vmem>> -> memref<4x64x128xf32, #tpu.memory_space<vmem>>
    %dma_wait3A_381 = arith.constant 0 : i32
    %dma_wait3A_382 = arith.constant 0 : i32
    %dma_wait3A_383 = tpu.memref_slice %arg5[%dma_wait3A_381, %add3A_262, %dma_wait3A_382] : memref<4x16384x128xf32, #tpu.memory_space<hbm>> -> memref<4x64x128xf32, #tpu.memory_space<hbm>>
    %dma_wait3A_384 = arith.constant 0 : i32
    %dma_wait3A_385 = arith.constant 0 : i32
    %dma_wait3A_386 = tpu.memref_slice %arg5[%dma_wait3A_384, %add3A_262, %dma_wait3A_385] : memref<4x16384x128xf32, #tpu.memory_space<hbm>> -> memref<4x64x128xf32, #tpu.memory_space<hbm>>
    %dma_wait3A_387 = arith.constant 0 : i32
    %dma_wait3A_388 = arith.constant 0 : i32
    %dma_wait3A_389 = arith.constant 0 : i32
    %dma_wait3A_390 = tpu.memref_slice %arg8[%dma_wait3A_375, %dma_wait3A_387, %dma_wait3A_388, %dma_wait3A_389] : memref<3x4x64x128xf32, #tpu.memory_space<vmem>> -> memref<1x4x64x128xf32, #tpu.memory_space<vmem>>
    %dma_wait3A_391 = tpu.memref_squeeze %dma_wait3A_390 : memref<1x4x64x128xf32, #tpu.memory_space<vmem>> -> memref<4x64x128xf32, #tpu.memory_space<vmem>>
    tpu.wait_dma2 semaphore(%arg11 : memref<!tpu.dma_semaphore, #tpu.memory_space<semaphore_mem>>) src(%dma_wait3A_391 : memref<4x64x128xf32, #tpu.memory_space<vmem>>) dst(%dma_wait3A_386 : memref<4x64x128xf32, #tpu.memory_space<hbm>>)
    %dma_start3A_392 = arith.constant 2 : i32
    %dma_start3A_393 = arith.constant 0 : i32
    %dma_start3A_394 = arith.constant 0 : i32
    %dma_start3A_395 = tpu.memref_slice %arg7[%dma_start3A_392, %dma_start3A_393, %dma_start3A_394] : memref<3x64x128xf32, #tpu.memory_space<vmem>> -> memref<1x64x128xf32, #tpu.memory_space<vmem>>
    %dma_start3A_396 = tpu.memref_squeeze %dma_start3A_395 : memref<1x64x128xf32, #tpu.memory_space<vmem>> -> memref<64x128xf32, #tpu.memory_space<vmem>>
    %dma_start3A_397 = arith.constant 320 : i32
    %dma_start3A_398 = tpu.memref_slice %arg6[%dma_start3A_397] : memref<512xi32, #tpu.memory_space<vmem>> -> memref<64xi32, #tpu.memory_space<vmem>>
    %dma_start3A_399 = arith.constant 0 : i32
    %dma_start3A_400 = arith.constant 0 : i32
    %dma_start3A_401 = tpu.memref_slice %arg3[%dma_start3A_399, %dma_start3A_400] : memref<16384x128xf32, #tpu.memory_space<hbm>> -> memref<16384x128xf32, #tpu.memory_space<hbm>>
    tpu.enqueue_indirect_dma source(%dma_start3A_401 : memref<16384x128xf32, #tpu.memory_space<hbm>>) target(%dma_start3A_396 : memref<64x128xf32, #tpu.memory_space<vmem>>) offsets(%dma_start3A_398 : memref<64xi32, #tpu.memory_space<vmem>>) semaphore(%arg9 : memref<!tpu.dma_semaphore, #tpu.memory_space<semaphore_mem>>)
    %add3A_402 = arith.constant 320 : i32
    %add3A_403 = arith.addi %mul3A_2, %add3A_402 : i32
    %dma_start3A_404 = arith.constant 2 : i32
    %dma_start3A_405 = arith.constant 0 : i32
    %dma_start3A_406 = arith.constant 0 : i32
    %dma_start3A_407 = arith.constant 0 : i32
    %dma_start3A_408 = tpu.memref_slice %arg8[%dma_start3A_404, %dma_start3A_405, %dma_start3A_406, %dma_start3A_407] : memref<3x4x64x128xf32, #tpu.memory_space<vmem>> -> memref<1x4x64x128xf32, #tpu.memory_space<vmem>>
    %dma_start3A_409 = tpu.memref_squeeze %dma_start3A_408 : memref<1x4x64x128xf32, #tpu.memory_space<vmem>> -> memref<4x64x128xf32, #tpu.memory_space<vmem>>
    %dma_start3A_410 = arith.constant 0 : i32
    %dma_start3A_411 = arith.constant 0 : i32
    %dma_start3A_412 = tpu.memref_slice %arg2[%dma_start3A_410, %add3A_403, %dma_start3A_411] : memref<4x16384x128xf32, #tpu.memory_space<hbm>> -> memref<4x64x128xf32, #tpu.memory_space<hbm>>
    %dma_start3A_413 = arith.constant 0 : i32
    %dma_start3A_414 = arith.constant 0 : i32
    %dma_start3A_415 = arith.constant 0 : i32
    %dma_start3A_416 = tpu.memref_slice %arg8[%dma_start3A_404, %dma_start3A_413, %dma_start3A_414, %dma_start3A_415] : memref<3x4x64x128xf32, #tpu.memory_space<vmem>> -> memref<1x4x64x128xf32, #tpu.memory_space<vmem>>
    %dma_start3A_417 = tpu.memref_squeeze %dma_start3A_416 : memref<1x4x64x128xf32, #tpu.memory_space<vmem>> -> memref<4x64x128xf32, #tpu.memory_space<vmem>>
    %dma_start3A_418 = arith.constant 0 : i32
    %dma_start3A_419 = arith.constant 0 : i32
    %dma_start3A_420 = tpu.memref_slice %arg2[%dma_start3A_418, %add3A_403, %dma_start3A_419] : memref<4x16384x128xf32, #tpu.memory_space<hbm>> -> memref<4x64x128xf32, #tpu.memory_space<hbm>>
    tpu.enqueue_dma source(%dma_start3A_420 : memref<4x64x128xf32, #tpu.memory_space<hbm>>) target(%dma_start3A_417 : memref<4x64x128xf32, #tpu.memory_space<vmem>>) target_semaphore(%arg10 : memref<!tpu.dma_semaphore, #tpu.memory_space<semaphore_mem>>)
    %dma_wait3A_421 = arith.constant 1 : i32
    %dma_wait3A_422 = arith.constant 0 : i32
    %dma_wait3A_423 = arith.constant 0 : i32
    %dma_wait3A_424 = tpu.memref_slice %arg7[%dma_wait3A_421, %dma_wait3A_422, %dma_wait3A_423] : memref<3x64x128xf32, #tpu.memory_space<vmem>> -> memref<1x64x128xf32, #tpu.memory_space<vmem>>
    %dma_wait3A_425 = tpu.memref_squeeze %dma_wait3A_424 : memref<1x64x128xf32, #tpu.memory_space<vmem>> -> memref<64x128xf32, #tpu.memory_space<vmem>>
    %dma_wait3A_426 = arith.constant 256 : i32
    %dma_wait3A_427 = tpu.memref_slice %arg6[%dma_wait3A_426] : memref<512xi32, #tpu.memory_space<vmem>> -> memref<64xi32, #tpu.memory_space<vmem>>
    %dma_wait3A_428 = arith.constant 0 : i32
    %dma_wait3A_429 = arith.constant 0 : i32
    %dma_wait3A_430 = tpu.memref_slice %arg3[%dma_wait3A_428, %dma_wait3A_429] : memref<16384x128xf32, #tpu.memory_space<hbm>> -> memref<16384x128xf32, #tpu.memory_space<hbm>>
    tpu.wait_indirect_dma semaphore(%arg9 : memref<!tpu.dma_semaphore, #tpu.memory_space<semaphore_mem>>) src(%dma_wait3A_430 : memref<16384x128xf32, #tpu.memory_space<hbm>>) dst(%dma_wait3A_425 : memref<64x128xf32, #tpu.memory_space<vmem>>)
    %dma_wait3A_431 = arith.constant 1 : i32
    %dma_wait3A_432 = arith.constant 0 : i32
    %dma_wait3A_433 = arith.constant 0 : i32
    %dma_wait3A_434 = arith.constant 0 : i32
    %dma_wait3A_435 = tpu.memref_slice %arg8[%dma_wait3A_431, %dma_wait3A_432, %dma_wait3A_433, %dma_wait3A_434] : memref<3x4x64x128xf32, #tpu.memory_space<vmem>> -> memref<1x4x64x128xf32, #tpu.memory_space<vmem>>
    %dma_wait3A_436 = tpu.memref_squeeze %dma_wait3A_435 : memref<1x4x64x128xf32, #tpu.memory_space<vmem>> -> memref<4x64x128xf32, #tpu.memory_space<vmem>>
    %dma_wait3A_437 = arith.constant 0 : i32
    %dma_wait3A_438 = arith.constant 0 : i32
    %dma_wait3A_439 = tpu.memref_slice %arg2[%dma_wait3A_437, %add3A_308, %dma_wait3A_438] : memref<4x16384x128xf32, #tpu.memory_space<hbm>> -> memref<4x64x128xf32, #tpu.memory_space<hbm>>
    %dma_wait3A_440 = arith.constant 0 : i32
    %dma_wait3A_441 = arith.constant 0 : i32
    %dma_wait3A_442 = arith.constant 0 : i32
    %dma_wait3A_443 = tpu.memref_slice %arg8[%dma_wait3A_431, %dma_wait3A_440, %dma_wait3A_441, %dma_wait3A_442] : memref<3x4x64x128xf32, #tpu.memory_space<vmem>> -> memref<1x4x64x128xf32, #tpu.memory_space<vmem>>
    %dma_wait3A_444 = tpu.memref_squeeze %dma_wait3A_443 : memref<1x4x64x128xf32, #tpu.memory_space<vmem>> -> memref<4x64x128xf32, #tpu.memory_space<vmem>>
    %dma_wait3A_445 = arith.constant 0 : i32
    %dma_wait3A_446 = arith.constant 0 : i32
    %dma_wait3A_447 = tpu.memref_slice %arg2[%dma_wait3A_445, %add3A_308, %dma_wait3A_446] : memref<4x16384x128xf32, #tpu.memory_space<hbm>> -> memref<4x64x128xf32, #tpu.memory_space<hbm>>
    tpu.wait_dma2 semaphore(%arg10 : memref<!tpu.dma_semaphore, #tpu.memory_space<semaphore_mem>>) src(%dma_wait3A_447 : memref<4x64x128xf32, #tpu.memory_space<hbm>>) dst(%dma_wait3A_444 : memref<4x64x128xf32, #tpu.memory_space<vmem>>)
    %parallel_loop3A_448 = arith.constant 0 : i32
    %parallel_loop3A_449 = arith.constant 64 : i32
    %parallel_loop3A_450 = arith.constant 1 : i32
    scf.for %parallel_loop3A_760 = %parallel_loop3A_448 to %parallel_loop3A_449 step %parallel_loop3A_450  : i32 {
      %parallel_loop3A_761 = arith.constant 1 : i32
      %parallel_loop3A_762 = arith.index_cast %parallel_loop3A_761 : i32 to index
      %parallel_loop3A_763 = arith.index_cast %parallel_loop3A_760 : i32 to index
      %parallel_loop3A_764 = arith.constant 0 : index
      %parallel_loop3A_765 = tpu.vector_load %arg7[%parallel_loop3A_762, %parallel_loop3A_763, %parallel_loop3A_764] {strides = array<i32>} : memref<3x64x128xf32, #tpu.memory_space<vmem>>, vector<1x1x16xf32>,
      %parallel_loop3A_766 = vector.shape_cast %parallel_loop3A_765 : vector<1x1x16xf32> to vector<16xf32>
      %parallel_loop3A_767 = arith.constant 1 : i32
      %parallel_loop3A_768 = arith.index_cast %parallel_loop3A_767 : i32 to index
      %parallel_loop3A_769 = arith.index_cast %parallel_loop3A_760 : i32 to index
      %parallel_loop3A_770 = arith.constant 16 : index
      %parallel_loop3A_771 = tpu.vector_load %arg7[%parallel_loop3A_768, %parallel_loop3A_769, %parallel_loop3A_770] {strides = array<i32>} : memref<3x64x128xf32, #tpu.memory_space<vmem>>, vector<1x1x16xf32>,
      %parallel_loop3A_772 = vector.shape_cast %parallel_loop3A_771 : vector<1x1x16xf32> to vector<16xf32>
      %parallel_loop3A_773 = arith.constant 1 : i32
      %parallel_loop3A_774 = arith.index_cast %parallel_loop3A_773 : i32 to index
      %parallel_loop3A_775 = arith.index_cast %parallel_loop3A_760 : i32 to index
      %parallel_loop3A_776 = arith.constant 32 : index
      %parallel_loop3A_777 = tpu.vector_load %arg7[%parallel_loop3A_774, %parallel_loop3A_775, %parallel_loop3A_776] {strides = array<i32>} : memref<3x64x128xf32, #tpu.memory_space<vmem>>, vector<1x1x16xf32>,
      %parallel_loop3A_778 = vector.shape_cast %parallel_loop3A_777 : vector<1x1x16xf32> to vector<16xf32>
      %parallel_loop3A_779 = arith.constant 1 : i32
      %parallel_loop3A_780 = arith.index_cast %parallel_loop3A_779 : i32 to index
      %parallel_loop3A_781 = arith.index_cast %parallel_loop3A_760 : i32 to index
      %parallel_loop3A_782 = arith.constant 48 : index
      %parallel_loop3A_783 = tpu.vector_load %arg7[%parallel_loop3A_780, %parallel_loop3A_781, %parallel_loop3A_782] {strides = array<i32>} : memref<3x64x128xf32, #tpu.memory_space<vmem>>, vector<1x1x16xf32>,
      %parallel_loop3A_784 = vector.shape_cast %parallel_loop3A_783 : vector<1x1x16xf32> to vector<16xf32>
      %parallel_loop3A_785 = arith.constant 1 : i32
      %parallel_loop3A_786 = arith.index_cast %parallel_loop3A_785 : i32 to index
      %parallel_loop3A_787 = arith.index_cast %parallel_loop3A_760 : i32 to index
      %parallel_loop3A_788 = arith.constant 64 : index
      %parallel_loop3A_789 = tpu.vector_load %arg7[%parallel_loop3A_786, %parallel_loop3A_787, %parallel_loop3A_788] {strides = array<i32>} : memref<3x64x128xf32, #tpu.memory_space<vmem>>, vector<1x1x16xf32>,
      %parallel_loop3A_790 = vector.shape_cast %parallel_loop3A_789 : vector<1x1x16xf32> to vector<16xf32>
      %parallel_loop3A_791 = arith.constant 1 : i32
      %parallel_loop3A_792 = arith.index_cast %parallel_loop3A_791 : i32 to index
      %parallel_loop3A_793 = arith.index_cast %parallel_loop3A_760 : i32 to index
      %parallel_loop3A_794 = arith.constant 80 : index
      %parallel_loop3A_795 = tpu.vector_load %arg7[%parallel_loop3A_792, %parallel_loop3A_793, %parallel_loop3A_794] {strides = array<i32>} : memref<3x64x128xf32, #tpu.memory_space<vmem>>, vector<1x1x16xf32>,
      %parallel_loop3A_796 = vector.shape_cast %parallel_loop3A_795 : vector<1x1x16xf32> to vector<16xf32>
      %parallel_loop3A_797 = arith.constant 1 : i32
      %parallel_loop3A_798 = arith.index_cast %parallel_loop3A_797 : i32 to index
      %parallel_loop3A_799 = arith.index_cast %parallel_loop3A_760 : i32 to index
      %parallel_loop3A_800 = arith.constant 96 : index
      %parallel_loop3A_801 = tpu.vector_load %arg7[%parallel_loop3A_798, %parallel_loop3A_799, %parallel_loop3A_800] {strides = array<i32>} : memref<3x64x128xf32, #tpu.memory_space<vmem>>, vector<1x1x16xf32>,
      %parallel_loop3A_802 = vector.shape_cast %parallel_loop3A_801 : vector<1x1x16xf32> to vector<16xf32>
      %parallel_loop3A_803 = arith.constant 1 : i32
      %parallel_loop3A_804 = arith.index_cast %parallel_loop3A_803 : i32 to index
      %parallel_loop3A_805 = arith.index_cast %parallel_loop3A_760 : i32 to index
      %parallel_loop3A_806 = arith.constant 112 : index
      %parallel_loop3A_807 = tpu.vector_load %arg7[%parallel_loop3A_804, %parallel_loop3A_805, %parallel_loop3A_806] {strides = array<i32>} : memref<3x64x128xf32, #tpu.memory_space<vmem>>, vector<1x1x16xf32>,
      %parallel_loop3A_808 = vector.shape_cast %parallel_loop3A_807 : vector<1x1x16xf32> to vector<16xf32>
      %parallel_loop3A_809 = arith.constant 1 : i32
      %parallel_loop3A_810 = arith.constant 0 : i32
      %parallel_loop3A_811 = arith.index_cast %parallel_loop3A_809 : i32 to index
      %parallel_loop3A_812 = arith.index_cast %parallel_loop3A_810 : i32 to index
      %parallel_loop3A_813 = arith.index_cast %parallel_loop3A_760 : i32 to index
      %parallel_loop3A_814 = arith.constant 0 : index
      %parallel_loop3A_815 = tpu.vector_load %arg8[%parallel_loop3A_811, %parallel_loop3A_812, %parallel_loop3A_813, %parallel_loop3A_814] {strides = array<i32>} : memref<3x4x64x128xf32, #tpu.memory_space<vmem>>, vector<1x1x1x16xf32>,
      %parallel_loop3A_816 = vector.shape_cast %parallel_loop3A_815 : vector<1x1x1x16xf32> to vector<16xf32>
      %parallel_loop3A_817 = vector.shape_cast %parallel_loop3A_766 : vector<16xf32> to vector<1x1x1x16xf32>
      tpu.vector_store %arg8[%parallel_loop3A_811, %parallel_loop3A_812, %parallel_loop3A_813, %parallel_loop3A_814], %parallel_loop3A_817 {add = true, strides = array<i32>} : memref<3x4x64x128xf32, #tpu.memory_space<vmem>>, vector<1x1x1x16xf32>,
      %parallel_loop3A_818 = arith.constant 1 : i32
      %parallel_loop3A_819 = arith.constant 0 : i32
      %parallel_loop3A_820 = arith.index_cast %parallel_loop3A_818 : i32 to index
      %parallel_loop3A_821 = arith.index_cast %parallel_loop3A_819 : i32 to index
      %parallel_loop3A_822 = arith.index_cast %parallel_loop3A_760 : i32 to index
      %parallel_loop3A_823 = arith.constant 16 : index
      %parallel_loop3A_824 = tpu.vector_load %arg8[%parallel_loop3A_820, %parallel_loop3A_821, %parallel_loop3A_822, %parallel_loop3A_823] {strides = array<i32>} : memref<3x4x64x128xf32, #tpu.memory_space<vmem>>, vector<1x1x1x16xf32>,
      %parallel_loop3A_825 = vector.shape_cast %parallel_loop3A_824 : vector<1x1x1x16xf32> to vector<16xf32>
      %parallel_loop3A_826 = vector.shape_cast %parallel_loop3A_772 : vector<16xf32> to vector<1x1x1x16xf32>
      tpu.vector_store %arg8[%parallel_loop3A_820, %parallel_loop3A_821, %parallel_loop3A_822, %parallel_loop3A_823], %parallel_loop3A_826 {add = true, strides = array<i32>} : memref<3x4x64x128xf32, #tpu.memory_space<vmem>>, vector<1x1x1x16xf32>,
      %parallel_loop3A_827 = arith.constant 1 : i32
      %parallel_loop3A_828 = arith.constant 0 : i32
      %parallel_loop3A_829 = arith.index_cast %parallel_loop3A_827 : i32 to index
      %parallel_loop3A_830 = arith.index_cast %parallel_loop3A_828 : i32 to index
      %parallel_loop3A_831 = arith.index_cast %parallel_loop3A_760 : i32 to index
      %parallel_loop3A_832 = arith.constant 32 : index
      %parallel_loop3A_833 = tpu.vector_load %arg8[%parallel_loop3A_829, %parallel_loop3A_830, %parallel_loop3A_831, %parallel_loop3A_832] {strides = array<i32>} : memref<3x4x64x128xf32, #tpu.memory_space<vmem>>, vector<1x1x1x16xf32>,
      %parallel_loop3A_834 = vector.shape_cast %parallel_loop3A_833 : vector<1x1x1x16xf32> to vector<16xf32>
      %parallel_loop3A_835 = vector.shape_cast %parallel_loop3A_778 : vector<16xf32> to vector<1x1x1x16xf32>
      tpu.vector_store %arg8[%parallel_loop3A_829, %parallel_loop3A_830, %parallel_loop3A_831, %parallel_loop3A_832], %parallel_loop3A_835 {add = true, strides = array<i32>} : memref<3x4x64x128xf32, #tpu.memory_space<vmem>>, vector<1x1x1x16xf32>,
      %parallel_loop3A_836 = arith.constant 1 : i32
      %parallel_loop3A_837 = arith.constant 0 : i32
      %parallel_loop3A_838 = arith.index_cast %parallel_loop3A_836 : i32 to index
      %parallel_loop3A_839 = arith.index_cast %parallel_loop3A_837 : i32 to index
      %parallel_loop3A_840 = arith.index_cast %parallel_loop3A_760 : i32 to index
      %parallel_loop3A_841 = arith.constant 48 : index
      %parallel_loop3A_842 = tpu.vector_load %arg8[%parallel_loop3A_838, %parallel_loop3A_839, %parallel_loop3A_840, %parallel_loop3A_841] {strides = array<i32>} : memref<3x4x64x128xf32, #tpu.memory_space<vmem>>, vector<1x1x1x16xf32>,
      %parallel_loop3A_843 = vector.shape_cast %parallel_loop3A_842 : vector<1x1x1x16xf32> to vector<16xf32>
      %parallel_loop3A_844 = vector.shape_cast %parallel_loop3A_784 : vector<16xf32> to vector<1x1x1x16xf32>
      tpu.vector_store %arg8[%parallel_loop3A_838, %parallel_loop3A_839, %parallel_loop3A_840, %parallel_loop3A_841], %parallel_loop3A_844 {add = true, strides = array<i32>} : memref<3x4x64x128xf32, #tpu.memory_space<vmem>>, vector<1x1x1x16xf32>,
      %parallel_loop3A_845 = arith.constant 1 : i32
      %parallel_loop3A_846 = arith.constant 0 : i32
      %parallel_loop3A_847 = arith.index_cast %parallel_loop3A_845 : i32 to index
      %parallel_loop3A_848 = arith.index_cast %parallel_loop3A_846 : i32 to index
      %parallel_loop3A_849 = arith.index_cast %parallel_loop3A_760 : i32 to index
      %parallel_loop3A_850 = arith.constant 64 : index
      %parallel_loop3A_851 = tpu.vector_load %arg8[%parallel_loop3A_847, %parallel_loop3A_848, %parallel_loop3A_849, %parallel_loop3A_850] {strides = array<i32>} : memref<3x4x64x128xf32, #tpu.memory_space<vmem>>, vector<1x1x1x16xf32>,
      %parallel_loop3A_852 = vector.shape_cast %parallel_loop3A_851 : vector<1x1x1x16xf32> to vector<16xf32>
      %parallel_loop3A_853 = vector.shape_cast %parallel_loop3A_790 : vector<16xf32> to vector<1x1x1x16xf32>
      tpu.vector_store %arg8[%parallel_loop3A_847, %parallel_loop3A_848, %parallel_loop3A_849, %parallel_loop3A_850], %parallel_loop3A_853 {add = true, strides = array<i32>} : memref<3x4x64x128xf32, #tpu.memory_space<vmem>>, vector<1x1x1x16xf32>,
      %parallel_loop3A_854 = arith.constant 1 : i32
      %parallel_loop3A_855 = arith.constant 0 : i32
      %parallel_loop3A_856 = arith.index_cast %parallel_loop3A_854 : i32 to index
      %parallel_loop3A_857 = arith.index_cast %parallel_loop3A_855 : i32 to index
      %parallel_loop3A_858 = arith.index_cast %parallel_loop3A_760 : i32 to index
      %parallel_loop3A_859 = arith.constant 80 : index
      %parallel_loop3A_860 = tpu.vector_load %arg8[%parallel_loop3A_856, %parallel_loop3A_857, %parallel_loop3A_858, %parallel_loop3A_859] {strides = array<i32>} : memref<3x4x64x128xf32, #tpu.memory_space<vmem>>, vector<1x1x1x16xf32>,
      %parallel_loop3A_861 = vector.shape_cast %parallel_loop3A_860 : vector<1x1x1x16xf32> to vector<16xf32>
      %parallel_loop3A_862 = vector.shape_cast %parallel_loop3A_796 : vector<16xf32> to vector<1x1x1x16xf32>
      tpu.vector_store %arg8[%parallel_loop3A_856, %parallel_loop3A_857, %parallel_loop3A_858, %parallel_loop3A_859], %parallel_loop3A_862 {add = true, strides = array<i32>} : memref<3x4x64x128xf32, #tpu.memory_space<vmem>>, vector<1x1x1x16xf32>,
      %parallel_loop3A_863 = arith.constant 1 : i32
      %parallel_loop3A_864 = arith.constant 0 : i32
      %parallel_loop3A_865 = arith.index_cast %parallel_loop3A_863 : i32 to index
      %parallel_loop3A_866 = arith.index_cast %parallel_loop3A_864 : i32 to index
      %parallel_loop3A_867 = arith.index_cast %parallel_loop3A_760 : i32 to index
      %parallel_loop3A_868 = arith.constant 96 : index
      %parallel_loop3A_869 = tpu.vector_load %arg8[%parallel_loop3A_865, %parallel_loop3A_866, %parallel_loop3A_867, %parallel_loop3A_868] {strides = array<i32>} : memref<3x4x64x128xf32, #tpu.memory_space<vmem>>, vector<1x1x1x16xf32>,
      %parallel_loop3A_870 = vector.shape_cast %parallel_loop3A_869 : vector<1x1x1x16xf32> to vector<16xf32>
      %parallel_loop3A_871 = vector.shape_cast %parallel_loop3A_802 : vector<16xf32> to vector<1x1x1x16xf32>
      tpu.vector_store %arg8[%parallel_loop3A_865, %parallel_loop3A_866, %parallel_loop3A_867, %parallel_loop3A_868], %parallel_loop3A_871 {add = true, strides = array<i32>} : memref<3x4x64x128xf32, #tpu.memory_space<vmem>>, vector<1x1x1x16xf32>,
      %parallel_loop3A_872 = arith.constant 1 : i32
      %parallel_loop3A_873 = arith.constant 0 : i32
      %parallel_loop3A_874 = arith.index_cast %parallel_loop3A_872 : i32 to index
      %parallel_loop3A_875 = arith.index_cast %parallel_loop3A_873 : i32 to index
      %parallel_loop3A_876 = arith.index_cast %parallel_loop3A_760 : i32 to index
      %parallel_loop3A_877 = arith.constant 112 : index
      %parallel_loop3A_878 = tpu.vector_load %arg8[%parallel_loop3A_874, %parallel_loop3A_875, %parallel_loop3A_876, %parallel_loop3A_877] {strides = array<i32>} : memref<3x4x64x128xf32, #tpu.memory_space<vmem>>, vector<1x1x1x16xf32>,
      %parallel_loop3A_879 = vector.shape_cast %parallel_loop3A_878 : vector<1x1x1x16xf32> to vector<16xf32>
      %parallel_loop3A_880 = vector.shape_cast %parallel_loop3A_808 : vector<16xf32> to vector<1x1x1x16xf32>
      tpu.vector_store %arg8[%parallel_loop3A_874, %parallel_loop3A_875, %parallel_loop3A_876, %parallel_loop3A_877], %parallel_loop3A_880 {add = true, strides = array<i32>} : memref<3x4x64x128xf32, #tpu.memory_space<vmem>>, vector<1x1x1x16xf32>,
      %parallel_loop3A_881 = arith.constant 1 : i32
      %parallel_loop3A_882 = arith.constant 1 : i32
      %parallel_loop3A_883 = arith.index_cast %parallel_loop3A_881 : i32 to index
      %parallel_loop3A_884 = arith.index_cast %parallel_loop3A_882 : i32 to index
      %parallel_loop3A_885 = arith.index_cast %parallel_loop3A_760 : i32 to index
      %parallel_loop3A_886 = arith.constant 0 : index
      %parallel_loop3A_887 = tpu.vector_load %arg8[%parallel_loop3A_883, %parallel_loop3A_884, %parallel_loop3A_885, %parallel_loop3A_886] {strides = array<i32>} : memref<3x4x64x128xf32, #tpu.memory_space<vmem>>, vector<1x1x1x16xf32>,
      %parallel_loop3A_888 = vector.shape_cast %parallel_loop3A_887 : vector<1x1x1x16xf32> to vector<16xf32>
      %parallel_loop3A_889 = vector.shape_cast %parallel_loop3A_766 : vector<16xf32> to vector<1x1x1x16xf32>
      tpu.vector_store %arg8[%parallel_loop3A_883, %parallel_loop3A_884, %parallel_loop3A_885, %parallel_loop3A_886], %parallel_loop3A_889 {add = true, strides = array<i32>} : memref<3x4x64x128xf32, #tpu.memory_space<vmem>>, vector<1x1x1x16xf32>,
      %parallel_loop3A_890 = arith.constant 1 : i32
      %parallel_loop3A_891 = arith.constant 1 : i32
      %parallel_loop3A_892 = arith.index_cast %parallel_loop3A_890 : i32 to index
      %parallel_loop3A_893 = arith.index_cast %parallel_loop3A_891 : i32 to index
      %parallel_loop3A_894 = arith.index_cast %parallel_loop3A_760 : i32 to index
      %parallel_loop3A_895 = arith.constant 16 : index
      %parallel_loop3A_896 = tpu.vector_load %arg8[%parallel_loop3A_892, %parallel_loop3A_893, %parallel_loop3A_894, %parallel_loop3A_895] {strides = array<i32>} : memref<3x4x64x128xf32, #tpu.memory_space<vmem>>, vector<1x1x1x16xf32>,
      %parallel_loop3A_897 = vector.shape_cast %parallel_loop3A_896 : vector<1x1x1x16xf32> to vector<16xf32>
      %parallel_loop3A_898 = vector.shape_cast %parallel_loop3A_772 : vector<16xf32> to vector<1x1x1x16xf32>
      tpu.vector_store %arg8[%parallel_loop3A_892, %parallel_loop3A_893, %parallel_loop3A_894, %parallel_loop3A_895], %parallel_loop3A_898 {add = true, strides = array<i32>} : memref<3x4x64x128xf32, #tpu.memory_space<vmem>>, vector<1x1x1x16xf32>,
      %parallel_loop3A_899 = arith.constant 1 : i32
      %parallel_loop3A_900 = arith.constant 1 : i32
      %parallel_loop3A_901 = arith.index_cast %parallel_loop3A_899 : i32 to index
      %parallel_loop3A_902 = arith.index_cast %parallel_loop3A_900 : i32 to index
      %parallel_loop3A_903 = arith.index_cast %parallel_loop3A_760 : i32 to index
      %parallel_loop3A_904 = arith.constant 32 : index
      %parallel_loop3A_905 = tpu.vector_load %arg8[%parallel_loop3A_901, %parallel_loop3A_902, %parallel_loop3A_903, %parallel_loop3A_904] {strides = array<i32>} : memref<3x4x64x128xf32, #tpu.memory_space<vmem>>, vector<1x1x1x16xf32>,
      %parallel_loop3A_906 = vector.shape_cast %parallel_loop3A_905 : vector<1x1x1x16xf32> to vector<16xf32>
      %parallel_loop3A_907 = vector.shape_cast %parallel_loop3A_778 : vector<16xf32> to vector<1x1x1x16xf32>
      tpu.vector_store %arg8[%parallel_loop3A_901, %parallel_loop3A_902, %parallel_loop3A_903, %parallel_loop3A_904], %parallel_loop3A_907 {add = true, strides = array<i32>} : memref<3x4x64x128xf32, #tpu.memory_space<vmem>>, vector<1x1x1x16xf32>,
      %parallel_loop3A_908 = arith.constant 1 : i32
      %parallel_loop3A_909 = arith.constant 1 : i32
      %parallel_loop3A_910 = arith.index_cast %parallel_loop3A_908 : i32 to index
      %parallel_loop3A_911 = arith.index_cast %parallel_loop3A_909 : i32 to index
      %parallel_loop3A_912 = arith.index_cast %parallel_loop3A_760 : i32 to index
      %parallel_loop3A_913 = arith.constant 48 : index
      %parallel_loop3A_914 = tpu.vector_load %arg8[%parallel_loop3A_910, %parallel_loop3A_911, %parallel_loop3A_912, %parallel_loop3A_913] {strides = array<i32>} : memref<3x4x64x128xf32, #tpu.memory_space<vmem>>, vector<1x1x1x16xf32>,
      %parallel_loop3A_915 = vector.shape_cast %parallel_loop3A_914 : vector<1x1x1x16xf32> to vector<16xf32>
      %parallel_loop3A_916 = vector.shape_cast %parallel_loop3A_784 : vector<16xf32> to vector<1x1x1x16xf32>
      tpu.vector_store %arg8[%parallel_loop3A_910, %parallel_loop3A_911, %parallel_loop3A_912, %parallel_loop3A_913], %parallel_loop3A_916 {add = true, strides = array<i32>} : memref<3x4x64x128xf32, #tpu.memory_space<vmem>>, vector<1x1x1x16xf32>,
      %parallel_loop3A_917 = arith.constant 1 : i32
      %parallel_loop3A_918 = arith.constant 1 : i32
      %parallel_loop3A_919 = arith.index_cast %parallel_loop3A_917 : i32 to index
      %parallel_loop3A_920 = arith.index_cast %parallel_loop3A_918 : i32 to index
      %parallel_loop3A_921 = arith.index_cast %parallel_loop3A_760 : i32 to index
      %parallel_loop3A_922 = arith.constant 64 : index
      %parallel_loop3A_923 = tpu.vector_load %arg8[%parallel_loop3A_919, %parallel_loop3A_920, %parallel_loop3A_921, %parallel_loop3A_922] {strides = array<i32>} : memref<3x4x64x128xf32, #tpu.memory_space<vmem>>, vector<1x1x1x16xf32>,
      %parallel_loop3A_924 = vector.shape_cast %parallel_loop3A_923 : vector<1x1x1x16xf32> to vector<16xf32>
      %parallel_loop3A_925 = vector.shape_cast %parallel_loop3A_790 : vector<16xf32> to vector<1x1x1x16xf32>
      tpu.vector_store %arg8[%parallel_loop3A_919, %parallel_loop3A_920, %parallel_loop3A_921, %parallel_loop3A_922], %parallel_loop3A_925 {add = true, strides = array<i32>} : memref<3x4x64x128xf32, #tpu.memory_space<vmem>>, vector<1x1x1x16xf32>,
      %parallel_loop3A_926 = arith.constant 1 : i32
      %parallel_loop3A_927 = arith.constant 1 : i32
      %parallel_loop3A_928 = arith.index_cast %parallel_loop3A_926 : i32 to index
      %parallel_loop3A_929 = arith.index_cast %parallel_loop3A_927 : i32 to index
      %parallel_loop3A_930 = arith.index_cast %parallel_loop3A_760 : i32 to index
      %parallel_loop3A_931 = arith.constant 80 : index
      %parallel_loop3A_932 = tpu.vector_load %arg8[%parallel_loop3A_928, %parallel_loop3A_929, %parallel_loop3A_930, %parallel_loop3A_931] {strides = array<i32>} : memref<3x4x64x128xf32, #tpu.memory_space<vmem>>, vector<1x1x1x16xf32>,
      %parallel_loop3A_933 = vector.shape_cast %parallel_loop3A_932 : vector<1x1x1x16xf32> to vector<16xf32>
      %parallel_loop3A_934 = vector.shape_cast %parallel_loop3A_796 : vector<16xf32> to vector<1x1x1x16xf32>
      tpu.vector_store %arg8[%parallel_loop3A_928, %parallel_loop3A_929, %parallel_loop3A_930, %parallel_loop3A_931], %parallel_loop3A_934 {add = true, strides = array<i32>} : memref<3x4x64x128xf32, #tpu.memory_space<vmem>>, vector<1x1x1x16xf32>,
      %parallel_loop3A_935 = arith.constant 1 : i32
      %parallel_loop3A_936 = arith.constant 1 : i32
      %parallel_loop3A_937 = arith.index_cast %parallel_loop3A_935 : i32 to index
      %parallel_loop3A_938 = arith.index_cast %parallel_loop3A_936 : i32 to index
      %parallel_loop3A_939 = arith.index_cast %parallel_loop3A_760 : i32 to index
      %parallel_loop3A_940 = arith.constant 96 : index
      %parallel_loop3A_941 = tpu.vector_load %arg8[%parallel_loop3A_937, %parallel_loop3A_938, %parallel_loop3A_939, %parallel_loop3A_940] {strides = array<i32>} : memref<3x4x64x128xf32, #tpu.memory_space<vmem>>, vector<1x1x1x16xf32>,
      %parallel_loop3A_942 = vector.shape_cast %parallel_loop3A_941 : vector<1x1x1x16xf32> to vector<16xf32>
      %parallel_loop3A_943 = vector.shape_cast %parallel_loop3A_802 : vector<16xf32> to vector<1x1x1x16xf32>
      tpu.vector_store %arg8[%parallel_loop3A_937, %parallel_loop3A_938, %parallel_loop3A_939, %parallel_loop3A_940], %parallel_loop3A_943 {add = true, strides = array<i32>} : memref<3x4x64x128xf32, #tpu.memory_space<vmem>>, vector<1x1x1x16xf32>,
      %parallel_loop3A_944 = arith.constant 1 : i32
      %parallel_loop3A_945 = arith.constant 1 : i32
      %parallel_loop3A_946 = arith.index_cast %parallel_loop3A_944 : i32 to index
      %parallel_loop3A_947 = arith.index_cast %parallel_loop3A_945 : i32 to index
      %parallel_loop3A_948 = arith.index_cast %parallel_loop3A_760 : i32 to index
      %parallel_loop3A_949 = arith.constant 112 : index
      %parallel_loop3A_950 = tpu.vector_load %arg8[%parallel_loop3A_946, %parallel_loop3A_947, %parallel_loop3A_948, %parallel_loop3A_949] {strides = array<i32>} : memref<3x4x64x128xf32, #tpu.memory_space<vmem>>, vector<1x1x1x16xf32>,
      %parallel_loop3A_951 = vector.shape_cast %parallel_loop3A_950 : vector<1x1x1x16xf32> to vector<16xf32>
      %parallel_loop3A_952 = vector.shape_cast %parallel_loop3A_808 : vector<16xf32> to vector<1x1x1x16xf32>
      tpu.vector_store %arg8[%parallel_loop3A_946, %parallel_loop3A_947, %parallel_loop3A_948, %parallel_loop3A_949], %parallel_loop3A_952 {add = true, strides = array<i32>} : memref<3x4x64x128xf32, #tpu.memory_space<vmem>>, vector<1x1x1x16xf32>,
      %parallel_loop3A_953 = arith.constant 1 : i32
      %parallel_loop3A_954 = arith.constant 2 : i32
      %parallel_loop3A_955 = arith.index_cast %parallel_loop3A_953 : i32 to index
      %parallel_loop3A_956 = arith.index_cast %parallel_loop3A_954 : i32 to index
      %parallel_loop3A_957 = arith.index_cast %parallel_loop3A_760 : i32 to index
      %parallel_loop3A_958 = arith.constant 0 : index
      %parallel_loop3A_959 = tpu.vector_load %arg8[%parallel_loop3A_955, %parallel_loop3A_956, %parallel_loop3A_957, %parallel_loop3A_958] {strides = array<i32>} : memref<3x4x64x128xf32, #tpu.memory_space<vmem>>, vector<1x1x1x16xf32>,
      %parallel_loop3A_960 = vector.shape_cast %parallel_loop3A_959 : vector<1x1x1x16xf32> to vector<16xf32>
      %parallel_loop3A_961 = vector.shape_cast %parallel_loop3A_766 : vector<16xf32> to vector<1x1x1x16xf32>
      tpu.vector_store %arg8[%parallel_loop3A_955, %parallel_loop3A_956, %parallel_loop3A_957, %parallel_loop3A_958], %parallel_loop3A_961 {add = true, strides = array<i32>} : memref<3x4x64x128xf32, #tpu.memory_space<vmem>>, vector<1x1x1x16xf32>,
      %parallel_loop3A_962 = arith.constant 1 : i32
      %parallel_loop3A_963 = arith.constant 2 : i32
      %parallel_loop3A_964 = arith.index_cast %parallel_loop3A_962 : i32 to index
      %parallel_loop3A_965 = arith.index_cast %parallel_loop3A_963 : i32 to index
      %parallel_loop3A_966 = arith.index_cast %parallel_loop3A_760 : i32 to index
      %parallel_loop3A_967 = arith.constant 16 : index
      %parallel_loop3A_968 = tpu.vector_load %arg8[%parallel_loop3A_964, %parallel_loop3A_965, %parallel_loop3A_966, %parallel_loop3A_967] {strides = array<i32>} : memref<3x4x64x128xf32, #tpu.memory_space<vmem>>, vector<1x1x1x16xf32>,
      %parallel_loop3A_969 = vector.shape_cast %parallel_loop3A_968 : vector<1x1x1x16xf32> to vector<16xf32>
      %parallel_loop3A_970 = vector.shape_cast %parallel_loop3A_772 : vector<16xf32> to vector<1x1x1x16xf32>
      tpu.vector_store %arg8[%parallel_loop3A_964, %parallel_loop3A_965, %parallel_loop3A_966, %parallel_loop3A_967], %parallel_loop3A_970 {add = true, strides = array<i32>} : memref<3x4x64x128xf32, #tpu.memory_space<vmem>>, vector<1x1x1x16xf32>,
      %parallel_loop3A_971 = arith.constant 1 : i32
      %parallel_loop3A_972 = arith.constant 2 : i32
      %parallel_loop3A_973 = arith.index_cast %parallel_loop3A_971 : i32 to index
      %parallel_loop3A_974 = arith.index_cast %parallel_loop3A_972 : i32 to index
      %parallel_loop3A_975 = arith.index_cast %parallel_loop3A_760 : i32 to index
      %parallel_loop3A_976 = arith.constant 32 : index
      %parallel_loop3A_977 = tpu.vector_load %arg8[%parallel_loop3A_973, %parallel_loop3A_974, %parallel_loop3A_975, %parallel_loop3A_976] {strides = array<i32>} : memref<3x4x64x128xf32, #tpu.memory_space<vmem>>, vector<1x1x1x16xf32>,
      %parallel_loop3A_978 = vector.shape_cast %parallel_loop3A_977 : vector<1x1x1x16xf32> to vector<16xf32>
      %parallel_loop3A_979 = vector.shape_cast %parallel_loop3A_778 : vector<16xf32> to vector<1x1x1x16xf32>
      tpu.vector_store %arg8[%parallel_loop3A_973, %parallel_loop3A_974, %parallel_loop3A_975, %parallel_loop3A_976], %parallel_loop3A_979 {add = true, strides = array<i32>} : memref<3x4x64x128xf32, #tpu.memory_space<vmem>>, vector<1x1x1x16xf32>,
      %parallel_loop3A_980 = arith.constant 1 : i32
      %parallel_loop3A_981 = arith.constant 2 : i32
      %parallel_loop3A_982 = arith.index_cast %parallel_loop3A_980 : i32 to index
      %parallel_loop3A_983 = arith.index_cast %parallel_loop3A_981 : i32 to index
      %parallel_loop3A_984 = arith.index_cast %parallel_loop3A_760 : i32 to index
      %parallel_loop3A_985 = arith.constant 48 : index
      %parallel_loop3A_986 = tpu.vector_load %arg8[%parallel_loop3A_982, %parallel_loop3A_983, %parallel_loop3A_984, %parallel_loop3A_985] {strides = array<i32>} : memref<3x4x64x128xf32, #tpu.memory_space<vmem>>, vector<1x1x1x16xf32>,
      %parallel_loop3A_987 = vector.shape_cast %parallel_loop3A_986 : vector<1x1x1x16xf32> to vector<16xf32>
      %parallel_loop3A_988 = vector.shape_cast %parallel_loop3A_784 : vector<16xf32> to vector<1x1x1x16xf32>
      tpu.vector_store %arg8[%parallel_loop3A_982, %parallel_loop3A_983, %parallel_loop3A_984, %parallel_loop3A_985], %parallel_loop3A_988 {add = true, strides = array<i32>} : memref<3x4x64x128xf32, #tpu.memory_space<vmem>>, vector<1x1x1x16xf32>,
      %parallel_loop3A_989 = arith.constant 1 : i32
      %parallel_loop3A_990 = arith.constant 2 : i32
      %parallel_loop3A_991 = arith.index_cast %parallel_loop3A_989 : i32 to index
      %parallel_loop3A_992 = arith.index_cast %parallel_loop3A_990 : i32 to index
      %parallel_loop3A_993 = arith.index_cast %parallel_loop3A_760 : i32 to index
      %parallel_loop3A_994 = arith.constant 64 : index
      %parallel_loop3A_995 = tpu.vector_load %arg8[%parallel_loop3A_991, %parallel_loop3A_992, %parallel_loop3A_993, %parallel_loop3A_994] {strides = array<i32>} : memref<3x4x64x128xf32, #tpu.memory_space<vmem>>, vector<1x1x1x16xf32>,
      %parallel_loop3A_996 = vector.shape_cast %parallel_loop3A_995 : vector<1x1x1x16xf32> to vector<16xf32>
      %parallel_loop3A_997 = vector.shape_cast %parallel_loop3A_790 : vector<16xf32> to vector<1x1x1x16xf32>
      tpu.vector_store %arg8[%parallel_loop3A_991, %parallel_loop3A_992, %parallel_loop3A_993, %parallel_loop3A_994], %parallel_loop3A_997 {add = true, strides = array<i32>} : memref<3x4x64x128xf32, #tpu.memory_space<vmem>>, vector<1x1x1x16xf32>,
      %parallel_loop3A_998 = arith.constant 1 : i32
      %parallel_loop3A_999 = arith.constant 2 : i32
      %parallel_loop3A_1000 = arith.index_cast %parallel_loop3A_998 : i32 to index
      %parallel_loop3A_1001 = arith.index_cast %parallel_loop3A_999 : i32 to index
      %parallel_loop3A_1002 = arith.index_cast %parallel_loop3A_760 : i32 to index
      %parallel_loop3A_1003 = arith.constant 80 : index
      %parallel_loop3A_1004 = tpu.vector_load %arg8[%parallel_loop3A_1000, %parallel_loop3A_1001, %parallel_loop3A_1002, %parallel_loop3A_1003] {strides = array<i32>} : memref<3x4x64x128xf32, #tpu.memory_space<vmem>>, vector<1x1x1x16xf32>,
      %parallel_loop3A_1005 = vector.shape_cast %parallel_loop3A_1004 : vector<1x1x1x16xf32> to vector<16xf32>
      %parallel_loop3A_1006 = vector.shape_cast %parallel_loop3A_796 : vector<16xf32> to vector<1x1x1x16xf32>
      tpu.vector_store %arg8[%parallel_loop3A_1000, %parallel_loop3A_1001, %parallel_loop3A_1002, %parallel_loop3A_1003], %parallel_loop3A_1006 {add = true, strides = array<i32>} : memref<3x4x64x128xf32, #tpu.memory_space<vmem>>, vector<1x1x1x16xf32>,
      %parallel_loop3A_1007 = arith.constant 1 : i32
      %parallel_loop3A_1008 = arith.constant 2 : i32
      %parallel_loop3A_1009 = arith.index_cast %parallel_loop3A_1007 : i32 to index
      %parallel_loop3A_1010 = arith.index_cast %parallel_loop3A_1008 : i32 to index
      %parallel_loop3A_1011 = arith.index_cast %parallel_loop3A_760 : i32 to index
      %parallel_loop3A_1012 = arith.constant 96 : index
      %parallel_loop3A_1013 = tpu.vector_load %arg8[%parallel_loop3A_1009, %parallel_loop3A_1010, %parallel_loop3A_1011, %parallel_loop3A_1012] {strides = array<i32>} : memref<3x4x64x128xf32, #tpu.memory_space<vmem>>, vector<1x1x1x16xf32>,
      %parallel_loop3A_1014 = vector.shape_cast %parallel_loop3A_1013 : vector<1x1x1x16xf32> to vector<16xf32>
      %parallel_loop3A_1015 = vector.shape_cast %parallel_loop3A_802 : vector<16xf32> to vector<1x1x1x16xf32>
      tpu.vector_store %arg8[%parallel_loop3A_1009, %parallel_loop3A_1010, %parallel_loop3A_1011, %parallel_loop3A_1012], %parallel_loop3A_1015 {add = true, strides = array<i32>} : memref<3x4x64x128xf32, #tpu.memory_space<vmem>>, vector<1x1x1x16xf32>,
      %parallel_loop3A_1016 = arith.constant 1 : i32
      %parallel_loop3A_1017 = arith.constant 2 : i32
      %parallel_loop3A_1018 = arith.index_cast %parallel_loop3A_1016 : i32 to index
      %parallel_loop3A_1019 = arith.index_cast %parallel_loop3A_1017 : i32 to index
      %parallel_loop3A_1020 = arith.index_cast %parallel_loop3A_760 : i32 to index
      %parallel_loop3A_1021 = arith.constant 112 : index
      %parallel_loop3A_1022 = tpu.vector_load %arg8[%parallel_loop3A_1018, %parallel_loop3A_1019, %parallel_loop3A_1020, %parallel_loop3A_1021] {strides = array<i32>} : memref<3x4x64x128xf32, #tpu.memory_space<vmem>>, vector<1x1x1x16xf32>,
      %parallel_loop3A_1023 = vector.shape_cast %parallel_loop3A_1022 : vector<1x1x1x16xf32> to vector<16xf32>
      %parallel_loop3A_1024 = vector.shape_cast %parallel_loop3A_808 : vector<16xf32> to vector<1x1x1x16xf32>
      tpu.vector_store %arg8[%parallel_loop3A_1018, %parallel_loop3A_1019, %parallel_loop3A_1020, %parallel_loop3A_1021], %parallel_loop3A_1024 {add = true, strides = array<i32>} : memref<3x4x64x128xf32, #tpu.memory_space<vmem>>, vector<1x1x1x16xf32>,
      %parallel_loop3A_1025 = arith.constant 1 : i32
      %parallel_loop3A_1026 = arith.constant 3 : i32
      %parallel_loop3A_1027 = arith.index_cast %parallel_loop3A_1025 : i32 to index
      %parallel_loop3A_1028 = arith.index_cast %parallel_loop3A_1026 : i32 to index
      %parallel_loop3A_1029 = arith.index_cast %parallel_loop3A_760 : i32 to index
      %parallel_loop3A_1030 = arith.constant 0 : index
      %parallel_loop3A_1031 = tpu.vector_load %arg8[%parallel_loop3A_1027, %parallel_loop3A_1028, %parallel_loop3A_1029, %parallel_loop3A_1030] {strides = array<i32>} : memref<3x4x64x128xf32, #tpu.memory_space<vmem>>, vector<1x1x1x16xf32>,
      %parallel_loop3A_1032 = vector.shape_cast %parallel_loop3A_1031 : vector<1x1x1x16xf32> to vector<16xf32>
      %parallel_loop3A_1033 = vector.shape_cast %parallel_loop3A_766 : vector<16xf32> to vector<1x1x1x16xf32>
      tpu.vector_store %arg8[%parallel_loop3A_1027, %parallel_loop3A_1028, %parallel_loop3A_1029, %parallel_loop3A_1030], %parallel_loop3A_1033 {add = true, strides = array<i32>} : memref<3x4x64x128xf32, #tpu.memory_space<vmem>>, vector<1x1x1x16xf32>,
      %parallel_loop3A_1034 = arith.constant 1 : i32
      %parallel_loop3A_1035 = arith.constant 3 : i32
      %parallel_loop3A_1036 = arith.index_cast %parallel_loop3A_1034 : i32 to index
      %parallel_loop3A_1037 = arith.index_cast %parallel_loop3A_1035 : i32 to index
      %parallel_loop3A_1038 = arith.index_cast %parallel_loop3A_760 : i32 to index
      %parallel_loop3A_1039 = arith.constant 16 : index
      %parallel_loop3A_1040 = tpu.vector_load %arg8[%parallel_loop3A_1036, %parallel_loop3A_1037, %parallel_loop3A_1038, %parallel_loop3A_1039] {strides = array<i32>} : memref<3x4x64x128xf32, #tpu.memory_space<vmem>>, vector<1x1x1x16xf32>,
      %parallel_loop3A_1041 = vector.shape_cast %parallel_loop3A_1040 : vector<1x1x1x16xf32> to vector<16xf32>
      %parallel_loop3A_1042 = vector.shape_cast %parallel_loop3A_772 : vector<16xf32> to vector<1x1x1x16xf32>
      tpu.vector_store %arg8[%parallel_loop3A_1036, %parallel_loop3A_1037, %parallel_loop3A_1038, %parallel_loop3A_1039], %parallel_loop3A_1042 {add = true, strides = array<i32>} : memref<3x4x64x128xf32, #tpu.memory_space<vmem>>, vector<1x1x1x16xf32>,
      %parallel_loop3A_1043 = arith.constant 1 : i32
      %parallel_loop3A_1044 = arith.constant 3 : i32
      %parallel_loop3A_1045 = arith.index_cast %parallel_loop3A_1043 : i32 to index
      %parallel_loop3A_1046 = arith.index_cast %parallel_loop3A_1044 : i32 to index
      %parallel_loop3A_1047 = arith.index_cast %parallel_loop3A_760 : i32 to index
      %parallel_loop3A_1048 = arith.constant 32 : index
      %parallel_loop3A_1049 = tpu.vector_load %arg8[%parallel_loop3A_1045, %parallel_loop3A_1046, %parallel_loop3A_1047, %parallel_loop3A_1048] {strides = array<i32>} : memref<3x4x64x128xf32, #tpu.memory_space<vmem>>, vector<1x1x1x16xf32>,
      %parallel_loop3A_1050 = vector.shape_cast %parallel_loop3A_1049 : vector<1x1x1x16xf32> to vector<16xf32>
      %parallel_loop3A_1051 = vector.shape_cast %parallel_loop3A_778 : vector<16xf32> to vector<1x1x1x16xf32>
      tpu.vector_store %arg8[%parallel_loop3A_1045, %parallel_loop3A_1046, %parallel_loop3A_1047, %parallel_loop3A_1048], %parallel_loop3A_1051 {add = true, strides = array<i32>} : memref<3x4x64x128xf32, #tpu.memory_space<vmem>>, vector<1x1x1x16xf32>,
      %parallel_loop3A_1052 = arith.constant 1 : i32
      %parallel_loop3A_1053 = arith.constant 3 : i32
      %parallel_loop3A_1054 = arith.index_cast %parallel_loop3A_1052 : i32 to index
      %parallel_loop3A_1055 = arith.index_cast %parallel_loop3A_1053 : i32 to index
      %parallel_loop3A_1056 = arith.index_cast %parallel_loop3A_760 : i32 to index
      %parallel_loop3A_1057 = arith.constant 48 : index
      %parallel_loop3A_1058 = tpu.vector_load %arg8[%parallel_loop3A_1054, %parallel_loop3A_1055, %parallel_loop3A_1056, %parallel_loop3A_1057] {strides = array<i32>} : memref<3x4x64x128xf32, #tpu.memory_space<vmem>>, vector<1x1x1x16xf32>,
      %parallel_loop3A_1059 = vector.shape_cast %parallel_loop3A_1058 : vector<1x1x1x16xf32> to vector<16xf32>
      %parallel_loop3A_1060 = vector.shape_cast %parallel_loop3A_784 : vector<16xf32> to vector<1x1x1x16xf32>
      tpu.vector_store %arg8[%parallel_loop3A_1054, %parallel_loop3A_1055, %parallel_loop3A_1056, %parallel_loop3A_1057], %parallel_loop3A_1060 {add = true, strides = array<i32>} : memref<3x4x64x128xf32, #tpu.memory_space<vmem>>, vector<1x1x1x16xf32>,
      %parallel_loop3A_1061 = arith.constant 1 : i32
      %parallel_loop3A_1062 = arith.constant 3 : i32
      %parallel_loop3A_1063 = arith.index_cast %parallel_loop3A_1061 : i32 to index
      %parallel_loop3A_1064 = arith.index_cast %parallel_loop3A_1062 : i32 to index
      %parallel_loop3A_1065 = arith.index_cast %parallel_loop3A_760 : i32 to index
      %parallel_loop3A_1066 = arith.constant 64 : index
      %parallel_loop3A_1067 = tpu.vector_load %arg8[%parallel_loop3A_1063, %parallel_loop3A_1064, %parallel_loop3A_1065, %parallel_loop3A_1066] {strides = array<i32>} : memref<3x4x64x128xf32, #tpu.memory_space<vmem>>, vector<1x1x1x16xf32>,
      %parallel_loop3A_1068 = vector.shape_cast %parallel_loop3A_1067 : vector<1x1x1x16xf32> to vector<16xf32>
      %parallel_loop3A_1069 = vector.shape_cast %parallel_loop3A_790 : vector<16xf32> to vector<1x1x1x16xf32>
      tpu.vector_store %arg8[%parallel_loop3A_1063, %parallel_loop3A_1064, %parallel_loop3A_1065, %parallel_loop3A_1066], %parallel_loop3A_1069 {add = true, strides = array<i32>} : memref<3x4x64x128xf32, #tpu.memory_space<vmem>>, vector<1x1x1x16xf32>,
      %parallel_loop3A_1070 = arith.constant 1 : i32
      %parallel_loop3A_1071 = arith.constant 3 : i32
      %parallel_loop3A_1072 = arith.index_cast %parallel_loop3A_1070 : i32 to index
      %parallel_loop3A_1073 = arith.index_cast %parallel_loop3A_1071 : i32 to index
      %parallel_loop3A_1074 = arith.index_cast %parallel_loop3A_760 : i32 to index
      %parallel_loop3A_1075 = arith.constant 80 : index
      %parallel_loop3A_1076 = tpu.vector_load %arg8[%parallel_loop3A_1072, %parallel_loop3A_1073, %parallel_loop3A_1074, %parallel_loop3A_1075] {strides = array<i32>} : memref<3x4x64x128xf32, #tpu.memory_space<vmem>>, vector<1x1x1x16xf32>,
      %parallel_loop3A_1077 = vector.shape_cast %parallel_loop3A_1076 : vector<1x1x1x16xf32> to vector<16xf32>
      %parallel_loop3A_1078 = vector.shape_cast %parallel_loop3A_796 : vector<16xf32> to vector<1x1x1x16xf32>
      tpu.vector_store %arg8[%parallel_loop3A_1072, %parallel_loop3A_1073, %parallel_loop3A_1074, %parallel_loop3A_1075], %parallel_loop3A_1078 {add = true, strides = array<i32>} : memref<3x4x64x128xf32, #tpu.memory_space<vmem>>, vector<1x1x1x16xf32>,
      %parallel_loop3A_1079 = arith.constant 1 : i32
      %parallel_loop3A_1080 = arith.constant 3 : i32
      %parallel_loop3A_1081 = arith.index_cast %parallel_loop3A_1079 : i32 to index
      %parallel_loop3A_1082 = arith.index_cast %parallel_loop3A_1080 : i32 to index
      %parallel_loop3A_1083 = arith.index_cast %parallel_loop3A_760 : i32 to index
      %parallel_loop3A_1084 = arith.constant 96 : index
      %parallel_loop3A_1085 = tpu.vector_load %arg8[%parallel_loop3A_1081, %parallel_loop3A_1082, %parallel_loop3A_1083, %parallel_loop3A_1084] {strides = array<i32>} : memref<3x4x64x128xf32, #tpu.memory_space<vmem>>, vector<1x1x1x16xf32>,
      %parallel_loop3A_1086 = vector.shape_cast %parallel_loop3A_1085 : vector<1x1x1x16xf32> to vector<16xf32>
      %parallel_loop3A_1087 = vector.shape_cast %parallel_loop3A_802 : vector<16xf32> to vector<1x1x1x16xf32>
      tpu.vector_store %arg8[%parallel_loop3A_1081, %parallel_loop3A_1082, %parallel_loop3A_1083, %parallel_loop3A_1084], %parallel_loop3A_1087 {add = true, strides = array<i32>} : memref<3x4x64x128xf32, #tpu.memory_space<vmem>>, vector<1x1x1x16xf32>,
      %parallel_loop3A_1088 = arith.constant 1 : i32
      %parallel_loop3A_1089 = arith.constant 3 : i32
      %parallel_loop3A_1090 = arith.index_cast %parallel_loop3A_1088 : i32 to index
      %parallel_loop3A_1091 = arith.index_cast %parallel_loop3A_1089 : i32 to index
      %parallel_loop3A_1092 = arith.index_cast %parallel_loop3A_760 : i32 to index
      %parallel_loop3A_1093 = arith.constant 112 : index
      %parallel_loop3A_1094 = tpu.vector_load %arg8[%parallel_loop3A_1090, %parallel_loop3A_1091, %parallel_loop3A_1092, %parallel_loop3A_1093] {strides = array<i32>} : memref<3x4x64x128xf32, #tpu.memory_space<vmem>>, vector<1x1x1x16xf32>,
      %parallel_loop3A_1095 = vector.shape_cast %parallel_loop3A_1094 : vector<1x1x1x16xf32> to vector<16xf32>
      %parallel_loop3A_1096 = vector.shape_cast %parallel_loop3A_808 : vector<16xf32> to vector<1x1x1x16xf32>
      tpu.vector_store %arg8[%parallel_loop3A_1090, %parallel_loop3A_1091, %parallel_loop3A_1092, %parallel_loop3A_1093], %parallel_loop3A_1096 {add = true, strides = array<i32>} : memref<3x4x64x128xf32, #tpu.memory_space<vmem>>, vector<1x1x1x16xf32>,
    } {sc.loop_unroll_factor = 1 : i64, sc.parallel_access}
    %add3A_451 = arith.constant 256 : i32
    %add3A_452 = arith.addi %mul3A_2, %add3A_451 : i32
    %dma_start3A_453 = arith.constant 1 : i32
    %dma_start3A_454 = arith.constant 0 : i32
    %dma_start3A_455 = arith.constant 0 : i32
    %dma_start3A_456 = arith.constant 0 : i32
    %dma_start3A_457 = tpu.memref_slice %arg8[%dma_start3A_453, %dma_start3A_454, %dma_start3A_455, %dma_start3A_456] : memref<3x4x64x128xf32, #tpu.memory_space<vmem>> -> memref<1x4x64x128xf32, #tpu.memory_space<vmem>>
    %dma_start3A_458 = tpu.memref_squeeze %dma_start3A_457 : memref<1x4x64x128xf32, #tpu.memory_space<vmem>> -> memref<4x64x128xf32, #tpu.memory_space<vmem>>
    %dma_start3A_459 = arith.constant 0 : i32
    %dma_start3A_460 = arith.constant 0 : i32
    %dma_start3A_461 = tpu.memref_slice %arg5[%dma_start3A_459, %add3A_452, %dma_start3A_460] : memref<4x16384x128xf32, #tpu.memory_space<hbm>> -> memref<4x64x128xf32, #tpu.memory_space<hbm>>
    %dma_start3A_462 = arith.constant 0 : i32
    %dma_start3A_463 = arith.constant 0 : i32
    %dma_start3A_464 = tpu.memref_slice %arg5[%dma_start3A_462, %add3A_452, %dma_start3A_463] : memref<4x16384x128xf32, #tpu.memory_space<hbm>> -> memref<4x64x128xf32, #tpu.memory_space<hbm>>
    %dma_start3A_465 = arith.constant 0 : i32
    %dma_start3A_466 = arith.constant 0 : i32
    %dma_start3A_467 = arith.constant 0 : i32
    %dma_start3A_468 = tpu.memref_slice %arg8[%dma_start3A_453, %dma_start3A_465, %dma_start3A_466, %dma_start3A_467] : memref<3x4x64x128xf32, #tpu.memory_space<vmem>> -> memref<1x4x64x128xf32, #tpu.memory_space<vmem>>
    %dma_start3A_469 = tpu.memref_squeeze %dma_start3A_468 : memref<1x4x64x128xf32, #tpu.memory_space<vmem>> -> memref<4x64x128xf32, #tpu.memory_space<vmem>>
    tpu.enqueue_dma source(%dma_start3A_469 : memref<4x64x128xf32, #tpu.memory_space<vmem>>) target(%dma_start3A_464 : memref<4x64x128xf32, #tpu.memory_space<hbm>>) target_semaphore(%arg11 : memref<!tpu.dma_semaphore, #tpu.memory_space<semaphore_mem>>)
    %dma_wait3A_470 = arith.constant 0 : i32
    %dma_wait3A_471 = arith.constant 0 : i32
    %dma_wait3A_472 = arith.constant 0 : i32
    %dma_wait3A_473 = arith.constant 0 : i32
    %dma_wait3A_474 = tpu.memref_slice %arg8[%dma_wait3A_470, %dma_wait3A_471, %dma_wait3A_472, %dma_wait3A_473] : memref<3x4x64x128xf32, #tpu.memory_space<vmem>> -> memref<1x4x64x128xf32, #tpu.memory_space<vmem>>
    %dma_wait3A_475 = tpu.memref_squeeze %dma_wait3A_474 : memref<1x4x64x128xf32, #tpu.memory_space<vmem>> -> memref<4x64x128xf32, #tpu.memory_space<vmem>>
    %dma_wait3A_476 = arith.constant 0 : i32
    %dma_wait3A_477 = arith.constant 0 : i32
    %dma_wait3A_478 = tpu.memref_slice %arg5[%dma_wait3A_476, %add3A_357, %dma_wait3A_477] : memref<4x16384x128xf32, #tpu.memory_space<hbm>> -> memref<4x64x128xf32, #tpu.memory_space<hbm>>
    %dma_wait3A_479 = arith.constant 0 : i32
    %dma_wait3A_480 = arith.constant 0 : i32
    %dma_wait3A_481 = tpu.memref_slice %arg5[%dma_wait3A_479, %add3A_357, %dma_wait3A_480] : memref<4x16384x128xf32, #tpu.memory_space<hbm>> -> memref<4x64x128xf32, #tpu.memory_space<hbm>>
    %dma_wait3A_482 = arith.constant 0 : i32
    %dma_wait3A_483 = arith.constant 0 : i32
    %dma_wait3A_484 = arith.constant 0 : i32
    %dma_wait3A_485 = tpu.memref_slice %arg8[%dma_wait3A_470, %dma_wait3A_482, %dma_wait3A_483, %dma_wait3A_484] : memref<3x4x64x128xf32, #tpu.memory_space<vmem>> -> memref<1x4x64x128xf32, #tpu.memory_space<vmem>>
    %dma_wait3A_486 = tpu.memref_squeeze %dma_wait3A_485 : memref<1x4x64x128xf32, #tpu.memory_space<vmem>> -> memref<4x64x128xf32, #tpu.memory_space<vmem>>
    tpu.wait_dma2 semaphore(%arg11 : memref<!tpu.dma_semaphore, #tpu.memory_space<semaphore_mem>>) src(%dma_wait3A_486 : memref<4x64x128xf32, #tpu.memory_space<vmem>>) dst(%dma_wait3A_481 : memref<4x64x128xf32, #tpu.memory_space<hbm>>)
    %dma_start3A_487 = arith.constant 0 : i32
    %dma_start3A_488 = arith.constant 0 : i32
    %dma_start3A_489 = arith.constant 0 : i32
    %dma_start3A_490 = tpu.memref_slice %arg7[%dma_start3A_487, %dma_start3A_488, %dma_start3A_489] : memref<3x64x128xf32, #tpu.memory_space<vmem>> -> memref<1x64x128xf32, #tpu.memory_space<vmem>>
    %dma_start3A_491 = tpu.memref_squeeze %dma_start3A_490 : memref<1x64x128xf32, #tpu.memory_space<vmem>> -> memref<64x128xf32, #tpu.memory_space<vmem>>
    %dma_start3A_492 = arith.constant 384 : i32
    %dma_start3A_493 = tpu.memref_slice %arg6[%dma_start3A_492] : memref<512xi32, #tpu.memory_space<vmem>> -> memref<64xi32, #tpu.memory_space<vmem>>
    %dma_start3A_494 = arith.constant 0 : i32
    %dma_start3A_495 = arith.constant 0 : i32
    %dma_start3A_496 = tpu.memref_slice %arg3[%dma_start3A_494, %dma_start3A_495] : memref<16384x128xf32, #tpu.memory_space<hbm>> -> memref<16384x128xf32, #tpu.memory_space<hbm>>
    tpu.enqueue_indirect_dma source(%dma_start3A_496 : memref<16384x128xf32, #tpu.memory_space<hbm>>) target(%dma_start3A_491 : memref<64x128xf32, #tpu.memory_space<vmem>>) offsets(%dma_start3A_493 : memref<64xi32, #tpu.memory_space<vmem>>) semaphore(%arg9 : memref<!tpu.dma_semaphore, #tpu.memory_space<semaphore_mem>>)
    %add3A_497 = arith.constant 384 : i32
    %add3A_498 = arith.addi %mul3A_2, %add3A_497 : i32
    %dma_start3A_499 = arith.constant 0 : i32
    %dma_start3A_500 = arith.constant 0 : i32
    %dma_start3A_501 = arith.constant 0 : i32
    %dma_start3A_502 = arith.constant 0 : i32
    %dma_start3A_503 = tpu.memref_slice %arg8[%dma_start3A_499, %dma_start3A_500, %dma_start3A_501, %dma_start3A_502] : memref<3x4x64x128xf32, #tpu.memory_space<vmem>> -> memref<1x4x64x128xf32, #tpu.memory_space<vmem>>
    %dma_start3A_504 = tpu.memref_squeeze %dma_start3A_503 : memref<1x4x64x128xf32, #tpu.memory_space<vmem>> -> memref<4x64x128xf32, #tpu.memory_space<vmem>>
    %dma_start3A_505 = arith.constant 0 : i32
    %dma_start3A_506 = arith.constant 0 : i32
    %dma_start3A_507 = tpu.memref_slice %arg2[%dma_start3A_505, %add3A_498, %dma_start3A_506] : memref<4x16384x128xf32, #tpu.memory_space<hbm>> -> memref<4x64x128xf32, #tpu.memory_space<hbm>>
    %dma_start3A_508 = arith.constant 0 : i32
    %dma_start3A_509 = arith.constant 0 : i32
    %dma_start3A_510 = arith.constant 0 : i32
    %dma_start3A_511 = tpu.memref_slice %arg8[%dma_start3A_499, %dma_start3A_508, %dma_start3A_509, %dma_start3A_510] : memref<3x4x64x128xf32, #tpu.memory_space<vmem>> -> memref<1x4x64x128xf32, #tpu.memory_space<vmem>>
    %dma_start3A_512 = tpu.memref_squeeze %dma_start3A_511 : memref<1x4x64x128xf32, #tpu.memory_space<vmem>> -> memref<4x64x128xf32, #tpu.memory_space<vmem>>
    %dma_start3A_513 = arith.constant 0 : i32
    %dma_start3A_514 = arith.constant 0 : i32
    %dma_start3A_515 = tpu.memref_slice %arg2[%dma_start3A_513, %add3A_498, %dma_start3A_514] : memref<4x16384x128xf32, #tpu.memory_space<hbm>> -> memref<4x64x128xf32, #tpu.memory_space<hbm>>
    tpu.enqueue_dma source(%dma_start3A_515 : memref<4x64x128xf32, #tpu.memory_space<hbm>>) target(%dma_start3A_512 : memref<4x64x128xf32, #tpu.memory_space<vmem>>) target_semaphore(%arg10 : memref<!tpu.dma_semaphore, #tpu.memory_space<semaphore_mem>>)
    %dma_wait3A_516 = arith.constant 2 : i32
    %dma_wait3A_517 = arith.constant 0 : i32
    %dma_wait3A_518 = arith.constant 0 : i32
    %dma_wait3A_519 = tpu.memref_slice %arg7[%dma_wait3A_516, %dma_wait3A_517, %dma_wait3A_518] : memref<3x64x128xf32, #tpu.memory_space<vmem>> -> memref<1x64x128xf32, #tpu.memory_space<vmem>>
    %dma_wait3A_520 = tpu.memref_squeeze %dma_wait3A_519 : memref<1x64x128xf32, #tpu.memory_space<vmem>> -> memref<64x128xf32, #tpu.memory_space<vmem>>
    %dma_wait3A_521 = arith.constant 320 : i32
    %dma_wait3A_522 = tpu.memref_slice %arg6[%dma_wait3A_521] : memref<512xi32, #tpu.memory_space<vmem>> -> memref<64xi32, #tpu.memory_space<vmem>>
    %dma_wait3A_523 = arith.constant 0 : i32
    %dma_wait3A_524 = arith.constant 0 : i32
    %dma_wait3A_525 = tpu.memref_slice %arg3[%dma_wait3A_523, %dma_wait3A_524] : memref<16384x128xf32, #tpu.memory_space<hbm>> -> memref<16384x128xf32, #tpu.memory_space<hbm>>
    tpu.wait_indirect_dma semaphore(%arg9 : memref<!tpu.dma_semaphore, #tpu.memory_space<semaphore_mem>>) src(%dma_wait3A_525 : memref<16384x128xf32, #tpu.memory_space<hbm>>) dst(%dma_wait3A_520 : memref<64x128xf32, #tpu.memory_space<vmem>>)
    %dma_wait3A_526 = arith.constant 2 : i32
    %dma_wait3A_527 = arith.constant 0 : i32
    %dma_wait3A_528 = arith.constant 0 : i32
    %dma_wait3A_529 = arith.constant 0 : i32
    %dma_wait3A_530 = tpu.memref_slice %arg8[%dma_wait3A_526, %dma_wait3A_527, %dma_wait3A_528, %dma_wait3A_529] : memref<3x4x64x128xf32, #tpu.memory_space<vmem>> -> memref<1x4x64x128xf32, #tpu.memory_space<vmem>>
    %dma_wait3A_531 = tpu.memref_squeeze %dma_wait3A_530 : memref<1x4x64x128xf32, #tpu.memory_space<vmem>> -> memref<4x64x128xf32, #tpu.memory_space<vmem>>
    %dma_wait3A_532 = arith.constant 0 : i32
    %dma_wait3A_533 = arith.constant 0 : i32
    %dma_wait3A_534 = tpu.memref_slice %arg2[%dma_wait3A_532, %add3A_403, %dma_wait3A_533] : memref<4x16384x128xf32, #tpu.memory_space<hbm>> -> memref<4x64x128xf32, #tpu.memory_space<hbm>>
    %dma_wait3A_535 = arith.constant 0 : i32
    %dma_wait3A_536 = arith.constant 0 : i32
    %dma_wait3A_537 = arith.constant 0 : i32
    %dma_wait3A_538 = tpu.memref_slice %arg8[%dma_wait3A_526, %dma_wait3A_535, %dma_wait3A_536, %dma_wait3A_537] : memref<3x4x64x128xf32, #tpu.memory_space<vmem>> -> memref<1x4x64x128xf32, #tpu.memory_space<vmem>>
    %dma_wait3A_539 = tpu.memref_squeeze %dma_wait3A_538 : memref<1x4x64x128xf32, #tpu.memory_space<vmem>> -> memref<4x64x128xf32, #tpu.memory_space<vmem>>
    %dma_wait3A_540 = arith.constant 0 : i32
    %dma_wait3A_541 = arith.constant 0 : i32
    %dma_wait3A_542 = tpu.memref_slice %arg2[%dma_wait3A_540, %add3A_403, %dma_wait3A_541] : memref<4x16384x128xf32, #tpu.memory_space<hbm>> -> memref<4x64x128xf32, #tpu.memory_space<hbm>>
    tpu.wait_dma2 semaphore(%arg10 : memref<!tpu.dma_semaphore, #tpu.memory_space<semaphore_mem>>) src(%dma_wait3A_542 : memref<4x64x128xf32, #tpu.memory_space<hbm>>) dst(%dma_wait3A_539 : memref<4x64x128xf32, #tpu.memory_space<vmem>>)
    %parallel_loop3A_543 = arith.constant 0 : i32
    %parallel_loop3A_544 = arith.constant 64 : i32
    %parallel_loop3A_545 = arith.constant 1 : i32
    scf.for %parallel_loop3A_760 = %parallel_loop3A_543 to %parallel_loop3A_544 step %parallel_loop3A_545  : i32 {
      %parallel_loop3A_761 = arith.constant 2 : i32
      %parallel_loop3A_762 = arith.index_cast %parallel_loop3A_761 : i32 to index
      %parallel_loop3A_763 = arith.index_cast %parallel_loop3A_760 : i32 to index
      %parallel_loop3A_764 = arith.constant 0 : index
      %parallel_loop3A_765 = tpu.vector_load %arg7[%parallel_loop3A_762, %parallel_loop3A_763, %parallel_loop3A_764] {strides = array<i32>} : memref<3x64x128xf32, #tpu.memory_space<vmem>>, vector<1x1x16xf32>,
      %parallel_loop3A_766 = vector.shape_cast %parallel_loop3A_765 : vector<1x1x16xf32> to vector<16xf32>
      %parallel_loop3A_767 = arith.constant 2 : i32
      %parallel_loop3A_768 = arith.index_cast %parallel_loop3A_767 : i32 to index
      %parallel_loop3A_769 = arith.index_cast %parallel_loop3A_760 : i32 to index
      %parallel_loop3A_770 = arith.constant 16 : index
      %parallel_loop3A_771 = tpu.vector_load %arg7[%parallel_loop3A_768, %parallel_loop3A_769, %parallel_loop3A_770] {strides = array<i32>} : memref<3x64x128xf32, #tpu.memory_space<vmem>>, vector<1x1x16xf32>,
      %parallel_loop3A_772 = vector.shape_cast %parallel_loop3A_771 : vector<1x1x16xf32> to vector<16xf32>
      %parallel_loop3A_773 = arith.constant 2 : i32
      %parallel_loop3A_774 = arith.index_cast %parallel_loop3A_773 : i32 to index
      %parallel_loop3A_775 = arith.index_cast %parallel_loop3A_760 : i32 to index
      %parallel_loop3A_776 = arith.constant 32 : index
      %parallel_loop3A_777 = tpu.vector_load %arg7[%parallel_loop3A_774, %parallel_loop3A_775, %parallel_loop3A_776] {strides = array<i32>} : memref<3x64x128xf32, #tpu.memory_space<vmem>>, vector<1x1x16xf32>,
      %parallel_loop3A_778 = vector.shape_cast %parallel_loop3A_777 : vector<1x1x16xf32> to vector<16xf32>
      %parallel_loop3A_779 = arith.constant 2 : i32
      %parallel_loop3A_780 = arith.index_cast %parallel_loop3A_779 : i32 to index
      %parallel_loop3A_781 = arith.index_cast %parallel_loop3A_760 : i32 to index
      %parallel_loop3A_782 = arith.constant 48 : index
      %parallel_loop3A_783 = tpu.vector_load %arg7[%parallel_loop3A_780, %parallel_loop3A_781, %parallel_loop3A_782] {strides = array<i32>} : memref<3x64x128xf32, #tpu.memory_space<vmem>>, vector<1x1x16xf32>,
      %parallel_loop3A_784 = vector.shape_cast %parallel_loop3A_783 : vector<1x1x16xf32> to vector<16xf32>
      %parallel_loop3A_785 = arith.constant 2 : i32
      %parallel_loop3A_786 = arith.index_cast %parallel_loop3A_785 : i32 to index
      %parallel_loop3A_787 = arith.index_cast %parallel_loop3A_760 : i32 to index
      %parallel_loop3A_788 = arith.constant 64 : index
      %parallel_loop3A_789 = tpu.vector_load %arg7[%parallel_loop3A_786, %parallel_loop3A_787, %parallel_loop3A_788] {strides = array<i32>} : memref<3x64x128xf32, #tpu.memory_space<vmem>>, vector<1x1x16xf32>,
      %parallel_loop3A_790 = vector.shape_cast %parallel_loop3A_789 : vector<1x1x16xf32> to vector<16xf32>
      %parallel_loop3A_791 = arith.constant 2 : i32
      %parallel_loop3A_792 = arith.index_cast %parallel_loop3A_791 : i32 to index
      %parallel_loop3A_793 = arith.index_cast %parallel_loop3A_760 : i32 to index
      %parallel_loop3A_794 = arith.constant 80 : index
      %parallel_loop3A_795 = tpu.vector_load %arg7[%parallel_loop3A_792, %parallel_loop3A_793, %parallel_loop3A_794] {strides = array<i32>} : memref<3x64x128xf32, #tpu.memory_space<vmem>>, vector<1x1x16xf32>,
      %parallel_loop3A_796 = vector.shape_cast %parallel_loop3A_795 : vector<1x1x16xf32> to vector<16xf32>
      %parallel_loop3A_797 = arith.constant 2 : i32
      %parallel_loop3A_798 = arith.index_cast %parallel_loop3A_797 : i32 to index
      %parallel_loop3A_799 = arith.index_cast %parallel_loop3A_760 : i32 to index
      %parallel_loop3A_800 = arith.constant 96 : index
      %parallel_loop3A_801 = tpu.vector_load %arg7[%parallel_loop3A_798, %parallel_loop3A_799, %parallel_loop3A_800] {strides = array<i32>} : memref<3x64x128xf32, #tpu.memory_space<vmem>>, vector<1x1x16xf32>,
      %parallel_loop3A_802 = vector.shape_cast %parallel_loop3A_801 : vector<1x1x16xf32> to vector<16xf32>
      %parallel_loop3A_803 = arith.constant 2 : i32
      %parallel_loop3A_804 = arith.index_cast %parallel_loop3A_803 : i32 to index
      %parallel_loop3A_805 = arith.index_cast %parallel_loop3A_760 : i32 to index
      %parallel_loop3A_806 = arith.constant 112 : index
      %parallel_loop3A_807 = tpu.vector_load %arg7[%parallel_loop3A_804, %parallel_loop3A_805, %parallel_loop3A_806] {strides = array<i32>} : memref<3x64x128xf32, #tpu.memory_space<vmem>>, vector<1x1x16xf32>,
      %parallel_loop3A_808 = vector.shape_cast %parallel_loop3A_807 : vector<1x1x16xf32> to vector<16xf32>
      %parallel_loop3A_809 = arith.constant 2 : i32
      %parallel_loop3A_810 = arith.constant 0 : i32
      %parallel_loop3A_811 = arith.index_cast %parallel_loop3A_809 : i32 to index
      %parallel_loop3A_812 = arith.index_cast %parallel_loop3A_810 : i32 to index
      %parallel_loop3A_813 = arith.index_cast %parallel_loop3A_760 : i32 to index
      %parallel_loop3A_814 = arith.constant 0 : index
      %parallel_loop3A_815 = tpu.vector_load %arg8[%parallel_loop3A_811, %parallel_loop3A_812, %parallel_loop3A_813, %parallel_loop3A_814] {strides = array<i32>} : memref<3x4x64x128xf32, #tpu.memory_space<vmem>>, vector<1x1x1x16xf32>,
      %parallel_loop3A_816 = vector.shape_cast %parallel_loop3A_815 : vector<1x1x1x16xf32> to vector<16xf32>
      %parallel_loop3A_817 = vector.shape_cast %parallel_loop3A_766 : vector<16xf32> to vector<1x1x1x16xf32>
      tpu.vector_store %arg8[%parallel_loop3A_811, %parallel_loop3A_812, %parallel_loop3A_813, %parallel_loop3A_814], %parallel_loop3A_817 {add = true, strides = array<i32>} : memref<3x4x64x128xf32, #tpu.memory_space<vmem>>, vector<1x1x1x16xf32>,
      %parallel_loop3A_818 = arith.constant 2 : i32
      %parallel_loop3A_819 = arith.constant 0 : i32
      %parallel_loop3A_820 = arith.index_cast %parallel_loop3A_818 : i32 to index
      %parallel_loop3A_821 = arith.index_cast %parallel_loop3A_819 : i32 to index
      %parallel_loop3A_822 = arith.index_cast %parallel_loop3A_760 : i32 to index
      %parallel_loop3A_823 = arith.constant 16 : index
      %parallel_loop3A_824 = tpu.vector_load %arg8[%parallel_loop3A_820, %parallel_loop3A_821, %parallel_loop3A_822, %parallel_loop3A_823] {strides = array<i32>} : memref<3x4x64x128xf32, #tpu.memory_space<vmem>>, vector<1x1x1x16xf32>,
      %parallel_loop3A_825 = vector.shape_cast %parallel_loop3A_824 : vector<1x1x1x16xf32> to vector<16xf32>
      %parallel_loop3A_826 = vector.shape_cast %parallel_loop3A_772 : vector<16xf32> to vector<1x1x1x16xf32>
      tpu.vector_store %arg8[%parallel_loop3A_820, %parallel_loop3A_821, %parallel_loop3A_822, %parallel_loop3A_823], %parallel_loop3A_826 {add = true, strides = array<i32>} : memref<3x4x64x128xf32, #tpu.memory_space<vmem>>, vector<1x1x1x16xf32>,
      %parallel_loop3A_827 = arith.constant 2 : i32
      %parallel_loop3A_828 = arith.constant 0 : i32
      %parallel_loop3A_829 = arith.index_cast %parallel_loop3A_827 : i32 to index
      %parallel_loop3A_830 = arith.index_cast %parallel_loop3A_828 : i32 to index
      %parallel_loop3A_831 = arith.index_cast %parallel_loop3A_760 : i32 to index
      %parallel_loop3A_832 = arith.constant 32 : index
      %parallel_loop3A_833 = tpu.vector_load %arg8[%parallel_loop3A_829, %parallel_loop3A_830, %parallel_loop3A_831, %parallel_loop3A_832] {strides = array<i32>} : memref<3x4x64x128xf32, #tpu.memory_space<vmem>>, vector<1x1x1x16xf32>,
      %parallel_loop3A_834 = vector.shape_cast %parallel_loop3A_833 : vector<1x1x1x16xf32> to vector<16xf32>
      %parallel_loop3A_835 = vector.shape_cast %parallel_loop3A_778 : vector<16xf32> to vector<1x1x1x16xf32>
      tpu.vector_store %arg8[%parallel_loop3A_829, %parallel_loop3A_830, %parallel_loop3A_831, %parallel_loop3A_832], %parallel_loop3A_835 {add = true, strides = array<i32>} : memref<3x4x64x128xf32, #tpu.memory_space<vmem>>, vector<1x1x1x16xf32>,
      %parallel_loop3A_836 = arith.constant 2 : i32
      %parallel_loop3A_837 = arith.constant 0 : i32
      %parallel_loop3A_838 = arith.index_cast %parallel_loop3A_836 : i32 to index
      %parallel_loop3A_839 = arith.index_cast %parallel_loop3A_837 : i32 to index
      %parallel_loop3A_840 = arith.index_cast %parallel_loop3A_760 : i32 to index
      %parallel_loop3A_841 = arith.constant 48 : index
      %parallel_loop3A_842 = tpu.vector_load %arg8[%parallel_loop3A_838, %parallel_loop3A_839, %parallel_loop3A_840, %parallel_loop3A_841] {strides = array<i32>} : memref<3x4x64x128xf32, #tpu.memory_space<vmem>>, vector<1x1x1x16xf32>,
      %parallel_loop3A_843 = vector.shape_cast %parallel_loop3A_842 : vector<1x1x1x16xf32> to vector<16xf32>
      %parallel_loop3A_844 = vector.shape_cast %parallel_loop3A_784 : vector<16xf32> to vector<1x1x1x16xf32>
      tpu.vector_store %arg8[%parallel_loop3A_838, %parallel_loop3A_839, %parallel_loop3A_840, %parallel_loop3A_841], %parallel_loop3A_844 {add = true, strides = array<i32>} : memref<3x4x64x128xf32, #tpu.memory_space<vmem>>, vector<1x1x1x16xf32>,
      %parallel_loop3A_845 = arith.constant 2 : i32
      %parallel_loop3A_846 = arith.constant 0 : i32
      %parallel_loop3A_847 = arith.index_cast %parallel_loop3A_845 : i32 to index
      %parallel_loop3A_848 = arith.index_cast %parallel_loop3A_846 : i32 to index
      %parallel_loop3A_849 = arith.index_cast %parallel_loop3A_760 : i32 to index
      %parallel_loop3A_850 = arith.constant 64 : index
      %parallel_loop3A_851 = tpu.vector_load %arg8[%parallel_loop3A_847, %parallel_loop3A_848, %parallel_loop3A_849, %parallel_loop3A_850] {strides = array<i32>} : memref<3x4x64x128xf32, #tpu.memory_space<vmem>>, vector<1x1x1x16xf32>,
      %parallel_loop3A_852 = vector.shape_cast %parallel_loop3A_851 : vector<1x1x1x16xf32> to vector<16xf32>
      %parallel_loop3A_853 = vector.shape_cast %parallel_loop3A_790 : vector<16xf32> to vector<1x1x1x16xf32>
      tpu.vector_store %arg8[%parallel_loop3A_847, %parallel_loop3A_848, %parallel_loop3A_849, %parallel_loop3A_850], %parallel_loop3A_853 {add = true, strides = array<i32>} : memref<3x4x64x128xf32, #tpu.memory_space<vmem>>, vector<1x1x1x16xf32>,
      %parallel_loop3A_854 = arith.constant 2 : i32
      %parallel_loop3A_855 = arith.constant 0 : i32
      %parallel_loop3A_856 = arith.index_cast %parallel_loop3A_854 : i32 to index
      %parallel_loop3A_857 = arith.index_cast %parallel_loop3A_855 : i32 to index
      %parallel_loop3A_858 = arith.index_cast %parallel_loop3A_760 : i32 to index
      %parallel_loop3A_859 = arith.constant 80 : index
      %parallel_loop3A_860 = tpu.vector_load %arg8[%parallel_loop3A_856, %parallel_loop3A_857, %parallel_loop3A_858, %parallel_loop3A_859] {strides = array<i32>} : memref<3x4x64x128xf32, #tpu.memory_space<vmem>>, vector<1x1x1x16xf32>,
      %parallel_loop3A_861 = vector.shape_cast %parallel_loop3A_860 : vector<1x1x1x16xf32> to vector<16xf32>
      %parallel_loop3A_862 = vector.shape_cast %parallel_loop3A_796 : vector<16xf32> to vector<1x1x1x16xf32>
      tpu.vector_store %arg8[%parallel_loop3A_856, %parallel_loop3A_857, %parallel_loop3A_858, %parallel_loop3A_859], %parallel_loop3A_862 {add = true, strides = array<i32>} : memref<3x4x64x128xf32, #tpu.memory_space<vmem>>, vector<1x1x1x16xf32>,
      %parallel_loop3A_863 = arith.constant 2 : i32
      %parallel_loop3A_864 = arith.constant 0 : i32
      %parallel_loop3A_865 = arith.index_cast %parallel_loop3A_863 : i32 to index
      %parallel_loop3A_866 = arith.index_cast %parallel_loop3A_864 : i32 to index
      %parallel_loop3A_867 = arith.index_cast %parallel_loop3A_760 : i32 to index
      %parallel_loop3A_868 = arith.constant 96 : index
      %parallel_loop3A_869 = tpu.vector_load %arg8[%parallel_loop3A_865, %parallel_loop3A_866, %parallel_loop3A_867, %parallel_loop3A_868] {strides = array<i32>} : memref<3x4x64x128xf32, #tpu.memory_space<vmem>>, vector<1x1x1x16xf32>,
      %parallel_loop3A_870 = vector.shape_cast %parallel_loop3A_869 : vector<1x1x1x16xf32> to vector<16xf32>
      %parallel_loop3A_871 = vector.shape_cast %parallel_loop3A_802 : vector<16xf32> to vector<1x1x1x16xf32>
      tpu.vector_store %arg8[%parallel_loop3A_865, %parallel_loop3A_866, %parallel_loop3A_867, %parallel_loop3A_868], %parallel_loop3A_871 {add = true, strides = array<i32>} : memref<3x4x64x128xf32, #tpu.memory_space<vmem>>, vector<1x1x1x16xf32>,
      %parallel_loop3A_872 = arith.constant 2 : i32
      %parallel_loop3A_873 = arith.constant 0 : i32
      %parallel_loop3A_874 = arith.index_cast %parallel_loop3A_872 : i32 to index
      %parallel_loop3A_875 = arith.index_cast %parallel_loop3A_873 : i32 to index
      %parallel_loop3A_876 = arith.index_cast %parallel_loop3A_760 : i32 to index
      %parallel_loop3A_877 = arith.constant 112 : index
      %parallel_loop3A_878 = tpu.vector_load %arg8[%parallel_loop3A_874, %parallel_loop3A_875, %parallel_loop3A_876, %parallel_loop3A_877] {strides = array<i32>} : memref<3x4x64x128xf32, #tpu.memory_space<vmem>>, vector<1x1x1x16xf32>,
      %parallel_loop3A_879 = vector.shape_cast %parallel_loop3A_878 : vector<1x1x1x16xf32> to vector<16xf32>
      %parallel_loop3A_880 = vector.shape_cast %parallel_loop3A_808 : vector<16xf32> to vector<1x1x1x16xf32>
      tpu.vector_store %arg8[%parallel_loop3A_874, %parallel_loop3A_875, %parallel_loop3A_876, %parallel_loop3A_877], %parallel_loop3A_880 {add = true, strides = array<i32>} : memref<3x4x64x128xf32, #tpu.memory_space<vmem>>, vector<1x1x1x16xf32>,
      %parallel_loop3A_881 = arith.constant 2 : i32
      %parallel_loop3A_882 = arith.constant 1 : i32
      %parallel_loop3A_883 = arith.index_cast %parallel_loop3A_881 : i32 to index
      %parallel_loop3A_884 = arith.index_cast %parallel_loop3A_882 : i32 to index
      %parallel_loop3A_885 = arith.index_cast %parallel_loop3A_760 : i32 to index
      %parallel_loop3A_886 = arith.constant 0 : index
      %parallel_loop3A_887 = tpu.vector_load %arg8[%parallel_loop3A_883, %parallel_loop3A_884, %parallel_loop3A_885, %parallel_loop3A_886] {strides = array<i32>} : memref<3x4x64x128xf32, #tpu.memory_space<vmem>>, vector<1x1x1x16xf32>,
      %parallel_loop3A_888 = vector.shape_cast %parallel_loop3A_887 : vector<1x1x1x16xf32> to vector<16xf32>
      %parallel_loop3A_889 = vector.shape_cast %parallel_loop3A_766 : vector<16xf32> to vector<1x1x1x16xf32>
      tpu.vector_store %arg8[%parallel_loop3A_883, %parallel_loop3A_884, %parallel_loop3A_885, %parallel_loop3A_886], %parallel_loop3A_889 {add = true, strides = array<i32>} : memref<3x4x64x128xf32, #tpu.memory_space<vmem>>, vector<1x1x1x16xf32>,
      %parallel_loop3A_890 = arith.constant 2 : i32
      %parallel_loop3A_891 = arith.constant 1 : i32
      %parallel_loop3A_892 = arith.index_cast %parallel_loop3A_890 : i32 to index
      %parallel_loop3A_893 = arith.index_cast %parallel_loop3A_891 : i32 to index
      %parallel_loop3A_894 = arith.index_cast %parallel_loop3A_760 : i32 to index
      %parallel_loop3A_895 = arith.constant 16 : index
      %parallel_loop3A_896 = tpu.vector_load %arg8[%parallel_loop3A_892, %parallel_loop3A_893, %parallel_loop3A_894, %parallel_loop3A_895] {strides = array<i32>} : memref<3x4x64x128xf32, #tpu.memory_space<vmem>>, vector<1x1x1x16xf32>,
      %parallel_loop3A_897 = vector.shape_cast %parallel_loop3A_896 : vector<1x1x1x16xf32> to vector<16xf32>
      %parallel_loop3A_898 = vector.shape_cast %parallel_loop3A_772 : vector<16xf32> to vector<1x1x1x16xf32>
      tpu.vector_store %arg8[%parallel_loop3A_892, %parallel_loop3A_893, %parallel_loop3A_894, %parallel_loop3A_895], %parallel_loop3A_898 {add = true, strides = array<i32>} : memref<3x4x64x128xf32, #tpu.memory_space<vmem>>, vector<1x1x1x16xf32>,
      %parallel_loop3A_899 = arith.constant 2 : i32
      %parallel_loop3A_900 = arith.constant 1 : i32
      %parallel_loop3A_901 = arith.index_cast %parallel_loop3A_899 : i32 to index
      %parallel_loop3A_902 = arith.index_cast %parallel_loop3A_900 : i32 to index
      %parallel_loop3A_903 = arith.index_cast %parallel_loop3A_760 : i32 to index
      %parallel_loop3A_904 = arith.constant 32 : index
      %parallel_loop3A_905 = tpu.vector_load %arg8[%parallel_loop3A_901, %parallel_loop3A_902, %parallel_loop3A_903, %parallel_loop3A_904] {strides = array<i32>} : memref<3x4x64x128xf32, #tpu.memory_space<vmem>>, vector<1x1x1x16xf32>,
      %parallel_loop3A_906 = vector.shape_cast %parallel_loop3A_905 : vector<1x1x1x16xf32> to vector<16xf32>
      %parallel_loop3A_907 = vector.shape_cast %parallel_loop3A_778 : vector<16xf32> to vector<1x1x1x16xf32>
      tpu.vector_store %arg8[%parallel_loop3A_901, %parallel_loop3A_902, %parallel_loop3A_903, %parallel_loop3A_904], %parallel_loop3A_907 {add = true, strides = array<i32>} : memref<3x4x64x128xf32, #tpu.memory_space<vmem>>, vector<1x1x1x16xf32>,
      %parallel_loop3A_908 = arith.constant 2 : i32
      %parallel_loop3A_909 = arith.constant 1 : i32
      %parallel_loop3A_910 = arith.index_cast %parallel_loop3A_908 : i32 to index
      %parallel_loop3A_911 = arith.index_cast %parallel_loop3A_909 : i32 to index
      %parallel_loop3A_912 = arith.index_cast %parallel_loop3A_760 : i32 to index
      %parallel_loop3A_913 = arith.constant 48 : index
      %parallel_loop3A_914 = tpu.vector_load %arg8[%parallel_loop3A_910, %parallel_loop3A_911, %parallel_loop3A_912, %parallel_loop3A_913] {strides = array<i32>} : memref<3x4x64x128xf32, #tpu.memory_space<vmem>>, vector<1x1x1x16xf32>,
      %parallel_loop3A_915 = vector.shape_cast %parallel_loop3A_914 : vector<1x1x1x16xf32> to vector<16xf32>
      %parallel_loop3A_916 = vector.shape_cast %parallel_loop3A_784 : vector<16xf32> to vector<1x1x1x16xf32>
      tpu.vector_store %arg8[%parallel_loop3A_910, %parallel_loop3A_911, %parallel_loop3A_912, %parallel_loop3A_913], %parallel_loop3A_916 {add = true, strides = array<i32>} : memref<3x4x64x128xf32, #tpu.memory_space<vmem>>, vector<1x1x1x16xf32>,
      %parallel_loop3A_917 = arith.constant 2 : i32
      %parallel_loop3A_918 = arith.constant 1 : i32
      %parallel_loop3A_919 = arith.index_cast %parallel_loop3A_917 : i32 to index
      %parallel_loop3A_920 = arith.index_cast %parallel_loop3A_918 : i32 to index
      %parallel_loop3A_921 = arith.index_cast %parallel_loop3A_760 : i32 to index
      %parallel_loop3A_922 = arith.constant 64 : index
      %parallel_loop3A_923 = tpu.vector_load %arg8[%parallel_loop3A_919, %parallel_loop3A_920, %parallel_loop3A_921, %parallel_loop3A_922] {strides = array<i32>} : memref<3x4x64x128xf32, #tpu.memory_space<vmem>>, vector<1x1x1x16xf32>,
      %parallel_loop3A_924 = vector.shape_cast %parallel_loop3A_923 : vector<1x1x1x16xf32> to vector<16xf32>
      %parallel_loop3A_925 = vector.shape_cast %parallel_loop3A_790 : vector<16xf32> to vector<1x1x1x16xf32>
      tpu.vector_store %arg8[%parallel_loop3A_919, %parallel_loop3A_920, %parallel_loop3A_921, %parallel_loop3A_922], %parallel_loop3A_925 {add = true, strides = array<i32>} : memref<3x4x64x128xf32, #tpu.memory_space<vmem>>, vector<1x1x1x16xf32>,
      %parallel_loop3A_926 = arith.constant 2 : i32
      %parallel_loop3A_927 = arith.constant 1 : i32
      %parallel_loop3A_928 = arith.index_cast %parallel_loop3A_926 : i32 to index
      %parallel_loop3A_929 = arith.index_cast %parallel_loop3A_927 : i32 to index
      %parallel_loop3A_930 = arith.index_cast %parallel_loop3A_760 : i32 to index
      %parallel_loop3A_931 = arith.constant 80 : index
      %parallel_loop3A_932 = tpu.vector_load %arg8[%parallel_loop3A_928, %parallel_loop3A_929, %parallel_loop3A_930, %parallel_loop3A_931] {strides = array<i32>} : memref<3x4x64x128xf32, #tpu.memory_space<vmem>>, vector<1x1x1x16xf32>,
      %parallel_loop3A_933 = vector.shape_cast %parallel_loop3A_932 : vector<1x1x1x16xf32> to vector<16xf32>
      %parallel_loop3A_934 = vector.shape_cast %parallel_loop3A_796 : vector<16xf32> to vector<1x1x1x16xf32>
      tpu.vector_store %arg8[%parallel_loop3A_928, %parallel_loop3A_929, %parallel_loop3A_930, %parallel_loop3A_931], %parallel_loop3A_934 {add = true, strides = array<i32>} : memref<3x4x64x128xf32, #tpu.memory_space<vmem>>, vector<1x1x1x16xf32>,
      %parallel_loop3A_935 = arith.constant 2 : i32
      %parallel_loop3A_936 = arith.constant 1 : i32
      %parallel_loop3A_937 = arith.index_cast %parallel_loop3A_935 : i32 to index
      %parallel_loop3A_938 = arith.index_cast %parallel_loop3A_936 : i32 to index
      %parallel_loop3A_939 = arith.index_cast %parallel_loop3A_760 : i32 to index
      %parallel_loop3A_940 = arith.constant 96 : index
      %parallel_loop3A_941 = tpu.vector_load %arg8[%parallel_loop3A_937, %parallel_loop3A_938, %parallel_loop3A_939, %parallel_loop3A_940] {strides = array<i32>} : memref<3x4x64x128xf32, #tpu.memory_space<vmem>>, vector<1x1x1x16xf32>,
      %parallel_loop3A_942 = vector.shape_cast %parallel_loop3A_941 : vector<1x1x1x16xf32> to vector<16xf32>
      %parallel_loop3A_943 = vector.shape_cast %parallel_loop3A_802 : vector<16xf32> to vector<1x1x1x16xf32>
      tpu.vector_store %arg8[%parallel_loop3A_937, %parallel_loop3A_938, %parallel_loop3A_939, %parallel_loop3A_940], %parallel_loop3A_943 {add = true, strides = array<i32>} : memref<3x4x64x128xf32, #tpu.memory_space<vmem>>, vector<1x1x1x16xf32>,
      %parallel_loop3A_944 = arith.constant 2 : i32
      %parallel_loop3A_945 = arith.constant 1 : i32
      %parallel_loop3A_946 = arith.index_cast %parallel_loop3A_944 : i32 to index
      %parallel_loop3A_947 = arith.index_cast %parallel_loop3A_945 : i32 to index
      %parallel_loop3A_948 = arith.index_cast %parallel_loop3A_760 : i32 to index
      %parallel_loop3A_949 = arith.constant 112 : index
      %parallel_loop3A_950 = tpu.vector_load %arg8[%parallel_loop3A_946, %parallel_loop3A_947, %parallel_loop3A_948, %parallel_loop3A_949] {strides = array<i32>} : memref<3x4x64x128xf32, #tpu.memory_space<vmem>>, vector<1x1x1x16xf32>,
      %parallel_loop3A_951 = vector.shape_cast %parallel_loop3A_950 : vector<1x1x1x16xf32> to vector<16xf32>
      %parallel_loop3A_952 = vector.shape_cast %parallel_loop3A_808 : vector<16xf32> to vector<1x1x1x16xf32>
      tpu.vector_store %arg8[%parallel_loop3A_946, %parallel_loop3A_947, %parallel_loop3A_948, %parallel_loop3A_949], %parallel_loop3A_952 {add = true, strides = array<i32>} : memref<3x4x64x128xf32, #tpu.memory_space<vmem>>, vector<1x1x1x16xf32>,
      %parallel_loop3A_953 = arith.constant 2 : i32
      %parallel_loop3A_954 = arith.constant 2 : i32
      %parallel_loop3A_955 = arith.index_cast %parallel_loop3A_953 : i32 to index
      %parallel_loop3A_956 = arith.index_cast %parallel_loop3A_954 : i32 to index
      %parallel_loop3A_957 = arith.index_cast %parallel_loop3A_760 : i32 to index
      %parallel_loop3A_958 = arith.constant 0 : index
      %parallel_loop3A_959 = tpu.vector_load %arg8[%parallel_loop3A_955, %parallel_loop3A_956, %parallel_loop3A_957, %parallel_loop3A_958] {strides = array<i32>} : memref<3x4x64x128xf32, #tpu.memory_space<vmem>>, vector<1x1x1x16xf32>,
      %parallel_loop3A_960 = vector.shape_cast %parallel_loop3A_959 : vector<1x1x1x16xf32> to vector<16xf32>
      %parallel_loop3A_961 = vector.shape_cast %parallel_loop3A_766 : vector<16xf32> to vector<1x1x1x16xf32>
      tpu.vector_store %arg8[%parallel_loop3A_955, %parallel_loop3A_956, %parallel_loop3A_957, %parallel_loop3A_958], %parallel_loop3A_961 {add = true, strides = array<i32>} : memref<3x4x64x128xf32, #tpu.memory_space<vmem>>, vector<1x1x1x16xf32>,
      %parallel_loop3A_962 = arith.constant 2 : i32
      %parallel_loop3A_963 = arith.constant 2 : i32
      %parallel_loop3A_964 = arith.index_cast %parallel_loop3A_962 : i32 to index
      %parallel_loop3A_965 = arith.index_cast %parallel_loop3A_963 : i32 to index
      %parallel_loop3A_966 = arith.index_cast %parallel_loop3A_760 : i32 to index
      %parallel_loop3A_967 = arith.constant 16 : index
      %parallel_loop3A_968 = tpu.vector_load %arg8[%parallel_loop3A_964, %parallel_loop3A_965, %parallel_loop3A_966, %parallel_loop3A_967] {strides = array<i32>} : memref<3x4x64x128xf32, #tpu.memory_space<vmem>>, vector<1x1x1x16xf32>,
      %parallel_loop3A_969 = vector.shape_cast %parallel_loop3A_968 : vector<1x1x1x16xf32> to vector<16xf32>
      %parallel_loop3A_970 = vector.shape_cast %parallel_loop3A_772 : vector<16xf32> to vector<1x1x1x16xf32>
      tpu.vector_store %arg8[%parallel_loop3A_964, %parallel_loop3A_965, %parallel_loop3A_966, %parallel_loop3A_967], %parallel_loop3A_970 {add = true, strides = array<i32>} : memref<3x4x64x128xf32, #tpu.memory_space<vmem>>, vector<1x1x1x16xf32>,
      %parallel_loop3A_971 = arith.constant 2 : i32
      %parallel_loop3A_972 = arith.constant 2 : i32
      %parallel_loop3A_973 = arith.index_cast %parallel_loop3A_971 : i32 to index
      %parallel_loop3A_974 = arith.index_cast %parallel_loop3A_972 : i32 to index
      %parallel_loop3A_975 = arith.index_cast %parallel_loop3A_760 : i32 to index
      %parallel_loop3A_976 = arith.constant 32 : index
      %parallel_loop3A_977 = tpu.vector_load %arg8[%parallel_loop3A_973, %parallel_loop3A_974, %parallel_loop3A_975, %parallel_loop3A_976] {strides = array<i32>} : memref<3x4x64x128xf32, #tpu.memory_space<vmem>>, vector<1x1x1x16xf32>,
      %parallel_loop3A_978 = vector.shape_cast %parallel_loop3A_977 : vector<1x1x1x16xf32> to vector<16xf32>
      %parallel_loop3A_979 = vector.shape_cast %parallel_loop3A_778 : vector<16xf32> to vector<1x1x1x16xf32>
      tpu.vector_store %arg8[%parallel_loop3A_973, %parallel_loop3A_974, %parallel_loop3A_975, %parallel_loop3A_976], %parallel_loop3A_979 {add = true, strides = array<i32>} : memref<3x4x64x128xf32, #tpu.memory_space<vmem>>, vector<1x1x1x16xf32>,
      %parallel_loop3A_980 = arith.constant 2 : i32
      %parallel_loop3A_981 = arith.constant 2 : i32
      %parallel_loop3A_982 = arith.index_cast %parallel_loop3A_980 : i32 to index
      %parallel_loop3A_983 = arith.index_cast %parallel_loop3A_981 : i32 to index
      %parallel_loop3A_984 = arith.index_cast %parallel_loop3A_760 : i32 to index
      %parallel_loop3A_985 = arith.constant 48 : index
      %parallel_loop3A_986 = tpu.vector_load %arg8[%parallel_loop3A_982, %parallel_loop3A_983, %parallel_loop3A_984, %parallel_loop3A_985] {strides = array<i32>} : memref<3x4x64x128xf32, #tpu.memory_space<vmem>>, vector<1x1x1x16xf32>,
      %parallel_loop3A_987 = vector.shape_cast %parallel_loop3A_986 : vector<1x1x1x16xf32> to vector<16xf32>
      %parallel_loop3A_988 = vector.shape_cast %parallel_loop3A_784 : vector<16xf32> to vector<1x1x1x16xf32>
      tpu.vector_store %arg8[%parallel_loop3A_982, %parallel_loop3A_983, %parallel_loop3A_984, %parallel_loop3A_985], %parallel_loop3A_988 {add = true, strides = array<i32>} : memref<3x4x64x128xf32, #tpu.memory_space<vmem>>, vector<1x1x1x16xf32>,
      %parallel_loop3A_989 = arith.constant 2 : i32
      %parallel_loop3A_990 = arith.constant 2 : i32
      %parallel_loop3A_991 = arith.index_cast %parallel_loop3A_989 : i32 to index
      %parallel_loop3A_992 = arith.index_cast %parallel_loop3A_990 : i32 to index
      %parallel_loop3A_993 = arith.index_cast %parallel_loop3A_760 : i32 to index
      %parallel_loop3A_994 = arith.constant 64 : index
      %parallel_loop3A_995 = tpu.vector_load %arg8[%parallel_loop3A_991, %parallel_loop3A_992, %parallel_loop3A_993, %parallel_loop3A_994] {strides = array<i32>} : memref<3x4x64x128xf32, #tpu.memory_space<vmem>>, vector<1x1x1x16xf32>,
      %parallel_loop3A_996 = vector.shape_cast %parallel_loop3A_995 : vector<1x1x1x16xf32> to vector<16xf32>
      %parallel_loop3A_997 = vector.shape_cast %parallel_loop3A_790 : vector<16xf32> to vector<1x1x1x16xf32>
      tpu.vector_store %arg8[%parallel_loop3A_991, %parallel_loop3A_992, %parallel_loop3A_993, %parallel_loop3A_994], %parallel_loop3A_997 {add = true, strides = array<i32>} : memref<3x4x64x128xf32, #tpu.memory_space<vmem>>, vector<1x1x1x16xf32>,
      %parallel_loop3A_998 = arith.constant 2 : i32
      %parallel_loop3A_999 = arith.constant 2 : i32
      %parallel_loop3A_1000 = arith.index_cast %parallel_loop3A_998 : i32 to index
      %parallel_loop3A_1001 = arith.index_cast %parallel_loop3A_999 : i32 to index
      %parallel_loop3A_1002 = arith.index_cast %parallel_loop3A_760 : i32 to index
      %parallel_loop3A_1003 = arith.constant 80 : index
      %parallel_loop3A_1004 = tpu.vector_load %arg8[%parallel_loop3A_1000, %parallel_loop3A_1001, %parallel_loop3A_1002, %parallel_loop3A_1003] {strides = array<i32>} : memref<3x4x64x128xf32, #tpu.memory_space<vmem>>, vector<1x1x1x16xf32>,
      %parallel_loop3A_1005 = vector.shape_cast %parallel_loop3A_1004 : vector<1x1x1x16xf32> to vector<16xf32>
      %parallel_loop3A_1006 = vector.shape_cast %parallel_loop3A_796 : vector<16xf32> to vector<1x1x1x16xf32>
      tpu.vector_store %arg8[%parallel_loop3A_1000, %parallel_loop3A_1001, %parallel_loop3A_1002, %parallel_loop3A_1003], %parallel_loop3A_1006 {add = true, strides = array<i32>} : memref<3x4x64x128xf32, #tpu.memory_space<vmem>>, vector<1x1x1x16xf32>,
      %parallel_loop3A_1007 = arith.constant 2 : i32
      %parallel_loop3A_1008 = arith.constant 2 : i32
      %parallel_loop3A_1009 = arith.index_cast %parallel_loop3A_1007 : i32 to index
      %parallel_loop3A_1010 = arith.index_cast %parallel_loop3A_1008 : i32 to index
      %parallel_loop3A_1011 = arith.index_cast %parallel_loop3A_760 : i32 to index
      %parallel_loop3A_1012 = arith.constant 96 : index
      %parallel_loop3A_1013 = tpu.vector_load %arg8[%parallel_loop3A_1009, %parallel_loop3A_1010, %parallel_loop3A_1011, %parallel_loop3A_1012] {strides = array<i32>} : memref<3x4x64x128xf32, #tpu.memory_space<vmem>>, vector<1x1x1x16xf32>,
      %parallel_loop3A_1014 = vector.shape_cast %parallel_loop3A_1013 : vector<1x1x1x16xf32> to vector<16xf32>
      %parallel_loop3A_1015 = vector.shape_cast %parallel_loop3A_802 : vector<16xf32> to vector<1x1x1x16xf32>
      tpu.vector_store %arg8[%parallel_loop3A_1009, %parallel_loop3A_1010, %parallel_loop3A_1011, %parallel_loop3A_1012], %parallel_loop3A_1015 {add = true, strides = array<i32>} : memref<3x4x64x128xf32, #tpu.memory_space<vmem>>, vector<1x1x1x16xf32>,
      %parallel_loop3A_1016 = arith.constant 2 : i32
      %parallel_loop3A_1017 = arith.constant 2 : i32
      %parallel_loop3A_1018 = arith.index_cast %parallel_loop3A_1016 : i32 to index
      %parallel_loop3A_1019 = arith.index_cast %parallel_loop3A_1017 : i32 to index
      %parallel_loop3A_1020 = arith.index_cast %parallel_loop3A_760 : i32 to index
      %parallel_loop3A_1021 = arith.constant 112 : index
      %parallel_loop3A_1022 = tpu.vector_load %arg8[%parallel_loop3A_1018, %parallel_loop3A_1019, %parallel_loop3A_1020, %parallel_loop3A_1021] {strides = array<i32>} : memref<3x4x64x128xf32, #tpu.memory_space<vmem>>, vector<1x1x1x16xf32>,
      %parallel_loop3A_1023 = vector.shape_cast %parallel_loop3A_1022 : vector<1x1x1x16xf32> to vector<16xf32>
      %parallel_loop3A_1024 = vector.shape_cast %parallel_loop3A_808 : vector<16xf32> to vector<1x1x1x16xf32>
      tpu.vector_store %arg8[%parallel_loop3A_1018, %parallel_loop3A_1019, %parallel_loop3A_1020, %parallel_loop3A_1021], %parallel_loop3A_1024 {add = true, strides = array<i32>} : memref<3x4x64x128xf32, #tpu.memory_space<vmem>>, vector<1x1x1x16xf32>,
      %parallel_loop3A_1025 = arith.constant 2 : i32
      %parallel_loop3A_1026 = arith.constant 3 : i32
      %parallel_loop3A_1027 = arith.index_cast %parallel_loop3A_1025 : i32 to index
      %parallel_loop3A_1028 = arith.index_cast %parallel_loop3A_1026 : i32 to index
      %parallel_loop3A_1029 = arith.index_cast %parallel_loop3A_760 : i32 to index
      %parallel_loop3A_1030 = arith.constant 0 : index
      %parallel_loop3A_1031 = tpu.vector_load %arg8[%parallel_loop3A_1027, %parallel_loop3A_1028, %parallel_loop3A_1029, %parallel_loop3A_1030] {strides = array<i32>} : memref<3x4x64x128xf32, #tpu.memory_space<vmem>>, vector<1x1x1x16xf32>,
      %parallel_loop3A_1032 = vector.shape_cast %parallel_loop3A_1031 : vector<1x1x1x16xf32> to vector<16xf32>
      %parallel_loop3A_1033 = vector.shape_cast %parallel_loop3A_766 : vector<16xf32> to vector<1x1x1x16xf32>
      tpu.vector_store %arg8[%parallel_loop3A_1027, %parallel_loop3A_1028, %parallel_loop3A_1029, %parallel_loop3A_1030], %parallel_loop3A_1033 {add = true, strides = array<i32>} : memref<3x4x64x128xf32, #tpu.memory_space<vmem>>, vector<1x1x1x16xf32>,
      %parallel_loop3A_1034 = arith.constant 2 : i32
      %parallel_loop3A_1035 = arith.constant 3 : i32
      %parallel_loop3A_1036 = arith.index_cast %parallel_loop3A_1034 : i32 to index
      %parallel_loop3A_1037 = arith.index_cast %parallel_loop3A_1035 : i32 to index
      %parallel_loop3A_1038 = arith.index_cast %parallel_loop3A_760 : i32 to index
      %parallel_loop3A_1039 = arith.constant 16 : index
      %parallel_loop3A_1040 = tpu.vector_load %arg8[%parallel_loop3A_1036, %parallel_loop3A_1037, %parallel_loop3A_1038, %parallel_loop3A_1039] {strides = array<i32>} : memref<3x4x64x128xf32, #tpu.memory_space<vmem>>, vector<1x1x1x16xf32>,
      %parallel_loop3A_1041 = vector.shape_cast %parallel_loop3A_1040 : vector<1x1x1x16xf32> to vector<16xf32>
      %parallel_loop3A_1042 = vector.shape_cast %parallel_loop3A_772 : vector<16xf32> to vector<1x1x1x16xf32>
      tpu.vector_store %arg8[%parallel_loop3A_1036, %parallel_loop3A_1037, %parallel_loop3A_1038, %parallel_loop3A_1039], %parallel_loop3A_1042 {add = true, strides = array<i32>} : memref<3x4x64x128xf32, #tpu.memory_space<vmem>>, vector<1x1x1x16xf32>,
      %parallel_loop3A_1043 = arith.constant 2 : i32
      %parallel_loop3A_1044 = arith.constant 3 : i32
      %parallel_loop3A_1045 = arith.index_cast %parallel_loop3A_1043 : i32 to index
      %parallel_loop3A_1046 = arith.index_cast %parallel_loop3A_1044 : i32 to index
      %parallel_loop3A_1047 = arith.index_cast %parallel_loop3A_760 : i32 to index
      %parallel_loop3A_1048 = arith.constant 32 : index
      %parallel_loop3A_1049 = tpu.vector_load %arg8[%parallel_loop3A_1045, %parallel_loop3A_1046, %parallel_loop3A_1047, %parallel_loop3A_1048] {strides = array<i32>} : memref<3x4x64x128xf32, #tpu.memory_space<vmem>>, vector<1x1x1x16xf32>,
      %parallel_loop3A_1050 = vector.shape_cast %parallel_loop3A_1049 : vector<1x1x1x16xf32> to vector<16xf32>
      %parallel_loop3A_1051 = vector.shape_cast %parallel_loop3A_778 : vector<16xf32> to vector<1x1x1x16xf32>
      tpu.vector_store %arg8[%parallel_loop3A_1045, %parallel_loop3A_1046, %parallel_loop3A_1047, %parallel_loop3A_1048], %parallel_loop3A_1051 {add = true, strides = array<i32>} : memref<3x4x64x128xf32, #tpu.memory_space<vmem>>, vector<1x1x1x16xf32>,
      %parallel_loop3A_1052 = arith.constant 2 : i32
      %parallel_loop3A_1053 = arith.constant 3 : i32
      %parallel_loop3A_1054 = arith.index_cast %parallel_loop3A_1052 : i32 to index
      %parallel_loop3A_1055 = arith.index_cast %parallel_loop3A_1053 : i32 to index
      %parallel_loop3A_1056 = arith.index_cast %parallel_loop3A_760 : i32 to index
      %parallel_loop3A_1057 = arith.constant 48 : index
      %parallel_loop3A_1058 = tpu.vector_load %arg8[%parallel_loop3A_1054, %parallel_loop3A_1055, %parallel_loop3A_1056, %parallel_loop3A_1057] {strides = array<i32>} : memref<3x4x64x128xf32, #tpu.memory_space<vmem>>, vector<1x1x1x16xf32>,
      %parallel_loop3A_1059 = vector.shape_cast %parallel_loop3A_1058 : vector<1x1x1x16xf32> to vector<16xf32>
      %parallel_loop3A_1060 = vector.shape_cast %parallel_loop3A_784 : vector<16xf32> to vector<1x1x1x16xf32>
      tpu.vector_store %arg8[%parallel_loop3A_1054, %parallel_loop3A_1055, %parallel_loop3A_1056, %parallel_loop3A_1057], %parallel_loop3A_1060 {add = true, strides = array<i32>} : memref<3x4x64x128xf32, #tpu.memory_space<vmem>>, vector<1x1x1x16xf32>,
      %parallel_loop3A_1061 = arith.constant 2 : i32
      %parallel_loop3A_1062 = arith.constant 3 : i32
      %parallel_loop3A_1063 = arith.index_cast %parallel_loop3A_1061 : i32 to index
      %parallel_loop3A_1064 = arith.index_cast %parallel_loop3A_1062 : i32 to index
      %parallel_loop3A_1065 = arith.index_cast %parallel_loop3A_760 : i32 to index
      %parallel_loop3A_1066 = arith.constant 64 : index
      %parallel_loop3A_1067 = tpu.vector_load %arg8[%parallel_loop3A_1063, %parallel_loop3A_1064, %parallel_loop3A_1065, %parallel_loop3A_1066] {strides = array<i32>} : memref<3x4x64x128xf32, #tpu.memory_space<vmem>>, vector<1x1x1x16xf32>,
      %parallel_loop3A_1068 = vector.shape_cast %parallel_loop3A_1067 : vector<1x1x1x16xf32> to vector<16xf32>
      %parallel_loop3A_1069 = vector.shape_cast %parallel_loop3A_790 : vector<16xf32> to vector<1x1x1x16xf32>
      tpu.vector_store %arg8[%parallel_loop3A_1063, %parallel_loop3A_1064, %parallel_loop3A_1065, %parallel_loop3A_1066], %parallel_loop3A_1069 {add = true, strides = array<i32>} : memref<3x4x64x128xf32, #tpu.memory_space<vmem>>, vector<1x1x1x16xf32>,
      %parallel_loop3A_1070 = arith.constant 2 : i32
      %parallel_loop3A_1071 = arith.constant 3 : i32
      %parallel_loop3A_1072 = arith.index_cast %parallel_loop3A_1070 : i32 to index
      %parallel_loop3A_1073 = arith.index_cast %parallel_loop3A_1071 : i32 to index
      %parallel_loop3A_1074 = arith.index_cast %parallel_loop3A_760 : i32 to index
      %parallel_loop3A_1075 = arith.constant 80 : index
      %parallel_loop3A_1076 = tpu.vector_load %arg8[%parallel_loop3A_1072, %parallel_loop3A_1073, %parallel_loop3A_1074, %parallel_loop3A_1075] {strides = array<i32>} : memref<3x4x64x128xf32, #tpu.memory_space<vmem>>, vector<1x1x1x16xf32>,
      %parallel_loop3A_1077 = vector.shape_cast %parallel_loop3A_1076 : vector<1x1x1x16xf32> to vector<16xf32>
      %parallel_loop3A_1078 = vector.shape_cast %parallel_loop3A_796 : vector<16xf32> to vector<1x1x1x16xf32>
      tpu.vector_store %arg8[%parallel_loop3A_1072, %parallel_loop3A_1073, %parallel_loop3A_1074, %parallel_loop3A_1075], %parallel_loop3A_1078 {add = true, strides = array<i32>} : memref<3x4x64x128xf32, #tpu.memory_space<vmem>>, vector<1x1x1x16xf32>,
      %parallel_loop3A_1079 = arith.constant 2 : i32
      %parallel_loop3A_1080 = arith.constant 3 : i32
      %parallel_loop3A_1081 = arith.index_cast %parallel_loop3A_1079 : i32 to index
      %parallel_loop3A_1082 = arith.index_cast %parallel_loop3A_1080 : i32 to index
      %parallel_loop3A_1083 = arith.index_cast %parallel_loop3A_760 : i32 to index
      %parallel_loop3A_1084 = arith.constant 96 : index
      %parallel_loop3A_1085 = tpu.vector_load %arg8[%parallel_loop3A_1081, %parallel_loop3A_1082, %parallel_loop3A_1083, %parallel_loop3A_1084] {strides = array<i32>} : memref<3x4x64x128xf32, #tpu.memory_space<vmem>>, vector<1x1x1x16xf32>,
      %parallel_loop3A_1086 = vector.shape_cast %parallel_loop3A_1085 : vector<1x1x1x16xf32> to vector<16xf32>
      %parallel_loop3A_1087 = vector.shape_cast %parallel_loop3A_802 : vector<16xf32> to vector<1x1x1x16xf32>
      tpu.vector_store %arg8[%parallel_loop3A_1081, %parallel_loop3A_1082, %parallel_loop3A_1083, %parallel_loop3A_1084], %parallel_loop3A_1087 {add = true, strides = array<i32>} : memref<3x4x64x128xf32, #tpu.memory_space<vmem>>, vector<1x1x1x16xf32>,
      %parallel_loop3A_1088 = arith.constant 2 : i32
      %parallel_loop3A_1089 = arith.constant 3 : i32
      %parallel_loop3A_1090 = arith.index_cast %parallel_loop3A_1088 : i32 to index
      %parallel_loop3A_1091 = arith.index_cast %parallel_loop3A_1089 : i32 to index
      %parallel_loop3A_1092 = arith.index_cast %parallel_loop3A_760 : i32 to index
      %parallel_loop3A_1093 = arith.constant 112 : index
      %parallel_loop3A_1094 = tpu.vector_load %arg8[%parallel_loop3A_1090, %parallel_loop3A_1091, %parallel_loop3A_1092, %parallel_loop3A_1093] {strides = array<i32>} : memref<3x4x64x128xf32, #tpu.memory_space<vmem>>, vector<1x1x1x16xf32>,
      %parallel_loop3A_1095 = vector.shape_cast %parallel_loop3A_1094 : vector<1x1x1x16xf32> to vector<16xf32>
      %parallel_loop3A_1096 = vector.shape_cast %parallel_loop3A_808 : vector<16xf32> to vector<1x1x1x16xf32>
      tpu.vector_store %arg8[%parallel_loop3A_1090, %parallel_loop3A_1091, %parallel_loop3A_1092, %parallel_loop3A_1093], %parallel_loop3A_1096 {add = true, strides = array<i32>} : memref<3x4x64x128xf32, #tpu.memory_space<vmem>>, vector<1x1x1x16xf32>,
    } {sc.loop_unroll_factor = 1 : i64, sc.parallel_access}
    %add3A_546 = arith.constant 320 : i32
    %add3A_547 = arith.addi %mul3A_2, %add3A_546 : i32
    %dma_start3A_548 = arith.constant 2 : i32
    %dma_start3A_549 = arith.constant 0 : i32
    %dma_start3A_550 = arith.constant 0 : i32
    %dma_start3A_551 = arith.constant 0 : i32
    %dma_start3A_552 = tpu.memref_slice %arg8[%dma_start3A_548, %dma_start3A_549, %dma_start3A_550, %dma_start3A_551] : memref<3x4x64x128xf32, #tpu.memory_space<vmem>> -> memref<1x4x64x128xf32, #tpu.memory_space<vmem>>
    %dma_start3A_553 = tpu.memref_squeeze %dma_start3A_552 : memref<1x4x64x128xf32, #tpu.memory_space<vmem>> -> memref<4x64x128xf32, #tpu.memory_space<vmem>>
    %dma_start3A_554 = arith.constant 0 : i32
    %dma_start3A_555 = arith.constant 0 : i32
    %dma_start3A_556 = tpu.memref_slice %arg5[%dma_start3A_554, %add3A_547, %dma_start3A_555] : memref<4x16384x128xf32, #tpu.memory_space<hbm>> -> memref<4x64x128xf32, #tpu.memory_space<hbm>>
    %dma_start3A_557 = arith.constant 0 : i32
    %dma_start3A_558 = arith.constant 0 : i32
    %dma_start3A_559 = tpu.memref_slice %arg5[%dma_start3A_557, %add3A_547, %dma_start3A_558] : memref<4x16384x128xf32, #tpu.memory_space<hbm>> -> memref<4x64x128xf32, #tpu.memory_space<hbm>>
    %dma_start3A_560 = arith.constant 0 : i32
    %dma_start3A_561 = arith.constant 0 : i32
    %dma_start3A_562 = arith.constant 0 : i32
    %dma_start3A_563 = tpu.memref_slice %arg8[%dma_start3A_548, %dma_start3A_560, %dma_start3A_561, %dma_start3A_562] : memref<3x4x64x128xf32, #tpu.memory_space<vmem>> -> memref<1x4x64x128xf32, #tpu.memory_space<vmem>>
    %dma_start3A_564 = tpu.memref_squeeze %dma_start3A_563 : memref<1x4x64x128xf32, #tpu.memory_space<vmem>> -> memref<4x64x128xf32, #tpu.memory_space<vmem>>
    tpu.enqueue_dma source(%dma_start3A_564 : memref<4x64x128xf32, #tpu.memory_space<vmem>>) target(%dma_start3A_559 : memref<4x64x128xf32, #tpu.memory_space<hbm>>) target_semaphore(%arg11 : memref<!tpu.dma_semaphore, #tpu.memory_space<semaphore_mem>>)
    %dma_wait3A_565 = arith.constant 1 : i32
    %dma_wait3A_566 = arith.constant 0 : i32
    %dma_wait3A_567 = arith.constant 0 : i32
    %dma_wait3A_568 = arith.constant 0 : i32
    %dma_wait3A_569 = tpu.memref_slice %arg8[%dma_wait3A_565, %dma_wait3A_566, %dma_wait3A_567, %dma_wait3A_568] : memref<3x4x64x128xf32, #tpu.memory_space<vmem>> -> memref<1x4x64x128xf32, #tpu.memory_space<vmem>>
    %dma_wait3A_570 = tpu.memref_squeeze %dma_wait3A_569 : memref<1x4x64x128xf32, #tpu.memory_space<vmem>> -> memref<4x64x128xf32, #tpu.memory_space<vmem>>
    %dma_wait3A_571 = arith.constant 0 : i32
    %dma_wait3A_572 = arith.constant 0 : i32
    %dma_wait3A_573 = tpu.memref_slice %arg5[%dma_wait3A_571, %add3A_452, %dma_wait3A_572] : memref<4x16384x128xf32, #tpu.memory_space<hbm>> -> memref<4x64x128xf32, #tpu.memory_space<hbm>>
    %dma_wait3A_574 = arith.constant 0 : i32
    %dma_wait3A_575 = arith.constant 0 : i32
    %dma_wait3A_576 = tpu.memref_slice %arg5[%dma_wait3A_574, %add3A_452, %dma_wait3A_575] : memref<4x16384x128xf32, #tpu.memory_space<hbm>> -> memref<4x64x128xf32, #tpu.memory_space<hbm>>
    %dma_wait3A_577 = arith.constant 0 : i32
    %dma_wait3A_578 = arith.constant 0 : i32
    %dma_wait3A_579 = arith.constant 0 : i32
    %dma_wait3A_580 = tpu.memref_slice %arg8[%dma_wait3A_565, %dma_wait3A_577, %dma_wait3A_578, %dma_wait3A_579] : memref<3x4x64x128xf32, #tpu.memory_space<vmem>> -> memref<1x4x64x128xf32, #tpu.memory_space<vmem>>
    %dma_wait3A_581 = tpu.memref_squeeze %dma_wait3A_580 : memref<1x4x64x128xf32, #tpu.memory_space<vmem>> -> memref<4x64x128xf32, #tpu.memory_space<vmem>>
    tpu.wait_dma2 semaphore(%arg11 : memref<!tpu.dma_semaphore, #tpu.memory_space<semaphore_mem>>) src(%dma_wait3A_581 : memref<4x64x128xf32, #tpu.memory_space<vmem>>) dst(%dma_wait3A_576 : memref<4x64x128xf32, #tpu.memory_space<hbm>>)
    %dma_start3A_582 = arith.constant 1 : i32
    %dma_start3A_583 = arith.constant 0 : i32
    %dma_start3A_584 = arith.constant 0 : i32
    %dma_start3A_585 = tpu.memref_slice %arg7[%dma_start3A_582, %dma_start3A_583, %dma_start3A_584] : memref<3x64x128xf32, #tpu.memory_space<vmem>> -> memref<1x64x128xf32, #tpu.memory_space<vmem>>
    %dma_start3A_586 = tpu.memref_squeeze %dma_start3A_585 : memref<1x64x128xf32, #tpu.memory_space<vmem>> -> memref<64x128xf32, #tpu.memory_space<vmem>>
    %dma_start3A_587 = arith.constant 448 : i32
    %dma_start3A_588 = tpu.memref_slice %arg6[%dma_start3A_587] : memref<512xi32, #tpu.memory_space<vmem>> -> memref<64xi32, #tpu.memory_space<vmem>>
    %dma_start3A_589 = arith.constant 0 : i32
    %dma_start3A_590 = arith.constant 0 : i32
    %dma_start3A_591 = tpu.memref_slice %arg3[%dma_start3A_589, %dma_start3A_590] : memref<16384x128xf32, #tpu.memory_space<hbm>> -> memref<16384x128xf32, #tpu.memory_space<hbm>>
    tpu.enqueue_indirect_dma source(%dma_start3A_591 : memref<16384x128xf32, #tpu.memory_space<hbm>>) target(%dma_start3A_586 : memref<64x128xf32, #tpu.memory_space<vmem>>) offsets(%dma_start3A_588 : memref<64xi32, #tpu.memory_space<vmem>>) semaphore(%arg9 : memref<!tpu.dma_semaphore, #tpu.memory_space<semaphore_mem>>)
    %add3A_592 = arith.constant 448 : i32
    %add3A_593 = arith.addi %mul3A_2, %add3A_592 : i32
    %dma_start3A_594 = arith.constant 1 : i32
    %dma_start3A_595 = arith.constant 0 : i32
    %dma_start3A_596 = arith.constant 0 : i32
    %dma_start3A_597 = arith.constant 0 : i32
    %dma_start3A_598 = tpu.memref_slice %arg8[%dma_start3A_594, %dma_start3A_595, %dma_start3A_596, %dma_start3A_597] : memref<3x4x64x128xf32, #tpu.memory_space<vmem>> -> memref<1x4x64x128xf32, #tpu.memory_space<vmem>>
    %dma_start3A_599 = tpu.memref_squeeze %dma_start3A_598 : memref<1x4x64x128xf32, #tpu.memory_space<vmem>> -> memref<4x64x128xf32, #tpu.memory_space<vmem>>
    %dma_start3A_600 = arith.constant 0 : i32
    %dma_start3A_601 = arith.constant 0 : i32
    %dma_start3A_602 = tpu.memref_slice %arg2[%dma_start3A_600, %add3A_593, %dma_start3A_601] : memref<4x16384x128xf32, #tpu.memory_space<hbm>> -> memref<4x64x128xf32, #tpu.memory_space<hbm>>
    %dma_start3A_603 = arith.constant 0 : i32
    %dma_start3A_604 = arith.constant 0 : i32
    %dma_start3A_605 = arith.constant 0 : i32
    %dma_start3A_606 = tpu.memref_slice %arg8[%dma_start3A_594, %dma_start3A_603, %dma_start3A_604, %dma_start3A_605] : memref<3x4x64x128xf32, #tpu.memory_space<vmem>> -> memref<1x4x64x128xf32, #tpu.memory_space<vmem>>
    %dma_start3A_607 = tpu.memref_squeeze %dma_start3A_606 : memref<1x4x64x128xf32, #tpu.memory_space<vmem>> -> memref<4x64x128xf32, #tpu.memory_space<vmem>>
    %dma_start3A_608 = arith.constant 0 : i32
    %dma_start3A_609 = arith.constant 0 : i32
    %dma_start3A_610 = tpu.memref_slice %arg2[%dma_start3A_608, %add3A_593, %dma_start3A_609] : memref<4x16384x128xf32, #tpu.memory_space<hbm>> -> memref<4x64x128xf32, #tpu.memory_space<hbm>>
    tpu.enqueue_dma source(%dma_start3A_610 : memref<4x64x128xf32, #tpu.memory_space<hbm>>) target(%dma_start3A_607 : memref<4x64x128xf32, #tpu.memory_space<vmem>>) target_semaphore(%arg10 : memref<!tpu.dma_semaphore, #tpu.memory_space<semaphore_mem>>)
    %dma_wait3A_611 = arith.constant 0 : i32
    %dma_wait3A_612 = arith.constant 0 : i32
    %dma_wait3A_613 = arith.constant 0 : i32
    %dma_wait3A_614 = tpu.memref_slice %arg7[%dma_wait3A_611, %dma_wait3A_612, %dma_wait3A_613] : memref<3x64x128xf32, #tpu.memory_space<vmem>> -> memref<1x64x128xf32, #tpu.memory_space<vmem>>
    %dma_wait3A_615 = tpu.memref_squeeze %dma_wait3A_614 : memref<1x64x128xf32, #tpu.memory_space<vmem>> -> memref<64x128xf32, #tpu.memory_space<vmem>>
    %dma_wait3A_616 = arith.constant 384 : i32
    %dma_wait3A_617 = tpu.memref_slice %arg6[%dma_wait3A_616] : memref<512xi32, #tpu.memory_space<vmem>> -> memref<64xi32, #tpu.memory_space<vmem>>
    %dma_wait3A_618 = arith.constant 0 : i32
    %dma_wait3A_619 = arith.constant 0 : i32
    %dma_wait3A_620 = tpu.memref_slice %arg3[%dma_wait3A_618, %dma_wait3A_619] : memref<16384x128xf32, #tpu.memory_space<hbm>> -> memref<16384x128xf32, #tpu.memory_space<hbm>>
    tpu.wait_indirect_dma semaphore(%arg9 : memref<!tpu.dma_semaphore, #tpu.memory_space<semaphore_mem>>) src(%dma_wait3A_620 : memref<16384x128xf32, #tpu.memory_space<hbm>>) dst(%dma_wait3A_615 : memref<64x128xf32, #tpu.memory_space<vmem>>)
    %dma_wait3A_621 = arith.constant 0 : i32
    %dma_wait3A_622 = arith.constant 0 : i32
    %dma_wait3A_623 = arith.constant 0 : i32
    %dma_wait3A_624 = arith.constant 0 : i32
    %dma_wait3A_625 = tpu.memref_slice %arg8[%dma_wait3A_621, %dma_wait3A_622, %dma_wait3A_623, %dma_wait3A_624] : memref<3x4x64x128xf32, #tpu.memory_space<vmem>> -> memref<1x4x64x128xf32, #tpu.memory_space<vmem>>
    %dma_wait3A_626 = tpu.memref_squeeze %dma_wait3A_625 : memref<1x4x64x128xf32, #tpu.memory_space<vmem>> -> memref<4x64x128xf32, #tpu.memory_space<vmem>>
    %dma_wait3A_627 = arith.constant 0 : i32
    %dma_wait3A_628 = arith.constant 0 : i32
    %dma_wait3A_629 = tpu.memref_slice %arg2[%dma_wait3A_627, %add3A_498, %dma_wait3A_628] : memref<4x16384x128xf32, #tpu.memory_space<hbm>> -> memref<4x64x128xf32, #tpu.memory_space<hbm>>
    %dma_wait3A_630 = arith.constant 0 : i32
    %dma_wait3A_631 = arith.constant 0 : i32
    %dma_wait3A_632 = arith.constant 0 : i32
    %dma_wait3A_633 = tpu.memref_slice %arg8[%dma_wait3A_621, %dma_wait3A_630, %dma_wait3A_631, %dma_wait3A_632] : memref<3x4x64x128xf32, #tpu.memory_space<vmem>> -> memref<1x4x64x128xf32, #tpu.memory_space<vmem>>
    %dma_wait3A_634 = tpu.memref_squeeze %dma_wait3A_633 : memref<1x4x64x128xf32, #tpu.memory_space<vmem>> -> memref<4x64x128xf32, #tpu.memory_space<vmem>>
    %dma_wait3A_635 = arith.constant 0 : i32
    %dma_wait3A_636 = arith.constant 0 : i32
    %dma_wait3A_637 = tpu.memref_slice %arg2[%dma_wait3A_635, %add3A_498, %dma_wait3A_636] : memref<4x16384x128xf32, #tpu.memory_space<hbm>> -> memref<4x64x128xf32, #tpu.memory_space<hbm>>
    tpu.wait_dma2 semaphore(%arg10 : memref<!tpu.dma_semaphore, #tpu.memory_space<semaphore_mem>>) src(%dma_wait3A_637 : memref<4x64x128xf32, #tpu.memory_space<hbm>>) dst(%dma_wait3A_634 : memref<4x64x128xf32, #tpu.memory_space<vmem>>)
    %parallel_loop3A_638 = arith.constant 0 : i32
    %parallel_loop3A_639 = arith.constant 64 : i32
    %parallel_loop3A_640 = arith.constant 1 : i32
    scf.for %parallel_loop3A_760 = %parallel_loop3A_638 to %parallel_loop3A_639 step %parallel_loop3A_640  : i32 {
      %parallel_loop3A_761 = arith.constant 0 : i32
      %parallel_loop3A_762 = arith.index_cast %parallel_loop3A_761 : i32 to index
      %parallel_loop3A_763 = arith.index_cast %parallel_loop3A_760 : i32 to index
      %parallel_loop3A_764 = arith.constant 0 : index
      %parallel_loop3A_765 = tpu.vector_load %arg7[%parallel_loop3A_762, %parallel_loop3A_763, %parallel_loop3A_764] {strides = array<i32>} : memref<3x64x128xf32, #tpu.memory_space<vmem>>, vector<1x1x16xf32>,
      %parallel_loop3A_766 = vector.shape_cast %parallel_loop3A_765 : vector<1x1x16xf32> to vector<16xf32>
      %parallel_loop3A_767 = arith.constant 0 : i32
      %parallel_loop3A_768 = arith.index_cast %parallel_loop3A_767 : i32 to index
      %parallel_loop3A_769 = arith.index_cast %parallel_loop3A_760 : i32 to index
      %parallel_loop3A_770 = arith.constant 16 : index
      %parallel_loop3A_771 = tpu.vector_load %arg7[%parallel_loop3A_768, %parallel_loop3A_769, %parallel_loop3A_770] {strides = array<i32>} : memref<3x64x128xf32, #tpu.memory_space<vmem>>, vector<1x1x16xf32>,
      %parallel_loop3A_772 = vector.shape_cast %parallel_loop3A_771 : vector<1x1x16xf32> to vector<16xf32>
      %parallel_loop3A_773 = arith.constant 0 : i32
      %parallel_loop3A_774 = arith.index_cast %parallel_loop3A_773 : i32 to index
      %parallel_loop3A_775 = arith.index_cast %parallel_loop3A_760 : i32 to index
      %parallel_loop3A_776 = arith.constant 32 : index
      %parallel_loop3A_777 = tpu.vector_load %arg7[%parallel_loop3A_774, %parallel_loop3A_775, %parallel_loop3A_776] {strides = array<i32>} : memref<3x64x128xf32, #tpu.memory_space<vmem>>, vector<1x1x16xf32>,
      %parallel_loop3A_778 = vector.shape_cast %parallel_loop3A_777 : vector<1x1x16xf32> to vector<16xf32>
      %parallel_loop3A_779 = arith.constant 0 : i32
      %parallel_loop3A_780 = arith.index_cast %parallel_loop3A_779 : i32 to index
      %parallel_loop3A_781 = arith.index_cast %parallel_loop3A_760 : i32 to index
      %parallel_loop3A_782 = arith.constant 48 : index
      %parallel_loop3A_783 = tpu.vector_load %arg7[%parallel_loop3A_780, %parallel_loop3A_781, %parallel_loop3A_782] {strides = array<i32>} : memref<3x64x128xf32, #tpu.memory_space<vmem>>, vector<1x1x16xf32>,
      %parallel_loop3A_784 = vector.shape_cast %parallel_loop3A_783 : vector<1x1x16xf32> to vector<16xf32>
      %parallel_loop3A_785 = arith.constant 0 : i32
      %parallel_loop3A_786 = arith.index_cast %parallel_loop3A_785 : i32 to index
      %parallel_loop3A_787 = arith.index_cast %parallel_loop3A_760 : i32 to index
      %parallel_loop3A_788 = arith.constant 64 : index
      %parallel_loop3A_789 = tpu.vector_load %arg7[%parallel_loop3A_786, %parallel_loop3A_787, %parallel_loop3A_788] {strides = array<i32>} : memref<3x64x128xf32, #tpu.memory_space<vmem>>, vector<1x1x16xf32>,
      %parallel_loop3A_790 = vector.shape_cast %parallel_loop3A_789 : vector<1x1x16xf32> to vector<16xf32>
      %parallel_loop3A_791 = arith.constant 0 : i32
      %parallel_loop3A_792 = arith.index_cast %parallel_loop3A_791 : i32 to index
      %parallel_loop3A_793 = arith.index_cast %parallel_loop3A_760 : i32 to index
      %parallel_loop3A_794 = arith.constant 80 : index
      %parallel_loop3A_795 = tpu.vector_load %arg7[%parallel_loop3A_792, %parallel_loop3A_793, %parallel_loop3A_794] {strides = array<i32>} : memref<3x64x128xf32, #tpu.memory_space<vmem>>, vector<1x1x16xf32>,
      %parallel_loop3A_796 = vector.shape_cast %parallel_loop3A_795 : vector<1x1x16xf32> to vector<16xf32>
      %parallel_loop3A_797 = arith.constant 0 : i32
      %parallel_loop3A_798 = arith.index_cast %parallel_loop3A_797 : i32 to index
      %parallel_loop3A_799 = arith.index_cast %parallel_loop3A_760 : i32 to index
      %parallel_loop3A_800 = arith.constant 96 : index
      %parallel_loop3A_801 = tpu.vector_load %arg7[%parallel_loop3A_798, %parallel_loop3A_799, %parallel_loop3A_800] {strides = array<i32>} : memref<3x64x128xf32, #tpu.memory_space<vmem>>, vector<1x1x16xf32>,
      %parallel_loop3A_802 = vector.shape_cast %parallel_loop3A_801 : vector<1x1x16xf32> to vector<16xf32>
      %parallel_loop3A_803 = arith.constant 0 : i32
      %parallel_loop3A_804 = arith.index_cast %parallel_loop3A_803 : i32 to index
      %parallel_loop3A_805 = arith.index_cast %parallel_loop3A_760 : i32 to index
      %parallel_loop3A_806 = arith.constant 112 : index
      %parallel_loop3A_807 = tpu.vector_load %arg7[%parallel_loop3A_804, %parallel_loop3A_805, %parallel_loop3A_806] {strides = array<i32>} : memref<3x64x128xf32, #tpu.memory_space<vmem>>, vector<1x1x16xf32>,
      %parallel_loop3A_808 = vector.shape_cast %parallel_loop3A_807 : vector<1x1x16xf32> to vector<16xf32>
      %parallel_loop3A_809 = arith.constant 0 : i32
      %parallel_loop3A_810 = arith.constant 0 : i32
      %parallel_loop3A_811 = arith.index_cast %parallel_loop3A_809 : i32 to index
      %parallel_loop3A_812 = arith.index_cast %parallel_loop3A_810 : i32 to index
      %parallel_loop3A_813 = arith.index_cast %parallel_loop3A_760 : i32 to index
      %parallel_loop3A_814 = arith.constant 0 : index
      %parallel_loop3A_815 = tpu.vector_load %arg8[%parallel_loop3A_811, %parallel_loop3A_812, %parallel_loop3A_813, %parallel_loop3A_814] {strides = array<i32>} : memref<3x4x64x128xf32, #tpu.memory_space<vmem>>, vector<1x1x1x16xf32>,
      %parallel_loop3A_816 = vector.shape_cast %parallel_loop3A_815 : vector<1x1x1x16xf32> to vector<16xf32>
      %parallel_loop3A_817 = vector.shape_cast %parallel_loop3A_766 : vector<16xf32> to vector<1x1x1x16xf32>
      tpu.vector_store %arg8[%parallel_loop3A_811, %parallel_loop3A_812, %parallel_loop3A_813, %parallel_loop3A_814], %parallel_loop3A_817 {add = true, strides = array<i32>} : memref<3x4x64x128xf32, #tpu.memory_space<vmem>>, vector<1x1x1x16xf32>,
      %parallel_loop3A_818 = arith.constant 0 : i32
      %parallel_loop3A_819 = arith.constant 0 : i32
      %parallel_loop3A_820 = arith.index_cast %parallel_loop3A_818 : i32 to index
      %parallel_loop3A_821 = arith.index_cast %parallel_loop3A_819 : i32 to index
      %parallel_loop3A_822 = arith.index_cast %parallel_loop3A_760 : i32 to index
      %parallel_loop3A_823 = arith.constant 16 : index
      %parallel_loop3A_824 = tpu.vector_load %arg8[%parallel_loop3A_820, %parallel_loop3A_821, %parallel_loop3A_822, %parallel_loop3A_823] {strides = array<i32>} : memref<3x4x64x128xf32, #tpu.memory_space<vmem>>, vector<1x1x1x16xf32>,
      %parallel_loop3A_825 = vector.shape_cast %parallel_loop3A_824 : vector<1x1x1x16xf32> to vector<16xf32>
      %parallel_loop3A_826 = vector.shape_cast %parallel_loop3A_772 : vector<16xf32> to vector<1x1x1x16xf32>
      tpu.vector_store %arg8[%parallel_loop3A_820, %parallel_loop3A_821, %parallel_loop3A_822, %parallel_loop3A_823], %parallel_loop3A_826 {add = true, strides = array<i32>} : memref<3x4x64x128xf32, #tpu.memory_space<vmem>>, vector<1x1x1x16xf32>,
      %parallel_loop3A_827 = arith.constant 0 : i32
      %parallel_loop3A_828 = arith.constant 0 : i32
      %parallel_loop3A_829 = arith.index_cast %parallel_loop3A_827 : i32 to index
      %parallel_loop3A_830 = arith.index_cast %parallel_loop3A_828 : i32 to index
      %parallel_loop3A_831 = arith.index_cast %parallel_loop3A_760 : i32 to index
      %parallel_loop3A_832 = arith.constant 32 : index
      %parallel_loop3A_833 = tpu.vector_load %arg8[%parallel_loop3A_829, %parallel_loop3A_830, %parallel_loop3A_831, %parallel_loop3A_832] {strides = array<i32>} : memref<3x4x64x128xf32, #tpu.memory_space<vmem>>, vector<1x1x1x16xf32>,
      %parallel_loop3A_834 = vector.shape_cast %parallel_loop3A_833 : vector<1x1x1x16xf32> to vector<16xf32>
      %parallel_loop3A_835 = vector.shape_cast %parallel_loop3A_778 : vector<16xf32> to vector<1x1x1x16xf32>
      tpu.vector_store %arg8[%parallel_loop3A_829, %parallel_loop3A_830, %parallel_loop3A_831, %parallel_loop3A_832], %parallel_loop3A_835 {add = true, strides = array<i32>} : memref<3x4x64x128xf32, #tpu.memory_space<vmem>>, vector<1x1x1x16xf32>,
      %parallel_loop3A_836 = arith.constant 0 : i32
      %parallel_loop3A_837 = arith.constant 0 : i32
      %parallel_loop3A_838 = arith.index_cast %parallel_loop3A_836 : i32 to index
      %parallel_loop3A_839 = arith.index_cast %parallel_loop3A_837 : i32 to index
      %parallel_loop3A_840 = arith.index_cast %parallel_loop3A_760 : i32 to index
      %parallel_loop3A_841 = arith.constant 48 : index
      %parallel_loop3A_842 = tpu.vector_load %arg8[%parallel_loop3A_838, %parallel_loop3A_839, %parallel_loop3A_840, %parallel_loop3A_841] {strides = array<i32>} : memref<3x4x64x128xf32, #tpu.memory_space<vmem>>, vector<1x1x1x16xf32>,
      %parallel_loop3A_843 = vector.shape_cast %parallel_loop3A_842 : vector<1x1x1x16xf32> to vector<16xf32>
      %parallel_loop3A_844 = vector.shape_cast %parallel_loop3A_784 : vector<16xf32> to vector<1x1x1x16xf32>
      tpu.vector_store %arg8[%parallel_loop3A_838, %parallel_loop3A_839, %parallel_loop3A_840, %parallel_loop3A_841], %parallel_loop3A_844 {add = true, strides = array<i32>} : memref<3x4x64x128xf32, #tpu.memory_space<vmem>>, vector<1x1x1x16xf32>,
      %parallel_loop3A_845 = arith.constant 0 : i32
      %parallel_loop3A_846 = arith.constant 0 : i32
      %parallel_loop3A_847 = arith.index_cast %parallel_loop3A_845 : i32 to index
      %parallel_loop3A_848 = arith.index_cast %parallel_loop3A_846 : i32 to index
      %parallel_loop3A_849 = arith.index_cast %parallel_loop3A_760 : i32 to index
      %parallel_loop3A_850 = arith.constant 64 : index
      %parallel_loop3A_851 = tpu.vector_load %arg8[%parallel_loop3A_847, %parallel_loop3A_848, %parallel_loop3A_849, %parallel_loop3A_850] {strides = array<i32>} : memref<3x4x64x128xf32, #tpu.memory_space<vmem>>, vector<1x1x1x16xf32>,
      %parallel_loop3A_852 = vector.shape_cast %parallel_loop3A_851 : vector<1x1x1x16xf32> to vector<16xf32>
      %parallel_loop3A_853 = vector.shape_cast %parallel_loop3A_790 : vector<16xf32> to vector<1x1x1x16xf32>
      tpu.vector_store %arg8[%parallel_loop3A_847, %parallel_loop3A_848, %parallel_loop3A_849, %parallel_loop3A_850], %parallel_loop3A_853 {add = true, strides = array<i32>} : memref<3x4x64x128xf32, #tpu.memory_space<vmem>>, vector<1x1x1x16xf32>,
      %parallel_loop3A_854 = arith.constant 0 : i32
      %parallel_loop3A_855 = arith.constant 0 : i32
      %parallel_loop3A_856 = arith.index_cast %parallel_loop3A_854 : i32 to index
      %parallel_loop3A_857 = arith.index_cast %parallel_loop3A_855 : i32 to index
      %parallel_loop3A_858 = arith.index_cast %parallel_loop3A_760 : i32 to index
      %parallel_loop3A_859 = arith.constant 80 : index
      %parallel_loop3A_860 = tpu.vector_load %arg8[%parallel_loop3A_856, %parallel_loop3A_857, %parallel_loop3A_858, %parallel_loop3A_859] {strides = array<i32>} : memref<3x4x64x128xf32, #tpu.memory_space<vmem>>, vector<1x1x1x16xf32>,
      %parallel_loop3A_861 = vector.shape_cast %parallel_loop3A_860 : vector<1x1x1x16xf32> to vector<16xf32>
      %parallel_loop3A_862 = vector.shape_cast %parallel_loop3A_796 : vector<16xf32> to vector<1x1x1x16xf32>
      tpu.vector_store %arg8[%parallel_loop3A_856, %parallel_loop3A_857, %parallel_loop3A_858, %parallel_loop3A_859], %parallel_loop3A_862 {add = true, strides = array<i32>} : memref<3x4x64x128xf32, #tpu.memory_space<vmem>>, vector<1x1x1x16xf32>,
      %parallel_loop3A_863 = arith.constant 0 : i32
      %parallel_loop3A_864 = arith.constant 0 : i32
      %parallel_loop3A_865 = arith.index_cast %parallel_loop3A_863 : i32 to index
      %parallel_loop3A_866 = arith.index_cast %parallel_loop3A_864 : i32 to index
      %parallel_loop3A_867 = arith.index_cast %parallel_loop3A_760 : i32 to index
      %parallel_loop3A_868 = arith.constant 96 : index
      %parallel_loop3A_869 = tpu.vector_load %arg8[%parallel_loop3A_865, %parallel_loop3A_866, %parallel_loop3A_867, %parallel_loop3A_868] {strides = array<i32>} : memref<3x4x64x128xf32, #tpu.memory_space<vmem>>, vector<1x1x1x16xf32>,
      %parallel_loop3A_870 = vector.shape_cast %parallel_loop3A_869 : vector<1x1x1x16xf32> to vector<16xf32>
      %parallel_loop3A_871 = vector.shape_cast %parallel_loop3A_802 : vector<16xf32> to vector<1x1x1x16xf32>
      tpu.vector_store %arg8[%parallel_loop3A_865, %parallel_loop3A_866, %parallel_loop3A_867, %parallel_loop3A_868], %parallel_loop3A_871 {add = true, strides = array<i32>} : memref<3x4x64x128xf32, #tpu.memory_space<vmem>>, vector<1x1x1x16xf32>,
      %parallel_loop3A_872 = arith.constant 0 : i32
      %parallel_loop3A_873 = arith.constant 0 : i32
      %parallel_loop3A_874 = arith.index_cast %parallel_loop3A_872 : i32 to index
      %parallel_loop3A_875 = arith.index_cast %parallel_loop3A_873 : i32 to index
      %parallel_loop3A_876 = arith.index_cast %parallel_loop3A_760 : i32 to index
      %parallel_loop3A_877 = arith.constant 112 : index
      %parallel_loop3A_878 = tpu.vector_load %arg8[%parallel_loop3A_874, %parallel_loop3A_875, %parallel_loop3A_876, %parallel_loop3A_877] {strides = array<i32>} : memref<3x4x64x128xf32, #tpu.memory_space<vmem>>, vector<1x1x1x16xf32>,
      %parallel_loop3A_879 = vector.shape_cast %parallel_loop3A_878 : vector<1x1x1x16xf32> to vector<16xf32>
      %parallel_loop3A_880 = vector.shape_cast %parallel_loop3A_808 : vector<16xf32> to vector<1x1x1x16xf32>
      tpu.vector_store %arg8[%parallel_loop3A_874, %parallel_loop3A_875, %parallel_loop3A_876, %parallel_loop3A_877], %parallel_loop3A_880 {add = true, strides = array<i32>} : memref<3x4x64x128xf32, #tpu.memory_space<vmem>>, vector<1x1x1x16xf32>,
      %parallel_loop3A_881 = arith.constant 0 : i32
      %parallel_loop3A_882 = arith.constant 1 : i32
      %parallel_loop3A_883 = arith.index_cast %parallel_loop3A_881 : i32 to index
      %parallel_loop3A_884 = arith.index_cast %parallel_loop3A_882 : i32 to index
      %parallel_loop3A_885 = arith.index_cast %parallel_loop3A_760 : i32 to index
      %parallel_loop3A_886 = arith.constant 0 : index
      %parallel_loop3A_887 = tpu.vector_load %arg8[%parallel_loop3A_883, %parallel_loop3A_884, %parallel_loop3A_885, %parallel_loop3A_886] {strides = array<i32>} : memref<3x4x64x128xf32, #tpu.memory_space<vmem>>, vector<1x1x1x16xf32>,
      %parallel_loop3A_888 = vector.shape_cast %parallel_loop3A_887 : vector<1x1x1x16xf32> to vector<16xf32>
      %parallel_loop3A_889 = vector.shape_cast %parallel_loop3A_766 : vector<16xf32> to vector<1x1x1x16xf32>
      tpu.vector_store %arg8[%parallel_loop3A_883, %parallel_loop3A_884, %parallel_loop3A_885, %parallel_loop3A_886], %parallel_loop3A_889 {add = true, strides = array<i32>} : memref<3x4x64x128xf32, #tpu.memory_space<vmem>>, vector<1x1x1x16xf32>,
      %parallel_loop3A_890 = arith.constant 0 : i32
      %parallel_loop3A_891 = arith.constant 1 : i32
      %parallel_loop3A_892 = arith.index_cast %parallel_loop3A_890 : i32 to index
      %parallel_loop3A_893 = arith.index_cast %parallel_loop3A_891 : i32 to index
      %parallel_loop3A_894 = arith.index_cast %parallel_loop3A_760 : i32 to index
      %parallel_loop3A_895 = arith.constant 16 : index
      %parallel_loop3A_896 = tpu.vector_load %arg8[%parallel_loop3A_892, %parallel_loop3A_893, %parallel_loop3A_894, %parallel_loop3A_895] {strides = array<i32>} : memref<3x4x64x128xf32, #tpu.memory_space<vmem>>, vector<1x1x1x16xf32>,
      %parallel_loop3A_897 = vector.shape_cast %parallel_loop3A_896 : vector<1x1x1x16xf32> to vector<16xf32>
      %parallel_loop3A_898 = vector.shape_cast %parallel_loop3A_772 : vector<16xf32> to vector<1x1x1x16xf32>
      tpu.vector_store %arg8[%parallel_loop3A_892, %parallel_loop3A_893, %parallel_loop3A_894, %parallel_loop3A_895], %parallel_loop3A_898 {add = true, strides = array<i32>} : memref<3x4x64x128xf32, #tpu.memory_space<vmem>>, vector<1x1x1x16xf32>,
      %parallel_loop3A_899 = arith.constant 0 : i32
      %parallel_loop3A_900 = arith.constant 1 : i32
      %parallel_loop3A_901 = arith.index_cast %parallel_loop3A_899 : i32 to index
      %parallel_loop3A_902 = arith.index_cast %parallel_loop3A_900 : i32 to index
      %parallel_loop3A_903 = arith.index_cast %parallel_loop3A_760 : i32 to index
      %parallel_loop3A_904 = arith.constant 32 : index
      %parallel_loop3A_905 = tpu.vector_load %arg8[%parallel_loop3A_901, %parallel_loop3A_902, %parallel_loop3A_903, %parallel_loop3A_904] {strides = array<i32>} : memref<3x4x64x128xf32, #tpu.memory_space<vmem>>, vector<1x1x1x16xf32>,
      %parallel_loop3A_906 = vector.shape_cast %parallel_loop3A_905 : vector<1x1x1x16xf32> to vector<16xf32>
      %parallel_loop3A_907 = vector.shape_cast %parallel_loop3A_778 : vector<16xf32> to vector<1x1x1x16xf32>
      tpu.vector_store %arg8[%parallel_loop3A_901, %parallel_loop3A_902, %parallel_loop3A_903, %parallel_loop3A_904], %parallel_loop3A_907 {add = true, strides = array<i32>} : memref<3x4x64x128xf32, #tpu.memory_space<vmem>>, vector<1x1x1x16xf32>,
      %parallel_loop3A_908 = arith.constant 0 : i32
      %parallel_loop3A_909 = arith.constant 1 : i32
      %parallel_loop3A_910 = arith.index_cast %parallel_loop3A_908 : i32 to index
      %parallel_loop3A_911 = arith.index_cast %parallel_loop3A_909 : i32 to index
      %parallel_loop3A_912 = arith.index_cast %parallel_loop3A_760 : i32 to index
      %parallel_loop3A_913 = arith.constant 48 : index
      %parallel_loop3A_914 = tpu.vector_load %arg8[%parallel_loop3A_910, %parallel_loop3A_911, %parallel_loop3A_912, %parallel_loop3A_913] {strides = array<i32>} : memref<3x4x64x128xf32, #tpu.memory_space<vmem>>, vector<1x1x1x16xf32>,
      %parallel_loop3A_915 = vector.shape_cast %parallel_loop3A_914 : vector<1x1x1x16xf32> to vector<16xf32>
      %parallel_loop3A_916 = vector.shape_cast %parallel_loop3A_784 : vector<16xf32> to vector<1x1x1x16xf32>
      tpu.vector_store %arg8[%parallel_loop3A_910, %parallel_loop3A_911, %parallel_loop3A_912, %parallel_loop3A_913], %parallel_loop3A_916 {add = true, strides = array<i32>} : memref<3x4x64x128xf32, #tpu.memory_space<vmem>>, vector<1x1x1x16xf32>,
      %parallel_loop3A_917 = arith.constant 0 : i32
      %parallel_loop3A_918 = arith.constant 1 : i32
      %parallel_loop3A_919 = arith.index_cast %parallel_loop3A_917 : i32 to index
      %parallel_loop3A_920 = arith.index_cast %parallel_loop3A_918 : i32 to index
      %parallel_loop3A_921 = arith.index_cast %parallel_loop3A_760 : i32 to index
      %parallel_loop3A_922 = arith.constant 64 : index
      %parallel_loop3A_923 = tpu.vector_load %arg8[%parallel_loop3A_919, %parallel_loop3A_920, %parallel_loop3A_921, %parallel_loop3A_922] {strides = array<i32>} : memref<3x4x64x128xf32, #tpu.memory_space<vmem>>, vector<1x1x1x16xf32>,
      %parallel_loop3A_924 = vector.shape_cast %parallel_loop3A_923 : vector<1x1x1x16xf32> to vector<16xf32>
      %parallel_loop3A_925 = vector.shape_cast %parallel_loop3A_790 : vector<16xf32> to vector<1x1x1x16xf32>
      tpu.vector_store %arg8[%parallel_loop3A_919, %parallel_loop3A_920, %parallel_loop3A_921, %parallel_loop3A_922], %parallel_loop3A_925 {add = true, strides = array<i32>} : memref<3x4x64x128xf32, #tpu.memory_space<vmem>>, vector<1x1x1x16xf32>,
      %parallel_loop3A_926 = arith.constant 0 : i32
      %parallel_loop3A_927 = arith.constant 1 : i32
      %parallel_loop3A_928 = arith.index_cast %parallel_loop3A_926 : i32 to index
      %parallel_loop3A_929 = arith.index_cast %parallel_loop3A_927 : i32 to index
      %parallel_loop3A_930 = arith.index_cast %parallel_loop3A_760 : i32 to index
      %parallel_loop3A_931 = arith.constant 80 : index
      %parallel_loop3A_932 = tpu.vector_load %arg8[%parallel_loop3A_928, %parallel_loop3A_929, %parallel_loop3A_930, %parallel_loop3A_931] {strides = array<i32>} : memref<3x4x64x128xf32, #tpu.memory_space<vmem>>, vector<1x1x1x16xf32>,
      %parallel_loop3A_933 = vector.shape_cast %parallel_loop3A_932 : vector<1x1x1x16xf32> to vector<16xf32>
      %parallel_loop3A_934 = vector.shape_cast %parallel_loop3A_796 : vector<16xf32> to vector<1x1x1x16xf32>
      tpu.vector_store %arg8[%parallel_loop3A_928, %parallel_loop3A_929, %parallel_loop3A_930, %parallel_loop3A_931], %parallel_loop3A_934 {add = true, strides = array<i32>} : memref<3x4x64x128xf32, #tpu.memory_space<vmem>>, vector<1x1x1x16xf32>,
      %parallel_loop3A_935 = arith.constant 0 : i32
      %parallel_loop3A_936 = arith.constant 1 : i32
      %parallel_loop3A_937 = arith.index_cast %parallel_loop3A_935 : i32 to index
      %parallel_loop3A_938 = arith.index_cast %parallel_loop3A_936 : i32 to index
      %parallel_loop3A_939 = arith.index_cast %parallel_loop3A_760 : i32 to index
      %parallel_loop3A_940 = arith.constant 96 : index
      %parallel_loop3A_941 = tpu.vector_load %arg8[%parallel_loop3A_937, %parallel_loop3A_938, %parallel_loop3A_939, %parallel_loop3A_940] {strides = array<i32>} : memref<3x4x64x128xf32, #tpu.memory_space<vmem>>, vector<1x1x1x16xf32>,
      %parallel_loop3A_942 = vector.shape_cast %parallel_loop3A_941 : vector<1x1x1x16xf32> to vector<16xf32>
      %parallel_loop3A_943 = vector.shape_cast %parallel_loop3A_802 : vector<16xf32> to vector<1x1x1x16xf32>
      tpu.vector_store %arg8[%parallel_loop3A_937, %parallel_loop3A_938, %parallel_loop3A_939, %parallel_loop3A_940], %parallel_loop3A_943 {add = true, strides = array<i32>} : memref<3x4x64x128xf32, #tpu.memory_space<vmem>>, vector<1x1x1x16xf32>,
      %parallel_loop3A_944 = arith.constant 0 : i32
      %parallel_loop3A_945 = arith.constant 1 : i32
      %parallel_loop3A_946 = arith.index_cast %parallel_loop3A_944 : i32 to index
      %parallel_loop3A_947 = arith.index_cast %parallel_loop3A_945 : i32 to index
      %parallel_loop3A_948 = arith.index_cast %parallel_loop3A_760 : i32 to index
      %parallel_loop3A_949 = arith.constant 112 : index
      %parallel_loop3A_950 = tpu.vector_load %arg8[%parallel_loop3A_946, %parallel_loop3A_947, %parallel_loop3A_948, %parallel_loop3A_949] {strides = array<i32>} : memref<3x4x64x128xf32, #tpu.memory_space<vmem>>, vector<1x1x1x16xf32>,
      %parallel_loop3A_951 = vector.shape_cast %parallel_loop3A_950 : vector<1x1x1x16xf32> to vector<16xf32>
      %parallel_loop3A_952 = vector.shape_cast %parallel_loop3A_808 : vector<16xf32> to vector<1x1x1x16xf32>
      tpu.vector_store %arg8[%parallel_loop3A_946, %parallel_loop3A_947, %parallel_loop3A_948, %parallel_loop3A_949], %parallel_loop3A_952 {add = true, strides = array<i32>} : memref<3x4x64x128xf32, #tpu.memory_space<vmem>>, vector<1x1x1x16xf32>,
      %parallel_loop3A_953 = arith.constant 0 : i32
      %parallel_loop3A_954 = arith.constant 2 : i32
      %parallel_loop3A_955 = arith.index_cast %parallel_loop3A_953 : i32 to index
      %parallel_loop3A_956 = arith.index_cast %parallel_loop3A_954 : i32 to index
      %parallel_loop3A_957 = arith.index_cast %parallel_loop3A_760 : i32 to index
      %parallel_loop3A_958 = arith.constant 0 : index
      %parallel_loop3A_959 = tpu.vector_load %arg8[%parallel_loop3A_955, %parallel_loop3A_956, %parallel_loop3A_957, %parallel_loop3A_958] {strides = array<i32>} : memref<3x4x64x128xf32, #tpu.memory_space<vmem>>, vector<1x1x1x16xf32>,
      %parallel_loop3A_960 = vector.shape_cast %parallel_loop3A_959 : vector<1x1x1x16xf32> to vector<16xf32>
      %parallel_loop3A_961 = vector.shape_cast %parallel_loop3A_766 : vector<16xf32> to vector<1x1x1x16xf32>
      tpu.vector_store %arg8[%parallel_loop3A_955, %parallel_loop3A_956, %parallel_loop3A_957, %parallel_loop3A_958], %parallel_loop3A_961 {add = true, strides = array<i32>} : memref<3x4x64x128xf32, #tpu.memory_space<vmem>>, vector<1x1x1x16xf32>,
      %parallel_loop3A_962 = arith.constant 0 : i32
      %parallel_loop3A_963 = arith.constant 2 : i32
      %parallel_loop3A_964 = arith.index_cast %parallel_loop3A_962 : i32 to index
      %parallel_loop3A_965 = arith.index_cast %parallel_loop3A_963 : i32 to index
      %parallel_loop3A_966 = arith.index_cast %parallel_loop3A_760 : i32 to index
      %parallel_loop3A_967 = arith.constant 16 : index
      %parallel_loop3A_968 = tpu.vector_load %arg8[%parallel_loop3A_964, %parallel_loop3A_965, %parallel_loop3A_966, %parallel_loop3A_967] {strides = array<i32>} : memref<3x4x64x128xf32, #tpu.memory_space<vmem>>, vector<1x1x1x16xf32>,
      %parallel_loop3A_969 = vector.shape_cast %parallel_loop3A_968 : vector<1x1x1x16xf32> to vector<16xf32>
      %parallel_loop3A_970 = vector.shape_cast %parallel_loop3A_772 : vector<16xf32> to vector<1x1x1x16xf32>
      tpu.vector_store %arg8[%parallel_loop3A_964, %parallel_loop3A_965, %parallel_loop3A_966, %parallel_loop3A_967], %parallel_loop3A_970 {add = true, strides = array<i32>} : memref<3x4x64x128xf32, #tpu.memory_space<vmem>>, vector<1x1x1x16xf32>,
      %parallel_loop3A_971 = arith.constant 0 : i32
      %parallel_loop3A_972 = arith.constant 2 : i32
      %parallel_loop3A_973 = arith.index_cast %parallel_loop3A_971 : i32 to index
      %parallel_loop3A_974 = arith.index_cast %parallel_loop3A_972 : i32 to index
      %parallel_loop3A_975 = arith.index_cast %parallel_loop3A_760 : i32 to index
      %parallel_loop3A_976 = arith.constant 32 : index
      %parallel_loop3A_977 = tpu.vector_load %arg8[%parallel_loop3A_973, %parallel_loop3A_974, %parallel_loop3A_975, %parallel_loop3A_976] {strides = array<i32>} : memref<3x4x64x128xf32, #tpu.memory_space<vmem>>, vector<1x1x1x16xf32>,
      %parallel_loop3A_978 = vector.shape_cast %parallel_loop3A_977 : vector<1x1x1x16xf32> to vector<16xf32>
      %parallel_loop3A_979 = vector.shape_cast %parallel_loop3A_778 : vector<16xf32> to vector<1x1x1x16xf32>
      tpu.vector_store %arg8[%parallel_loop3A_973, %parallel_loop3A_974, %parallel_loop3A_975, %parallel_loop3A_976], %parallel_loop3A_979 {add = true, strides = array<i32>} : memref<3x4x64x128xf32, #tpu.memory_space<vmem>>, vector<1x1x1x16xf32>,
      %parallel_loop3A_980 = arith.constant 0 : i32
      %parallel_loop3A_981 = arith.constant 2 : i32
      %parallel_loop3A_982 = arith.index_cast %parallel_loop3A_980 : i32 to index
      %parallel_loop3A_983 = arith.index_cast %parallel_loop3A_981 : i32 to index
      %parallel_loop3A_984 = arith.index_cast %parallel_loop3A_760 : i32 to index
      %parallel_loop3A_985 = arith.constant 48 : index
      %parallel_loop3A_986 = tpu.vector_load %arg8[%parallel_loop3A_982, %parallel_loop3A_983, %parallel_loop3A_984, %parallel_loop3A_985] {strides = array<i32>} : memref<3x4x64x128xf32, #tpu.memory_space<vmem>>, vector<1x1x1x16xf32>,
      %parallel_loop3A_987 = vector.shape_cast %parallel_loop3A_986 : vector<1x1x1x16xf32> to vector<16xf32>
      %parallel_loop3A_988 = vector.shape_cast %parallel_loop3A_784 : vector<16xf32> to vector<1x1x1x16xf32>
      tpu.vector_store %arg8[%parallel_loop3A_982, %parallel_loop3A_983, %parallel_loop3A_984, %parallel_loop3A_985], %parallel_loop3A_988 {add = true, strides = array<i32>} : memref<3x4x64x128xf32, #tpu.memory_space<vmem>>, vector<1x1x1x16xf32>,
      %parallel_loop3A_989 = arith.constant 0 : i32
      %parallel_loop3A_990 = arith.constant 2 : i32
      %parallel_loop3A_991 = arith.index_cast %parallel_loop3A_989 : i32 to index
      %parallel_loop3A_992 = arith.index_cast %parallel_loop3A_990 : i32 to index
      %parallel_loop3A_993 = arith.index_cast %parallel_loop3A_760 : i32 to index
      %parallel_loop3A_994 = arith.constant 64 : index
      %parallel_loop3A_995 = tpu.vector_load %arg8[%parallel_loop3A_991, %parallel_loop3A_992, %parallel_loop3A_993, %parallel_loop3A_994] {strides = array<i32>} : memref<3x4x64x128xf32, #tpu.memory_space<vmem>>, vector<1x1x1x16xf32>,
      %parallel_loop3A_996 = vector.shape_cast %parallel_loop3A_995 : vector<1x1x1x16xf32> to vector<16xf32>
      %parallel_loop3A_997 = vector.shape_cast %parallel_loop3A_790 : vector<16xf32> to vector<1x1x1x16xf32>
      tpu.vector_store %arg8[%parallel_loop3A_991, %parallel_loop3A_992, %parallel_loop3A_993, %parallel_loop3A_994], %parallel_loop3A_997 {add = true, strides = array<i32>} : memref<3x4x64x128xf32, #tpu.memory_space<vmem>>, vector<1x1x1x16xf32>,
      %parallel_loop3A_998 = arith.constant 0 : i32
      %parallel_loop3A_999 = arith.constant 2 : i32
      %parallel_loop3A_1000 = arith.index_cast %parallel_loop3A_998 : i32 to index
      %parallel_loop3A_1001 = arith.index_cast %parallel_loop3A_999 : i32 to index
      %parallel_loop3A_1002 = arith.index_cast %parallel_loop3A_760 : i32 to index
      %parallel_loop3A_1003 = arith.constant 80 : index
      %parallel_loop3A_1004 = tpu.vector_load %arg8[%parallel_loop3A_1000, %parallel_loop3A_1001, %parallel_loop3A_1002, %parallel_loop3A_1003] {strides = array<i32>} : memref<3x4x64x128xf32, #tpu.memory_space<vmem>>, vector<1x1x1x16xf32>,
      %parallel_loop3A_1005 = vector.shape_cast %parallel_loop3A_1004 : vector<1x1x1x16xf32> to vector<16xf32>
      %parallel_loop3A_1006 = vector.shape_cast %parallel_loop3A_796 : vector<16xf32> to vector<1x1x1x16xf32>
      tpu.vector_store %arg8[%parallel_loop3A_1000, %parallel_loop3A_1001, %parallel_loop3A_1002, %parallel_loop3A_1003], %parallel_loop3A_1006 {add = true, strides = array<i32>} : memref<3x4x64x128xf32, #tpu.memory_space<vmem>>, vector<1x1x1x16xf32>,
      %parallel_loop3A_1007 = arith.constant 0 : i32
      %parallel_loop3A_1008 = arith.constant 2 : i32
      %parallel_loop3A_1009 = arith.index_cast %parallel_loop3A_1007 : i32 to index
      %parallel_loop3A_1010 = arith.index_cast %parallel_loop3A_1008 : i32 to index
      %parallel_loop3A_1011 = arith.index_cast %parallel_loop3A_760 : i32 to index
      %parallel_loop3A_1012 = arith.constant 96 : index
      %parallel_loop3A_1013 = tpu.vector_load %arg8[%parallel_loop3A_1009, %parallel_loop3A_1010, %parallel_loop3A_1011, %parallel_loop3A_1012] {strides = array<i32>} : memref<3x4x64x128xf32, #tpu.memory_space<vmem>>, vector<1x1x1x16xf32>,
      %parallel_loop3A_1014 = vector.shape_cast %parallel_loop3A_1013 : vector<1x1x1x16xf32> to vector<16xf32>
      %parallel_loop3A_1015 = vector.shape_cast %parallel_loop3A_802 : vector<16xf32> to vector<1x1x1x16xf32>
      tpu.vector_store %arg8[%parallel_loop3A_1009, %parallel_loop3A_1010, %parallel_loop3A_1011, %parallel_loop3A_1012], %parallel_loop3A_1015 {add = true, strides = array<i32>} : memref<3x4x64x128xf32, #tpu.memory_space<vmem>>, vector<1x1x1x16xf32>,
      %parallel_loop3A_1016 = arith.constant 0 : i32
      %parallel_loop3A_1017 = arith.constant 2 : i32
      %parallel_loop3A_1018 = arith.index_cast %parallel_loop3A_1016 : i32 to index
      %parallel_loop3A_1019 = arith.index_cast %parallel_loop3A_1017 : i32 to index
      %parallel_loop3A_1020 = arith.index_cast %parallel_loop3A_760 : i32 to index
      %parallel_loop3A_1021 = arith.constant 112 : index
      %parallel_loop3A_1022 = tpu.vector_load %arg8[%parallel_loop3A_1018, %parallel_loop3A_1019, %parallel_loop3A_1020, %parallel_loop3A_1021] {strides = array<i32>} : memref<3x4x64x128xf32, #tpu.memory_space<vmem>>, vector<1x1x1x16xf32>,
      %parallel_loop3A_1023 = vector.shape_cast %parallel_loop3A_1022 : vector<1x1x1x16xf32> to vector<16xf32>
      %parallel_loop3A_1024 = vector.shape_cast %parallel_loop3A_808 : vector<16xf32> to vector<1x1x1x16xf32>
      tpu.vector_store %arg8[%parallel_loop3A_1018, %parallel_loop3A_1019, %parallel_loop3A_1020, %parallel_loop3A_1021], %parallel_loop3A_1024 {add = true, strides = array<i32>} : memref<3x4x64x128xf32, #tpu.memory_space<vmem>>, vector<1x1x1x16xf32>,
      %parallel_loop3A_1025 = arith.constant 0 : i32
      %parallel_loop3A_1026 = arith.constant 3 : i32
      %parallel_loop3A_1027 = arith.index_cast %parallel_loop3A_1025 : i32 to index
      %parallel_loop3A_1028 = arith.index_cast %parallel_loop3A_1026 : i32 to index
      %parallel_loop3A_1029 = arith.index_cast %parallel_loop3A_760 : i32 to index
      %parallel_loop3A_1030 = arith.constant 0 : index
      %parallel_loop3A_1031 = tpu.vector_load %arg8[%parallel_loop3A_1027, %parallel_loop3A_1028, %parallel_loop3A_1029, %parallel_loop3A_1030] {strides = array<i32>} : memref<3x4x64x128xf32, #tpu.memory_space<vmem>>, vector<1x1x1x16xf32>,
      %parallel_loop3A_1032 = vector.shape_cast %parallel_loop3A_1031 : vector<1x1x1x16xf32> to vector<16xf32>
      %parallel_loop3A_1033 = vector.shape_cast %parallel_loop3A_766 : vector<16xf32> to vector<1x1x1x16xf32>
      tpu.vector_store %arg8[%parallel_loop3A_1027, %parallel_loop3A_1028, %parallel_loop3A_1029, %parallel_loop3A_1030], %parallel_loop3A_1033 {add = true, strides = array<i32>} : memref<3x4x64x128xf32, #tpu.memory_space<vmem>>, vector<1x1x1x16xf32>,
      %parallel_loop3A_1034 = arith.constant 0 : i32
      %parallel_loop3A_1035 = arith.constant 3 : i32
      %parallel_loop3A_1036 = arith.index_cast %parallel_loop3A_1034 : i32 to index
      %parallel_loop3A_1037 = arith.index_cast %parallel_loop3A_1035 : i32 to index
      %parallel_loop3A_1038 = arith.index_cast %parallel_loop3A_760 : i32 to index
      %parallel_loop3A_1039 = arith.constant 16 : index
      %parallel_loop3A_1040 = tpu.vector_load %arg8[%parallel_loop3A_1036, %parallel_loop3A_1037, %parallel_loop3A_1038, %parallel_loop3A_1039] {strides = array<i32>} : memref<3x4x64x128xf32, #tpu.memory_space<vmem>>, vector<1x1x1x16xf32>,
      %parallel_loop3A_1041 = vector.shape_cast %parallel_loop3A_1040 : vector<1x1x1x16xf32> to vector<16xf32>
      %parallel_loop3A_1042 = vector.shape_cast %parallel_loop3A_772 : vector<16xf32> to vector<1x1x1x16xf32>
      tpu.vector_store %arg8[%parallel_loop3A_1036, %parallel_loop3A_1037, %parallel_loop3A_1038, %parallel_loop3A_1039], %parallel_loop3A_1042 {add = true, strides = array<i32>} : memref<3x4x64x128xf32, #tpu.memory_space<vmem>>, vector<1x1x1x16xf32>,
      %parallel_loop3A_1043 = arith.constant 0 : i32
      %parallel_loop3A_1044 = arith.constant 3 : i32
      %parallel_loop3A_1045 = arith.index_cast %parallel_loop3A_1043 : i32 to index
      %parallel_loop3A_1046 = arith.index_cast %parallel_loop3A_1044 : i32 to index
      %parallel_loop3A_1047 = arith.index_cast %parallel_loop3A_760 : i32 to index
      %parallel_loop3A_1048 = arith.constant 32 : index
      %parallel_loop3A_1049 = tpu.vector_load %arg8[%parallel_loop3A_1045, %parallel_loop3A_1046, %parallel_loop3A_1047, %parallel_loop3A_1048] {strides = array<i32>} : memref<3x4x64x128xf32, #tpu.memory_space<vmem>>, vector<1x1x1x16xf32>,
      %parallel_loop3A_1050 = vector.shape_cast %parallel_loop3A_1049 : vector<1x1x1x16xf32> to vector<16xf32>
      %parallel_loop3A_1051 = vector.shape_cast %parallel_loop3A_778 : vector<16xf32> to vector<1x1x1x16xf32>
      tpu.vector_store %arg8[%parallel_loop3A_1045, %parallel_loop3A_1046, %parallel_loop3A_1047, %parallel_loop3A_1048], %parallel_loop3A_1051 {add = true, strides = array<i32>} : memref<3x4x64x128xf32, #tpu.memory_space<vmem>>, vector<1x1x1x16xf32>,
      %parallel_loop3A_1052 = arith.constant 0 : i32
      %parallel_loop3A_1053 = arith.constant 3 : i32
      %parallel_loop3A_1054 = arith.index_cast %parallel_loop3A_1052 : i32 to index
      %parallel_loop3A_1055 = arith.index_cast %parallel_loop3A_1053 : i32 to index
      %parallel_loop3A_1056 = arith.index_cast %parallel_loop3A_760 : i32 to index
      %parallel_loop3A_1057 = arith.constant 48 : index
      %parallel_loop3A_1058 = tpu.vector_load %arg8[%parallel_loop3A_1054, %parallel_loop3A_1055, %parallel_loop3A_1056, %parallel_loop3A_1057] {strides = array<i32>} : memref<3x4x64x128xf32, #tpu.memory_space<vmem>>, vector<1x1x1x16xf32>,
      %parallel_loop3A_1059 = vector.shape_cast %parallel_loop3A_1058 : vector<1x1x1x16xf32> to vector<16xf32>
      %parallel_loop3A_1060 = vector.shape_cast %parallel_loop3A_784 : vector<16xf32> to vector<1x1x1x16xf32>
      tpu.vector_store %arg8[%parallel_loop3A_1054, %parallel_loop3A_1055, %parallel_loop3A_1056, %parallel_loop3A_1057], %parallel_loop3A_1060 {add = true, strides = array<i32>} : memref<3x4x64x128xf32, #tpu.memory_space<vmem>>, vector<1x1x1x16xf32>,
      %parallel_loop3A_1061 = arith.constant 0 : i32
      %parallel_loop3A_1062 = arith.constant 3 : i32
      %parallel_loop3A_1063 = arith.index_cast %parallel_loop3A_1061 : i32 to index
      %parallel_loop3A_1064 = arith.index_cast %parallel_loop3A_1062 : i32 to index
      %parallel_loop3A_1065 = arith.index_cast %parallel_loop3A_760 : i32 to index
      %parallel_loop3A_1066 = arith.constant 64 : index
      %parallel_loop3A_1067 = tpu.vector_load %arg8[%parallel_loop3A_1063, %parallel_loop3A_1064, %parallel_loop3A_1065, %parallel_loop3A_1066] {strides = array<i32>} : memref<3x4x64x128xf32, #tpu.memory_space<vmem>>, vector<1x1x1x16xf32>,
      %parallel_loop3A_1068 = vector.shape_cast %parallel_loop3A_1067 : vector<1x1x1x16xf32> to vector<16xf32>
      %parallel_loop3A_1069 = vector.shape_cast %parallel_loop3A_790 : vector<16xf32> to vector<1x1x1x16xf32>
      tpu.vector_store %arg8[%parallel_loop3A_1063, %parallel_loop3A_1064, %parallel_loop3A_1065, %parallel_loop3A_1066], %parallel_loop3A_1069 {add = true, strides = array<i32>} : memref<3x4x64x128xf32, #tpu.memory_space<vmem>>, vector<1x1x1x16xf32>,
      %parallel_loop3A_1070 = arith.constant 0 : i32
      %parallel_loop3A_1071 = arith.constant 3 : i32
      %parallel_loop3A_1072 = arith.index_cast %parallel_loop3A_1070 : i32 to index
      %parallel_loop3A_1073 = arith.index_cast %parallel_loop3A_1071 : i32 to index
      %parallel_loop3A_1074 = arith.index_cast %parallel_loop3A_760 : i32 to index
      %parallel_loop3A_1075 = arith.constant 80 : index
      %parallel_loop3A_1076 = tpu.vector_load %arg8[%parallel_loop3A_1072, %parallel_loop3A_1073, %parallel_loop3A_1074, %parallel_loop3A_1075] {strides = array<i32>} : memref<3x4x64x128xf32, #tpu.memory_space<vmem>>, vector<1x1x1x16xf32>,
      %parallel_loop3A_1077 = vector.shape_cast %parallel_loop3A_1076 : vector<1x1x1x16xf32> to vector<16xf32>
      %parallel_loop3A_1078 = vector.shape_cast %parallel_loop3A_796 : vector<16xf32> to vector<1x1x1x16xf32>
      tpu.vector_store %arg8[%parallel_loop3A_1072, %parallel_loop3A_1073, %parallel_loop3A_1074, %parallel_loop3A_1075], %parallel_loop3A_1078 {add = true, strides = array<i32>} : memref<3x4x64x128xf32, #tpu.memory_space<vmem>>, vector<1x1x1x16xf32>,
      %parallel_loop3A_1079 = arith.constant 0 : i32
      %parallel_loop3A_1080 = arith.constant 3 : i32
      %parallel_loop3A_1081 = arith.index_cast %parallel_loop3A_1079 : i32 to index
      %parallel_loop3A_1082 = arith.index_cast %parallel_loop3A_1080 : i32 to index
      %parallel_loop3A_1083 = arith.index_cast %parallel_loop3A_760 : i32 to index
      %parallel_loop3A_1084 = arith.constant 96 : index
      %parallel_loop3A_1085 = tpu.vector_load %arg8[%parallel_loop3A_1081, %parallel_loop3A_1082, %parallel_loop3A_1083, %parallel_loop3A_1084] {strides = array<i32>} : memref<3x4x64x128xf32, #tpu.memory_space<vmem>>, vector<1x1x1x16xf32>,
      %parallel_loop3A_1086 = vector.shape_cast %parallel_loop3A_1085 : vector<1x1x1x16xf32> to vector<16xf32>
      %parallel_loop3A_1087 = vector.shape_cast %parallel_loop3A_802 : vector<16xf32> to vector<1x1x1x16xf32>
      tpu.vector_store %arg8[%parallel_loop3A_1081, %parallel_loop3A_1082, %parallel_loop3A_1083, %parallel_loop3A_1084], %parallel_loop3A_1087 {add = true, strides = array<i32>} : memref<3x4x64x128xf32, #tpu.memory_space<vmem>>, vector<1x1x1x16xf32>,
      %parallel_loop3A_1088 = arith.constant 0 : i32
      %parallel_loop3A_1089 = arith.constant 3 : i32
      %parallel_loop3A_1090 = arith.index_cast %parallel_loop3A_1088 : i32 to index
      %parallel_loop3A_1091 = arith.index_cast %parallel_loop3A_1089 : i32 to index
      %parallel_loop3A_1092 = arith.index_cast %parallel_loop3A_760 : i32 to index
      %parallel_loop3A_1093 = arith.constant 112 : index
      %parallel_loop3A_1094 = tpu.vector_load %arg8[%parallel_loop3A_1090, %parallel_loop3A_1091, %parallel_loop3A_1092, %parallel_loop3A_1093] {strides = array<i32>} : memref<3x4x64x128xf32, #tpu.memory_space<vmem>>, vector<1x1x1x16xf32>,
      %parallel_loop3A_1095 = vector.shape_cast %parallel_loop3A_1094 : vector<1x1x1x16xf32> to vector<16xf32>
      %parallel_loop3A_1096 = vector.shape_cast %parallel_loop3A_808 : vector<16xf32> to vector<1x1x1x16xf32>
      tpu.vector_store %arg8[%parallel_loop3A_1090, %parallel_loop3A_1091, %parallel_loop3A_1092, %parallel_loop3A_1093], %parallel_loop3A_1096 {add = true, strides = array<i32>} : memref<3x4x64x128xf32, #tpu.memory_space<vmem>>, vector<1x1x1x16xf32>,
    } {sc.loop_unroll_factor = 1 : i64, sc.parallel_access}
    %add3A_641 = arith.constant 384 : i32
    %add3A_642 = arith.addi %mul3A_2, %add3A_641 : i32
    %dma_start3A_643 = arith.constant 0 : i32
    %dma_start3A_644 = arith.constant 0 : i32
    %dma_start3A_645 = arith.constant 0 : i32
    %dma_start3A_646 = arith.constant 0 : i32
    %dma_start3A_647 = tpu.memref_slice %arg8[%dma_start3A_643, %dma_start3A_644, %dma_start3A_645, %dma_start3A_646] : memref<3x4x64x128xf32, #tpu.memory_space<vmem>> -> memref<1x4x64x128xf32, #tpu.memory_space<vmem>>
    %dma_start3A_648 = tpu.memref_squeeze %dma_start3A_647 : memref<1x4x64x128xf32, #tpu.memory_space<vmem>> -> memref<4x64x128xf32, #tpu.memory_space<vmem>>
    %dma_start3A_649 = arith.constant 0 : i32
    %dma_start3A_650 = arith.constant 0 : i32
    %dma_start3A_651 = tpu.memref_slice %arg5[%dma_start3A_649, %add3A_642, %dma_start3A_650] : memref<4x16384x128xf32, #tpu.memory_space<hbm>> -> memref<4x64x128xf32, #tpu.memory_space<hbm>>
    %dma_start3A_652 = arith.constant 0 : i32
    %dma_start3A_653 = arith.constant 0 : i32
    %dma_start3A_654 = tpu.memref_slice %arg5[%dma_start3A_652, %add3A_642, %dma_start3A_653] : memref<4x16384x128xf32, #tpu.memory_space<hbm>> -> memref<4x64x128xf32, #tpu.memory_space<hbm>>
    %dma_start3A_655 = arith.constant 0 : i32
    %dma_start3A_656 = arith.constant 0 : i32
    %dma_start3A_657 = arith.constant 0 : i32
    %dma_start3A_658 = tpu.memref_slice %arg8[%dma_start3A_643, %dma_start3A_655, %dma_start3A_656, %dma_start3A_657] : memref<3x4x64x128xf32, #tpu.memory_space<vmem>> -> memref<1x4x64x128xf32, #tpu.memory_space<vmem>>
    %dma_start3A_659 = tpu.memref_squeeze %dma_start3A_658 : memref<1x4x64x128xf32, #tpu.memory_space<vmem>> -> memref<4x64x128xf32, #tpu.memory_space<vmem>>
    tpu.enqueue_dma source(%dma_start3A_659 : memref<4x64x128xf32, #tpu.memory_space<vmem>>) target(%dma_start3A_654 : memref<4x64x128xf32, #tpu.memory_space<hbm>>) target_semaphore(%arg11 : memref<!tpu.dma_semaphore, #tpu.memory_space<semaphore_mem>>)
    %dma_wait3A_660 = arith.constant 2 : i32
    %dma_wait3A_661 = arith.constant 0 : i32
    %dma_wait3A_662 = arith.constant 0 : i32
    %dma_wait3A_663 = arith.constant 0 : i32
    %dma_wait3A_664 = tpu.memref_slice %arg8[%dma_wait3A_660, %dma_wait3A_661, %dma_wait3A_662, %dma_wait3A_663] : memref<3x4x64x128xf32, #tpu.memory_space<vmem>> -> memref<1x4x64x128xf32, #tpu.memory_space<vmem>>
    %dma_wait3A_665 = tpu.memref_squeeze %dma_wait3A_664 : memref<1x4x64x128xf32, #tpu.memory_space<vmem>> -> memref<4x64x128xf32, #tpu.memory_space<vmem>>
    %dma_wait3A_666 = arith.constant 0 : i32
    %dma_wait3A_667 = arith.constant 0 : i32
    %dma_wait3A_668 = tpu.memref_slice %arg5[%dma_wait3A_666, %add3A_547, %dma_wait3A_667] : memref<4x16384x128xf32, #tpu.memory_space<hbm>> -> memref<4x64x128xf32, #tpu.memory_space<hbm>>
    %dma_wait3A_669 = arith.constant 0 : i32
    %dma_wait3A_670 = arith.constant 0 : i32
    %dma_wait3A_671 = tpu.memref_slice %arg5[%dma_wait3A_669, %add3A_547, %dma_wait3A_670] : memref<4x16384x128xf32, #tpu.memory_space<hbm>> -> memref<4x64x128xf32, #tpu.memory_space<hbm>>
    %dma_wait3A_672 = arith.constant 0 : i32
    %dma_wait3A_673 = arith.constant 0 : i32
    %dma_wait3A_674 = arith.constant 0 : i32
    %dma_wait3A_675 = tpu.memref_slice %arg8[%dma_wait3A_660, %dma_wait3A_672, %dma_wait3A_673, %dma_wait3A_674] : memref<3x4x64x128xf32, #tpu.memory_space<vmem>> -> memref<1x4x64x128xf32, #tpu.memory_space<vmem>>
    %dma_wait3A_676 = tpu.memref_squeeze %dma_wait3A_675 : memref<1x4x64x128xf32, #tpu.memory_space<vmem>> -> memref<4x64x128xf32, #tpu.memory_space<vmem>>
    tpu.wait_dma2 semaphore(%arg11 : memref<!tpu.dma_semaphore, #tpu.memory_space<semaphore_mem>>) src(%dma_wait3A_676 : memref<4x64x128xf32, #tpu.memory_space<vmem>>) dst(%dma_wait3A_671 : memref<4x64x128xf32, #tpu.memory_space<hbm>>)
    %dma_wait3A_677 = arith.constant 1 : i32
    %dma_wait3A_678 = arith.constant 0 : i32
    %dma_wait3A_679 = arith.constant 0 : i32
    %dma_wait3A_680 = tpu.memref_slice %arg7[%dma_wait3A_677, %dma_wait3A_678, %dma_wait3A_679] : memref<3x64x128xf32, #tpu.memory_space<vmem>> -> memref<1x64x128xf32, #tpu.memory_space<vmem>>
    %dma_wait3A_681 = tpu.memref_squeeze %dma_wait3A_680 : memref<1x64x128xf32, #tpu.memory_space<vmem>> -> memref<64x128xf32, #tpu.memory_space<vmem>>
    %dma_wait3A_682 = arith.constant 448 : i32
    %dma_wait3A_683 = tpu.memref_slice %arg6[%dma_wait3A_682] : memref<512xi32, #tpu.memory_space<vmem>> -> memref<64xi32, #tpu.memory_space<vmem>>
    %dma_wait3A_684 = arith.constant 0 : i32
    %dma_wait3A_685 = arith.constant 0 : i32
    %dma_wait3A_686 = tpu.memref_slice %arg3[%dma_wait3A_684, %dma_wait3A_685] : memref<16384x128xf32, #tpu.memory_space<hbm>> -> memref<16384x128xf32, #tpu.memory_space<hbm>>
    tpu.wait_indirect_dma semaphore(%arg9 : memref<!tpu.dma_semaphore, #tpu.memory_space<semaphore_mem>>) src(%dma_wait3A_686 : memref<16384x128xf32, #tpu.memory_space<hbm>>) dst(%dma_wait3A_681 : memref<64x128xf32, #tpu.memory_space<vmem>>)
    %dma_wait3A_687 = arith.constant 1 : i32
    %dma_wait3A_688 = arith.constant 0 : i32
    %dma_wait3A_689 = arith.constant 0 : i32
    %dma_wait3A_690 = arith.constant 0 : i32
    %dma_wait3A_691 = tpu.memref_slice %arg8[%dma_wait3A_687, %dma_wait3A_688, %dma_wait3A_689, %dma_wait3A_690] : memref<3x4x64x128xf32, #tpu.memory_space<vmem>> -> memref<1x4x64x128xf32, #tpu.memory_space<vmem>>
    %dma_wait3A_692 = tpu.memref_squeeze %dma_wait3A_691 : memref<1x4x64x128xf32, #tpu.memory_space<vmem>> -> memref<4x64x128xf32, #tpu.memory_space<vmem>>
    %dma_wait3A_693 = arith.constant 0 : i32
    %dma_wait3A_694 = arith.constant 0 : i32
    %dma_wait3A_695 = tpu.memref_slice %arg2[%dma_wait3A_693, %add3A_593, %dma_wait3A_694] : memref<4x16384x128xf32, #tpu.memory_space<hbm>> -> memref<4x64x128xf32, #tpu.memory_space<hbm>>
    %dma_wait3A_696 = arith.constant 0 : i32
    %dma_wait3A_697 = arith.constant 0 : i32
    %dma_wait3A_698 = arith.constant 0 : i32
    %dma_wait3A_699 = tpu.memref_slice %arg8[%dma_wait3A_687, %dma_wait3A_696, %dma_wait3A_697, %dma_wait3A_698] : memref<3x4x64x128xf32, #tpu.memory_space<vmem>> -> memref<1x4x64x128xf32, #tpu.memory_space<vmem>>
    %dma_wait3A_700 = tpu.memref_squeeze %dma_wait3A_699 : memref<1x4x64x128xf32, #tpu.memory_space<vmem>> -> memref<4x64x128xf32, #tpu.memory_space<vmem>>
    %dma_wait3A_701 = arith.constant 0 : i32
    %dma_wait3A_702 = arith.constant 0 : i32
    %dma_wait3A_703 = tpu.memref_slice %arg2[%dma_wait3A_701, %add3A_593, %dma_wait3A_702] : memref<4x16384x128xf32, #tpu.memory_space<hbm>> -> memref<4x64x128xf32, #tpu.memory_space<hbm>>
    tpu.wait_dma2 semaphore(%arg10 : memref<!tpu.dma_semaphore, #tpu.memory_space<semaphore_mem>>) src(%dma_wait3A_703 : memref<4x64x128xf32, #tpu.memory_space<hbm>>) dst(%dma_wait3A_700 : memref<4x64x128xf32, #tpu.memory_space<vmem>>)
    %parallel_loop3A_704 = arith.constant 0 : i32
    %parallel_loop3A_705 = arith.constant 64 : i32
    %parallel_loop3A_706 = arith.constant 1 : i32
    scf.for %parallel_loop3A_760 = %parallel_loop3A_704 to %parallel_loop3A_705 step %parallel_loop3A_706  : i32 {
      %parallel_loop3A_761 = arith.constant 1 : i32
      %parallel_loop3A_762 = arith.index_cast %parallel_loop3A_761 : i32 to index
      %parallel_loop3A_763 = arith.index_cast %parallel_loop3A_760 : i32 to index
      %parallel_loop3A_764 = arith.constant 0 : index
      %parallel_loop3A_765 = tpu.vector_load %arg7[%parallel_loop3A_762, %parallel_loop3A_763, %parallel_loop3A_764] {strides = array<i32>} : memref<3x64x128xf32, #tpu.memory_space<vmem>>, vector<1x1x16xf32>,
      %parallel_loop3A_766 = vector.shape_cast %parallel_loop3A_765 : vector<1x1x16xf32> to vector<16xf32>
      %parallel_loop3A_767 = arith.constant 1 : i32
      %parallel_loop3A_768 = arith.index_cast %parallel_loop3A_767 : i32 to index
      %parallel_loop3A_769 = arith.index_cast %parallel_loop3A_760 : i32 to index
      %parallel_loop3A_770 = arith.constant 16 : index
      %parallel_loop3A_771 = tpu.vector_load %arg7[%parallel_loop3A_768, %parallel_loop3A_769, %parallel_loop3A_770] {strides = array<i32>} : memref<3x64x128xf32, #tpu.memory_space<vmem>>, vector<1x1x16xf32>,
      %parallel_loop3A_772 = vector.shape_cast %parallel_loop3A_771 : vector<1x1x16xf32> to vector<16xf32>
      %parallel_loop3A_773 = arith.constant 1 : i32
      %parallel_loop3A_774 = arith.index_cast %parallel_loop3A_773 : i32 to index
      %parallel_loop3A_775 = arith.index_cast %parallel_loop3A_760 : i32 to index
      %parallel_loop3A_776 = arith.constant 32 : index
      %parallel_loop3A_777 = tpu.vector_load %arg7[%parallel_loop3A_774, %parallel_loop3A_775, %parallel_loop3A_776] {strides = array<i32>} : memref<3x64x128xf32, #tpu.memory_space<vmem>>, vector<1x1x16xf32>,
      %parallel_loop3A_778 = vector.shape_cast %parallel_loop3A_777 : vector<1x1x16xf32> to vector<16xf32>
      %parallel_loop3A_779 = arith.constant 1 : i32
      %parallel_loop3A_780 = arith.index_cast %parallel_loop3A_779 : i32 to index
      %parallel_loop3A_781 = arith.index_cast %parallel_loop3A_760 : i32 to index
      %parallel_loop3A_782 = arith.constant 48 : index
      %parallel_loop3A_783 = tpu.vector_load %arg7[%parallel_loop3A_780, %parallel_loop3A_781, %parallel_loop3A_782] {strides = array<i32>} : memref<3x64x128xf32, #tpu.memory_space<vmem>>, vector<1x1x16xf32>,
      %parallel_loop3A_784 = vector.shape_cast %parallel_loop3A_783 : vector<1x1x16xf32> to vector<16xf32>
      %parallel_loop3A_785 = arith.constant 1 : i32
      %parallel_loop3A_786 = arith.index_cast %parallel_loop3A_785 : i32 to index
      %parallel_loop3A_787 = arith.index_cast %parallel_loop3A_760 : i32 to index
      %parallel_loop3A_788 = arith.constant 64 : index
      %parallel_loop3A_789 = tpu.vector_load %arg7[%parallel_loop3A_786, %parallel_loop3A_787, %parallel_loop3A_788] {strides = array<i32>} : memref<3x64x128xf32, #tpu.memory_space<vmem>>, vector<1x1x16xf32>,
      %parallel_loop3A_790 = vector.shape_cast %parallel_loop3A_789 : vector<1x1x16xf32> to vector<16xf32>
      %parallel_loop3A_791 = arith.constant 1 : i32
      %parallel_loop3A_792 = arith.index_cast %parallel_loop3A_791 : i32 to index
      %parallel_loop3A_793 = arith.index_cast %parallel_loop3A_760 : i32 to index
      %parallel_loop3A_794 = arith.constant 80 : index
      %parallel_loop3A_795 = tpu.vector_load %arg7[%parallel_loop3A_792, %parallel_loop3A_793, %parallel_loop3A_794] {strides = array<i32>} : memref<3x64x128xf32, #tpu.memory_space<vmem>>, vector<1x1x16xf32>,
      %parallel_loop3A_796 = vector.shape_cast %parallel_loop3A_795 : vector<1x1x16xf32> to vector<16xf32>
      %parallel_loop3A_797 = arith.constant 1 : i32
      %parallel_loop3A_798 = arith.index_cast %parallel_loop3A_797 : i32 to index
      %parallel_loop3A_799 = arith.index_cast %parallel_loop3A_760 : i32 to index
      %parallel_loop3A_800 = arith.constant 96 : index
      %parallel_loop3A_801 = tpu.vector_load %arg7[%parallel_loop3A_798, %parallel_loop3A_799, %parallel_loop3A_800] {strides = array<i32>} : memref<3x64x128xf32, #tpu.memory_space<vmem>>, vector<1x1x16xf32>,
      %parallel_loop3A_802 = vector.shape_cast %parallel_loop3A_801 : vector<1x1x16xf32> to vector<16xf32>
      %parallel_loop3A_803 = arith.constant 1 : i32
      %parallel_loop3A_804 = arith.index_cast %parallel_loop3A_803 : i32 to index
      %parallel_loop3A_805 = arith.index_cast %parallel_loop3A_760 : i32 to index
      %parallel_loop3A_806 = arith.constant 112 : index
      %parallel_loop3A_807 = tpu.vector_load %arg7[%parallel_loop3A_804, %parallel_loop3A_805, %parallel_loop3A_806] {strides = array<i32>} : memref<3x64x128xf32, #tpu.memory_space<vmem>>, vector<1x1x16xf32>,
      %parallel_loop3A_808 = vector.shape_cast %parallel_loop3A_807 : vector<1x1x16xf32> to vector<16xf32>
      %parallel_loop3A_809 = arith.constant 1 : i32
      %parallel_loop3A_810 = arith.constant 0 : i32
      %parallel_loop3A_811 = arith.index_cast %parallel_loop3A_809 : i32 to index
      %parallel_loop3A_812 = arith.index_cast %parallel_loop3A_810 : i32 to index
      %parallel_loop3A_813 = arith.index_cast %parallel_loop3A_760 : i32 to index
      %parallel_loop3A_814 = arith.constant 0 : index
      %parallel_loop3A_815 = tpu.vector_load %arg8[%parallel_loop3A_811, %parallel_loop3A_812, %parallel_loop3A_813, %parallel_loop3A_814] {strides = array<i32>} : memref<3x4x64x128xf32, #tpu.memory_space<vmem>>, vector<1x1x1x16xf32>,
      %parallel_loop3A_816 = vector.shape_cast %parallel_loop3A_815 : vector<1x1x1x16xf32> to vector<16xf32>
      %parallel_loop3A_817 = vector.shape_cast %parallel_loop3A_766 : vector<16xf32> to vector<1x1x1x16xf32>
      tpu.vector_store %arg8[%parallel_loop3A_811, %parallel_loop3A_812, %parallel_loop3A_813, %parallel_loop3A_814], %parallel_loop3A_817 {add = true, strides = array<i32>} : memref<3x4x64x128xf32, #tpu.memory_space<vmem>>, vector<1x1x1x16xf32>,
      %parallel_loop3A_818 = arith.constant 1 : i32
      %parallel_loop3A_819 = arith.constant 0 : i32
      %parallel_loop3A_820 = arith.index_cast %parallel_loop3A_818 : i32 to index
      %parallel_loop3A_821 = arith.index_cast %parallel_loop3A_819 : i32 to index
      %parallel_loop3A_822 = arith.index_cast %parallel_loop3A_760 : i32 to index
      %parallel_loop3A_823 = arith.constant 16 : index
      %parallel_loop3A_824 = tpu.vector_load %arg8[%parallel_loop3A_820, %parallel_loop3A_821, %parallel_loop3A_822, %parallel_loop3A_823] {strides = array<i32>} : memref<3x4x64x128xf32, #tpu.memory_space<vmem>>, vector<1x1x1x16xf32>,
      %parallel_loop3A_825 = vector.shape_cast %parallel_loop3A_824 : vector<1x1x1x16xf32> to vector<16xf32>
      %parallel_loop3A_826 = vector.shape_cast %parallel_loop3A_772 : vector<16xf32> to vector<1x1x1x16xf32>
      tpu.vector_store %arg8[%parallel_loop3A_820, %parallel_loop3A_821, %parallel_loop3A_822, %parallel_loop3A_823], %parallel_loop3A_826 {add = true, strides = array<i32>} : memref<3x4x64x128xf32, #tpu.memory_space<vmem>>, vector<1x1x1x16xf32>,
      %parallel_loop3A_827 = arith.constant 1 : i32
      %parallel_loop3A_828 = arith.constant 0 : i32
      %parallel_loop3A_829 = arith.index_cast %parallel_loop3A_827 : i32 to index
      %parallel_loop3A_830 = arith.index_cast %parallel_loop3A_828 : i32 to index
      %parallel_loop3A_831 = arith.index_cast %parallel_loop3A_760 : i32 to index
      %parallel_loop3A_832 = arith.constant 32 : index
      %parallel_loop3A_833 = tpu.vector_load %arg8[%parallel_loop3A_829, %parallel_loop3A_830, %parallel_loop3A_831, %parallel_loop3A_832] {strides = array<i32>} : memref<3x4x64x128xf32, #tpu.memory_space<vmem>>, vector<1x1x1x16xf32>,
      %parallel_loop3A_834 = vector.shape_cast %parallel_loop3A_833 : vector<1x1x1x16xf32> to vector<16xf32>
      %parallel_loop3A_835 = vector.shape_cast %parallel_loop3A_778 : vector<16xf32> to vector<1x1x1x16xf32>
      tpu.vector_store %arg8[%parallel_loop3A_829, %parallel_loop3A_830, %parallel_loop3A_831, %parallel_loop3A_832], %parallel_loop3A_835 {add = true, strides = array<i32>} : memref<3x4x64x128xf32, #tpu.memory_space<vmem>>, vector<1x1x1x16xf32>,
      %parallel_loop3A_836 = arith.constant 1 : i32
      %parallel_loop3A_837 = arith.constant 0 : i32
      %parallel_loop3A_838 = arith.index_cast %parallel_loop3A_836 : i32 to index
      %parallel_loop3A_839 = arith.index_cast %parallel_loop3A_837 : i32 to index
      %parallel_loop3A_840 = arith.index_cast %parallel_loop3A_760 : i32 to index
      %parallel_loop3A_841 = arith.constant 48 : index
      %parallel_loop3A_842 = tpu.vector_load %arg8[%parallel_loop3A_838, %parallel_loop3A_839, %parallel_loop3A_840, %parallel_loop3A_841] {strides = array<i32>} : memref<3x4x64x128xf32, #tpu.memory_space<vmem>>, vector<1x1x1x16xf32>,
      %parallel_loop3A_843 = vector.shape_cast %parallel_loop3A_842 : vector<1x1x1x16xf32> to vector<16xf32>
      %parallel_loop3A_844 = vector.shape_cast %parallel_loop3A_784 : vector<16xf32> to vector<1x1x1x16xf32>
      tpu.vector_store %arg8[%parallel_loop3A_838, %parallel_loop3A_839, %parallel_loop3A_840, %parallel_loop3A_841], %parallel_loop3A_844 {add = true, strides = array<i32>} : memref<3x4x64x128xf32, #tpu.memory_space<vmem>>, vector<1x1x1x16xf32>,
      %parallel_loop3A_845 = arith.constant 1 : i32
      %parallel_loop3A_846 = arith.constant 0 : i32
      %parallel_loop3A_847 = arith.index_cast %parallel_loop3A_845 : i32 to index
      %parallel_loop3A_848 = arith.index_cast %parallel_loop3A_846 : i32 to index
      %parallel_loop3A_849 = arith.index_cast %parallel_loop3A_760 : i32 to index
      %parallel_loop3A_850 = arith.constant 64 : index
      %parallel_loop3A_851 = tpu.vector_load %arg8[%parallel_loop3A_847, %parallel_loop3A_848, %parallel_loop3A_849, %parallel_loop3A_850] {strides = array<i32>} : memref<3x4x64x128xf32, #tpu.memory_space<vmem>>, vector<1x1x1x16xf32>,
      %parallel_loop3A_852 = vector.shape_cast %parallel_loop3A_851 : vector<1x1x1x16xf32> to vector<16xf32>
      %parallel_loop3A_853 = vector.shape_cast %parallel_loop3A_790 : vector<16xf32> to vector<1x1x1x16xf32>
      tpu.vector_store %arg8[%parallel_loop3A_847, %parallel_loop3A_848, %parallel_loop3A_849, %parallel_loop3A_850], %parallel_loop3A_853 {add = true, strides = array<i32>} : memref<3x4x64x128xf32, #tpu.memory_space<vmem>>, vector<1x1x1x16xf32>,
      %parallel_loop3A_854 = arith.constant 1 : i32
      %parallel_loop3A_855 = arith.constant 0 : i32
      %parallel_loop3A_856 = arith.index_cast %parallel_loop3A_854 : i32 to index
      %parallel_loop3A_857 = arith.index_cast %parallel_loop3A_855 : i32 to index
      %parallel_loop3A_858 = arith.index_cast %parallel_loop3A_760 : i32 to index
      %parallel_loop3A_859 = arith.constant 80 : index
      %parallel_loop3A_860 = tpu.vector_load %arg8[%parallel_loop3A_856, %parallel_loop3A_857, %parallel_loop3A_858, %parallel_loop3A_859] {strides = array<i32>} : memref<3x4x64x128xf32, #tpu.memory_space<vmem>>, vector<1x1x1x16xf32>,
      %parallel_loop3A_861 = vector.shape_cast %parallel_loop3A_860 : vector<1x1x1x16xf32> to vector<16xf32>
      %parallel_loop3A_862 = vector.shape_cast %parallel_loop3A_796 : vector<16xf32> to vector<1x1x1x16xf32>
      tpu.vector_store %arg8[%parallel_loop3A_856, %parallel_loop3A_857, %parallel_loop3A_858, %parallel_loop3A_859], %parallel_loop3A_862 {add = true, strides = array<i32>} : memref<3x4x64x128xf32, #tpu.memory_space<vmem>>, vector<1x1x1x16xf32>,
      %parallel_loop3A_863 = arith.constant 1 : i32
      %parallel_loop3A_864 = arith.constant 0 : i32
      %parallel_loop3A_865 = arith.index_cast %parallel_loop3A_863 : i32 to index
      %parallel_loop3A_866 = arith.index_cast %parallel_loop3A_864 : i32 to index
      %parallel_loop3A_867 = arith.index_cast %parallel_loop3A_760 : i32 to index
      %parallel_loop3A_868 = arith.constant 96 : index
      %parallel_loop3A_869 = tpu.vector_load %arg8[%parallel_loop3A_865, %parallel_loop3A_866, %parallel_loop3A_867, %parallel_loop3A_868] {strides = array<i32>} : memref<3x4x64x128xf32, #tpu.memory_space<vmem>>, vector<1x1x1x16xf32>,
      %parallel_loop3A_870 = vector.shape_cast %parallel_loop3A_869 : vector<1x1x1x16xf32> to vector<16xf32>
      %parallel_loop3A_871 = vector.shape_cast %parallel_loop3A_802 : vector<16xf32> to vector<1x1x1x16xf32>
      tpu.vector_store %arg8[%parallel_loop3A_865, %parallel_loop3A_866, %parallel_loop3A_867, %parallel_loop3A_868], %parallel_loop3A_871 {add = true, strides = array<i32>} : memref<3x4x64x128xf32, #tpu.memory_space<vmem>>, vector<1x1x1x16xf32>,
      %parallel_loop3A_872 = arith.constant 1 : i32
      %parallel_loop3A_873 = arith.constant 0 : i32
      %parallel_loop3A_874 = arith.index_cast %parallel_loop3A_872 : i32 to index
      %parallel_loop3A_875 = arith.index_cast %parallel_loop3A_873 : i32 to index
      %parallel_loop3A_876 = arith.index_cast %parallel_loop3A_760 : i32 to index
      %parallel_loop3A_877 = arith.constant 112 : index
      %parallel_loop3A_878 = tpu.vector_load %arg8[%parallel_loop3A_874, %parallel_loop3A_875, %parallel_loop3A_876, %parallel_loop3A_877] {strides = array<i32>} : memref<3x4x64x128xf32, #tpu.memory_space<vmem>>, vector<1x1x1x16xf32>,
      %parallel_loop3A_879 = vector.shape_cast %parallel_loop3A_878 : vector<1x1x1x16xf32> to vector<16xf32>
      %parallel_loop3A_880 = vector.shape_cast %parallel_loop3A_808 : vector<16xf32> to vector<1x1x1x16xf32>
      tpu.vector_store %arg8[%parallel_loop3A_874, %parallel_loop3A_875, %parallel_loop3A_876, %parallel_loop3A_877], %parallel_loop3A_880 {add = true, strides = array<i32>} : memref<3x4x64x128xf32, #tpu.memory_space<vmem>>, vector<1x1x1x16xf32>,
      %parallel_loop3A_881 = arith.constant 1 : i32
      %parallel_loop3A_882 = arith.constant 1 : i32
      %parallel_loop3A_883 = arith.index_cast %parallel_loop3A_881 : i32 to index
      %parallel_loop3A_884 = arith.index_cast %parallel_loop3A_882 : i32 to index
      %parallel_loop3A_885 = arith.index_cast %parallel_loop3A_760 : i32 to index
      %parallel_loop3A_886 = arith.constant 0 : index
      %parallel_loop3A_887 = tpu.vector_load %arg8[%parallel_loop3A_883, %parallel_loop3A_884, %parallel_loop3A_885, %parallel_loop3A_886] {strides = array<i32>} : memref<3x4x64x128xf32, #tpu.memory_space<vmem>>, vector<1x1x1x16xf32>,
      %parallel_loop3A_888 = vector.shape_cast %parallel_loop3A_887 : vector<1x1x1x16xf32> to vector<16xf32>
      %parallel_loop3A_889 = vector.shape_cast %parallel_loop3A_766 : vector<16xf32> to vector<1x1x1x16xf32>
      tpu.vector_store %arg8[%parallel_loop3A_883, %parallel_loop3A_884, %parallel_loop3A_885, %parallel_loop3A_886], %parallel_loop3A_889 {add = true, strides = array<i32>} : memref<3x4x64x128xf32, #tpu.memory_space<vmem>>, vector<1x1x1x16xf32>,
      %parallel_loop3A_890 = arith.constant 1 : i32
      %parallel_loop3A_891 = arith.constant 1 : i32
      %parallel_loop3A_892 = arith.index_cast %parallel_loop3A_890 : i32 to index
      %parallel_loop3A_893 = arith.index_cast %parallel_loop3A_891 : i32 to index
      %parallel_loop3A_894 = arith.index_cast %parallel_loop3A_760 : i32 to index
      %parallel_loop3A_895 = arith.constant 16 : index
      %parallel_loop3A_896 = tpu.vector_load %arg8[%parallel_loop3A_892, %parallel_loop3A_893, %parallel_loop3A_894, %parallel_loop3A_895] {strides = array<i32>} : memref<3x4x64x128xf32, #tpu.memory_space<vmem>>, vector<1x1x1x16xf32>,
      %parallel_loop3A_897 = vector.shape_cast %parallel_loop3A_896 : vector<1x1x1x16xf32> to vector<16xf32>
      %parallel_loop3A_898 = vector.shape_cast %parallel_loop3A_772 : vector<16xf32> to vector<1x1x1x16xf32>
      tpu.vector_store %arg8[%parallel_loop3A_892, %parallel_loop3A_893, %parallel_loop3A_894, %parallel_loop3A_895], %parallel_loop3A_898 {add = true, strides = array<i32>} : memref<3x4x64x128xf32, #tpu.memory_space<vmem>>, vector<1x1x1x16xf32>,
      %parallel_loop3A_899 = arith.constant 1 : i32
      %parallel_loop3A_900 = arith.constant 1 : i32
      %parallel_loop3A_901 = arith.index_cast %parallel_loop3A_899 : i32 to index
      %parallel_loop3A_902 = arith.index_cast %parallel_loop3A_900 : i32 to index
      %parallel_loop3A_903 = arith.index_cast %parallel_loop3A_760 : i32 to index
      %parallel_loop3A_904 = arith.constant 32 : index
      %parallel_loop3A_905 = tpu.vector_load %arg8[%parallel_loop3A_901, %parallel_loop3A_902, %parallel_loop3A_903, %parallel_loop3A_904] {strides = array<i32>} : memref<3x4x64x128xf32, #tpu.memory_space<vmem>>, vector<1x1x1x16xf32>,
      %parallel_loop3A_906 = vector.shape_cast %parallel_loop3A_905 : vector<1x1x1x16xf32> to vector<16xf32>
      %parallel_loop3A_907 = vector.shape_cast %parallel_loop3A_778 : vector<16xf32> to vector<1x1x1x16xf32>
      tpu.vector_store %arg8[%parallel_loop3A_901, %parallel_loop3A_902, %parallel_loop3A_903, %parallel_loop3A_904], %parallel_loop3A_907 {add = true, strides = array<i32>} : memref<3x4x64x128xf32, #tpu.memory_space<vmem>>, vector<1x1x1x16xf32>,
      %parallel_loop3A_908 = arith.constant 1 : i32
      %parallel_loop3A_909 = arith.constant 1 : i32
      %parallel_loop3A_910 = arith.index_cast %parallel_loop3A_908 : i32 to index
      %parallel_loop3A_911 = arith.index_cast %parallel_loop3A_909 : i32 to index
      %parallel_loop3A_912 = arith.index_cast %parallel_loop3A_760 : i32 to index
      %parallel_loop3A_913 = arith.constant 48 : index
      %parallel_loop3A_914 = tpu.vector_load %arg8[%parallel_loop3A_910, %parallel_loop3A_911, %parallel_loop3A_912, %parallel_loop3A_913] {strides = array<i32>} : memref<3x4x64x128xf32, #tpu.memory_space<vmem>>, vector<1x1x1x16xf32>,
      %parallel_loop3A_915 = vector.shape_cast %parallel_loop3A_914 : vector<1x1x1x16xf32> to vector<16xf32>
      %parallel_loop3A_916 = vector.shape_cast %parallel_loop3A_784 : vector<16xf32> to vector<1x1x1x16xf32>
      tpu.vector_store %arg8[%parallel_loop3A_910, %parallel_loop3A_911, %parallel_loop3A_912, %parallel_loop3A_913], %parallel_loop3A_916 {add = true, strides = array<i32>} : memref<3x4x64x128xf32, #tpu.memory_space<vmem>>, vector<1x1x1x16xf32>,
      %parallel_loop3A_917 = arith.constant 1 : i32
      %parallel_loop3A_918 = arith.constant 1 : i32
      %parallel_loop3A_919 = arith.index_cast %parallel_loop3A_917 : i32 to index
      %parallel_loop3A_920 = arith.index_cast %parallel_loop3A_918 : i32 to index
      %parallel_loop3A_921 = arith.index_cast %parallel_loop3A_760 : i32 to index
      %parallel_loop3A_922 = arith.constant 64 : index
      %parallel_loop3A_923 = tpu.vector_load %arg8[%parallel_loop3A_919, %parallel_loop3A_920, %parallel_loop3A_921, %parallel_loop3A_922] {strides = array<i32>} : memref<3x4x64x128xf32, #tpu.memory_space<vmem>>, vector<1x1x1x16xf32>,
      %parallel_loop3A_924 = vector.shape_cast %parallel_loop3A_923 : vector<1x1x1x16xf32> to vector<16xf32>
      %parallel_loop3A_925 = vector.shape_cast %parallel_loop3A_790 : vector<16xf32> to vector<1x1x1x16xf32>
      tpu.vector_store %arg8[%parallel_loop3A_919, %parallel_loop3A_920, %parallel_loop3A_921, %parallel_loop3A_922], %parallel_loop3A_925 {add = true, strides = array<i32>} : memref<3x4x64x128xf32, #tpu.memory_space<vmem>>, vector<1x1x1x16xf32>,
      %parallel_loop3A_926 = arith.constant 1 : i32
      %parallel_loop3A_927 = arith.constant 1 : i32
      %parallel_loop3A_928 = arith.index_cast %parallel_loop3A_926 : i32 to index
      %parallel_loop3A_929 = arith.index_cast %parallel_loop3A_927 : i32 to index
      %parallel_loop3A_930 = arith.index_cast %parallel_loop3A_760 : i32 to index
      %parallel_loop3A_931 = arith.constant 80 : index
      %parallel_loop3A_932 = tpu.vector_load %arg8[%parallel_loop3A_928, %parallel_loop3A_929, %parallel_loop3A_930, %parallel_loop3A_931] {strides = array<i32>} : memref<3x4x64x128xf32, #tpu.memory_space<vmem>>, vector<1x1x1x16xf32>,
      %parallel_loop3A_933 = vector.shape_cast %parallel_loop3A_932 : vector<1x1x1x16xf32> to vector<16xf32>
      %parallel_loop3A_934 = vector.shape_cast %parallel_loop3A_796 : vector<16xf32> to vector<1x1x1x16xf32>
      tpu.vector_store %arg8[%parallel_loop3A_928, %parallel_loop3A_929, %parallel_loop3A_930, %parallel_loop3A_931], %parallel_loop3A_934 {add = true, strides = array<i32>} : memref<3x4x64x128xf32, #tpu.memory_space<vmem>>, vector<1x1x1x16xf32>,
      %parallel_loop3A_935 = arith.constant 1 : i32
      %parallel_loop3A_936 = arith.constant 1 : i32
      %parallel_loop3A_937 = arith.index_cast %parallel_loop3A_935 : i32 to index
      %parallel_loop3A_938 = arith.index_cast %parallel_loop3A_936 : i32 to index
      %parallel_loop3A_939 = arith.index_cast %parallel_loop3A_760 : i32 to index
      %parallel_loop3A_940 = arith.constant 96 : index
      %parallel_loop3A_941 = tpu.vector_load %arg8[%parallel_loop3A_937, %parallel_loop3A_938, %parallel_loop3A_939, %parallel_loop3A_940] {strides = array<i32>} : memref<3x4x64x128xf32, #tpu.memory_space<vmem>>, vector<1x1x1x16xf32>,
      %parallel_loop3A_942 = vector.shape_cast %parallel_loop3A_941 : vector<1x1x1x16xf32> to vector<16xf32>
      %parallel_loop3A_943 = vector.shape_cast %parallel_loop3A_802 : vector<16xf32> to vector<1x1x1x16xf32>
      tpu.vector_store %arg8[%parallel_loop3A_937, %parallel_loop3A_938, %parallel_loop3A_939, %parallel_loop3A_940], %parallel_loop3A_943 {add = true, strides = array<i32>} : memref<3x4x64x128xf32, #tpu.memory_space<vmem>>, vector<1x1x1x16xf32>,
      %parallel_loop3A_944 = arith.constant 1 : i32
      %parallel_loop3A_945 = arith.constant 1 : i32
      %parallel_loop3A_946 = arith.index_cast %parallel_loop3A_944 : i32 to index
      %parallel_loop3A_947 = arith.index_cast %parallel_loop3A_945 : i32 to index
      %parallel_loop3A_948 = arith.index_cast %parallel_loop3A_760 : i32 to index
      %parallel_loop3A_949 = arith.constant 112 : index
      %parallel_loop3A_950 = tpu.vector_load %arg8[%parallel_loop3A_946, %parallel_loop3A_947, %parallel_loop3A_948, %parallel_loop3A_949] {strides = array<i32>} : memref<3x4x64x128xf32, #tpu.memory_space<vmem>>, vector<1x1x1x16xf32>,
      %parallel_loop3A_951 = vector.shape_cast %parallel_loop3A_950 : vector<1x1x1x16xf32> to vector<16xf32>
      %parallel_loop3A_952 = vector.shape_cast %parallel_loop3A_808 : vector<16xf32> to vector<1x1x1x16xf32>
      tpu.vector_store %arg8[%parallel_loop3A_946, %parallel_loop3A_947, %parallel_loop3A_948, %parallel_loop3A_949], %parallel_loop3A_952 {add = true, strides = array<i32>} : memref<3x4x64x128xf32, #tpu.memory_space<vmem>>, vector<1x1x1x16xf32>,
      %parallel_loop3A_953 = arith.constant 1 : i32
      %parallel_loop3A_954 = arith.constant 2 : i32
      %parallel_loop3A_955 = arith.index_cast %parallel_loop3A_953 : i32 to index
      %parallel_loop3A_956 = arith.index_cast %parallel_loop3A_954 : i32 to index
      %parallel_loop3A_957 = arith.index_cast %parallel_loop3A_760 : i32 to index
      %parallel_loop3A_958 = arith.constant 0 : index
      %parallel_loop3A_959 = tpu.vector_load %arg8[%parallel_loop3A_955, %parallel_loop3A_956, %parallel_loop3A_957, %parallel_loop3A_958] {strides = array<i32>} : memref<3x4x64x128xf32, #tpu.memory_space<vmem>>, vector<1x1x1x16xf32>,
      %parallel_loop3A_960 = vector.shape_cast %parallel_loop3A_959 : vector<1x1x1x16xf32> to vector<16xf32>
      %parallel_loop3A_961 = vector.shape_cast %parallel_loop3A_766 : vector<16xf32> to vector<1x1x1x16xf32>
      tpu.vector_store %arg8[%parallel_loop3A_955, %parallel_loop3A_956, %parallel_loop3A_957, %parallel_loop3A_958], %parallel_loop3A_961 {add = true, strides = array<i32>} : memref<3x4x64x128xf32, #tpu.memory_space<vmem>>, vector<1x1x1x16xf32>,
      %parallel_loop3A_962 = arith.constant 1 : i32
      %parallel_loop3A_963 = arith.constant 2 : i32
      %parallel_loop3A_964 = arith.index_cast %parallel_loop3A_962 : i32 to index
      %parallel_loop3A_965 = arith.index_cast %parallel_loop3A_963 : i32 to index
      %parallel_loop3A_966 = arith.index_cast %parallel_loop3A_760 : i32 to index
      %parallel_loop3A_967 = arith.constant 16 : index
      %parallel_loop3A_968 = tpu.vector_load %arg8[%parallel_loop3A_964, %parallel_loop3A_965, %parallel_loop3A_966, %parallel_loop3A_967] {strides = array<i32>} : memref<3x4x64x128xf32, #tpu.memory_space<vmem>>, vector<1x1x1x16xf32>,
      %parallel_loop3A_969 = vector.shape_cast %parallel_loop3A_968 : vector<1x1x1x16xf32> to vector<16xf32>
      %parallel_loop3A_970 = vector.shape_cast %parallel_loop3A_772 : vector<16xf32> to vector<1x1x1x16xf32>
      tpu.vector_store %arg8[%parallel_loop3A_964, %parallel_loop3A_965, %parallel_loop3A_966, %parallel_loop3A_967], %parallel_loop3A_970 {add = true, strides = array<i32>} : memref<3x4x64x128xf32, #tpu.memory_space<vmem>>, vector<1x1x1x16xf32>,
      %parallel_loop3A_971 = arith.constant 1 : i32
      %parallel_loop3A_972 = arith.constant 2 : i32
      %parallel_loop3A_973 = arith.index_cast %parallel_loop3A_971 : i32 to index
      %parallel_loop3A_974 = arith.index_cast %parallel_loop3A_972 : i32 to index
      %parallel_loop3A_975 = arith.index_cast %parallel_loop3A_760 : i32 to index
      %parallel_loop3A_976 = arith.constant 32 : index
      %parallel_loop3A_977 = tpu.vector_load %arg8[%parallel_loop3A_973, %parallel_loop3A_974, %parallel_loop3A_975, %parallel_loop3A_976] {strides = array<i32>} : memref<3x4x64x128xf32, #tpu.memory_space<vmem>>, vector<1x1x1x16xf32>,
      %parallel_loop3A_978 = vector.shape_cast %parallel_loop3A_977 : vector<1x1x1x16xf32> to vector<16xf32>
      %parallel_loop3A_979 = vector.shape_cast %parallel_loop3A_778 : vector<16xf32> to vector<1x1x1x16xf32>
      tpu.vector_store %arg8[%parallel_loop3A_973, %parallel_loop3A_974, %parallel_loop3A_975, %parallel_loop3A_976], %parallel_loop3A_979 {add = true, strides = array<i32>} : memref<3x4x64x128xf32, #tpu.memory_space<vmem>>, vector<1x1x1x16xf32>,
      %parallel_loop3A_980 = arith.constant 1 : i32
      %parallel_loop3A_981 = arith.constant 2 : i32
      %parallel_loop3A_982 = arith.index_cast %parallel_loop3A_980 : i32 to index
      %parallel_loop3A_983 = arith.index_cast %parallel_loop3A_981 : i32 to index
      %parallel_loop3A_984 = arith.index_cast %parallel_loop3A_760 : i32 to index
      %parallel_loop3A_985 = arith.constant 48 : index
      %parallel_loop3A_986 = tpu.vector_load %arg8[%parallel_loop3A_982, %parallel_loop3A_983, %parallel_loop3A_984, %parallel_loop3A_985] {strides = array<i32>} : memref<3x4x64x128xf32, #tpu.memory_space<vmem>>, vector<1x1x1x16xf32>,
      %parallel_loop3A_987 = vector.shape_cast %parallel_loop3A_986 : vector<1x1x1x16xf32> to vector<16xf32>
      %parallel_loop3A_988 = vector.shape_cast %parallel_loop3A_784 : vector<16xf32> to vector<1x1x1x16xf32>
      tpu.vector_store %arg8[%parallel_loop3A_982, %parallel_loop3A_983, %parallel_loop3A_984, %parallel_loop3A_985], %parallel_loop3A_988 {add = true, strides = array<i32>} : memref<3x4x64x128xf32, #tpu.memory_space<vmem>>, vector<1x1x1x16xf32>,
      %parallel_loop3A_989 = arith.constant 1 : i32
      %parallel_loop3A_990 = arith.constant 2 : i32
      %parallel_loop3A_991 = arith.index_cast %parallel_loop3A_989 : i32 to index
      %parallel_loop3A_992 = arith.index_cast %parallel_loop3A_990 : i32 to index
      %parallel_loop3A_993 = arith.index_cast %parallel_loop3A_760 : i32 to index
      %parallel_loop3A_994 = arith.constant 64 : index
      %parallel_loop3A_995 = tpu.vector_load %arg8[%parallel_loop3A_991, %parallel_loop3A_992, %parallel_loop3A_993, %parallel_loop3A_994] {strides = array<i32>} : memref<3x4x64x128xf32, #tpu.memory_space<vmem>>, vector<1x1x1x16xf32>,
      %parallel_loop3A_996 = vector.shape_cast %parallel_loop3A_995 : vector<1x1x1x16xf32> to vector<16xf32>
      %parallel_loop3A_997 = vector.shape_cast %parallel_loop3A_790 : vector<16xf32> to vector<1x1x1x16xf32>
      tpu.vector_store %arg8[%parallel_loop3A_991, %parallel_loop3A_992, %parallel_loop3A_993, %parallel_loop3A_994], %parallel_loop3A_997 {add = true, strides = array<i32>} : memref<3x4x64x128xf32, #tpu.memory_space<vmem>>, vector<1x1x1x16xf32>,
      %parallel_loop3A_998 = arith.constant 1 : i32
      %parallel_loop3A_999 = arith.constant 2 : i32
      %parallel_loop3A_1000 = arith.index_cast %parallel_loop3A_998 : i32 to index
      %parallel_loop3A_1001 = arith.index_cast %parallel_loop3A_999 : i32 to index
      %parallel_loop3A_1002 = arith.index_cast %parallel_loop3A_760 : i32 to index
      %parallel_loop3A_1003 = arith.constant 80 : index
      %parallel_loop3A_1004 = tpu.vector_load %arg8[%parallel_loop3A_1000, %parallel_loop3A_1001, %parallel_loop3A_1002, %parallel_loop3A_1003] {strides = array<i32>} : memref<3x4x64x128xf32, #tpu.memory_space<vmem>>, vector<1x1x1x16xf32>,
      %parallel_loop3A_1005 = vector.shape_cast %parallel_loop3A_1004 : vector<1x1x1x16xf32> to vector<16xf32>
      %parallel_loop3A_1006 = vector.shape_cast %parallel_loop3A_796 : vector<16xf32> to vector<1x1x1x16xf32>
      tpu.vector_store %arg8[%parallel_loop3A_1000, %parallel_loop3A_1001, %parallel_loop3A_1002, %parallel_loop3A_1003], %parallel_loop3A_1006 {add = true, strides = array<i32>} : memref<3x4x64x128xf32, #tpu.memory_space<vmem>>, vector<1x1x1x16xf32>,
      %parallel_loop3A_1007 = arith.constant 1 : i32
      %parallel_loop3A_1008 = arith.constant 2 : i32
      %parallel_loop3A_1009 = arith.index_cast %parallel_loop3A_1007 : i32 to index
      %parallel_loop3A_1010 = arith.index_cast %parallel_loop3A_1008 : i32 to index
      %parallel_loop3A_1011 = arith.index_cast %parallel_loop3A_760 : i32 to index
      %parallel_loop3A_1012 = arith.constant 96 : index
      %parallel_loop3A_1013 = tpu.vector_load %arg8[%parallel_loop3A_1009, %parallel_loop3A_1010, %parallel_loop3A_1011, %parallel_loop3A_1012] {strides = array<i32>} : memref<3x4x64x128xf32, #tpu.memory_space<vmem>>, vector<1x1x1x16xf32>,
      %parallel_loop3A_1014 = vector.shape_cast %parallel_loop3A_1013 : vector<1x1x1x16xf32> to vector<16xf32>
      %parallel_loop3A_1015 = vector.shape_cast %parallel_loop3A_802 : vector<16xf32> to vector<1x1x1x16xf32>
      tpu.vector_store %arg8[%parallel_loop3A_1009, %parallel_loop3A_1010, %parallel_loop3A_1011, %parallel_loop3A_1012], %parallel_loop3A_1015 {add = true, strides = array<i32>} : memref<3x4x64x128xf32, #tpu.memory_space<vmem>>, vector<1x1x1x16xf32>,
      %parallel_loop3A_1016 = arith.constant 1 : i32
      %parallel_loop3A_1017 = arith.constant 2 : i32
      %parallel_loop3A_1018 = arith.index_cast %parallel_loop3A_1016 : i32 to index
      %parallel_loop3A_1019 = arith.index_cast %parallel_loop3A_1017 : i32 to index
      %parallel_loop3A_1020 = arith.index_cast %parallel_loop3A_760 : i32 to index
      %parallel_loop3A_1021 = arith.constant 112 : index
      %parallel_loop3A_1022 = tpu.vector_load %arg8[%parallel_loop3A_1018, %parallel_loop3A_1019, %parallel_loop3A_1020, %parallel_loop3A_1021] {strides = array<i32>} : memref<3x4x64x128xf32, #tpu.memory_space<vmem>>, vector<1x1x1x16xf32>,
      %parallel_loop3A_1023 = vector.shape_cast %parallel_loop3A_1022 : vector<1x1x1x16xf32> to vector<16xf32>
      %parallel_loop3A_1024 = vector.shape_cast %parallel_loop3A_808 : vector<16xf32> to vector<1x1x1x16xf32>
      tpu.vector_store %arg8[%parallel_loop3A_1018, %parallel_loop3A_1019, %parallel_loop3A_1020, %parallel_loop3A_1021], %parallel_loop3A_1024 {add = true, strides = array<i32>} : memref<3x4x64x128xf32, #tpu.memory_space<vmem>>, vector<1x1x1x16xf32>,
      %parallel_loop3A_1025 = arith.constant 1 : i32
      %parallel_loop3A_1026 = arith.constant 3 : i32
      %parallel_loop3A_1027 = arith.index_cast %parallel_loop3A_1025 : i32 to index
      %parallel_loop3A_1028 = arith.index_cast %parallel_loop3A_1026 : i32 to index
      %parallel_loop3A_1029 = arith.index_cast %parallel_loop3A_760 : i32 to index
      %parallel_loop3A_1030 = arith.constant 0 : index
      %parallel_loop3A_1031 = tpu.vector_load %arg8[%parallel_loop3A_1027, %parallel_loop3A_1028, %parallel_loop3A_1029, %parallel_loop3A_1030] {strides = array<i32>} : memref<3x4x64x128xf32, #tpu.memory_space<vmem>>, vector<1x1x1x16xf32>,
      %parallel_loop3A_1032 = vector.shape_cast %parallel_loop3A_1031 : vector<1x1x1x16xf32> to vector<16xf32>
      %parallel_loop3A_1033 = vector.shape_cast %parallel_loop3A_766 : vector<16xf32> to vector<1x1x1x16xf32>
      tpu.vector_store %arg8[%parallel_loop3A_1027, %parallel_loop3A_1028, %parallel_loop3A_1029, %parallel_loop3A_1030], %parallel_loop3A_1033 {add = true, strides = array<i32>} : memref<3x4x64x128xf32, #tpu.memory_space<vmem>>, vector<1x1x1x16xf32>,
      %parallel_loop3A_1034 = arith.constant 1 : i32
      %parallel_loop3A_1035 = arith.constant 3 : i32
      %parallel_loop3A_1036 = arith.index_cast %parallel_loop3A_1034 : i32 to index
      %parallel_loop3A_1037 = arith.index_cast %parallel_loop3A_1035 : i32 to index
      %parallel_loop3A_1038 = arith.index_cast %parallel_loop3A_760 : i32 to index
      %parallel_loop3A_1039 = arith.constant 16 : index
      %parallel_loop3A_1040 = tpu.vector_load %arg8[%parallel_loop3A_1036, %parallel_loop3A_1037, %parallel_loop3A_1038, %parallel_loop3A_1039] {strides = array<i32>} : memref<3x4x64x128xf32, #tpu.memory_space<vmem>>, vector<1x1x1x16xf32>,
      %parallel_loop3A_1041 = vector.shape_cast %parallel_loop3A_1040 : vector<1x1x1x16xf32> to vector<16xf32>
      %parallel_loop3A_1042 = vector.shape_cast %parallel_loop3A_772 : vector<16xf32> to vector<1x1x1x16xf32>
      tpu.vector_store %arg8[%parallel_loop3A_1036, %parallel_loop3A_1037, %parallel_loop3A_1038, %parallel_loop3A_1039], %parallel_loop3A_1042 {add = true, strides = array<i32>} : memref<3x4x64x128xf32, #tpu.memory_space<vmem>>, vector<1x1x1x16xf32>,
      %parallel_loop3A_1043 = arith.constant 1 : i32
      %parallel_loop3A_1044 = arith.constant 3 : i32
      %parallel_loop3A_1045 = arith.index_cast %parallel_loop3A_1043 : i32 to index
      %parallel_loop3A_1046 = arith.index_cast %parallel_loop3A_1044 : i32 to index
      %parallel_loop3A_1047 = arith.index_cast %parallel_loop3A_760 : i32 to index
      %parallel_loop3A_1048 = arith.constant 32 : index
      %parallel_loop3A_1049 = tpu.vector_load %arg8[%parallel_loop3A_1045, %parallel_loop3A_1046, %parallel_loop3A_1047, %parallel_loop3A_1048] {strides = array<i32>} : memref<3x4x64x128xf32, #tpu.memory_space<vmem>>, vector<1x1x1x16xf32>,
      %parallel_loop3A_1050 = vector.shape_cast %parallel_loop3A_1049 : vector<1x1x1x16xf32> to vector<16xf32>
      %parallel_loop3A_1051 = vector.shape_cast %parallel_loop3A_778 : vector<16xf32> to vector<1x1x1x16xf32>
      tpu.vector_store %arg8[%parallel_loop3A_1045, %parallel_loop3A_1046, %parallel_loop3A_1047, %parallel_loop3A_1048], %parallel_loop3A_1051 {add = true, strides = array<i32>} : memref<3x4x64x128xf32, #tpu.memory_space<vmem>>, vector<1x1x1x16xf32>,
      %parallel_loop3A_1052 = arith.constant 1 : i32
      %parallel_loop3A_1053 = arith.constant 3 : i32
      %parallel_loop3A_1054 = arith.index_cast %parallel_loop3A_1052 : i32 to index
      %parallel_loop3A_1055 = arith.index_cast %parallel_loop3A_1053 : i32 to index
      %parallel_loop3A_1056 = arith.index_cast %parallel_loop3A_760 : i32 to index
      %parallel_loop3A_1057 = arith.constant 48 : index
      %parallel_loop3A_1058 = tpu.vector_load %arg8[%parallel_loop3A_1054, %parallel_loop3A_1055, %parallel_loop3A_1056, %parallel_loop3A_1057] {strides = array<i32>} : memref<3x4x64x128xf32, #tpu.memory_space<vmem>>, vector<1x1x1x16xf32>,
      %parallel_loop3A_1059 = vector.shape_cast %parallel_loop3A_1058 : vector<1x1x1x16xf32> to vector<16xf32>
      %parallel_loop3A_1060 = vector.shape_cast %parallel_loop3A_784 : vector<16xf32> to vector<1x1x1x16xf32>
      tpu.vector_store %arg8[%parallel_loop3A_1054, %parallel_loop3A_1055, %parallel_loop3A_1056, %parallel_loop3A_1057], %parallel_loop3A_1060 {add = true, strides = array<i32>} : memref<3x4x64x128xf32, #tpu.memory_space<vmem>>, vector<1x1x1x16xf32>,
      %parallel_loop3A_1061 = arith.constant 1 : i32
      %parallel_loop3A_1062 = arith.constant 3 : i32
      %parallel_loop3A_1063 = arith.index_cast %parallel_loop3A_1061 : i32 to index
      %parallel_loop3A_1064 = arith.index_cast %parallel_loop3A_1062 : i32 to index
      %parallel_loop3A_1065 = arith.index_cast %parallel_loop3A_760 : i32 to index
      %parallel_loop3A_1066 = arith.constant 64 : index
      %parallel_loop3A_1067 = tpu.vector_load %arg8[%parallel_loop3A_1063, %parallel_loop3A_1064, %parallel_loop3A_1065, %parallel_loop3A_1066] {strides = array<i32>} : memref<3x4x64x128xf32, #tpu.memory_space<vmem>>, vector<1x1x1x16xf32>,
      %parallel_loop3A_1068 = vector.shape_cast %parallel_loop3A_1067 : vector<1x1x1x16xf32> to vector<16xf32>
      %parallel_loop3A_1069 = vector.shape_cast %parallel_loop3A_790 : vector<16xf32> to vector<1x1x1x16xf32>
      tpu.vector_store %arg8[%parallel_loop3A_1063, %parallel_loop3A_1064, %parallel_loop3A_1065, %parallel_loop3A_1066], %parallel_loop3A_1069 {add = true, strides = array<i32>} : memref<3x4x64x128xf32, #tpu.memory_space<vmem>>, vector<1x1x1x16xf32>,
      %parallel_loop3A_1070 = arith.constant 1 : i32
      %parallel_loop3A_1071 = arith.constant 3 : i32
      %parallel_loop3A_1072 = arith.index_cast %parallel_loop3A_1070 : i32 to index
      %parallel_loop3A_1073 = arith.index_cast %parallel_loop3A_1071 : i32 to index
      %parallel_loop3A_1074 = arith.index_cast %parallel_loop3A_760 : i32 to index
      %parallel_loop3A_1075 = arith.constant 80 : index
      %parallel_loop3A_1076 = tpu.vector_load %arg8[%parallel_loop3A_1072, %parallel_loop3A_1073, %parallel_loop3A_1074, %parallel_loop3A_1075] {strides = array<i32>} : memref<3x4x64x128xf32, #tpu.memory_space<vmem>>, vector<1x1x1x16xf32>,
      %parallel_loop3A_1077 = vector.shape_cast %parallel_loop3A_1076 : vector<1x1x1x16xf32> to vector<16xf32>
      %parallel_loop3A_1078 = vector.shape_cast %parallel_loop3A_796 : vector<16xf32> to vector<1x1x1x16xf32>
      tpu.vector_store %arg8[%parallel_loop3A_1072, %parallel_loop3A_1073, %parallel_loop3A_1074, %parallel_loop3A_1075], %parallel_loop3A_1078 {add = true, strides = array<i32>} : memref<3x4x64x128xf32, #tpu.memory_space<vmem>>, vector<1x1x1x16xf32>,
      %parallel_loop3A_1079 = arith.constant 1 : i32
      %parallel_loop3A_1080 = arith.constant 3 : i32
      %parallel_loop3A_1081 = arith.index_cast %parallel_loop3A_1079 : i32 to index
      %parallel_loop3A_1082 = arith.index_cast %parallel_loop3A_1080 : i32 to index
      %parallel_loop3A_1083 = arith.index_cast %parallel_loop3A_760 : i32 to index
      %parallel_loop3A_1084 = arith.constant 96 : index
      %parallel_loop3A_1085 = tpu.vector_load %arg8[%parallel_loop3A_1081, %parallel_loop3A_1082, %parallel_loop3A_1083, %parallel_loop3A_1084] {strides = array<i32>} : memref<3x4x64x128xf32, #tpu.memory_space<vmem>>, vector<1x1x1x16xf32>,
      %parallel_loop3A_1086 = vector.shape_cast %parallel_loop3A_1085 : vector<1x1x1x16xf32> to vector<16xf32>
      %parallel_loop3A_1087 = vector.shape_cast %parallel_loop3A_802 : vector<16xf32> to vector<1x1x1x16xf32>
      tpu.vector_store %arg8[%parallel_loop3A_1081, %parallel_loop3A_1082, %parallel_loop3A_1083, %parallel_loop3A_1084], %parallel_loop3A_1087 {add = true, strides = array<i32>} : memref<3x4x64x128xf32, #tpu.memory_space<vmem>>, vector<1x1x1x16xf32>,
      %parallel_loop3A_1088 = arith.constant 1 : i32
      %parallel_loop3A_1089 = arith.constant 3 : i32
      %parallel_loop3A_1090 = arith.index_cast %parallel_loop3A_1088 : i32 to index
      %parallel_loop3A_1091 = arith.index_cast %parallel_loop3A_1089 : i32 to index
      %parallel_loop3A_1092 = arith.index_cast %parallel_loop3A_760 : i32 to index
      %parallel_loop3A_1093 = arith.constant 112 : index
      %parallel_loop3A_1094 = tpu.vector_load %arg8[%parallel_loop3A_1090, %parallel_loop3A_1091, %parallel_loop3A_1092, %parallel_loop3A_1093] {strides = array<i32>} : memref<3x4x64x128xf32, #tpu.memory_space<vmem>>, vector<1x1x1x16xf32>,
      %parallel_loop3A_1095 = vector.shape_cast %parallel_loop3A_1094 : vector<1x1x1x16xf32> to vector<16xf32>
      %parallel_loop3A_1096 = vector.shape_cast %parallel_loop3A_808 : vector<16xf32> to vector<1x1x1x16xf32>
      tpu.vector_store %arg8[%parallel_loop3A_1090, %parallel_loop3A_1091, %parallel_loop3A_1092, %parallel_loop3A_1093], %parallel_loop3A_1096 {add = true, strides = array<i32>} : memref<3x4x64x128xf32, #tpu.memory_space<vmem>>, vector<1x1x1x16xf32>,
    } {sc.loop_unroll_factor = 1 : i64, sc.parallel_access}
    %add3A_707 = arith.constant 448 : i32
    %add3A_708 = arith.addi %mul3A_2, %add3A_707 : i32
    %dma_start3A_709 = arith.constant 1 : i32
    %dma_start3A_710 = arith.constant 0 : i32
    %dma_start3A_711 = arith.constant 0 : i32
    %dma_start3A_712 = arith.constant 0 : i32
    %dma_start3A_713 = tpu.memref_slice %arg8[%dma_start3A_709, %dma_start3A_710, %dma_start3A_711, %dma_start3A_712] : memref<3x4x64x128xf32, #tpu.memory_space<vmem>> -> memref<1x4x64x128xf32, #tpu.memory_space<vmem>>
    %dma_start3A_714 = tpu.memref_squeeze %dma_start3A_713 : memref<1x4x64x128xf32, #tpu.memory_space<vmem>> -> memref<4x64x128xf32, #tpu.memory_space<vmem>>
    %dma_start3A_715 = arith.constant 0 : i32
    %dma_start3A_716 = arith.constant 0 : i32
    %dma_start3A_717 = tpu.memref_slice %arg5[%dma_start3A_715, %add3A_708, %dma_start3A_716] : memref<4x16384x128xf32, #tpu.memory_space<hbm>> -> memref<4x64x128xf32, #tpu.memory_space<hbm>>
    %dma_start3A_718 = arith.constant 0 : i32
    %dma_start3A_719 = arith.constant 0 : i32
    %dma_start3A_720 = tpu.memref_slice %arg5[%dma_start3A_718, %add3A_708, %dma_start3A_719] : memref<4x16384x128xf32, #tpu.memory_space<hbm>> -> memref<4x64x128xf32, #tpu.memory_space<hbm>>
    %dma_start3A_721 = arith.constant 0 : i32
    %dma_start3A_722 = arith.constant 0 : i32
    %dma_start3A_723 = arith.constant 0 : i32
    %dma_start3A_724 = tpu.memref_slice %arg8[%dma_start3A_709, %dma_start3A_721, %dma_start3A_722, %dma_start3A_723] : memref<3x4x64x128xf32, #tpu.memory_space<vmem>> -> memref<1x4x64x128xf32, #tpu.memory_space<vmem>>
    %dma_start3A_725 = tpu.memref_squeeze %dma_start3A_724 : memref<1x4x64x128xf32, #tpu.memory_space<vmem>> -> memref<4x64x128xf32, #tpu.memory_space<vmem>>
    tpu.enqueue_dma source(%dma_start3A_725 : memref<4x64x128xf32, #tpu.memory_space<vmem>>) target(%dma_start3A_720 : memref<4x64x128xf32, #tpu.memory_space<hbm>>) target_semaphore(%arg11 : memref<!tpu.dma_semaphore, #tpu.memory_space<semaphore_mem>>)
    %dma_wait3A_726 = arith.constant 0 : i32
    %dma_wait3A_727 = arith.constant 0 : i32
    %dma_wait3A_728 = arith.constant 0 : i32
    %dma_wait3A_729 = arith.constant 0 : i32
    %dma_wait3A_730 = tpu.memref_slice %arg8[%dma_wait3A_726, %dma_wait3A_727, %dma_wait3A_728, %dma_wait3A_729] : memref<3x4x64x128xf32, #tpu.memory_space<vmem>> -> memref<1x4x64x128xf32, #tpu.memory_space<vmem>>
    %dma_wait3A_731 = tpu.memref_squeeze %dma_wait3A_730 : memref<1x4x64x128xf32, #tpu.memory_space<vmem>> -> memref<4x64x128xf32, #tpu.memory_space<vmem>>
    %dma_wait3A_732 = arith.constant 0 : i32
    %dma_wait3A_733 = arith.constant 0 : i32
    %dma_wait3A_734 = tpu.memref_slice %arg5[%dma_wait3A_732, %add3A_642, %dma_wait3A_733] : memref<4x16384x128xf32, #tpu.memory_space<hbm>> -> memref<4x64x128xf32, #tpu.memory_space<hbm>>
    %dma_wait3A_735 = arith.constant 0 : i32
    %dma_wait3A_736 = arith.constant 0 : i32
    %dma_wait3A_737 = tpu.memref_slice %arg5[%dma_wait3A_735, %add3A_642, %dma_wait3A_736] : memref<4x16384x128xf32, #tpu.memory_space<hbm>> -> memref<4x64x128xf32, #tpu.memory_space<hbm>>
    %dma_wait3A_738 = arith.constant 0 : i32
    %dma_wait3A_739 = arith.constant 0 : i32
    %dma_wait3A_740 = arith.constant 0 : i32
    %dma_wait3A_741 = tpu.memref_slice %arg8[%dma_wait3A_726, %dma_wait3A_738, %dma_wait3A_739, %dma_wait3A_740] : memref<3x4x64x128xf32, #tpu.memory_space<vmem>> -> memref<1x4x64x128xf32, #tpu.memory_space<vmem>>
    %dma_wait3A_742 = tpu.memref_squeeze %dma_wait3A_741 : memref<1x4x64x128xf32, #tpu.memory_space<vmem>> -> memref<4x64x128xf32, #tpu.memory_space<vmem>>
    tpu.wait_dma2 semaphore(%arg11 : memref<!tpu.dma_semaphore, #tpu.memory_space<semaphore_mem>>) src(%dma_wait3A_742 : memref<4x64x128xf32, #tpu.memory_space<vmem>>) dst(%dma_wait3A_737 : memref<4x64x128xf32, #tpu.memory_space<hbm>>)
    %dma_wait3A_743 = arith.constant 1 : i32
    %dma_wait3A_744 = arith.constant 0 : i32
    %dma_wait3A_745 = arith.constant 0 : i32
    %dma_wait3A_746 = arith.constant 0 : i32
    %dma_wait3A_747 = tpu.memref_slice %arg8[%dma_wait3A_743, %dma_wait3A_744, %dma_wait3A_745, %dma_wait3A_746] : memref<3x4x64x128xf32, #tpu.memory_space<vmem>> -> memref<1x4x64x128xf32, #tpu.memory_space<vmem>>
    %dma_wait3A_748 = tpu.memref_squeeze %dma_wait3A_747 : memref<1x4x64x128xf32, #tpu.memory_space<vmem>> -> memref<4x64x128xf32, #tpu.memory_space<vmem>>
    %dma_wait3A_749 = arith.constant 0 : i32
    %dma_wait3A_750 = arith.constant 0 : i32
    %dma_wait3A_751 = tpu.memref_slice %arg5[%dma_wait3A_749, %add3A_708, %dma_wait3A_750] : memref<4x16384x128xf32, #tpu.memory_space<hbm>> -> memref<4x64x128xf32, #tpu.memory_space<hbm>>
    %dma_wait3A_752 = arith.constant 0 : i32
    %dma_wait3A_753 = arith.constant 0 : i32
    %dma_wait3A_754 = tpu.memref_slice %arg5[%dma_wait3A_752, %add3A_708, %dma_wait3A_753] : memref<4x16384x128xf32, #tpu.memory_space<hbm>> -> memref<4x64x128xf32, #tpu.memory_space<hbm>>
    %dma_wait3A_755 = arith.constant 0 : i32
    %dma_wait3A_756 = arith.constant 0 : i32
    %dma_wait3A_757 = arith.constant 0 : i32
    %dma_wait3A_758 = tpu.memref_slice %arg8[%dma_wait3A_743, %dma_wait3A_755, %dma_wait3A_756, %dma_wait3A_757] : memref<3x4x64x128xf32, #tpu.memory_space<vmem>> -> memref<1x4x64x128xf32, #tpu.memory_space<vmem>>
    %dma_wait3A_759 = tpu.memref_squeeze %dma_wait3A_758 : memref<1x4x64x128xf32, #tpu.memory_space<vmem>> -> memref<4x64x128xf32, #tpu.memory_space<vmem>>
    tpu.wait_dma2 semaphore(%arg11 : memref<!tpu.dma_semaphore, #tpu.memory_space<semaphore_mem>>) src(%dma_wait3A_759 : memref<4x64x128xf32, #tpu.memory_space<vmem>>) dst(%dma_wait3A_754 : memref<4x64x128xf32, #tpu.memory_space<hbm>>)
    return
  }
}

</mosaic_0001>

<sc_bundles>
// kernel: kernel.3.cloned.1.call-start
scs
__scs_entry_jumppad:
0x0: {  	(pc) =	sbr.rel $0x88, $3  }
0x1: {  	(tag) =	ssettag $0x0;
	lr =	simm.s32 $0x1  }
0x2: {  	[smem:$0x3F9E] =	sst lr;
	_ =	strace $0xD0000000  }
0x3: {  	_ = 	snop  }
0x4: {  	_ = 	snop  }
0x5: {  	_ = 	snop  }
0x6: {  	_ = 	snop  }
0x7: {  	_ = 	snop  }
__scs_overlays_trampoline_lowered:
0x8: {  	[smem:$0x3FAD] =	sst s0  }
0x9: {  	[smem:$0x3FAE] =	sst s1  }
0xa: {  	[smem:$0x3FAF] =	sst s2  }
0xb: {  	[smem:$0x3FB0] =	sst s3  }
0xc: {  	[smem:$0x3FB1] =	sst s4  }
0xd: {  	[smem:$0x3FB2] =	sst s5  }
0xe: {  	[smem:$0x3FB3] =	sst s6  }
0xf: {  	[smem:$0x3FB4] =	sst s7  }
0x10: {  	[smem:$0x3FB5] =	sst s8  }
0x11: {  	[smem:$0x3FB6] =	sst s9;
	s0 =	simm.s32 @!p0 $0x0  }
0x12: {  	s1 =	sld [smem:$0x3F9C];
	s0 =	simm.s32 @p0 $0x1  }
0x13: {  	[smem:$0x3FB7] =	sst s0;
	s0 =	simm.s32 @!p1 $0x0  }
0x14: {  	s2 =	sld [smem:$0x3F9B];
	s0 =	simm.s32 @p1 $0x1  }
0x15: {  	[smem:$0x3FB8] =	sst s0;
	s0 =	simm.s32 @!p2 $0x0  }
0x16: {  	s3 =	sld [smem:$0x3FDB];
	s0 =	simm.s32 @p2 $0x1  }
0x17: {  	s4 =	simm.s32 $0x1BF5;
	[smem:$0x3FBA] =	sst s0  }
0x18: {  	s0 =	sld [smem:$0x3F9D];
	_ =	swait.ge [sflag:s4], $0x0  }
0x19: {  	s7 =	sld [smem:$0x3F9E]  }
0x1a: {  	s8 =	sadd.s32 $0xFFFFE003, lr  }
0x1b: {  	s9 =	sadd.s32 $0xFFFFFEF7, lr;
	s5 =	simm.s32 $0xFFFFFFFF;
	p2 =	slt.u32 s8, $0xFFFFF086  }
0x1c: {  	p1 =	slt.u32 s9, $0xF7A;
	s5 =	simm.s32 @!p2 $0x0  }
0x1d: {  	s5 =	simm.s32 @p1 $0x1;
	p0 =	seq.s32 s7, s2  }
0x1e: {  	s7 =	smul.u32 @!p0 $0xF7A, s2;
	p2 =	seq.s32 @!p0 s5, $0x0  }
0x1f: {  	s9 =	smul.u32 $0xF7A, s1;
	s8 =	simm.s32 @!p0 $0x1BF5;
	p2 =	por !p2, p0  }
0x20: {  	[sflag:s8] =	ssyncset.s32 @!p0 $0xFFFFF086;
	s6 =	sadd.s32 @!p0 s3, s7;
	s7 =	simm.s32 @!p0 $0x108  }
0x21: {  	s3 =	sadd.s32 s3, s9;
	s6 =	sadd.s32 @!p0 $0x88, s6;
	s7 =	simm.s32 @p2 $0x1082  }
0x22: {  	[simem:s7], [sflag:s8] =	dma.local @!p0 [hbm:s6], $0xF7A  }
0x23: {  	s9 =	sor.u32 $0xD0000000, s2;
	s6 =	simm.s32 $0x108;
	_ =	swait.ge @!p0 [sflag:s8], $0x0  }
0x24: {  	s3 =	sadd.s32 $0x88, s3;
	s6 =	simm.s32 @!p1 $0x1082;
	[sflag:s4] =	ssyncset.s32 $0xFFFFF086  }
0x25: {  	[simem:s6], [sflag:s4] =	dma.local [hbm:s3], $0xF7A  }
0x26: {  	[smem:$0x3F9E] =	sst s1;
	(tag) =	ssettag s2;
	_ =	strace s9  }
0x27: {  	s1 =	sld [smem:$0x3FAE]  }
0x28: {  	s2 =	sld [smem:$0x3FAF]  }
0x29: {  	s4 =	sld [smem:$0x3FB1]  }
0x2a: {  	p0 =	seq.s32 s5, $0x0;
	s5 =	sld [smem:$0x3FB2]  }
0x2b: {  	s6 =	sld [smem:$0x3FB3]  }
0x2c: {  	s7 =	sld [smem:$0x3FB4]  }
0x2d: {  	s3 =	simm.s32 $0x108;
	s8 =	sld [smem:$0x3FB5]  }
0x2e: {  	s3 =	simm.s32 @!p0 $0x1082;
	s9 =	sld [smem:$0x3FB6]  }
0x2f: {  	lr =	sadd.s32 s0, s3;
	s0 =	sld [smem:$0x3FAD]  }
0x30: {  	s3 =	sld [smem:$0x3FB0]  }
0x31: {  	[smem:$0x3FB9] =	sst s10  }
0x32: {  	s10 =	sld [smem:$0x3FB7];
	_ =	sdelay $0x3  }
0x33: {  	p0 =	seq.s32 s10, $0x1;
	s10 =	sld [smem:$0x3FB9];
	_ =	sdelay $0x3  }
0x34: {  	[smem:$0x3FB9] =	sst s10  }
0x35: {  	s10 =	sld [smem:$0x3FB8];
	_ =	sdelay $0x3  }
0x36: {  	p1 =	seq.s32 s10, $0x1;
	s10 =	sld [smem:$0x3FB9];
	_ =	sdelay $0x3  }
0x37: {  	[smem:$0x3FB9] =	sst s10  }
0x38: {  	s10 =	sld [smem:$0x3FBA]  }
0x39: {  	_ = 	snop;
	(pc) =	sbr.ind lr, $3  }
0x3a: {  	_ = 	snop  }
0x3b: {  	_ = 	snop  }
0x3c: {  	p2 =	seq.s32 s10, $0x1;
	s10 =	sld [smem:$0x3FB9]  }
0x3d: {  	_ =	shalt  }
0x3e: {  	_ =	shalt  }
0x3f: {  	_ =	shalt  }
0x40: {  	_ =	shalt  }
0x41: {  	_ =	shalt  }
0x42: {  	_ =	shalt  }
0x43: {  	_ =	shalt  }
0x44: {  	_ =	shalt  }
0x45: {  	_ =	shalt  }
0x46: {  	_ =	shalt  }
0x47: {  	_ =	shalt  }
0x48: {  	_ =	shalt  }
0x49: {  	_ =	shalt  }
0x4a: {  	_ =	shalt  }
0x4b: {  	_ =	shalt  }
0x4c: {  	_ =	shalt  }
0x4d: {  	_ =	shalt  }
0x4e: {  	_ =	shalt  }
0x4f: {  	_ =	shalt  }
0x50: {  	_ =	shalt  }
0x51: {  	_ =	shalt  }
0x52: {  	_ =	shalt  }
0x53: {  	_ =	shalt  }
0x54: {  	_ =	shalt  }
0x55: {  	_ =	shalt  }
0x56: {  	_ =	shalt  }
0x57: {  	_ =	shalt  }
0x58: {  	_ =	shalt  }
0x59: {  	_ =	shalt  }
0x5a: {  	_ =	shalt  }
0x5b: {  	_ =	shalt  }
0x5c: {  	_ =	shalt  }
0x5d: {  	_ =	shalt  }
0x5e: {  	_ =	shalt  }
0x5f: {  	_ =	shalt  }
0x60: {  	_ =	shalt  }
0x61: {  	_ =	shalt  }
0x62: {  	_ =	shalt  }
0x63: {  	_ =	shalt  }
0x64: {  	_ =	shalt  }
0x65: {  	_ =	shalt  }
0x66: {  	_ =	shalt  }
0x67: {  	_ =	shalt  }
0x68: {  	_ =	shalt  }
0x69: {  	_ =	shalt  }
0x6a: {  	_ =	shalt  }
0x6b: {  	_ =	shalt  }
0x6c: {  	_ =	shalt  }
0x6d: {  	_ =	shalt  }
0x6e: {  	_ =	shalt  }
0x6f: {  	_ =	shalt  }
0x70: {  	_ =	shalt  }
0x71: {  	_ =	shalt  }
0x72: {  	_ =	shalt  }
0x73: {  	_ =	shalt  }
0x74: {  	_ =	shalt  }
0x75: {  	_ =	shalt  }
0x76: {  	_ =	shalt  }
0x77: {  	_ =	shalt  }
0x78: {  	_ =	shalt  }
0x79: {  	_ =	shalt  }
0x7a: {  	_ =	shalt  }
0x7b: {  	_ =	shalt  }
0x7c: {  	_ =	shalt  }
0x7d: {  	_ =	shalt  }
0x7e: {  	_ =	shalt  }
0x7f: {  	_ =	shalt  }
0x80: {  	_ =	shalt  }
0x81: {  	_ =	shalt  }
0x82: {  	_ =	shalt  }
0x83: {  	_ =	shalt  }
0x84: {  	_ =	shalt  }
0x85: {  	_ =	shalt  }
0x86: {  	_ =	shalt  }
0x87: {  	_ =	shalt  }
.Lfunc_end0:
.L_simem_size_0:
called_computation_lowered:
.L_overlay_start_0:
0x88: {  	s2 =	sld [smem:$0x3FD9]  }
0x89: {  	s3 =	sld [smem:$0x3FFE];
	_ =	sdelay $0x1  }
0x8a: {  	s1 =	srdreg.scid  }
0x8b: {  	s0 =	sand.u32 $0x1, s1  }
0x8c: {  	s18 =	sshll.u32 s0, $0xA;
	s2 =	sadd.s32 s3, s2  }
0x8d: {  	s2 =	sadd.s32 s2, s18  }
0x8e: {  	[smem:$0x3FC5] =	sst s2  }
0x8f: {  	_ = 	snop  }
0x90: {  	s2 =	sld [smem:$0x3FC9]  }
0x91: {  	s19 =	sld [smem:$0x3FC8]  }
0x92: {  	s4 =	sld [smem:$0x3FC7]  }
0x93: {  	s5 =	sld [smem:$0x3FD0];
	(tm) =	ssettm $0x1  }
0x94: {  	s6 =	sld [smem:$0x3FFB];
	_ =	sdelay $0x3  }
0x95: {  	_ =	strace s6  }
0x96: {  	s6 =	sld [smem:$0x3FFC];
	_ =	sdelay $0x3  }
0x97: {  	_ =	strace s6  }
0x98: {  	s6 =	sld [smem:$0x3FFD];
	_ =	sdelay $0x3  }
0x99: {  	_ =	strace s6  }
0x9a: {  	_ =	strace $0x8FFFFFFF  }
0x9b: {  	s20 =	sld [smem:$0x3FDB];
	_ =	sdelay $0x1  }
0x9c: {  	s7 =	simm.s32 $_scs_section_size  }
0x9d: {  	s8 =	simm.s32 $_size__tile_overlayer_lowered;
	s9 =	simm.s32 $_tile_overlayer_lowered  }
0x9e: {  	s23 =	simm.s32 $0x1BFF;
	s22 =	sshll.u32 s9, $0x1;
	s6 =	sadd.s32 s7, s20  }
0x9f: {  	s10 =	simm.s32 $0x0;
	s21 =	sshll.u32 s8, $0x1;
	s8 =	sadd.s32 s22, s6  }
0xa0: {  	[timem:s10], [sflag:s23] =	dma.local [hbm:s8], s21  }
0xa1: {  	_ =	swait.ge [sflag:s23], s21  }
0xa2: {  	s7 =	ssub.s32 $0x0, s21;
	[sflag:s23] =	ssyncset.done $0x0  }
0xa3: {  	[sflag:s23] =	ssyncadd.s32 s7;
	_ =	sdelay $0x1  }
0xa4: {  	s24 =	simm.s32 $0x1B8B  }
0xa5: {  	_ =	swait.ge [sflag:s24], $0x1  }
0xa6: {  	[sflag:s24] =	ssyncset.done $0x0  }
0xa7: {  	s25 =	simm.s32 $0x1B8E;
	[sflag:s24] =	ssyncadd.s32 $0xFFFFFFFF  }
0xa8: {  	s26 =	simm.s32 $execute0_lowered;
	[smem:$0x3FD2] =	sst s25  }
0xa9: {  	s7 =	sshll.u32 s26, $0x1;
	_ =	strace $0x80000046;
	[dreg:$0x1] =	wrdreg $0xFFFFFFFF  }
0xaa: {  	s28 =	simm.s32 $_size_execute0_lowered;
	s6 =	sadd.s32 s6, s7;
	[dreg:$0x0] =	wrdreg $0x0  }
0xab: {  	s7 =	sshll.u32 s28, $0x1;
	[dreg:$0x2] =	wrdreg s6  }
0xac: {  	[dreg:$0x3] =	wrdreg s7  }
0xad: {  	[dreg:$0x4] =	wrdreg $0xC0  }
0xae: {  	_ =	task [dreg:s10], $0x5FFFF  }
0xaf: {  	[dreg:$0x1] =	wrdreg $0xFFFFFFFF  }
0xb0: {  	[dreg:$0x0] =	wrdreg $0x60  }
0xb1: {  	[dreg:$0x2] =	wrdreg s2  }
0xb2: {  	[dreg:$0x3] =	wrdreg s19  }
0xb3: {  	[dreg:$0x4] =	wrdreg s4  }
0xb4: {  	[dreg:$0x5] =	wrdreg s5  }
0xb5: {  	[dreg:$0x6] =	wrdreg $0x9  }
0xb6: {  	_ =	task.clear_ibuf [dreg:s10], $0x7FFFF;
	_ =	strace $0x90000046  }
0xb7: {  	s29 =	simm.s32 $0x9;
	_ =	strace $0x80000048  }
0xb8: {  	_ =	swait.ge [sflag:s29], $0x1  }
0xb9: {  	[sflag:s29] =	ssyncadd.s32 $0xFFFFFFFF  }
0xba: {  	_ =	strace $0x90000048  }
0xbb: {  	_ =	sfence  }
0xbc: {  	s30 =	sld [smem:$0x0];
	_ =	sdelay $0x2  }
0xbd: {  	s31 =	sshll.u32 s1, $0xD;
	s1 =	sshrl.u32 s1, $0x2  }
0xbe: {  	s3 =	sand.u32 $0x4000, s31;
	s1 =	sadd.s32 s1, s30  }
0xbf: {  	s0 =	sor.u32 s3, s0;
	s1 =	sshll.u32 s1, $0x11  }
0xc0: {  	s0 =	sor.u32 s1, s0  }
0xc1: {  	s0 =	sadd.s32 $0x8F2B, s0  }
0xc2: {  	[sflag:s0] =	ssyncadd.remote.s32 $0x1  }
0xc3: {  	_ =	sfence.sel $0xFFFF  }
0xc4: {  	[dreg:$0x0] =	wrdreg $0xFFFFFFFF;
	(pc) =	sbr.abs _section_cstart, $3  }
0xc5: {  	[dreg:$0x1] =	wrdreg $0xFFFFFFFF  }
0xc6: {  	_ =	task.clear_ibuf [dreg:s10], $0x2FFFF;
	_ =	strace $0x9FFFFFFF  }
0xc7: {  	(tm) =	ssettm $0x7FFFFFFF  }
tec
execute0_lowered:
.L_overlay_start_1:
0x0: {  	(tag) =	ssettag $0x1  }
0x1: {  	s0 =	rddreg [dreg:$0x0]  }
0x2: {  	s1 =	rddreg [dreg:$0x1]  }
0x3: {  	s2 =	rddreg [dreg:$0x2]  }
0x4: {  	s3 =	rddreg [dreg:$0x3]  }
0x5: {  	s5 =	simm.s32 $0x0;
	s4 =	srdreg.scid;
	s6 =	stileid.u32  }
0x6: {  	s28 =	simm.s32 $0x200000;
	s29 =	simm.s32 $0x6200;
	s30 =	simm.s32 $0xE200  }
0x7: {  	s31 =	simm.s32 $0x1;
	[smem:$0x7FF] =	sst s5;
	s4 =	sand.u32 $0x1, s4  }
0x8: {  	s6 =	sshll.u32 s6, $0xA;
	s16 =	ssub.s32 $0x2, s4;
	s4 =	sshll.u32 s4, $0x9  }
0x9: {  	_ =	strace $0x80000047;
	s7 =	sshrl.u32 s16, $0x1;
	s4 =	sor.u32 s4, s6  }
0xa: {  	s5 =	ssub.s32 s16, s7;
	s6 =	sshrl.u32 s4, $0x3;
	s4 =	sshll.u32 s4, $0x4  }
0xb: {  	s2 =	sadd.s32 s2, s6;
	s17 =	sadd.s32 s0, s4;
	s18 =	sor.u32 $0x400, s4  }
0xc: {  	s20 =	sadd.s32 s3, s4;
	s21 =	sor.u32 $0x800, s4;
	s22 =	sor.u32 $0xC00, s4  }
0xd: {  	s23 =	sor.u32 $0x1000, s4;
	s24 =	sor.u32 $0x1400, s4;
	[dreg:$0x5] =	wrdreg s2  }
0xe: {  	s25 =	sor.u32 $0x1800, s4;
	s26 =	sor.u32 $0x1C00, s4;
	[dreg:$0x6] =	wrdreg s17  }
0xf: {  	s4 =	simm.s32 $0x3;
	s19 =	sadd.s32 s0, s18;
	[dreg:$0x8] =	wrdreg s20  }
0x10: {  	s8 =	sadd.s32 s0, s21;
	s9 =	sadd.s32 s3, s18;
	s10 =	sadd.s32 s0, s22  }
0x11: {  	s11 =	sadd.s32 s3, s21;
	s12 =	sadd.s32 s0, s23;
	s13 =	sadd.s32 s3, s22  }
0x12: {  	s14 =	sadd.s32 s0, s24;
	s15 =	sadd.s32 s3, s23;
	s16 =	sadd.s32 s0, s25  }
0x13: {  	s17 =	sadd.s32 s3, s24;
	s18 =	sadd.s32 s0, s26;
	s20 =	sadd.s32 s3, s26  }
0x14: {  	s21 =	smax.u32 s5, $0x1;
	s22 =	simm.s32 $0x4;
	s23 =	simm.s32 $0x40  }
0x15: {  	s24 =	simm.s32 $0x200;
	s26 =	simm.s32 $0x2000;
	s0 =	simm.s32 $0x2  }
0x16: {  	s2 =	simm.s32 $0x4200;
	s5 =	simm.s32 $0x0;
	[dreg:$0x7] =	wrdreg s19  }
0x17: {  	s19 =	sadd.s32 s3, s25;
	s25 =	simm.s32 $0x2200;
	s3 =	simm.s32 $0x16200  }
.LBB2_1:
0x18: {  	s6 =	simm.s32 $0x0;
	s7 =	rddreg [dreg:$0x5]  }
0x19: {  	[tilespmem:s6], [sflag:$0x4] =	stream.linear.gather [hbm4b:s7+s6], $0x200, $0x38;
	[tilespmem:$0x1E200] =	vst v63  }
0x1a: {  	_ =	swait.ge [sflag:s22], $0x200  }
0x1b: {  	[sflag:s22] =	ssyncset.done $0x0  }
0x1c: {  	[sflag:s22] =	ssyncadd.s32 $0xFFFFFE00  }
0x1d: {  	[tilespmem:s24], [sflag:$0x1] =	stream.indirect.gather [hbm4b:s1+s23], $0x80, s6, s23, $0xb8;
	[tilespmem:$0x1E200] =	vst v63  }
0x1e: {  	_ = 	snop  }
0x1f: {  	[tilespmem:s25], [sflag:$0x1] =	stream.indirect.gather [hbm4b:s1+s23], $0x80, s23, s23, $0xb8;
	[tilespmem:$0x1E200] =	vst v63  }
0x20: {  	s7 =	rddreg [dreg:$0x6]  }
0x21: {  	[tilespmem:s29], [sflag:$0x2] =	stream.strided.gather [hbm4b:s7+s26], $0x8000, s28, s26, $0x38;
	[tilespmem:$0x1E200] =	vst v63  }
0x22: {  	s7 =	rddreg [dreg:$0x7]  }
0x23: {  	[tilespmem:s30], [sflag:$0x2] =	stream.strided.gather [hbm4b:s7+s26], $0x8000, s28, s26, $0x38;
	[tilespmem:$0x1E200] =	vst v63  }
0x24: {  	_ =	swait.ge [sflag:s31], $0x2000  }
0x25: {  	[sflag:s31] =	ssyncset.done $0x0  }
0x26: {  	[sflag:s31] =	ssyncadd.s32 $0xFFFFE000  }
0x27: {  	_ =	swait.ge [sflag:s0], $0x8000  }
0x28: {  	[sflag:s0] =	ssyncset.done $0x0  }
0x29: {  	s6 =	simm.s32 $0x0;
	s7 =	simm.s32 $0x200;
	[sflag:s0] =	ssyncadd.s32 $0xFFFF8000  }
.LBB2_2:
0x2a: {  	p0 =	sne.s32 s7, $0x7E00;
	v0 =	vld [tilespmem:s6+$0x270]  }
0x2b: {  	v1 =	vld [tilespmem:s6+$0x200]  }
0x2c: {  	v2 =	vld [tilespmem:s6+$0x210]  }
0x2d: {  	v3 =	vld [tilespmem:s6+$0x220]  }
0x2e: {  	v4 =	vld [tilespmem:s6+$0x230]  }
0x2f: {  	[tilespmem:s6+$0xC270] =	vst.add.f32.msk $0xffff, v0  }
0x30: {  	v5 =	vld [tilespmem:s6+$0x240]  }
0x31: {  	v6 =	vld [tilespmem:s6+$0x250]  }
0x32: {  	v7 =	vld [tilespmem:s6+$0x260]  }
0x33: {  	[tilespmem:s6+$0x6200] =	vst.add.f32.msk $0xffff, v1  }
0x34: {  	[tilespmem:s6+$0x6210] =	vst.add.f32.msk $0xffff, v2  }
0x35: {  	[tilespmem:s6+$0x6220] =	vst.add.f32.msk $0xffff, v3  }
0x36: {  	[tilespmem:s6+$0x6230] =	vst.add.f32.msk $0xffff, v4  }
0x37: {  	[tilespmem:s6+$0x6240] =	vst.add.f32.msk $0xffff, v5  }
0x38: {  	[tilespmem:s6+$0x6250] =	vst.add.f32.msk $0xffff, v6  }
0x39: {  	[tilespmem:s6+$0x6260] =	vst.add.f32.msk $0xffff, v7  }
0x3a: {  	[tilespmem:s6+$0x6270] =	vst.add.f32.msk $0xffff, v0  }
0x3b: {  	[tilespmem:s6+$0x8200] =	vst.add.f32.msk $0xffff, v1  }
0x3c: {  	[tilespmem:s6+$0x8210] =	vst.add.f32.msk $0xffff, v2  }
0x3d: {  	[tilespmem:s6+$0x8220] =	vst.add.f32.msk $0xffff, v3  }
0x3e: {  	[tilespmem:s6+$0x8230] =	vst.add.f32.msk $0xffff, v4  }
0x3f: {  	[tilespmem:s6+$0x8240] =	vst.add.f32.msk $0xffff, v5  }
0x40: {  	[tilespmem:s6+$0x8250] =	vst.add.f32.msk $0xffff, v6  }
0x41: {  	[tilespmem:s6+$0x8260] =	vst.add.f32.msk $0xffff, v7  }
0x42: {  	[tilespmem:s6+$0x8270] =	vst.add.f32.msk $0xffff, v0  }
0x43: {  	[tilespmem:s6+$0xA200] =	vst.add.f32.msk $0xffff, v1  }
0x44: {  	[tilespmem:s6+$0xA210] =	vst.add.f32.msk $0xffff, v2  }
0x45: {  	[tilespmem:s6+$0xA220] =	vst.add.f32.msk $0xffff, v3  }
0x46: {  	[tilespmem:s6+$0xA230] =	vst.add.f32.msk $0xffff, v4  }
0x47: {  	[tilespmem:s6+$0xA240] =	vst.add.f32.msk $0xffff, v5  }
0x48: {  	[tilespmem:s6+$0xA250] =	vst.add.f32.msk $0xffff, v6  }
0x49: {  	[tilespmem:s6+$0xA260] =	vst.add.f32.msk $0xffff, v7  }
0x4a: {  	[tilespmem:s6+$0xA270] =	vst.add.f32.msk $0xffff, v0  }
0x4b: {  	[tilespmem:s6+$0xC200] =	vst.add.f32.msk $0xffff, v1  }
0x4c: {  	[tilespmem:s6+$0xC210] =	vst.add.f32.msk $0xffff, v2  }
.Ltmp0:
0x4d: {  	[tilespmem:s6+$0xC220] =	vst.add.f32.msk $0xffff, v3;
	(pc) =	sbr.rel @p0 .LBB2_2-.Ltmp0, $4  }
0x4e: {  	[tilespmem:s6+$0xC230] =	vst.add.f32.msk $0xffff, v4  }
0x4f: {  	[tilespmem:s6+$0xC240] =	vst.add.f32.msk $0xffff, v5  }
0x50: {  	[tilespmem:s6+$0xC250] =	vst.add.f32.msk $0xffff, v6  }
0x51: {  	[tilespmem:s6+$0xC260] =	vst.add.f32.msk $0xffff, v7;
	s6 =	sshra.s32 s7, $0x2;
	s7 =	sadd.s32 $0x200, s7  }
0x52: {  	v0 =	vld [tilespmem:s6+$0x270]  }
0x53: {  	v1 =	vld [tilespmem:s6+$0x200]  }
0x54: {  	v2 =	vld [tilespmem:s6+$0x210]  }
0x55: {  	v3 =	vld [tilespmem:s6+$0x220]  }
0x56: {  	v4 =	vld [tilespmem:s6+$0x230]  }
0x57: {  	v5 =	vld [tilespmem:s6+$0x240]  }
0x58: {  	v6 =	vld [tilespmem:s6+$0x250]  }
0x59: {  	v7 =	vld [tilespmem:s6+$0x260]  }
0x5a: {  	[tilespmem:s6+$0xC270] =	vst.add.f32.msk $0xffff, v0  }
0x5b: {  	[tilespmem:s6+$0x6200] =	vst.add.f32.msk $0xffff, v1  }
0x5c: {  	[tilespmem:s6+$0x6210] =	vst.add.f32.msk $0xffff, v2  }
0x5d: {  	[tilespmem:s6+$0x6220] =	vst.add.f32.msk $0xffff, v3  }
0x5e: {  	[tilespmem:s6+$0x6230] =	vst.add.f32.msk $0xffff, v4  }
0x5f: {  	[tilespmem:s6+$0x6240] =	vst.add.f32.msk $0xffff, v5  }
0x60: {  	[tilespmem:s6+$0x6250] =	vst.add.f32.msk $0xffff, v6  }
0x61: {  	[tilespmem:s6+$0x6260] =	vst.add.f32.msk $0xffff, v7  }
0x62: {  	[tilespmem:s6+$0x6270] =	vst.add.f32.msk $0xffff, v0  }
0x63: {  	[tilespmem:s6+$0x8200] =	vst.add.f32.msk $0xffff, v1  }
0x64: {  	[tilespmem:s6+$0x8210] =	vst.add.f32.msk $0xffff, v2  }
0x65: {  	[tilespmem:s6+$0x8220] =	vst.add.f32.msk $0xffff, v3  }
0x66: {  	[tilespmem:s6+$0x8230] =	vst.add.f32.msk $0xffff, v4  }
0x67: {  	[tilespmem:s6+$0x8240] =	vst.add.f32.msk $0xffff, v5  }
0x68: {  	[tilespmem:s6+$0x8250] =	vst.add.f32.msk $0xffff, v6  }
0x69: {  	[tilespmem:s6+$0x8260] =	vst.add.f32.msk $0xffff, v7  }
0x6a: {  	[tilespmem:s6+$0x8270] =	vst.add.f32.msk $0xffff, v0  }
0x6b: {  	[tilespmem:s6+$0xA200] =	vst.add.f32.msk $0xffff, v1  }
0x6c: {  	[tilespmem:s6+$0xA210] =	vst.add.f32.msk $0xffff, v2  }
0x6d: {  	[tilespmem:s6+$0xA220] =	vst.add.f32.msk $0xffff, v3  }
0x6e: {  	[tilespmem:s6+$0xA230] =	vst.add.f32.msk $0xffff, v4  }
0x6f: {  	[tilespmem:s6+$0xA240] =	vst.add.f32.msk $0xffff, v5  }
0x70: {  	[tilespmem:s6+$0xA250] =	vst.add.f32.msk $0xffff, v6  }
0x71: {  	[tilespmem:s6+$0xA260] =	vst.add.f32.msk $0xffff, v7  }
0x72: {  	[tilespmem:s6+$0xA270] =	vst.add.f32.msk $0xffff, v0  }
0x73: {  	[tilespmem:s6+$0xC200] =	vst.add.f32.msk $0xffff, v1  }
0x74: {  	[tilespmem:s6+$0xC210] =	vst.add.f32.msk $0xffff, v2  }
0x75: {  	[tilespmem:s6+$0xC220] =	vst.add.f32.msk $0xffff, v3  }
0x76: {  	[tilespmem:s6+$0xC230] =	vst.add.f32.msk $0xffff, v4  }
0x77: {  	[tilespmem:s6+$0xC240] =	vst.add.f32.msk $0xffff, v5  }
0x78: {  	[tilespmem:s6+$0xC250] =	vst.add.f32.msk $0xffff, v6  }
0x79: {  	[tilespmem:s6+$0xC260] =	vst.add.f32.msk $0xffff, v7  }
0x7a: {  	s6 =	rddreg [dreg:$0x8]  }
0x7b: {  	[hbm4b:s6+s26] =	stream.strided.scatter [tilespmem:s29], [sflag:$0x3], $0x8000, s28, s26, $0x38;
	[tilespmem:$0x1E200] =	vst v63  }
0x7c: {  	s7 =	simm.s32 $0x80  }
0x7d: {  	[tilespmem:s2], [sflag:$0x1] =	stream.indirect.gather [hbm4b:s1+s23], $0x80, s7, s23, $0xb8;
	[tilespmem:$0x1E200] =	vst v63  }
0x7e: {  	_ = 	snop  }
0x7f: {  	[tilespmem:s3], [sflag:$0x2] =	stream.strided.gather [hbm4b:s8+s26], $0x8000, s28, s26, $0x38;
	[tilespmem:$0x1E200] =	vst v63  }
0x80: {  	_ =	swait.ge [sflag:s31], $0x2000  }
0x81: {  	[sflag:s31] =	ssyncset.done $0x0  }
0x82: {  	[sflag:s31] =	ssyncadd.s32 $0xFFFFE000  }
0x83: {  	_ =	swait.ge [sflag:s0], $0x8000  }
0x84: {  	[sflag:s0] =	ssyncset.done $0x0  }
0x85: {  	s6 =	simm.s32 $0x0;
	s7 =	simm.s32 $0x200;
	[sflag:s0] =	ssyncadd.s32 $0xFFFF8000  }
.LBB2_4:
0x86: {  	p0 =	sne.s32 s7, $0x7E00;
	v0 =	vld [tilespmem:s6+$0x2270]  }
0x87: {  	v1 =	vld [tilespmem:s6+$0x2200]  }
0x88: {  	v2 =	vld [tilespmem:s6+$0x2210]  }
0x89: {  	v3 =	vld [tilespmem:s6+$0x2220]  }
0x8a: {  	v4 =	vld [tilespmem:s6+$0x2230]  }
0x8b: {  	[tilespmem:s6+$0x14270] =	vst.add.f32.msk $0xffff, v0  }
0x8c: {  	v5 =	vld [tilespmem:s6+$0x2240]  }
0x8d: {  	v6 =	vld [tilespmem:s6+$0x2250]  }
0x8e: {  	v7 =	vld [tilespmem:s6+$0x2260]  }
0x8f: {  	[tilespmem:s6+$0xE200] =	vst.add.f32.msk $0xffff, v1  }
0x90: {  	[tilespmem:s6+$0xE210] =	vst.add.f32.msk $0xffff, v2  }
0x91: {  	[tilespmem:s6+$0xE220] =	vst.add.f32.msk $0xffff, v3  }
0x92: {  	[tilespmem:s6+$0xE230] =	vst.add.f32.msk $0xffff, v4  }
0x93: {  	[tilespmem:s6+$0xE240] =	vst.add.f32.msk $0xffff, v5  }
0x94: {  	[tilespmem:s6+$0xE250] =	vst.add.f32.msk $0xffff, v6  }
0x95: {  	[tilespmem:s6+$0xE260] =	vst.add.f32.msk $0xffff, v7  }
0x96: {  	[tilespmem:s6+$0xE270] =	vst.add.f32.msk $0xffff, v0  }
0x97: {  	[tilespmem:s6+$0x10200] =	vst.add.f32.msk $0xffff, v1  }
0x98: {  	[tilespmem:s6+$0x10210] =	vst.add.f32.msk $0xffff, v2  }
0x99: {  	[tilespmem:s6+$0x10220] =	vst.add.f32.msk $0xffff, v3  }
0x9a: {  	[tilespmem:s6+$0x10230] =	vst.add.f32.msk $0xffff, v4  }
0x9b: {  	[tilespmem:s6+$0x10240] =	vst.add.f32.msk $0xffff, v5  }
0x9c: {  	[tilespmem:s6+$0x10250] =	vst.add.f32.msk $0xffff, v6  }
0x9d: {  	[tilespmem:s6+$0x10260] =	vst.add.f32.msk $0xffff, v7  }
0x9e: {  	[tilespmem:s6+$0x10270] =	vst.add.f32.msk $0xffff, v0  }
0x9f: {  	[tilespmem:s6+$0x12200] =	vst.add.f32.msk $0xffff, v1  }
0xa0: {  	[tilespmem:s6+$0x12210] =	vst.add.f32.msk $0xffff, v2  }
0xa1: {  	[tilespmem:s6+$0x12220] =	vst.add.f32.msk $0xffff, v3  }
0xa2: {  	[tilespmem:s6+$0x12230] =	vst.add.f32.msk $0xffff, v4  }
0xa3: {  	[tilespmem:s6+$0x12240] =	vst.add.f32.msk $0xffff, v5  }
0xa4: {  	[tilespmem:s6+$0x12250] =	vst.add.f32.msk $0xffff, v6  }
0xa5: {  	[tilespmem:s6+$0x12260] =	vst.add.f32.msk $0xffff, v7  }
0xa6: {  	[tilespmem:s6+$0x12270] =	vst.add.f32.msk $0xffff, v0  }
0xa7: {  	[tilespmem:s6+$0x14200] =	vst.add.f32.msk $0xffff, v1  }
0xa8: {  	[tilespmem:s6+$0x14210] =	vst.add.f32.msk $0xffff, v2  }
.Ltmp1:
0xa9: {  	[tilespmem:s6+$0x14220] =	vst.add.f32.msk $0xffff, v3;
	(pc) =	sbr.rel @p0 .LBB2_4-.Ltmp1, $4  }
0xaa: {  	[tilespmem:s6+$0x14230] =	vst.add.f32.msk $0xffff, v4  }
0xab: {  	[tilespmem:s6+$0x14240] =	vst.add.f32.msk $0xffff, v5  }
0xac: {  	[tilespmem:s6+$0x14250] =	vst.add.f32.msk $0xffff, v6  }
0xad: {  	[tilespmem:s6+$0x14260] =	vst.add.f32.msk $0xffff, v7;
	s6 =	sshra.s32 s7, $0x2;
	s7 =	sadd.s32 $0x200, s7  }
0xae: {  	v0 =	vld [tilespmem:s6+$0x2270]  }
0xaf: {  	v1 =	vld [tilespmem:s6+$0x2200]  }
0xb0: {  	v2 =	vld [tilespmem:s6+$0x2210]  }
0xb1: {  	v3 =	vld [tilespmem:s6+$0x2220]  }
0xb2: {  	v4 =	vld [tilespmem:s6+$0x2230]  }
0xb3: {  	v5 =	vld [tilespmem:s6+$0x2240]  }
0xb4: {  	v6 =	vld [tilespmem:s6+$0x2250]  }
0xb5: {  	v7 =	vld [tilespmem:s6+$0x2260]  }
0xb6: {  	[tilespmem:s6+$0x14270] =	vst.add.f32.msk $0xffff, v0  }
0xb7: {  	[tilespmem:s6+$0xE200] =	vst.add.f32.msk $0xffff, v1  }
0xb8: {  	[tilespmem:s6+$0xE210] =	vst.add.f32.msk $0xffff, v2  }
0xb9: {  	[tilespmem:s6+$0xE220] =	vst.add.f32.msk $0xffff, v3  }
0xba: {  	[tilespmem:s6+$0xE230] =	vst.add.f32.msk $0xffff, v4  }
0xbb: {  	[tilespmem:s6+$0xE240] =	vst.add.f32.msk $0xffff, v5  }
0xbc: {  	[tilespmem:s6+$0xE250] =	vst.add.f32.msk $0xffff, v6  }
0xbd: {  	[tilespmem:s6+$0xE260] =	vst.add.f32.msk $0xffff, v7  }
0xbe: {  	[tilespmem:s6+$0xE270] =	vst.add.f32.msk $0xffff, v0  }
0xbf: {  	[tilespmem:s6+$0x10200] =	vst.add.f32.msk $0xffff, v1  }
0xc0: {  	[tilespmem:s6+$0x10210] =	vst.add.f32.msk $0xffff, v2  }
0xc1: {  	[tilespmem:s6+$0x10220] =	vst.add.f32.msk $0xffff, v3  }
0xc2: {  	[tilespmem:s6+$0x10230] =	vst.add.f32.msk $0xffff, v4  }
0xc3: {  	[tilespmem:s6+$0x10240] =	vst.add.f32.msk $0xffff, v5  }
0xc4: {  	[tilespmem:s6+$0x10250] =	vst.add.f32.msk $0xffff, v6  }
0xc5: {  	[tilespmem:s6+$0x10260] =	vst.add.f32.msk $0xffff, v7  }
0xc6: {  	[tilespmem:s6+$0x10270] =	vst.add.f32.msk $0xffff, v0  }
0xc7: {  	[tilespmem:s6+$0x12200] =	vst.add.f32.msk $0xffff, v1  }
0xc8: {  	[tilespmem:s6+$0x12210] =	vst.add.f32.msk $0xffff, v2  }
0xc9: {  	[tilespmem:s6+$0x12220] =	vst.add.f32.msk $0xffff, v3  }
0xca: {  	[tilespmem:s6+$0x12230] =	vst.add.f32.msk $0xffff, v4  }
0xcb: {  	[tilespmem:s6+$0x12240] =	vst.add.f32.msk $0xffff, v5  }
0xcc: {  	[tilespmem:s6+$0x12250] =	vst.add.f32.msk $0xffff, v6  }
0xcd: {  	[tilespmem:s6+$0x12260] =	vst.add.f32.msk $0xffff, v7  }
0xce: {  	[tilespmem:s6+$0x12270] =	vst.add.f32.msk $0xffff, v0  }
0xcf: {  	[tilespmem:s6+$0x14200] =	vst.add.f32.msk $0xffff, v1  }
0xd0: {  	[tilespmem:s6+$0x14210] =	vst.add.f32.msk $0xffff, v2  }
0xd1: {  	[tilespmem:s6+$0x14220] =	vst.add.f32.msk $0xffff, v3  }
0xd2: {  	[tilespmem:s6+$0x14230] =	vst.add.f32.msk $0xffff, v4  }
0xd3: {  	[tilespmem:s6+$0x14240] =	vst.add.f32.msk $0xffff, v5  }
0xd4: {  	[tilespmem:s6+$0x14250] =	vst.add.f32.msk $0xffff, v6  }
0xd5: {  	[tilespmem:s6+$0x14260] =	vst.add.f32.msk $0xffff, v7  }
0xd6: {  	[hbm4b:s9+s26] =	stream.strided.scatter [tilespmem:s30], [sflag:$0x3], $0x8000, s28, s26, $0x38;
	[tilespmem:$0x1E200] =	vst v63  }
0xd7: {  	_ =	swait.ge [sflag:s4], $0x8000  }
0xd8: {  	[sflag:s4] =	ssyncset.done $0x0  }
0xd9: {  	s7 =	simm.s32 $0xC0;
	[sflag:s4] =	ssyncadd.s32 $0xFFFF8000  }
0xda: {  	[tilespmem:s24], [sflag:$0x1] =	stream.indirect.gather [hbm4b:s1+s23], $0x80, s7, s23, $0xb8;
	[tilespmem:$0x1E200] =	vst v63  }
0xdb: {  	_ = 	snop  }
0xdc: {  	[tilespmem:s29], [sflag:$0x2] =	stream.strided.gather [hbm4b:s10+s26], $0x8000, s28, s26, $0x38;
	[tilespmem:$0x1E200] =	vst v63  }
0xdd: {  	_ =	swait.ge [sflag:s31], $0x2000  }
0xde: {  	[sflag:s31] =	ssyncset.done $0x0  }
0xdf: {  	[sflag:s31] =	ssyncadd.s32 $0xFFFFE000  }
0xe0: {  	_ =	swait.ge [sflag:s0], $0x8000  }
0xe1: {  	[sflag:s0] =	ssyncset.done $0x0  }
0xe2: {  	s6 =	simm.s32 $0x0;
	s7 =	simm.s32 $0x200;
	[sflag:s0] =	ssyncadd.s32 $0xFFFF8000  }
.LBB2_6:
0xe3: {  	p0 =	sne.s32 s7, $0x7E00;
	v0 =	vld [tilespmem:s6+$0x4270]  }
0xe4: {  	v1 =	vld [tilespmem:s6+$0x4200]  }
0xe5: {  	v2 =	vld [tilespmem:s6+$0x4210]  }
0xe6: {  	v3 =	vld [tilespmem:s6+$0x4220]  }
0xe7: {  	v4 =	vld [tilespmem:s6+$0x4230]  }
0xe8: {  	[tilespmem:s6+$0x1C270] =	vst.add.f32.msk $0xffff, v0  }
0xe9: {  	v5 =	vld [tilespmem:s6+$0x4240]  }
0xea: {  	v6 =	vld [tilespmem:s6+$0x4250]  }
0xeb: {  	v7 =	vld [tilespmem:s6+$0x4260]  }
0xec: {  	[tilespmem:s6+$0x16200] =	vst.add.f32.msk $0xffff, v1  }
0xed: {  	[tilespmem:s6+$0x16210] =	vst.add.f32.msk $0xffff, v2  }
0xee: {  	[tilespmem:s6+$0x16220] =	vst.add.f32.msk $0xffff, v3  }
0xef: {  	[tilespmem:s6+$0x16230] =	vst.add.f32.msk $0xffff, v4  }
0xf0: {  	[tilespmem:s6+$0x16240] =	vst.add.f32.msk $0xffff, v5  }
0xf1: {  	[tilespmem:s6+$0x16250] =	vst.add.f32.msk $0xffff, v6  }
0xf2: {  	[tilespmem:s6+$0x16260] =	vst.add.f32.msk $0xffff, v7  }
0xf3: {  	[tilespmem:s6+$0x16270] =	vst.add.f32.msk $0xffff, v0  }
0xf4: {  	[tilespmem:s6+$0x18200] =	vst.add.f32.msk $0xffff, v1  }
0xf5: {  	[tilespmem:s6+$0x18210] =	vst.add.f32.msk $0xffff, v2  }
0xf6: {  	[tilespmem:s6+$0x18220] =	vst.add.f32.msk $0xffff, v3  }
0xf7: {  	[tilespmem:s6+$0x18230] =	vst.add.f32.msk $0xffff, v4  }
0xf8: {  	[tilespmem:s6+$0x18240] =	vst.add.f32.msk $0xffff, v5  }
0xf9: {  	[tilespmem:s6+$0x18250] =	vst.add.f32.msk $0xffff, v6  }
0xfa: {  	[tilespmem:s6+$0x18260] =	vst.add.f32.msk $0xffff, v7  }
0xfb: {  	[tilespmem:s6+$0x18270] =	vst.add.f32.msk $0xffff, v0  }
0xfc: {  	[tilespmem:s6+$0x1A200] =	vst.add.f32.msk $0xffff, v1  }
0xfd: {  	[tilespmem:s6+$0x1A210] =	vst.add.f32.msk $0xffff, v2  }
0xfe: {  	[tilespmem:s6+$0x1A220] =	vst.add.f32.msk $0xffff, v3  }
0xff: {  	[tilespmem:s6+$0x1A230] =	vst.add.f32.msk $0xffff, v4  }
0x100: {  	[tilespmem:s6+$0x1A240] =	vst.add.f32.msk $0xffff, v5  }
0x101: {  	[tilespmem:s6+$0x1A250] =	vst.add.f32.msk $0xffff, v6  }
0x102: {  	[tilespmem:s6+$0x1A260] =	vst.add.f32.msk $0xffff, v7  }
0x103: {  	[tilespmem:s6+$0x1A270] =	vst.add.f32.msk $0xffff, v0  }
0x104: {  	[tilespmem:s6+$0x1C200] =	vst.add.f32.msk $0xffff, v1  }
0x105: {  	[tilespmem:s6+$0x1C210] =	vst.add.f32.msk $0xffff, v2  }
.Ltmp2:
0x106: {  	[tilespmem:s6+$0x1C220] =	vst.add.f32.msk $0xffff, v3;
	(pc) =	sbr.rel @p0 .LBB2_6-.Ltmp2, $4  }
0x107: {  	[tilespmem:s6+$0x1C230] =	vst.add.f32.msk $0xffff, v4  }
0x108: {  	[tilespmem:s6+$0x1C240] =	vst.add.f32.msk $0xffff, v5  }
0x109: {  	[tilespmem:s6+$0x1C250] =	vst.add.f32.msk $0xffff, v6  }
0x10a: {  	[tilespmem:s6+$0x1C260] =	vst.add.f32.msk $0xffff, v7;
	s6 =	sshra.s32 s7, $0x2;
	s7 =	sadd.s32 $0x200, s7  }
0x10b: {  	v0 =	vld [tilespmem:s6+$0x4270]  }
0x10c: {  	v1 =	vld [tilespmem:s6+$0x4200]  }
0x10d: {  	v2 =	vld [tilespmem:s6+$0x4210]  }
0x10e: {  	v3 =	vld [tilespmem:s6+$0x4220]  }
0x10f: {  	v4 =	vld [tilespmem:s6+$0x4230]  }
0x110: {  	v5 =	vld [tilespmem:s6+$0x4240]  }
0x111: {  	v6 =	vld [tilespmem:s6+$0x4250]  }
0x112: {  	v7 =	vld [tilespmem:s6+$0x4260]  }
0x113: {  	[tilespmem:s6+$0x1C270] =	vst.add.f32.msk $0xffff, v0  }
0x114: {  	[tilespmem:s6+$0x16200] =	vst.add.f32.msk $0xffff, v1  }
0x115: {  	[tilespmem:s6+$0x16210] =	vst.add.f32.msk $0xffff, v2  }
0x116: {  	[tilespmem:s6+$0x16220] =	vst.add.f32.msk $0xffff, v3  }
0x117: {  	[tilespmem:s6+$0x16230] =	vst.add.f32.msk $0xffff, v4  }
0x118: {  	[tilespmem:s6+$0x16240] =	vst.add.f32.msk $0xffff, v5  }
0x119: {  	[tilespmem:s6+$0x16250] =	vst.add.f32.msk $0xffff, v6  }
0x11a: {  	[tilespmem:s6+$0x16260] =	vst.add.f32.msk $0xffff, v7  }
0x11b: {  	[tilespmem:s6+$0x16270] =	vst.add.f32.msk $0xffff, v0  }
0x11c: {  	[tilespmem:s6+$0x18200] =	vst.add.f32.msk $0xffff, v1  }
0x11d: {  	[tilespmem:s6+$0x18210] =	vst.add.f32.msk $0xffff, v2  }
0x11e: {  	[tilespmem:s6+$0x18220] =	vst.add.f32.msk $0xffff, v3  }
0x11f: {  	[tilespmem:s6+$0x18230] =	vst.add.f32.msk $0xffff, v4  }
0x120: {  	[tilespmem:s6+$0x18240] =	vst.add.f32.msk $0xffff, v5  }
0x121: {  	[tilespmem:s6+$0x18250] =	vst.add.f32.msk $0xffff, v6  }
0x122: {  	[tilespmem:s6+$0x18260] =	vst.add.f32.msk $0xffff, v7  }
0x123: {  	[tilespmem:s6+$0x18270] =	vst.add.f32.msk $0xffff, v0  }
0x124: {  	[tilespmem:s6+$0x1A200] =	vst.add.f32.msk $0xffff, v1  }
0x125: {  	[tilespmem:s6+$0x1A210] =	vst.add.f32.msk $0xffff, v2  }
0x126: {  	[tilespmem:s6+$0x1A220] =	vst.add.f32.msk $0xffff, v3  }
0x127: {  	[tilespmem:s6+$0x1A230] =	vst.add.f32.msk $0xffff, v4  }
0x128: {  	[tilespmem:s6+$0x1A240] =	vst.add.f32.msk $0xffff, v5  }
0x129: {  	[tilespmem:s6+$0x1A250] =	vst.add.f32.msk $0xffff, v6  }
0x12a: {  	[tilespmem:s6+$0x1A260] =	vst.add.f32.msk $0xffff, v7  }
0x12b: {  	[tilespmem:s6+$0x1A270] =	vst.add.f32.msk $0xffff, v0  }
0x12c: {  	[tilespmem:s6+$0x1C200] =	vst.add.f32.msk $0xffff, v1  }
0x12d: {  	[tilespmem:s6+$0x1C210] =	vst.add.f32.msk $0xffff, v2  }
0x12e: {  	[tilespmem:s6+$0x1C220] =	vst.add.f32.msk $0xffff, v3  }
0x12f: {  	[tilespmem:s6+$0x1C230] =	vst.add.f32.msk $0xffff, v4  }
0x130: {  	[tilespmem:s6+$0x1C240] =	vst.add.f32.msk $0xffff, v5  }
0x131: {  	[tilespmem:s6+$0x1C250] =	vst.add.f32.msk $0xffff, v6  }
0x132: {  	[tilespmem:s6+$0x1C260] =	vst.add.f32.msk $0xffff, v7  }
0x133: {  	[hbm4b:s11+s26] =	stream.strided.scatter [tilespmem:s3], [sflag:$0x3], $0x8000, s28, s26, $0x38;
	[tilespmem:$0x1E200] =	vst v63  }
0x134: {  	_ =	swait.ge [sflag:s4], $0x8000  }
0x135: {  	[sflag:s4] =	ssyncset.done $0x0  }
0x136: {  	s7 =	simm.s32 $0x100;
	[sflag:s4] =	ssyncadd.s32 $0xFFFF8000  }
0x137: {  	[tilespmem:s25], [sflag:$0x1] =	stream.indirect.gather [hbm4b:s1+s23], $0x80, s7, s23, $0xb8;
	[tilespmem:$0x1E200] =	vst v63  }
0x138: {  	_ = 	snop  }
0x139: {  	[tilespmem:s30], [sflag:$0x2] =	stream.strided.gather [hbm4b:s12+s26], $0x8000, s28, s26, $0x38;
	[tilespmem:$0x1E200] =	vst v63  }
0x13a: {  	_ =	swait.ge [sflag:s31], $0x2000  }
0x13b: {  	[sflag:s31] =	ssyncset.done $0x0  }
0x13c: {  	[sflag:s31] =	ssyncadd.s32 $0xFFFFE000  }
0x13d: {  	_ =	swait.ge [sflag:s0], $0x8000  }
0x13e: {  	[sflag:s0] =	ssyncset.done $0x0  }
0x13f: {  	s6 =	simm.s32 $0x0;
	s7 =	simm.s32 $0x200;
	[sflag:s0] =	ssyncadd.s32 $0xFFFF8000  }
.LBB2_8:
0x140: {  	p0 =	sne.s32 s7, $0x7E00;
	v0 =	vld [tilespmem:s6+$0x270]  }
0x141: {  	v1 =	vld [tilespmem:s6+$0x200]  }
0x142: {  	v2 =	vld [tilespmem:s6+$0x210]  }
0x143: {  	v3 =	vld [tilespmem:s6+$0x220]  }
0x144: {  	v4 =	vld [tilespmem:s6+$0x230]  }
0x145: {  	[tilespmem:s6+$0xC270] =	vst.add.f32.msk $0xffff, v0  }
0x146: {  	v5 =	vld [tilespmem:s6+$0x240]  }
0x147: {  	v6 =	vld [tilespmem:s6+$0x250]  }
0x148: {  	v7 =	vld [tilespmem:s6+$0x260]  }
0x149: {  	[tilespmem:s6+$0x6200] =	vst.add.f32.msk $0xffff, v1  }
0x14a: {  	[tilespmem:s6+$0x6210] =	vst.add.f32.msk $0xffff, v2  }
0x14b: {  	[tilespmem:s6+$0x6220] =	vst.add.f32.msk $0xffff, v3  }
0x14c: {  	[tilespmem:s6+$0x6230] =	vst.add.f32.msk $0xffff, v4  }
0x14d: {  	[tilespmem:s6+$0x6240] =	vst.add.f32.msk $0xffff, v5  }
0x14e: {  	[tilespmem:s6+$0x6250] =	vst.add.f32.msk $0xffff, v6  }
0x14f: {  	[tilespmem:s6+$0x6260] =	vst.add.f32.msk $0xffff, v7  }
0x150: {  	[tilespmem:s6+$0x6270] =	vst.add.f32.msk $0xffff, v0  }
0x151: {  	[tilespmem:s6+$0x8200] =	vst.add.f32.msk $0xffff, v1  }
0x152: {  	[tilespmem:s6+$0x8210] =	vst.add.f32.msk $0xffff, v2  }
0x153: {  	[tilespmem:s6+$0x8220] =	vst.add.f32.msk $0xffff, v3  }
0x154: {  	[tilespmem:s6+$0x8230] =	vst.add.f32.msk $0xffff, v4  }
0x155: {  	[tilespmem:s6+$0x8240] =	vst.add.f32.msk $0xffff, v5  }
0x156: {  	[tilespmem:s6+$0x8250] =	vst.add.f32.msk $0xffff, v6  }
0x157: {  	[tilespmem:s6+$0x8260] =	vst.add.f32.msk $0xffff, v7  }
0x158: {  	[tilespmem:s6+$0x8270] =	vst.add.f32.msk $0xffff, v0  }
0x159: {  	[tilespmem:s6+$0xA200] =	vst.add.f32.msk $0xffff, v1  }
0x15a: {  	[tilespmem:s6+$0xA210] =	vst.add.f32.msk $0xffff, v2  }
0x15b: {  	[tilespmem:s6+$0xA220] =	vst.add.f32.msk $0xffff, v3  }
0x15c: {  	[tilespmem:s6+$0xA230] =	vst.add.f32.msk $0xffff, v4  }
0x15d: {  	[tilespmem:s6+$0xA240] =	vst.add.f32.msk $0xffff, v5  }
0x15e: {  	[tilespmem:s6+$0xA250] =	vst.add.f32.msk $0xffff, v6  }
0x15f: {  	[tilespmem:s6+$0xA260] =	vst.add.f32.msk $0xffff, v7  }
0x160: {  	[tilespmem:s6+$0xA270] =	vst.add.f32.msk $0xffff, v0  }
0x161: {  	[tilespmem:s6+$0xC200] =	vst.add.f32.msk $0xffff, v1  }
0x162: {  	[tilespmem:s6+$0xC210] =	vst.add.f32.msk $0xffff, v2  }
.Ltmp3:
0x163: {  	[tilespmem:s6+$0xC220] =	vst.add.f32.msk $0xffff, v3;
	(pc) =	sbr.rel @p0 .LBB2_8-.Ltmp3, $4  }
0x164: {  	[tilespmem:s6+$0xC230] =	vst.add.f32.msk $0xffff, v4  }
0x165: {  	[tilespmem:s6+$0xC240] =	vst.add.f32.msk $0xffff, v5  }
0x166: {  	[tilespmem:s6+$0xC250] =	vst.add.f32.msk $0xffff, v6  }
0x167: {  	[tilespmem:s6+$0xC260] =	vst.add.f32.msk $0xffff, v7;
	s6 =	sshra.s32 s7, $0x2;
	s7 =	sadd.s32 $0x200, s7  }
0x168: {  	v0 =	vld [tilespmem:s6+$0x270]  }
0x169: {  	v1 =	vld [tilespmem:s6+$0x200]  }
0x16a: {  	v2 =	vld [tilespmem:s6+$0x210]  }
0x16b: {  	v3 =	vld [tilespmem:s6+$0x220]  }
0x16c: {  	v4 =	vld [tilespmem:s6+$0x230]  }
0x16d: {  	v5 =	vld [tilespmem:s6+$0x240]  }
0x16e: {  	v6 =	vld [tilespmem:s6+$0x250]  }
0x16f: {  	v7 =	vld [tilespmem:s6+$0x260]  }
0x170: {  	[tilespmem:s6+$0xC270] =	vst.add.f32.msk $0xffff, v0  }
0x171: {  	[tilespmem:s6+$0x6200] =	vst.add.f32.msk $0xffff, v1  }
0x172: {  	[tilespmem:s6+$0x6210] =	vst.add.f32.msk $0xffff, v2  }
0x173: {  	[tilespmem:s6+$0x6220] =	vst.add.f32.msk $0xffff, v3  }
0x174: {  	[tilespmem:s6+$0x6230] =	vst.add.f32.msk $0xffff, v4  }
0x175: {  	[tilespmem:s6+$0x6240] =	vst.add.f32.msk $0xffff, v5  }
0x176: {  	[tilespmem:s6+$0x6250] =	vst.add.f32.msk $0xffff, v6  }
0x177: {  	[tilespmem:s6+$0x6260] =	vst.add.f32.msk $0xffff, v7  }
0x178: {  	[tilespmem:s6+$0x6270] =	vst.add.f32.msk $0xffff, v0  }
0x179: {  	[tilespmem:s6+$0x8200] =	vst.add.f32.msk $0xffff, v1  }
0x17a: {  	[tilespmem:s6+$0x8210] =	vst.add.f32.msk $0xffff, v2  }
0x17b: {  	[tilespmem:s6+$0x8220] =	vst.add.f32.msk $0xffff, v3  }
0x17c: {  	[tilespmem:s6+$0x8230] =	vst.add.f32.msk $0xffff, v4  }
0x17d: {  	[tilespmem:s6+$0x8240] =	vst.add.f32.msk $0xffff, v5  }
0x17e: {  	[tilespmem:s6+$0x8250] =	vst.add.f32.msk $0xffff, v6  }
0x17f: {  	[tilespmem:s6+$0x8260] =	vst.add.f32.msk $0xffff, v7  }
0x180: {  	[tilespmem:s6+$0x8270] =	vst.add.f32.msk $0xffff, v0  }
0x181: {  	[tilespmem:s6+$0xA200] =	vst.add.f32.msk $0xffff, v1  }
0x182: {  	[tilespmem:s6+$0xA210] =	vst.add.f32.msk $0xffff, v2  }
0x183: {  	[tilespmem:s6+$0xA220] =	vst.add.f32.msk $0xffff, v3  }
0x184: {  	[tilespmem:s6+$0xA230] =	vst.add.f32.msk $0xffff, v4  }
0x185: {  	[tilespmem:s6+$0xA240] =	vst.add.f32.msk $0xffff, v5  }
0x186: {  	[tilespmem:s6+$0xA250] =	vst.add.f32.msk $0xffff, v6  }
0x187: {  	[tilespmem:s6+$0xA260] =	vst.add.f32.msk $0xffff, v7  }
0x188: {  	[tilespmem:s6+$0xA270] =	vst.add.f32.msk $0xffff, v0  }
0x189: {  	[tilespmem:s6+$0xC200] =	vst.add.f32.msk $0xffff, v1  }
0x18a: {  	[tilespmem:s6+$0xC210] =	vst.add.f32.msk $0xffff, v2  }
0x18b: {  	[tilespmem:s6+$0xC220] =	vst.add.f32.msk $0xffff, v3  }
0x18c: {  	[tilespmem:s6+$0xC230] =	vst.add.f32.msk $0xffff, v4  }
0x18d: {  	[tilespmem:s6+$0xC240] =	vst.add.f32.msk $0xffff, v5  }
0x18e: {  	[tilespmem:s6+$0xC250] =	vst.add.f32.msk $0xffff, v6  }
0x18f: {  	[tilespmem:s6+$0xC260] =	vst.add.f32.msk $0xffff, v7  }
0x190: {  	[hbm4b:s13+s26] =	stream.strided.scatter [tilespmem:s29], [sflag:$0x3], $0x8000, s28, s26, $0x38;
	[tilespmem:$0x1E200] =	vst v63  }
0x191: {  	_ =	swait.ge [sflag:s4], $0x8000  }
0x192: {  	[sflag:s4] =	ssyncset.done $0x0  }
0x193: {  	s7 =	simm.s32 $0x140;
	[sflag:s4] =	ssyncadd.s32 $0xFFFF8000  }
0x194: {  	[tilespmem:s2], [sflag:$0x1] =	stream.indirect.gather [hbm4b:s1+s23], $0x80, s7, s23, $0xb8;
	[tilespmem:$0x1E200] =	vst v63  }
0x195: {  	_ = 	snop  }
0x196: {  	[tilespmem:s3], [sflag:$0x2] =	stream.strided.gather [hbm4b:s14+s26], $0x8000, s28, s26, $0x38;
	[tilespmem:$0x1E200] =	vst v63  }
0x197: {  	_ =	swait.ge [sflag:s31], $0x2000  }
0x198: {  	[sflag:s31] =	ssyncset.done $0x0  }
0x199: {  	[sflag:s31] =	ssyncadd.s32 $0xFFFFE000  }
0x19a: {  	_ =	swait.ge [sflag:s0], $0x8000  }
0x19b: {  	[sflag:s0] =	ssyncset.done $0x0  }
0x19c: {  	s6 =	simm.s32 $0x0;
	s7 =	simm.s32 $0x200;
	[sflag:s0] =	ssyncadd.s32 $0xFFFF8000  }
.LBB2_10:
0x19d: {  	p0 =	sne.s32 s7, $0x7E00;
	v0 =	vld [tilespmem:s6+$0x2270]  }
0x19e: {  	v1 =	vld [tilespmem:s6+$0x2200]  }
0x19f: {  	v2 =	vld [tilespmem:s6+$0x2210]  }
0x1a0: {  	v3 =	vld [tilespmem:s6+$0x2220]  }
0x1a1: {  	v4 =	vld [tilespmem:s6+$0x2230]  }
0x1a2: {  	[tilespmem:s6+$0x14270] =	vst.add.f32.msk $0xffff, v0  }
0x1a3: {  	v5 =	vld [tilespmem:s6+$0x2240]  }
0x1a4: {  	v6 =	vld [tilespmem:s6+$0x2250]  }
0x1a5: {  	v7 =	vld [tilespmem:s6+$0x2260]  }
0x1a6: {  	[tilespmem:s6+$0xE200] =	vst.add.f32.msk $0xffff, v1  }
0x1a7: {  	[tilespmem:s6+$0xE210] =	vst.add.f32.msk $0xffff, v2  }
0x1a8: {  	[tilespmem:s6+$0xE220] =	vst.add.f32.msk $0xffff, v3  }
0x1a9: {  	[tilespmem:s6+$0xE230] =	vst.add.f32.msk $0xffff, v4  }
0x1aa: {  	[tilespmem:s6+$0xE240] =	vst.add.f32.msk $0xffff, v5  }
0x1ab: {  	[tilespmem:s6+$0xE250] =	vst.add.f32.msk $0xffff, v6  }
0x1ac: {  	[tilespmem:s6+$0xE260] =	vst.add.f32.msk $0xffff, v7  }
0x1ad: {  	[tilespmem:s6+$0xE270] =	vst.add.f32.msk $0xffff, v0  }
0x1ae: {  	[tilespmem:s6+$0x10200] =	vst.add.f32.msk $0xffff, v1  }
0x1af: {  	[tilespmem:s6+$0x10210] =	vst.add.f32.msk $0xffff, v2  }
0x1b0: {  	[tilespmem:s6+$0x10220] =	vst.add.f32.msk $0xffff, v3  }
0x1b1: {  	[tilespmem:s6+$0x10230] =	vst.add.f32.msk $0xffff, v4  }
0x1b2: {  	[tilespmem:s6+$0x10240] =	vst.add.f32.msk $0xffff, v5  }
0x1b3: {  	[tilespmem:s6+$0x10250] =	vst.add.f32.msk $0xffff, v6  }
0x1b4: {  	[tilespmem:s6+$0x10260] =	vst.add.f32.msk $0xffff, v7  }
0x1b5: {  	[tilespmem:s6+$0x10270] =	vst.add.f32.msk $0xffff, v0  }
0x1b6: {  	[tilespmem:s6+$0x12200] =	vst.add.f32.msk $0xffff, v1  }
0x1b7: {  	[tilespmem:s6+$0x12210] =	vst.add.f32.msk $0xffff, v2  }
0x1b8: {  	[tilespmem:s6+$0x12220] =	vst.add.f32.msk $0xffff, v3  }
0x1b9: {  	[tilespmem:s6+$0x12230] =	vst.add.f32.msk $0xffff, v4  }
0x1ba: {  	[tilespmem:s6+$0x12240] =	vst.add.f32.msk $0xffff, v5  }
0x1bb: {  	[tilespmem:s6+$0x12250] =	vst.add.f32.msk $0xffff, v6  }
0x1bc: {  	[tilespmem:s6+$0x12260] =	vst.add.f32.msk $0xffff, v7  }
0x1bd: {  	[tilespmem:s6+$0x12270] =	vst.add.f32.msk $0xffff, v0  }
0x1be: {  	[tilespmem:s6+$0x14200] =	vst.add.f32.msk $0xffff, v1  }
0x1bf: {  	[tilespmem:s6+$0x14210] =	vst.add.f32.msk $0xffff, v2  }
.Ltmp4:
0x1c0: {  	[tilespmem:s6+$0x14220] =	vst.add.f32.msk $0xffff, v3;
	(pc) =	sbr.rel @p0 .LBB2_10-.Ltmp4, $4  }
0x1c1: {  	[tilespmem:s6+$0x14230] =	vst.add.f32.msk $0xffff, v4  }
0x1c2: {  	[tilespmem:s6+$0x14240] =	vst.add.f32.msk $0xffff, v5  }
0x1c3: {  	[tilespmem:s6+$0x14250] =	vst.add.f32.msk $0xffff, v6  }
0x1c4: {  	[tilespmem:s6+$0x14260] =	vst.add.f32.msk $0xffff, v7;
	s6 =	sshra.s32 s7, $0x2;
	s7 =	sadd.s32 $0x200, s7  }
0x1c5: {  	v0 =	vld [tilespmem:s6+$0x2270]  }
0x1c6: {  	v1 =	vld [tilespmem:s6+$0x2200]  }
0x1c7: {  	v2 =	vld [tilespmem:s6+$0x2210]  }
0x1c8: {  	v3 =	vld [tilespmem:s6+$0x2220]  }
0x1c9: {  	v4 =	vld [tilespmem:s6+$0x2230]  }
0x1ca: {  	v5 =	vld [tilespmem:s6+$0x2240]  }
0x1cb: {  	v6 =	vld [tilespmem:s6+$0x2250]  }
0x1cc: {  	v7 =	vld [tilespmem:s6+$0x2260]  }
0x1cd: {  	[tilespmem:s6+$0x14270] =	vst.add.f32.msk $0xffff, v0  }
0x1ce: {  	[tilespmem:s6+$0xE200] =	vst.add.f32.msk $0xffff, v1  }
0x1cf: {  	[tilespmem:s6+$0xE210] =	vst.add.f32.msk $0xffff, v2  }
0x1d0: {  	[tilespmem:s6+$0xE220] =	vst.add.f32.msk $0xffff, v3  }
0x1d1: {  	[tilespmem:s6+$0xE230] =	vst.add.f32.msk $0xffff, v4  }
0x1d2: {  	[tilespmem:s6+$0xE240] =	vst.add.f32.msk $0xffff, v5  }
0x1d3: {  	[tilespmem:s6+$0xE250] =	vst.add.f32.msk $0xffff, v6  }
0x1d4: {  	[tilespmem:s6+$0xE260] =	vst.add.f32.msk $0xffff, v7  }
0x1d5: {  	[tilespmem:s6+$0xE270] =	vst.add.f32.msk $0xffff, v0  }
0x1d6: {  	[tilespmem:s6+$0x10200] =	vst.add.f32.msk $0xffff, v1  }
0x1d7: {  	[tilespmem:s6+$0x10210] =	vst.add.f32.msk $0xffff, v2  }
0x1d8: {  	[tilespmem:s6+$0x10220] =	vst.add.f32.msk $0xffff, v3  }
0x1d9: {  	[tilespmem:s6+$0x10230] =	vst.add.f32.msk $0xffff, v4  }
0x1da: {  	[tilespmem:s6+$0x10240] =	vst.add.f32.msk $0xffff, v5  }
0x1db: {  	[tilespmem:s6+$0x10250] =	vst.add.f32.msk $0xffff, v6  }
0x1dc: {  	[tilespmem:s6+$0x10260] =	vst.add.f32.msk $0xffff, v7  }
0x1dd: {  	[tilespmem:s6+$0x10270] =	vst.add.f32.msk $0xffff, v0  }
0x1de: {  	[tilespmem:s6+$0x12200] =	vst.add.f32.msk $0xffff, v1  }
0x1df: {  	[tilespmem:s6+$0x12210] =	vst.add.f32.msk $0xffff, v2  }
0x1e0: {  	[tilespmem:s6+$0x12220] =	vst.add.f32.msk $0xffff, v3  }
0x1e1: {  	[tilespmem:s6+$0x12230] =	vst.add.f32.msk $0xffff, v4  }
0x1e2: {  	[tilespmem:s6+$0x12240] =	vst.add.f32.msk $0xffff, v5  }
0x1e3: {  	[tilespmem:s6+$0x12250] =	vst.add.f32.msk $0xffff, v6  }
0x1e4: {  	[tilespmem:s6+$0x12260] =	vst.add.f32.msk $0xffff, v7  }
0x1e5: {  	[tilespmem:s6+$0x12270] =	vst.add.f32.msk $0xffff, v0  }
0x1e6: {  	[tilespmem:s6+$0x14200] =	vst.add.f32.msk $0xffff, v1  }
0x1e7: {  	[tilespmem:s6+$0x14210] =	vst.add.f32.msk $0xffff, v2  }
0x1e8: {  	[tilespmem:s6+$0x14220] =	vst.add.f32.msk $0xffff, v3  }
0x1e9: {  	[tilespmem:s6+$0x14230] =	vst.add.f32.msk $0xffff, v4  }
0x1ea: {  	[tilespmem:s6+$0x14240] =	vst.add.f32.msk $0xffff, v5  }
0x1eb: {  	[tilespmem:s6+$0x14250] =	vst.add.f32.msk $0xffff, v6  }
0x1ec: {  	[tilespmem:s6+$0x14260] =	vst.add.f32.msk $0xffff, v7  }
0x1ed: {  	[hbm4b:s15+s26] =	stream.strided.scatter [tilespmem:s30], [sflag:$0x3], $0x8000, s28, s26, $0x38;
	[tilespmem:$0x1E200] =	vst v63  }
0x1ee: {  	_ =	swait.ge [sflag:s4], $0x8000  }
0x1ef: {  	[sflag:s4] =	ssyncset.done $0x0  }
0x1f0: {  	s7 =	simm.s32 $0x180;
	[sflag:s4] =	ssyncadd.s32 $0xFFFF8000  }
0x1f1: {  	[tilespmem:s24], [sflag:$0x1] =	stream.indirect.gather [hbm4b:s1+s23], $0x80, s7, s23, $0xb8;
	[tilespmem:$0x1E200] =	vst v63  }
0x1f2: {  	_ = 	snop  }
0x1f3: {  	[tilespmem:s29], [sflag:$0x2] =	stream.strided.gather [hbm4b:s16+s26], $0x8000, s28, s26, $0x38;
	[tilespmem:$0x1E200] =	vst v63  }
0x1f4: {  	_ =	swait.ge [sflag:s31], $0x2000  }
0x1f5: {  	[sflag:s31] =	ssyncset.done $0x0  }
0x1f6: {  	[sflag:s31] =	ssyncadd.s32 $0xFFFFE000  }
0x1f7: {  	_ =	swait.ge [sflag:s0], $0x8000  }
0x1f8: {  	[sflag:s0] =	ssyncset.done $0x0  }
0x1f9: {  	s6 =	simm.s32 $0x0;
	s7 =	simm.s32 $0x200;
	[sflag:s0] =	ssyncadd.s32 $0xFFFF8000  }
.LBB2_12:
0x1fa: {  	p0 =	sne.s32 s7, $0x7E00;
	v0 =	vld [tilespmem:s6+$0x4270]  }
0x1fb: {  	v1 =	vld [tilespmem:s6+$0x4200]  }
0x1fc: {  	v2 =	vld [tilespmem:s6+$0x4210]  }
0x1fd: {  	v3 =	vld [tilespmem:s6+$0x4220]  }
0x1fe: {  	v4 =	vld [tilespmem:s6+$0x4230]  }
0x1ff: {  	[tilespmem:s6+$0x1C270] =	vst.add.f32.msk $0xffff, v0  }
0x200: {  	v5 =	vld [tilespmem:s6+$0x4240]  }
0x201: {  	v6 =	vld [tilespmem:s6+$0x4250]  }
0x202: {  	v7 =	vld [tilespmem:s6+$0x4260]  }
0x203: {  	[tilespmem:s6+$0x16200] =	vst.add.f32.msk $0xffff, v1  }
0x204: {  	[tilespmem:s6+$0x16210] =	vst.add.f32.msk $0xffff, v2  }
0x205: {  	[tilespmem:s6+$0x16220] =	vst.add.f32.msk $0xffff, v3  }
0x206: {  	[tilespmem:s6+$0x16230] =	vst.add.f32.msk $0xffff, v4  }
0x207: {  	[tilespmem:s6+$0x16240] =	vst.add.f32.msk $0xffff, v5  }
0x208: {  	[tilespmem:s6+$0x16250] =	vst.add.f32.msk $0xffff, v6  }
0x209: {  	[tilespmem:s6+$0x16260] =	vst.add.f32.msk $0xffff, v7  }
0x20a: {  	[tilespmem:s6+$0x16270] =	vst.add.f32.msk $0xffff, v0  }
0x20b: {  	[tilespmem:s6+$0x18200] =	vst.add.f32.msk $0xffff, v1  }
0x20c: {  	[tilespmem:s6+$0x18210] =	vst.add.f32.msk $0xffff, v2  }
0x20d: {  	[tilespmem:s6+$0x18220] =	vst.add.f32.msk $0xffff, v3  }
0x20e: {  	[tilespmem:s6+$0x18230] =	vst.add.f32.msk $0xffff, v4  }
0x20f: {  	[tilespmem:s6+$0x18240] =	vst.add.f32.msk $0xffff, v5  }
0x210: {  	[tilespmem:s6+$0x18250] =	vst.add.f32.msk $0xffff, v6  }
0x211: {  	[tilespmem:s6+$0x18260] =	vst.add.f32.msk $0xffff, v7  }
0x212: {  	[tilespmem:s6+$0x18270] =	vst.add.f32.msk $0xffff, v0  }
0x213: {  	[tilespmem:s6+$0x1A200] =	vst.add.f32.msk $0xffff, v1  }
0x214: {  	[tilespmem:s6+$0x1A210] =	vst.add.f32.msk $0xffff, v2  }
0x215: {  	[tilespmem:s6+$0x1A220] =	vst.add.f32.msk $0xffff, v3  }
0x216: {  	[tilespmem:s6+$0x1A230] =	vst.add.f32.msk $0xffff, v4  }
0x217: {  	[tilespmem:s6+$0x1A240] =	vst.add.f32.msk $0xffff, v5  }
0x218: {  	[tilespmem:s6+$0x1A250] =	vst.add.f32.msk $0xffff, v6  }
0x219: {  	[tilespmem:s6+$0x1A260] =	vst.add.f32.msk $0xffff, v7  }
0x21a: {  	[tilespmem:s6+$0x1A270] =	vst.add.f32.msk $0xffff, v0  }
0x21b: {  	[tilespmem:s6+$0x1C200] =	vst.add.f32.msk $0xffff, v1  }
0x21c: {  	[tilespmem:s6+$0x1C210] =	vst.add.f32.msk $0xffff, v2  }
.Ltmp5:
0x21d: {  	[tilespmem:s6+$0x1C220] =	vst.add.f32.msk $0xffff, v3;
	(pc) =	sbr.rel @p0 .LBB2_12-.Ltmp5, $4  }
0x21e: {  	[tilespmem:s6+$0x1C230] =	vst.add.f32.msk $0xffff, v4  }
0x21f: {  	[tilespmem:s6+$0x1C240] =	vst.add.f32.msk $0xffff, v5  }
0x220: {  	[tilespmem:s6+$0x1C250] =	vst.add.f32.msk $0xffff, v6  }
0x221: {  	[tilespmem:s6+$0x1C260] =	vst.add.f32.msk $0xffff, v7;
	s6 =	sshra.s32 s7, $0x2;
	s7 =	sadd.s32 $0x200, s7  }
0x222: {  	v0 =	vld [tilespmem:s6+$0x4270]  }
0x223: {  	v1 =	vld [tilespmem:s6+$0x4200]  }
0x224: {  	v2 =	vld [tilespmem:s6+$0x4210]  }
0x225: {  	v3 =	vld [tilespmem:s6+$0x4220]  }
0x226: {  	v4 =	vld [tilespmem:s6+$0x4230]  }
0x227: {  	v5 =	vld [tilespmem:s6+$0x4240]  }
0x228: {  	v6 =	vld [tilespmem:s6+$0x4250]  }
0x229: {  	v7 =	vld [tilespmem:s6+$0x4260]  }
0x22a: {  	[tilespmem:s6+$0x1C270] =	vst.add.f32.msk $0xffff, v0  }
0x22b: {  	[tilespmem:s6+$0x16200] =	vst.add.f32.msk $0xffff, v1  }
0x22c: {  	[tilespmem:s6+$0x16210] =	vst.add.f32.msk $0xffff, v2  }
0x22d: {  	[tilespmem:s6+$0x16220] =	vst.add.f32.msk $0xffff, v3  }
0x22e: {  	[tilespmem:s6+$0x16230] =	vst.add.f32.msk $0xffff, v4  }
0x22f: {  	[tilespmem:s6+$0x16240] =	vst.add.f32.msk $0xffff, v5  }
0x230: {  	[tilespmem:s6+$0x16250] =	vst.add.f32.msk $0xffff, v6  }
0x231: {  	[tilespmem:s6+$0x16260] =	vst.add.f32.msk $0xffff, v7  }
0x232: {  	[tilespmem:s6+$0x16270] =	vst.add.f32.msk $0xffff, v0  }
0x233: {  	[tilespmem:s6+$0x18200] =	vst.add.f32.msk $0xffff, v1  }
0x234: {  	[tilespmem:s6+$0x18210] =	vst.add.f32.msk $0xffff, v2  }
0x235: {  	[tilespmem:s6+$0x18220] =	vst.add.f32.msk $0xffff, v3  }
0x236: {  	[tilespmem:s6+$0x18230] =	vst.add.f32.msk $0xffff, v4  }
0x237: {  	[tilespmem:s6+$0x18240] =	vst.add.f32.msk $0xffff, v5  }
0x238: {  	[tilespmem:s6+$0x18250] =	vst.add.f32.msk $0xffff, v6  }
0x239: {  	[tilespmem:s6+$0x18260] =	vst.add.f32.msk $0xffff, v7  }
0x23a: {  	[tilespmem:s6+$0x18270] =	vst.add.f32.msk $0xffff, v0  }
0x23b: {  	[tilespmem:s6+$0x1A200] =	vst.add.f32.msk $0xffff, v1  }
0x23c: {  	[tilespmem:s6+$0x1A210] =	vst.add.f32.msk $0xffff, v2  }
0x23d: {  	[tilespmem:s6+$0x1A220] =	vst.add.f32.msk $0xffff, v3  }
0x23e: {  	[tilespmem:s6+$0x1A230] =	vst.add.f32.msk $0xffff, v4  }
0x23f: {  	[tilespmem:s6+$0x1A240] =	vst.add.f32.msk $0xffff, v5  }
0x240: {  	[tilespmem:s6+$0x1A250] =	vst.add.f32.msk $0xffff, v6  }
0x241: {  	[tilespmem:s6+$0x1A260] =	vst.add.f32.msk $0xffff, v7  }
0x242: {  	[tilespmem:s6+$0x1A270] =	vst.add.f32.msk $0xffff, v0  }
0x243: {  	[tilespmem:s6+$0x1C200] =	vst.add.f32.msk $0xffff, v1  }
0x244: {  	[tilespmem:s6+$0x1C210] =	vst.add.f32.msk $0xffff, v2  }
0x245: {  	[tilespmem:s6+$0x1C220] =	vst.add.f32.msk $0xffff, v3  }
0x246: {  	[tilespmem:s6+$0x1C230] =	vst.add.f32.msk $0xffff, v4  }
0x247: {  	[tilespmem:s6+$0x1C240] =	vst.add.f32.msk $0xffff, v5  }
0x248: {  	[tilespmem:s6+$0x1C250] =	vst.add.f32.msk $0xffff, v6  }
0x249: {  	[tilespmem:s6+$0x1C260] =	vst.add.f32.msk $0xffff, v7  }
0x24a: {  	[hbm4b:s17+s26] =	stream.strided.scatter [tilespmem:s3], [sflag:$0x3], $0x8000, s28, s26, $0x38;
	[tilespmem:$0x1E200] =	vst v63  }
0x24b: {  	_ =	swait.ge [sflag:s4], $0x8000  }
0x24c: {  	[sflag:s4] =	ssyncset.done $0x0  }
0x24d: {  	s7 =	simm.s32 $0x1C0;
	[sflag:s4] =	ssyncadd.s32 $0xFFFF8000  }
0x24e: {  	[tilespmem:s25], [sflag:$0x1] =	stream.indirect.gather [hbm4b:s1+s23], $0x80, s7, s23, $0xb8;
	[tilespmem:$0x1E200] =	vst v63  }
0x24f: {  	_ = 	snop  }
0x250: {  	[tilespmem:s30], [sflag:$0x2] =	stream.strided.gather [hbm4b:s18+s26], $0x8000, s28, s26, $0x38;
	[tilespmem:$0x1E200] =	vst v63  }
0x251: {  	_ =	swait.ge [sflag:s31], $0x2000  }
0x252: {  	[sflag:s31] =	ssyncset.done $0x0  }
0x253: {  	[sflag:s31] =	ssyncadd.s32 $0xFFFFE000  }
0x254: {  	_ =	swait.ge [sflag:s0], $0x8000  }
0x255: {  	[sflag:s0] =	ssyncset.done $0x0  }
0x256: {  	s6 =	simm.s32 $0x0;
	s7 =	simm.s32 $0x200;
	[sflag:s0] =	ssyncadd.s32 $0xFFFF8000  }
.LBB2_14:
0x257: {  	p0 =	sne.s32 s7, $0x7E00;
	v0 =	vld [tilespmem:s6+$0x270]  }
0x258: {  	v1 =	vld [tilespmem:s6+$0x200]  }
0x259: {  	v2 =	vld [tilespmem:s6+$0x210]  }
0x25a: {  	v3 =	vld [tilespmem:s6+$0x220]  }
0x25b: {  	v4 =	vld [tilespmem:s6+$0x230]  }
0x25c: {  	[tilespmem:s6+$0xC270] =	vst.add.f32.msk $0xffff, v0  }
0x25d: {  	v5 =	vld [tilespmem:s6+$0x240]  }
0x25e: {  	v6 =	vld [tilespmem:s6+$0x250]  }
0x25f: {  	v7 =	vld [tilespmem:s6+$0x260]  }
0x260: {  	[tilespmem:s6+$0x6200] =	vst.add.f32.msk $0xffff, v1  }
0x261: {  	[tilespmem:s6+$0x6210] =	vst.add.f32.msk $0xffff, v2  }
0x262: {  	[tilespmem:s6+$0x6220] =	vst.add.f32.msk $0xffff, v3  }
0x263: {  	[tilespmem:s6+$0x6230] =	vst.add.f32.msk $0xffff, v4  }
0x264: {  	[tilespmem:s6+$0x6240] =	vst.add.f32.msk $0xffff, v5  }
0x265: {  	[tilespmem:s6+$0x6250] =	vst.add.f32.msk $0xffff, v6  }
0x266: {  	[tilespmem:s6+$0x6260] =	vst.add.f32.msk $0xffff, v7  }
0x267: {  	[tilespmem:s6+$0x6270] =	vst.add.f32.msk $0xffff, v0  }
0x268: {  	[tilespmem:s6+$0x8200] =	vst.add.f32.msk $0xffff, v1  }
0x269: {  	[tilespmem:s6+$0x8210] =	vst.add.f32.msk $0xffff, v2  }
0x26a: {  	[tilespmem:s6+$0x8220] =	vst.add.f32.msk $0xffff, v3  }
0x26b: {  	[tilespmem:s6+$0x8230] =	vst.add.f32.msk $0xffff, v4  }
0x26c: {  	[tilespmem:s6+$0x8240] =	vst.add.f32.msk $0xffff, v5  }
0x26d: {  	[tilespmem:s6+$0x8250] =	vst.add.f32.msk $0xffff, v6  }
0x26e: {  	[tilespmem:s6+$0x8260] =	vst.add.f32.msk $0xffff, v7  }
0x26f: {  	[tilespmem:s6+$0x8270] =	vst.add.f32.msk $0xffff, v0  }
0x270: {  	[tilespmem:s6+$0xA200] =	vst.add.f32.msk $0xffff, v1  }
0x271: {  	[tilespmem:s6+$0xA210] =	vst.add.f32.msk $0xffff, v2  }
0x272: {  	[tilespmem:s6+$0xA220] =	vst.add.f32.msk $0xffff, v3  }
0x273: {  	[tilespmem:s6+$0xA230] =	vst.add.f32.msk $0xffff, v4  }
0x274: {  	[tilespmem:s6+$0xA240] =	vst.add.f32.msk $0xffff, v5  }
0x275: {  	[tilespmem:s6+$0xA250] =	vst.add.f32.msk $0xffff, v6  }
0x276: {  	[tilespmem:s6+$0xA260] =	vst.add.f32.msk $0xffff, v7  }
0x277: {  	[tilespmem:s6+$0xA270] =	vst.add.f32.msk $0xffff, v0  }
0x278: {  	[tilespmem:s6+$0xC200] =	vst.add.f32.msk $0xffff, v1  }
0x279: {  	[tilespmem:s6+$0xC210] =	vst.add.f32.msk $0xffff, v2  }
.Ltmp6:
0x27a: {  	[tilespmem:s6+$0xC220] =	vst.add.f32.msk $0xffff, v3;
	(pc) =	sbr.rel @p0 .LBB2_14-.Ltmp6, $4  }
0x27b: {  	[tilespmem:s6+$0xC230] =	vst.add.f32.msk $0xffff, v4  }
0x27c: {  	[tilespmem:s6+$0xC240] =	vst.add.f32.msk $0xffff, v5  }
0x27d: {  	[tilespmem:s6+$0xC250] =	vst.add.f32.msk $0xffff, v6  }
0x27e: {  	[tilespmem:s6+$0xC260] =	vst.add.f32.msk $0xffff, v7;
	s6 =	sshra.s32 s7, $0x2;
	s7 =	sadd.s32 $0x200, s7  }
0x27f: {  	v0 =	vld [tilespmem:s6+$0x270]  }
0x280: {  	v1 =	vld [tilespmem:s6+$0x200]  }
0x281: {  	v2 =	vld [tilespmem:s6+$0x210]  }
0x282: {  	v3 =	vld [tilespmem:s6+$0x220]  }
0x283: {  	v4 =	vld [tilespmem:s6+$0x230]  }
0x284: {  	v5 =	vld [tilespmem:s6+$0x240]  }
0x285: {  	v6 =	vld [tilespmem:s6+$0x250]  }
0x286: {  	v7 =	vld [tilespmem:s6+$0x260]  }
0x287: {  	[tilespmem:s6+$0xC270] =	vst.add.f32.msk $0xffff, v0  }
0x288: {  	[tilespmem:s6+$0x6200] =	vst.add.f32.msk $0xffff, v1  }
0x289: {  	[tilespmem:s6+$0x6210] =	vst.add.f32.msk $0xffff, v2  }
0x28a: {  	[tilespmem:s6+$0x6220] =	vst.add.f32.msk $0xffff, v3  }
0x28b: {  	[tilespmem:s6+$0x6230] =	vst.add.f32.msk $0xffff, v4  }
0x28c: {  	[tilespmem:s6+$0x6240] =	vst.add.f32.msk $0xffff, v5  }
0x28d: {  	[tilespmem:s6+$0x6250] =	vst.add.f32.msk $0xffff, v6  }
0x28e: {  	[tilespmem:s6+$0x6260] =	vst.add.f32.msk $0xffff, v7  }
0x28f: {  	[tilespmem:s6+$0x6270] =	vst.add.f32.msk $0xffff, v0  }
0x290: {  	[tilespmem:s6+$0x8200] =	vst.add.f32.msk $0xffff, v1  }
0x291: {  	[tilespmem:s6+$0x8210] =	vst.add.f32.msk $0xffff, v2  }
0x292: {  	[tilespmem:s6+$0x8220] =	vst.add.f32.msk $0xffff, v3  }
0x293: {  	[tilespmem:s6+$0x8230] =	vst.add.f32.msk $0xffff, v4  }
0x294: {  	[tilespmem:s6+$0x8240] =	vst.add.f32.msk $0xffff, v5  }
0x295: {  	[tilespmem:s6+$0x8250] =	vst.add.f32.msk $0xffff, v6  }
0x296: {  	[tilespmem:s6+$0x8260] =	vst.add.f32.msk $0xffff, v7  }
0x297: {  	[tilespmem:s6+$0x8270] =	vst.add.f32.msk $0xffff, v0  }
0x298: {  	[tilespmem:s6+$0xA200] =	vst.add.f32.msk $0xffff, v1  }
0x299: {  	[tilespmem:s6+$0xA210] =	vst.add.f32.msk $0xffff, v2  }
0x29a: {  	[tilespmem:s6+$0xA220] =	vst.add.f32.msk $0xffff, v3  }
0x29b: {  	[tilespmem:s6+$0xA230] =	vst.add.f32.msk $0xffff, v4  }
0x29c: {  	[tilespmem:s6+$0xA240] =	vst.add.f32.msk $0xffff, v5  }
0x29d: {  	[tilespmem:s6+$0xA250] =	vst.add.f32.msk $0xffff, v6  }
0x29e: {  	[tilespmem:s6+$0xA260] =	vst.add.f32.msk $0xffff, v7  }
0x29f: {  	[tilespmem:s6+$0xA270] =	vst.add.f32.msk $0xffff, v0  }
0x2a0: {  	[tilespmem:s6+$0xC200] =	vst.add.f32.msk $0xffff, v1  }
0x2a1: {  	[tilespmem:s6+$0xC210] =	vst.add.f32.msk $0xffff, v2  }
0x2a2: {  	[tilespmem:s6+$0xC220] =	vst.add.f32.msk $0xffff, v3  }
0x2a3: {  	[tilespmem:s6+$0xC230] =	vst.add.f32.msk $0xffff, v4  }
0x2a4: {  	[tilespmem:s6+$0xC240] =	vst.add.f32.msk $0xffff, v5  }
0x2a5: {  	[tilespmem:s6+$0xC250] =	vst.add.f32.msk $0xffff, v6  }
0x2a6: {  	[tilespmem:s6+$0xC260] =	vst.add.f32.msk $0xffff, v7  }
0x2a7: {  	[hbm4b:s19+s26] =	stream.strided.scatter [tilespmem:s29], [sflag:$0x3], $0x8000, s28, s26, $0x38;
	[tilespmem:$0x1E200] =	vst v63  }
0x2a8: {  	_ =	swait.ge [sflag:s4], $0x8000  }
0x2a9: {  	[sflag:s4] =	ssyncset.done $0x0  }
0x2aa: {  	[sflag:s4] =	ssyncadd.s32 $0xFFFF8000  }
0x2ab: {  	_ =	swait.ge [sflag:s31], $0x2000  }
0x2ac: {  	[sflag:s31] =	ssyncset.done $0x0  }
0x2ad: {  	[sflag:s31] =	ssyncadd.s32 $0xFFFFE000  }
0x2ae: {  	_ =	swait.ge [sflag:s0], $0x8000  }
0x2af: {  	[sflag:s0] =	ssyncset.done $0x0  }
0x2b0: {  	s7 =	simm.s32 $0x200;
	s6 =	simm.s32 $0x0;
	[sflag:s0] =	ssyncadd.s32 $0xFFFF8000  }
.LBB2_16:
0x2b1: {  	p0 =	sne.s32 s7, $0x7E00;
	v0 =	vld [tilespmem:s6+$0x2270]  }
0x2b2: {  	v1 =	vld [tilespmem:s6+$0x2200]  }
0x2b3: {  	v2 =	vld [tilespmem:s6+$0x2210]  }
0x2b4: {  	v3 =	vld [tilespmem:s6+$0x2220]  }
0x2b5: {  	v4 =	vld [tilespmem:s6+$0x2230]  }
0x2b6: {  	[tilespmem:s6+$0x14270] =	vst.add.f32.msk $0xffff, v0  }
0x2b7: {  	v5 =	vld [tilespmem:s6+$0x2240]  }
0x2b8: {  	v6 =	vld [tilespmem:s6+$0x2250]  }
0x2b9: {  	v7 =	vld [tilespmem:s6+$0x2260]  }
0x2ba: {  	[tilespmem:s6+$0xE200] =	vst.add.f32.msk $0xffff, v1  }
0x2bb: {  	[tilespmem:s6+$0xE210] =	vst.add.f32.msk $0xffff, v2  }
0x2bc: {  	[tilespmem:s6+$0xE220] =	vst.add.f32.msk $0xffff, v3  }
0x2bd: {  	[tilespmem:s6+$0xE230] =	vst.add.f32.msk $0xffff, v4  }
0x2be: {  	[tilespmem:s6+$0xE240] =	vst.add.f32.msk $0xffff, v5  }
0x2bf: {  	[tilespmem:s6+$0xE250] =	vst.add.f32.msk $0xffff, v6  }
0x2c0: {  	[tilespmem:s6+$0xE260] =	vst.add.f32.msk $0xffff, v7  }
0x2c1: {  	[tilespmem:s6+$0xE270] =	vst.add.f32.msk $0xffff, v0  }
0x2c2: {  	[tilespmem:s6+$0x10200] =	vst.add.f32.msk $0xffff, v1  }
0x2c3: {  	[tilespmem:s6+$0x10210] =	vst.add.f32.msk $0xffff, v2  }
0x2c4: {  	[tilespmem:s6+$0x10220] =	vst.add.f32.msk $0xffff, v3  }
0x2c5: {  	[tilespmem:s6+$0x10230] =	vst.add.f32.msk $0xffff, v4  }
0x2c6: {  	[tilespmem:s6+$0x10240] =	vst.add.f32.msk $0xffff, v5  }
0x2c7: {  	[tilespmem:s6+$0x10250] =	vst.add.f32.msk $0xffff, v6  }
0x2c8: {  	[tilespmem:s6+$0x10260] =	vst.add.f32.msk $0xffff, v7  }
0x2c9: {  	[tilespmem:s6+$0x10270] =	vst.add.f32.msk $0xffff, v0  }
0x2ca: {  	[tilespmem:s6+$0x12200] =	vst.add.f32.msk $0xffff, v1  }
0x2cb: {  	[tilespmem:s6+$0x12210] =	vst.add.f32.msk $0xffff, v2  }
0x2cc: {  	[tilespmem:s6+$0x12220] =	vst.add.f32.msk $0xffff, v3  }
0x2cd: {  	[tilespmem:s6+$0x12230] =	vst.add.f32.msk $0xffff, v4  }
0x2ce: {  	[tilespmem:s6+$0x12240] =	vst.add.f32.msk $0xffff, v5  }
0x2cf: {  	[tilespmem:s6+$0x12250] =	vst.add.f32.msk $0xffff, v6  }
0x2d0: {  	[tilespmem:s6+$0x12260] =	vst.add.f32.msk $0xffff, v7  }
0x2d1: {  	[tilespmem:s6+$0x12270] =	vst.add.f32.msk $0xffff, v0  }
0x2d2: {  	[tilespmem:s6+$0x14200] =	vst.add.f32.msk $0xffff, v1  }
0x2d3: {  	[tilespmem:s6+$0x14210] =	vst.add.f32.msk $0xffff, v2  }
.Ltmp7:
0x2d4: {  	[tilespmem:s6+$0x14220] =	vst.add.f32.msk $0xffff, v3;
	(pc) =	sbr.rel @p0 .LBB2_16-.Ltmp7, $4  }
0x2d5: {  	[tilespmem:s6+$0x14230] =	vst.add.f32.msk $0xffff, v4  }
0x2d6: {  	[tilespmem:s6+$0x14240] =	vst.add.f32.msk $0xffff, v5  }
0x2d7: {  	[tilespmem:s6+$0x14250] =	vst.add.f32.msk $0xffff, v6  }
0x2d8: {  	[tilespmem:s6+$0x14260] =	vst.add.f32.msk $0xffff, v7;
	s6 =	sshra.s32 s7, $0x2;
	s7 =	sadd.s32 $0x200, s7  }
0x2d9: {  	v0 =	vld [tilespmem:s6+$0x2270]  }
0x2da: {  	v1 =	vld [tilespmem:s6+$0x2200]  }
0x2db: {  	v2 =	vld [tilespmem:s6+$0x2210]  }
0x2dc: {  	v3 =	vld [tilespmem:s6+$0x2220]  }
0x2dd: {  	v4 =	vld [tilespmem:s6+$0x2230]  }
0x2de: {  	v5 =	vld [tilespmem:s6+$0x2240]  }
0x2df: {  	v6 =	vld [tilespmem:s6+$0x2250]  }
0x2e0: {  	v7 =	vld [tilespmem:s6+$0x2260]  }
0x2e1: {  	[tilespmem:s6+$0x14270] =	vst.add.f32.msk $0xffff, v0  }
0x2e2: {  	[tilespmem:s6+$0xE200] =	vst.add.f32.msk $0xffff, v1  }
0x2e3: {  	[tilespmem:s6+$0xE210] =	vst.add.f32.msk $0xffff, v2  }
0x2e4: {  	[tilespmem:s6+$0xE220] =	vst.add.f32.msk $0xffff, v3  }
0x2e5: {  	[tilespmem:s6+$0xE230] =	vst.add.f32.msk $0xffff, v4  }
0x2e6: {  	[tilespmem:s6+$0xE240] =	vst.add.f32.msk $0xffff, v5  }
0x2e7: {  	[tilespmem:s6+$0xE250] =	vst.add.f32.msk $0xffff, v6  }
0x2e8: {  	[tilespmem:s6+$0xE260] =	vst.add.f32.msk $0xffff, v7  }
0x2e9: {  	[tilespmem:s6+$0xE270] =	vst.add.f32.msk $0xffff, v0  }
0x2ea: {  	[tilespmem:s6+$0x10200] =	vst.add.f32.msk $0xffff, v1  }
0x2eb: {  	[tilespmem:s6+$0x10210] =	vst.add.f32.msk $0xffff, v2  }
0x2ec: {  	[tilespmem:s6+$0x10220] =	vst.add.f32.msk $0xffff, v3  }
0x2ed: {  	[tilespmem:s6+$0x10230] =	vst.add.f32.msk $0xffff, v4  }
0x2ee: {  	[tilespmem:s6+$0x10240] =	vst.add.f32.msk $0xffff, v5  }
0x2ef: {  	[tilespmem:s6+$0x10250] =	vst.add.f32.msk $0xffff, v6  }
0x2f0: {  	[tilespmem:s6+$0x10260] =	vst.add.f32.msk $0xffff, v7  }
0x2f1: {  	[tilespmem:s6+$0x10270] =	vst.add.f32.msk $0xffff, v0  }
0x2f2: {  	[tilespmem:s6+$0x12200] =	vst.add.f32.msk $0xffff, v1  }
0x2f3: {  	[tilespmem:s6+$0x12210] =	vst.add.f32.msk $0xffff, v2  }
0x2f4: {  	[tilespmem:s6+$0x12220] =	vst.add.f32.msk $0xffff, v3  }
0x2f5: {  	[tilespmem:s6+$0x12230] =	vst.add.f32.msk $0xffff, v4  }
0x2f6: {  	[tilespmem:s6+$0x12240] =	vst.add.f32.msk $0xffff, v5  }
0x2f7: {  	[tilespmem:s6+$0x12250] =	vst.add.f32.msk $0xffff, v6  }
0x2f8: {  	[tilespmem:s6+$0x12260] =	vst.add.f32.msk $0xffff, v7  }
0x2f9: {  	[tilespmem:s6+$0x12270] =	vst.add.f32.msk $0xffff, v0  }
0x2fa: {  	[tilespmem:s6+$0x14200] =	vst.add.f32.msk $0xffff, v1  }
0x2fb: {  	[tilespmem:s6+$0x14210] =	vst.add.f32.msk $0xffff, v2  }
0x2fc: {  	[tilespmem:s6+$0x14220] =	vst.add.f32.msk $0xffff, v3  }
0x2fd: {  	[tilespmem:s6+$0x14230] =	vst.add.f32.msk $0xffff, v4  }
0x2fe: {  	[tilespmem:s6+$0x14240] =	vst.add.f32.msk $0xffff, v5  }
0x2ff: {  	[tilespmem:s6+$0x14250] =	vst.add.f32.msk $0xffff, v6  }
0x300: {  	s5 =	sadd.s32 $0x1, s5;
	[tilespmem:s6+$0x14260] =	vst.add.f32.msk $0xffff, v7  }
0x301: {  	[hbm4b:s20+s26] =	stream.strided.scatter [tilespmem:s30], [sflag:$0x3], $0x8000, s28, s26, $0x38;
	[tilespmem:$0x1E200] =	vst v63  }
0x302: {  	p0 =	sne.s32 s5, s21;
	_ =	swait.ge [sflag:s4], $0x8000  }
.Ltmp8:
0x303: {  	[sflag:s4] =	ssyncset.done $0x0;
	(pc) =	sbr.rel @p0 .LBB2_1-.Ltmp8, $4  }
0x304: {  	[sflag:s4] =	ssyncadd.s32 $0xFFFF8000  }
0x305: {  	_ =	swait.ge [sflag:s4], $0x8000  }
0x306: {  	[sflag:s4] =	ssyncset.done $0x0  }
0x307: {  	[sflag:s4] =	ssyncadd.s32 $0xFFFF8000  }
0x308: {  	_ =	sfence.sel $0x180000  }
0x309: {  	[bflag:$0x0] =	sbarrier.arrive $0xFFFF  }
0x30a: {  	_ =	strace $0x90000047  }
0x30b: {  	s0 =	stileid.u32;
	[bflag:$0x2] =	sbarrier.arrive $0xFFFF  }
0x30c: {  	p0 =	sne.s32 s0, $0x0;
	s0 =	rddreg [dreg:$0x4]  }
0x30d: {  	s0 =	sadd.s32 @!p0 $0x100000, s0  }
0x30e: {  	[sflag:s0] =	ssyncadd.tile.s32 @!p0 $0x1;
	_ =	shalt  }
.Lfunc_end2:
_tile_overlayer_lowered:
.L_overlay_start_2:
0x30f: {  	(tag) =	ssettag $0x2  }
0x310: {  	s0 =	rddreg [dreg:$0x0];
	s2 =	stileid.u32  }
0x311: {  	s1 =	rddreg [dreg:$0x1];
	p0 =	sne.s32 s2, $0x0  }
0x312: {  	s3 =	rddreg [dreg:$0x2];
	[bflag:$0x3] =	sbarrier.arrive $0xFFFF;
	s2 =	simm.s32 @!p0 $0x1C04  }
0x313: {  	[timem:s3], [sflag:s2] =	dma.local @!p0 [hbm:s0], s1  }
0x314: {  	s0 =	simm.s32 @!p0 $0x4  }
0x315: {  	_ =	swait.ge @!p0 [sflag:s0], s1  }
0x316: {  	s1 =	ssub.s32 @!p0 $0x0, s1;
	[sflag:s0] =	ssyncset.done @!p0 $0x0  }
0x317: {  	[sflag:s0] =	ssyncadd.s32 @!p0 s1  }
0x318: {  	[bflag:$0x3] =	sbarrier.arrive $0xFFFF  }
0x319: {  	_ =	shalt  }

</sc_bundles>
